<compile_context>
chip_gen: v7x
topology: tpu7x:2x2x1
jax: 0.10.2.dev20260603
libtpu: 0.0.44.dev20260713+nightly
codegen_flags: <defaults>
</compile_context>

<pallas_src>
import functools

import jax
import jax.numpy as jnp
from jax import lax
from jax.experimental import pallas as pl
from jax.experimental.pallas import tpu as pltpu
from jax.experimental.pallas import tpu_sc as plsc

ALPHA = 0.2
F = 128
WIDE = 144
NP = 10240
BLK = 512
NT = 16
K = 80
UNROLL = 6


def _stage1_body(x_ref, w_ref, a_ref, h_ref, s1_ref):
    xb = x_ref[0]
    h = jnp.dot(xb, w_ref[...], preferred_element_type=jnp.float32)
    a1 = a_ref[0, :F]
    a2 = a_ref[0, F:]
    s1 = jnp.sum(h * a1[None, :], axis=1, keepdims=True)
    s2 = jnp.sum(h * a2[None, :], axis=1, keepdims=True)
    z15 = jnp.zeros((BLK, 15), jnp.float32)
    h_ref[0] = jnp.concatenate([h, s2, z15], axis=1)
    s1_ref[0] = jnp.concatenate([s1, z15], axis=1)


def _stage3_body(acc_ref, o_ref):
    blk = acc_ref[0]
    hp = blk[:, :F]
    rs = blk[:, F:F + 1]
    v = hp / (rs + 0.001)
    o_ref[0] = jnp.where(v > 0, v, jnp.exp(jnp.minimum(v, 0.0)) - 1.0)


def _make_sc_kernel(B, nch):
    rpt = NP // NT
    mesh = plsc.VectorSubcoreMesh(core_axis_name="c", subcore_axis_name="s")

    @functools.partial(
        pl.kernel,
        out_type=jax.ShapeDtypeStruct((B, NP, WIDE), jnp.float32),
        mesh=mesh,
        compiler_params=pltpu.CompilerParams(
            needs_layout_passes=False, use_tc_tiling_on_sc=False),
        scratch_types=[
            pltpu.VMEM((UNROLL, 2, K), jnp.int32),
            pltpu.VMEM((3, K, WIDE), jnp.float32),
            pltpu.VMEM((2, K, 16), jnp.float32),
            pltpu.VMEM_SHARED((NP, WIDE), jnp.float32),
            pltpu.SemaphoreType.DMA,
            pltpu.SemaphoreType.DMA,
            pltpu.SemaphoreType.DMA,
            pltpu.SemaphoreType.DMA,
            pltpu.SemaphoreType.DMA,
            pltpu.SemaphoreType.DMA,
            pltpu.SemaphoreType.DMA,
            pltpu.SemaphoreType.DMA,
        ],
    )
    def sc_kernel(h_hbm, s1_hbm, adjr_hbm, zh_hbm, out_hbm,
                  idx, gbuf, s1buf, acc,
                  gsem0, gsem1, gsem2, isem0, isem1, ssem0, ssem1, ssem2):
        c = lax.axis_index("c")
        t = lax.axis_index("s")
        row0 = t * rpt
        pltpu.sync_copy(zh_hbm.at[pl.ds(row0, rpt)],
                        acc.at[pl.ds(row0, rpt)])
        plsc.subcore_barrier()

        gsem = (gsem0, gsem1, gsem2)
        isem = (isem0, isem1)
        ssem = (ssem0, ssem1, ssem2)
        h_c = h_hbm.at[c]
        s1_c = s1_hbm.at[c]
        adj_ct = adjr_hbm.at[c, t]
        iota = lax.broadcasted_iota(jnp.int32, (16,), 0)
        zlane = iota * 0
        c128 = jnp.full((16,), F, jnp.int32)

        def start_gathers(b3, b2, b6):
            pltpu.async_copy(h_c.at[idx.at[b6, 1]], gbuf.at[b3], gsem[b3])
            pltpu.async_copy(s1_c.at[idx.at[b6, 0]], s1buf.at[b2], gsem[b3])

        def wait_gathers(b3, b2, b6):
            pltpu.make_async_copy(h_c.at[idx.at[b6, 1]], gbuf.at[b3],
                                  gsem[b3]).wait()
            pltpu.make_async_copy(s1_c.at[idx.at[b6, 0]], s1buf.at[b2],
                                  gsem[b3]).wait()

        def wait_scatter(b3, b6):
            pltpu.make_async_copy(gbuf.at[b3], acc.at[idx.at[b6, 0]],
                                  ssem[b3]).wait()

        def compute(b3, b2):
            gb = gbuf.at[b3]
            sb = s1buf.at[b2]
            for j in range(K // 16):
                rows = iota + j * 16
                s = (plsc.load_gather(sb, [rows, zlane])
                     + plsc.load_gather(gb, [rows, c128]))
                lr = jnp.where(s > 0, s, ALPHA * s)
                plsc.store_scatter(gb, [rows, c128], jnp.exp(-lr))

            @plsc.parallel_loop(0, K, unroll=2)
            def _(r):
                e = plsc.load_gather(gb, [lax.broadcast(r, (16,)), c128])
                for q in range(F // 16):
                    slq = pl.ds(q * 16, 16)
                    gb[r, slq] = gb[r, slq] * e

        def chunk(k, b):
            b3 = b % 3
            b3n = (b + 1) % 3
            b2 = b % 2
            b2n = (b + 1) % 2
            b6 = b
            b6n = (b + 1) % UNROLL
            b6nn = (b + 2) % UNROLL
            b6pp = (b + UNROLL - 2) % UNROLL

            @pl.when(k > 1)
            def _():
                wait_scatter(b3n, b6pp)

            @pl.when(k + 2 < nch)
            def _():
                pltpu.async_copy(adj_ct.at[k + 2], idx.at[b6nn], isem[b2])

            @pl.when(k + 1 < nch)
            def _():
                pltpu.make_async_copy(adj_ct.at[k + 1], idx.at[b6n],
                                      isem[b2n]).wait()
                start_gathers(b3n, b2n, b6n)

            wait_gathers(b3, b2, b6)
            compute(b3, b2)
            pltpu.async_copy(gbuf.at[b3], acc.at[idx.at[b6, 0]], ssem[b3],
                             add=True)

        pltpu.sync_copy(adj_ct.at[0], idx.at[0])
        pltpu.async_copy(adj_ct.at[1], idx.at[1], isem1)
        start_gathers(0, 0, 0)

        @pl.loop(0, nch // UNROLL)
        def _(g):
            k0 = g * UNROLL
            for b in range(UNROLL):
                chunk(k0 + b, b)

        wait_scatter((nch - 2) % 3, (nch - 2) % UNROLL)
        wait_scatter((nch - 1) % 3, (nch - 1) % UNROLL)
        plsc.subcore_barrier()
        pltpu.sync_copy(acc.at[pl.ds(row0, rpt)],
                        out_hbm.at[c].at[pl.ds(row0, rpt)])

    return sc_kernel


def kernel(input, adj, W, a):
    B, N, _ = input.shape
    E = adj.shape[2]
    ept = E // NT
    nchu = (ept + K - 1) // K
    nch = (nchu + UNROLL - 1) // UNROLL * UNROLL
    ept_pad = nch * K
    x = jnp.pad(input, ((0, 0), (0, NP - N), (0, 0)))

    grid = (B, NP // BLK)
    h_aug, s1w = pl.pallas_call(
        _stage1_body,
        grid=grid,
        in_specs=[
            pl.BlockSpec((1, BLK, F), lambda b, i: (b, i, 0)),
            pl.BlockSpec((F, F), lambda b, i: (0, 0)),
            pl.BlockSpec((1, 2 * F), lambda b, i: (0, 0)),
        ],
        out_specs=[
            pl.BlockSpec((1, BLK, WIDE), lambda b, i: (b, i, 0)),
            pl.BlockSpec((1, BLK, 16), lambda b, i: (b, i, 0)),
        ],
        out_shape=[
            jax.ShapeDtypeStruct((B, NP, WIDE), jnp.float32),
            jax.ShapeDtypeStruct((B, NP, 16), jnp.float32),
        ],
    )(x, W, a)

    pad = ((0, 0), (0, 0), (0, ept_pad - ept))
    row3 = jnp.pad(adj[0].reshape(B, NT, ept), pad, constant_values=NP - 1)
    col3 = jnp.pad(adj[1].reshape(B, NT, ept), pad, constant_values=NP - 1)
    adjr = jnp.stack([row3.reshape(B, NT, nch, K),
                      col3.reshape(B, NT, nch, K)], axis=3)
    zh = jnp.zeros((NP, WIDE), dtype=jnp.float32)
    sc_kernel = _make_sc_kernel(B, nch)
    acc = sc_kernel(h_aug, s1w, adjr, zh)

    out = pl.pallas_call(
        _stage3_body,
        grid=grid,
        in_specs=[pl.BlockSpec((1, BLK, WIDE), lambda b, i: (b, i, 0))],
        out_specs=pl.BlockSpec((1, BLK, F), lambda b, i: (b, i, 0)),
        out_shape=jax.ShapeDtypeStruct((B, NP, F), jnp.float32),
    )(acc)

    return out[:, :N, :]

# --- scband reference (transcript-rebuilt; emitter-appended) ---
"""Pipeline reference for scband-sp-graph-attention-layer-28475633173127 (READ-ONLY COPY).

The authoritative reference and input builder live on the scoring server;
editing this copy changes nothing except your own understanding.
"""

import jax, jax.numpy as jnp
import numpy as np

B, N, E = 2, 10000, 320000
F_IN, F_OUT = 128, 128
ALPHA = 0.2


def setup_inputs(seed: int = 0) -> dict:
    key = jax.random.key(seed)
    k1, k2, k3, k4 = jax.random.split(key, 4)
    x = jax.random.normal(k1, (B, N, F_IN), dtype=jnp.float32)
    adj = jax.random.randint(k2, (2, B, E), 0, N, dtype=jnp.int32)
    # xavier_normal_ with gain=1.414
    w_std = 1.414 * np.sqrt(2.0 / (F_IN + F_OUT))
    W = jax.random.normal(k3, (F_IN, F_OUT), dtype=jnp.float32) * w_std
    a_std = 1.414 * np.sqrt(2.0 / (1 + 2 * F_OUT))
    a = jax.random.normal(k4, (1, 2 * F_OUT), dtype=jnp.float32) * a_std
    return {"input": x, "adj": adj, "W": W, "a": a}


def reference(input, adj, W, a):
    # edge: [B, 2, E]
    edge = jnp.transpose(adj.reshape(2, B, -1), (1, 0, 2))
    h = jnp.matmul(input, W)  # [B, N, F_OUT]

    def per_batch(h_i, edge_i):
        row = edge_i[0]
        col = edge_i[1]
        # edge_h: cat(h[row], h[col]) -> [E, 2*F_OUT]; score = a @ edge_h^T
        edge_h = jnp.concatenate([h_i[row], h_i[col]], axis=-1)
        scores = edge_h @ a[0]  # [E]
        edge_e = jnp.exp(-jax.nn.leaky_relu(scores, ALPHA))
        # special_spmm with b = ones -> row-wise sum of edge_e (scatter-add)
        e_rowsum = jnp.zeros((N,), dtype=h_i.dtype).at[row].add(edge_e) + 0.001
        # dropout p=0.0 -> identity
        # special_spmm with b = h -> scatter-add of edge_e * h[col] into row
        h_prime0 = jnp.zeros((N, h_i.shape[-1]), dtype=h_i.dtype).at[row].add(
            edge_e[:, None] * h_i[col]
        )
        return h_prime0 / e_rowsum[:, None]

    h_prime = jax.vmap(per_batch)(h, edge)
    # concat=True -> ELU
    return jax.nn.elu(h_prime)

if __name__ == "__main__":
    import jax
    _d = setup_inputs()
    print(jax.jit(kernel)(*tuple(_d.values())))

</pallas_src>

<mosaic_0001>
#map = affine_map<(d0, d1) -> (0, 0, 0)>
#map1 = affine_map<(d0, d1) -> (0, 0, 0, 0, 0)>
#map2 = affine_map<(d0, d1) -> (0, 0)>
module attributes {stable_mosaic.version = 14 : i64} {
  func.func @sc_kernel(%arg0: i32, %arg1: i32, %arg2: memref<2x10240x144xf32, #tpu.memory_space<hbm>>, %arg3: memref<2x10240x16xf32, #tpu.memory_space<hbm>>, %arg4: memref<2x16x252x2x80xi32, #tpu.memory_space<hbm>>, %arg5: memref<10240x144xf32, #tpu.memory_space<hbm>>, %arg6: memref<2x10240x144xf32, #tpu.memory_space<hbm>>, %arg7: memref<6x2x80xi32, #tpu.memory_space<vmem>>, %arg8: memref<3x80x144xf32, #tpu.memory_space<vmem>>, %arg9: memref<2x80x16xf32, #tpu.memory_space<vmem>>, %arg10: memref<10240x144xf32, #tpu.memory_space<vmem_shared>>, %arg11: memref<!tpu.dma_semaphore, #tpu.memory_space<semaphore_mem>>, %arg12: memref<!tpu.dma_semaphore, #tpu.memory_space<semaphore_mem>>, %arg13: memref<!tpu.dma_semaphore, #tpu.memory_space<semaphore_mem>>, %arg14: memref<!tpu.dma_semaphore, #tpu.memory_space<semaphore_mem>>, %arg15: memref<!tpu.dma_semaphore, #tpu.memory_space<semaphore_mem>>, %arg16: memref<!tpu.dma_semaphore, #tpu.memory_space<semaphore_mem>>, %arg17: memref<!tpu.dma_semaphore, #tpu.memory_space<semaphore_mem>>, %arg18: memref<!tpu.dma_semaphore, #tpu.memory_space<semaphore_mem>>) attributes {dimension_semantics = [#tpu.dimension_semantics<core_parallel>, #tpu.dimension_semantics<subcore_parallel>], iteration_bounds = array<i64: 2, 16>, scalar_prefetch = 0 : i64, scratch_operands = 12 : i64, tpu.core_type = #tpu.core_type<sc_vector_subcore>, window_params = [{transform_indices = #map}, {transform_indices = #map}, {transform_indices = #map1}, {transform_indices = #map2}, {transform_indices = #map}]} {
    %mul3A = arith.constant 640 : i32
    %mul3A_0 = arith.muli %arg1, %mul3A : i32
    "tpu.region"() ({
      %run_scoped3A_97 = tpu.sem_alloc : memref<!tpu.dma_semaphore, #tpu.memory_space<semaphore_mem>>
      %dma_start3A_98 = arith.constant 0 : i32
      %dma_start3A_99 = tpu.memref_slice %arg10[%mul3A_0, %dma_start3A_98] : memref<10240x144xf32, #tpu.memory_space<vmem_shared>> -> memref<640x144xf32, #tpu.memory_space<vmem_shared>>
      %dma_start3A_100 = arith.constant 0 : i32
      %dma_start3A_101 = tpu.memref_slice %arg5[%mul3A_0, %dma_start3A_100] : memref<10240x144xf32, #tpu.memory_space<hbm>> -> memref<640x144xf32, #tpu.memory_space<hbm>>
      tpu.enqueue_dma source(%dma_start3A_101 : memref<640x144xf32, #tpu.memory_space<hbm>>) target(%dma_start3A_99 : memref<640x144xf32, #tpu.memory_space<vmem_shared>>) target_semaphore(%run_scoped3A_97 : memref<!tpu.dma_semaphore, #tpu.memory_space<semaphore_mem>>)
      %dma_wait3A_102 = arith.constant 0 : i32
      %dma_wait3A_103 = tpu.memref_slice %arg10[%mul3A_0, %dma_wait3A_102] : memref<10240x144xf32, #tpu.memory_space<vmem_shared>> -> memref<640x144xf32, #tpu.memory_space<vmem_shared>>
      %dma_wait3A_104 = arith.constant 0 : i32
      %dma_wait3A_105 = tpu.memref_slice %arg5[%mul3A_0, %dma_wait3A_104] : memref<10240x144xf32, #tpu.memory_space<hbm>> -> memref<640x144xf32, #tpu.memory_space<hbm>>
      tpu.wait_dma2 semaphore(%run_scoped3A_97 : memref<!tpu.dma_semaphore, #tpu.memory_space<semaphore_mem>>) src(%dma_wait3A_105 : memref<640x144xf32, #tpu.memory_space<hbm>>) dst(%dma_wait3A_103 : memref<640x144xf32, #tpu.memory_space<vmem_shared>>)
      tpu.yield
    }) : () -> ()
    %barrier3A = arith.constant 0 : index
    tpu.barrier barrier_id(%barrier3A)
    %iota3A = tpu.iota {dimensions = array<i32: 0>} : vector<16xi32>
    %mul3A_1 = arith.constant 0 : i32
    %mul3A_2 = vector.broadcast %mul3A_1 : i32 to vector<16xi32>
    %mul3A_3 = arith.muli %iota3A, %mul3A_2 : vector<16xi32>
    %broadcast_in_dim3A = arith.constant 128 : i32
    %broadcast_in_dim3A_4 = vector.broadcast %broadcast_in_dim3A : i32 to vector<16xi32>
    %run_scoped3A = arith.constant 0 : i32
    %run_scoped3A_5 = arith.constant 0 : i32
    "tpu.region"() ({
      %run_scoped3A_97 = tpu.sem_alloc : memref<!tpu.dma_semaphore, #tpu.memory_space<semaphore_mem>>
      %dma_start3A_98 = arith.constant 0 : i32
      %dma_start3A_99 = arith.constant 0 : i32
      %dma_start3A_100 = tpu.memref_slice %arg7[%run_scoped3A_5, %dma_start3A_98, %dma_start3A_99] : memref<6x2x80xi32, #tpu.memory_space<vmem>> -> memref<1x2x80xi32, #tpu.memory_space<vmem>>
      %dma_start3A_101 = tpu.memref_squeeze %dma_start3A_100 : memref<1x2x80xi32, #tpu.memory_space<vmem>> -> memref<2x80xi32, #tpu.memory_space<vmem>>
      %dma_start3A_102 = arith.constant 0 : i32
      %dma_start3A_103 = arith.constant 0 : i32
      %dma_start3A_104 = arith.constant 0 : i32
      %dma_start3A_105 = tpu.memref_slice %arg4[%arg0, %arg1, %dma_start3A_102, %dma_start3A_103, %dma_start3A_104] : memref<2x16x252x2x80xi32, #tpu.memory_space<hbm>> -> memref<1x1x252x2x80xi32, #tpu.memory_space<hbm>>
      %dma_start3A_106 = tpu.memref_squeeze %dma_start3A_105 : memref<1x1x252x2x80xi32, #tpu.memory_space<hbm>> -> memref<252x2x80xi32, #tpu.memory_space<hbm>>
      %dma_start3A_107 = arith.constant 0 : i32
      %dma_start3A_108 = arith.constant 0 : i32
      %dma_start3A_109 = tpu.memref_slice %dma_start3A_106[%run_scoped3A, %dma_start3A_107, %dma_start3A_108] : memref<252x2x80xi32, #tpu.memory_space<hbm>> -> memref<1x2x80xi32, #tpu.memory_space<hbm>>
      %dma_start3A_110 = tpu.memref_squeeze %dma_start3A_109 : memref<1x2x80xi32, #tpu.memory_space<hbm>> -> memref<2x80xi32, #tpu.memory_space<hbm>>
      %dma_start3A_111 = arith.constant 0 : i32
      %dma_start3A_112 = arith.constant 0 : i32
      %dma_start3A_113 = tpu.memref_slice %arg7[%run_scoped3A_5, %dma_start3A_111, %dma_start3A_112] : memref<6x2x80xi32, #tpu.memory_space<vmem>> -> memref<1x2x80xi32, #tpu.memory_space<vmem>>
      %dma_start3A_114 = tpu.memref_squeeze %dma_start3A_113 : memref<1x2x80xi32, #tpu.memory_space<vmem>> -> memref<2x80xi32, #tpu.memory_space<vmem>>
      %dma_start3A_115 = arith.constant 0 : i32
      %dma_start3A_116 = arith.constant 0 : i32
      %dma_start3A_117 = arith.constant 0 : i32
      %dma_start3A_118 = tpu.memref_slice %arg4[%arg0, %arg1, %dma_start3A_115, %dma_start3A_116, %dma_start3A_117] : memref<2x16x252x2x80xi32, #tpu.memory_space<hbm>> -> memref<1x1x252x2x80xi32, #tpu.memory_space<hbm>>
      %dma_start3A_119 = tpu.memref_squeeze %dma_start3A_118 : memref<1x1x252x2x80xi32, #tpu.memory_space<hbm>> -> memref<252x2x80xi32, #tpu.memory_space<hbm>>
      %dma_start3A_120 = arith.constant 0 : i32
      %dma_start3A_121 = arith.constant 0 : i32
      %dma_start3A_122 = tpu.memref_slice %dma_start3A_119[%run_scoped3A, %dma_start3A_120, %dma_start3A_121] : memref<252x2x80xi32, #tpu.memory_space<hbm>> -> memref<1x2x80xi32, #tpu.memory_space<hbm>>
      %dma_start3A_123 = tpu.memref_squeeze %dma_start3A_122 : memref<1x2x80xi32, #tpu.memory_space<hbm>> -> memref<2x80xi32, #tpu.memory_space<hbm>>
      tpu.enqueue_dma source(%dma_start3A_123 : memref<2x80xi32, #tpu.memory_space<hbm>>) target(%dma_start3A_114 : memref<2x80xi32, #tpu.memory_space<vmem>>) target_semaphore(%run_scoped3A_97 : memref<!tpu.dma_semaphore, #tpu.memory_space<semaphore_mem>>)
      %dma_wait3A_124 = arith.constant 0 : i32
      %dma_wait3A_125 = arith.constant 0 : i32
      %dma_wait3A_126 = tpu.memref_slice %arg7[%run_scoped3A_5, %dma_wait3A_124, %dma_wait3A_125] : memref<6x2x80xi32, #tpu.memory_space<vmem>> -> memref<1x2x80xi32, #tpu.memory_space<vmem>>
      %dma_wait3A_127 = tpu.memref_squeeze %dma_wait3A_126 : memref<1x2x80xi32, #tpu.memory_space<vmem>> -> memref<2x80xi32, #tpu.memory_space<vmem>>
      %dma_wait3A_128 = arith.constant 0 : i32
      %dma_wait3A_129 = arith.constant 0 : i32
      %dma_wait3A_130 = arith.constant 0 : i32
      %dma_wait3A_131 = tpu.memref_slice %arg4[%arg0, %arg1, %dma_wait3A_128, %dma_wait3A_129, %dma_wait3A_130] : memref<2x16x252x2x80xi32, #tpu.memory_space<hbm>> -> memref<1x1x252x2x80xi32, #tpu.memory_space<hbm>>
      %dma_wait3A_132 = tpu.memref_squeeze %dma_wait3A_131 : memref<1x1x252x2x80xi32, #tpu.memory_space<hbm>> -> memref<252x2x80xi32, #tpu.memory_space<hbm>>
      %dma_wait3A_133 = arith.constant 0 : i32
      %dma_wait3A_134 = arith.constant 0 : i32
      %dma_wait3A_135 = tpu.memref_slice %dma_wait3A_132[%run_scoped3A, %dma_wait3A_133, %dma_wait3A_134] : memref<252x2x80xi32, #tpu.memory_space<hbm>> -> memref<1x2x80xi32, #tpu.memory_space<hbm>>
      %dma_wait3A_136 = tpu.memref_squeeze %dma_wait3A_135 : memref<1x2x80xi32, #tpu.memory_space<hbm>> -> memref<2x80xi32, #tpu.memory_space<hbm>>
      %dma_wait3A_137 = arith.constant 0 : i32
      %dma_wait3A_138 = arith.constant 0 : i32
      %dma_wait3A_139 = tpu.memref_slice %arg7[%run_scoped3A_5, %dma_wait3A_137, %dma_wait3A_138] : memref<6x2x80xi32, #tpu.memory_space<vmem>> -> memref<1x2x80xi32, #tpu.memory_space<vmem>>
      %dma_wait3A_140 = tpu.memref_squeeze %dma_wait3A_139 : memref<1x2x80xi32, #tpu.memory_space<vmem>> -> memref<2x80xi32, #tpu.memory_space<vmem>>
      %dma_wait3A_141 = arith.constant 0 : i32
      %dma_wait3A_142 = arith.constant 0 : i32
      %dma_wait3A_143 = arith.constant 0 : i32
      %dma_wait3A_144 = tpu.memref_slice %arg4[%arg0, %arg1, %dma_wait3A_141, %dma_wait3A_142, %dma_wait3A_143] : memref<2x16x252x2x80xi32, #tpu.memory_space<hbm>> -> memref<1x1x252x2x80xi32, #tpu.memory_space<hbm>>
      %dma_wait3A_145 = tpu.memref_squeeze %dma_wait3A_144 : memref<1x1x252x2x80xi32, #tpu.memory_space<hbm>> -> memref<252x2x80xi32, #tpu.memory_space<hbm>>
      %dma_wait3A_146 = arith.constant 0 : i32
      %dma_wait3A_147 = arith.constant 0 : i32
      %dma_wait3A_148 = tpu.memref_slice %dma_wait3A_145[%run_scoped3A, %dma_wait3A_146, %dma_wait3A_147] : memref<252x2x80xi32, #tpu.memory_space<hbm>> -> memref<1x2x80xi32, #tpu.memory_space<hbm>>
      %dma_wait3A_149 = tpu.memref_squeeze %dma_wait3A_148 : memref<1x2x80xi32, #tpu.memory_space<hbm>> -> memref<2x80xi32, #tpu.memory_space<hbm>>
      tpu.wait_dma2 semaphore(%run_scoped3A_97 : memref<!tpu.dma_semaphore, #tpu.memory_space<semaphore_mem>>) src(%dma_wait3A_149 : memref<2x80xi32, #tpu.memory_space<hbm>>) dst(%dma_wait3A_140 : memref<2x80xi32, #tpu.memory_space<vmem>>)
      tpu.yield
    }) : () -> ()
    %dma_start3A = arith.constant 1 : i32
    %dma_start3A_6 = arith.constant 1 : i32
    %dma_start3A_7 = arith.constant 0 : i32
    %dma_start3A_8 = arith.constant 0 : i32
    %dma_start3A_9 = tpu.memref_slice %arg7[%dma_start3A_6, %dma_start3A_7, %dma_start3A_8] : memref<6x2x80xi32, #tpu.memory_space<vmem>> -> memref<1x2x80xi32, #tpu.memory_space<vmem>>
    %dma_start3A_10 = tpu.memref_squeeze %dma_start3A_9 : memref<1x2x80xi32, #tpu.memory_space<vmem>> -> memref<2x80xi32, #tpu.memory_space<vmem>>
    %dma_start3A_11 = arith.constant 0 : i32
    %dma_start3A_12 = arith.constant 0 : i32
    %dma_start3A_13 = arith.constant 0 : i32
    %dma_start3A_14 = tpu.memref_slice %arg4[%arg0, %arg1, %dma_start3A_11, %dma_start3A_12, %dma_start3A_13] : memref<2x16x252x2x80xi32, #tpu.memory_space<hbm>> -> memref<1x1x252x2x80xi32, #tpu.memory_space<hbm>>
    %dma_start3A_15 = tpu.memref_squeeze %dma_start3A_14 : memref<1x1x252x2x80xi32, #tpu.memory_space<hbm>> -> memref<252x2x80xi32, #tpu.memory_space<hbm>>
    %dma_start3A_16 = arith.constant 0 : i32
    %dma_start3A_17 = arith.constant 0 : i32
    %dma_start3A_18 = tpu.memref_slice %dma_start3A_15[%dma_start3A, %dma_start3A_16, %dma_start3A_17] : memref<252x2x80xi32, #tpu.memory_space<hbm>> -> memref<1x2x80xi32, #tpu.memory_space<hbm>>
    %dma_start3A_19 = tpu.memref_squeeze %dma_start3A_18 : memref<1x2x80xi32, #tpu.memory_space<hbm>> -> memref<2x80xi32, #tpu.memory_space<hbm>>
    %dma_start3A_20 = arith.constant 0 : i32
    %dma_start3A_21 = arith.constant 0 : i32
    %dma_start3A_22 = tpu.memref_slice %arg7[%dma_start3A_6, %dma_start3A_20, %dma_start3A_21] : memref<6x2x80xi32, #tpu.memory_space<vmem>> -> memref<1x2x80xi32, #tpu.memory_space<vmem>>
    %dma_start3A_23 = tpu.memref_squeeze %dma_start3A_22 : memref<1x2x80xi32, #tpu.memory_space<vmem>> -> memref<2x80xi32, #tpu.memory_space<vmem>>
    %dma_start3A_24 = arith.constant 0 : i32
    %dma_start3A_25 = arith.constant 0 : i32
    %dma_start3A_26 = arith.constant 0 : i32
    %dma_start3A_27 = tpu.memref_slice %arg4[%arg0, %arg1, %dma_start3A_24, %dma_start3A_25, %dma_start3A_26] : memref<2x16x252x2x80xi32, #tpu.memory_space<hbm>> -> memref<1x1x252x2x80xi32, #tpu.memory_space<hbm>>
    %dma_start3A_28 = tpu.memref_squeeze %dma_start3A_27 : memref<1x1x252x2x80xi32, #tpu.memory_space<hbm>> -> memref<252x2x80xi32, #tpu.memory_space<hbm>>
    %dma_start3A_29 = arith.constant 0 : i32
    %dma_start3A_30 = arith.constant 0 : i32
    %dma_start3A_31 = tpu.memref_slice %dma_start3A_28[%dma_start3A, %dma_start3A_29, %dma_start3A_30] : memref<252x2x80xi32, #tpu.memory_space<hbm>> -> memref<1x2x80xi32, #tpu.memory_space<hbm>>
    %dma_start3A_32 = tpu.memref_squeeze %dma_start3A_31 : memref<1x2x80xi32, #tpu.memory_space<hbm>> -> memref<2x80xi32, #tpu.memory_space<hbm>>
    tpu.enqueue_dma source(%dma_start3A_32 : memref<2x80xi32, #tpu.memory_space<hbm>>) target(%dma_start3A_23 : memref<2x80xi32, #tpu.memory_space<vmem>>) target_semaphore(%arg15 : memref<!tpu.dma_semaphore, #tpu.memory_space<semaphore_mem>>)
    %dma_start3A_33 = arith.constant 0 : i32
    %dma_start3A_34 = arith.constant 1 : i32
    %dma_start3A_35 = arith.constant 0 : i32
    %dma_start3A_36 = arith.constant 0 : i32
    %dma_start3A_37 = arith.constant 0 : i32
    %dma_start3A_38 = tpu.memref_slice %arg8[%dma_start3A_35, %dma_start3A_36, %dma_start3A_37] : memref<3x80x144xf32, #tpu.memory_space<vmem>> -> memref<1x80x144xf32, #tpu.memory_space<vmem>>
    %dma_start3A_39 = tpu.memref_squeeze %dma_start3A_38 : memref<1x80x144xf32, #tpu.memory_space<vmem>> -> memref<80x144xf32, #tpu.memory_space<vmem>>
    %dma_start3A_40 = arith.constant 0 : i32
    %dma_start3A_41 = tpu.memref_slice %arg7[%dma_start3A_33, %dma_start3A_34, %dma_start3A_40] : memref<6x2x80xi32, #tpu.memory_space<vmem>> -> memref<1x1x80xi32, #tpu.memory_space<vmem>>
    %dma_start3A_42 = tpu.memref_squeeze %dma_start3A_41 : memref<1x1x80xi32, #tpu.memory_space<vmem>> -> memref<80xi32, #tpu.memory_space<vmem>>
    %dma_start3A_43 = arith.constant 0 : i32
    %dma_start3A_44 = arith.constant 0 : i32
    %dma_start3A_45 = tpu.memref_slice %arg2[%arg0, %dma_start3A_43, %dma_start3A_44] : memref<2x10240x144xf32, #tpu.memory_space<hbm>> -> memref<1x10240x144xf32, #tpu.memory_space<hbm>>
    %dma_start3A_46 = tpu.memref_squeeze %dma_start3A_45 : memref<1x10240x144xf32, #tpu.memory_space<hbm>> -> memref<10240x144xf32, #tpu.memory_space<hbm>>
    %dma_start3A_47 = arith.constant 0 : i32
    %dma_start3A_48 = arith.constant 0 : i32
    %dma_start3A_49 = tpu.memref_slice %dma_start3A_46[%dma_start3A_47, %dma_start3A_48] : memref<10240x144xf32, #tpu.memory_space<hbm>> -> memref<10240x144xf32, #tpu.memory_space<hbm>>
    tpu.enqueue_indirect_dma source(%dma_start3A_49 : memref<10240x144xf32, #tpu.memory_space<hbm>>) target(%dma_start3A_39 : memref<80x144xf32, #tpu.memory_space<vmem>>) offsets(%dma_start3A_42 : memref<80xi32, #tpu.memory_space<vmem>>) semaphore(%arg11 : memref<!tpu.dma_semaphore, #tpu.memory_space<semaphore_mem>>)
    %dma_start3A_50 = arith.constant 0 : i32
    %dma_start3A_51 = arith.constant 0 : i32
    %dma_start3A_52 = arith.constant 0 : i32
    %dma_start3A_53 = arith.constant 0 : i32
    %dma_start3A_54 = arith.constant 0 : i32
    %dma_start3A_55 = tpu.memref_slice %arg9[%dma_start3A_52, %dma_start3A_53, %dma_start3A_54] : memref<2x80x16xf32, #tpu.memory_space<vmem>> -> memref<1x80x16xf32, #tpu.memory_space<vmem>>
    %dma_start3A_56 = tpu.memref_squeeze %dma_start3A_55 : memref<1x80x16xf32, #tpu.memory_space<vmem>> -> memref<80x16xf32, #tpu.memory_space<vmem>>
    %dma_start3A_57 = arith.constant 0 : i32
    %dma_start3A_58 = tpu.memref_slice %arg7[%dma_start3A_50, %dma_start3A_51, %dma_start3A_57] : memref<6x2x80xi32, #tpu.memory_space<vmem>> -> memref<1x1x80xi32, #tpu.memory_space<vmem>>
    %dma_start3A_59 = tpu.memref_squeeze %dma_start3A_58 : memref<1x1x80xi32, #tpu.memory_space<vmem>> -> memref<80xi32, #tpu.memory_space<vmem>>
    %dma_start3A_60 = arith.constant 0 : i32
    %dma_start3A_61 = arith.constant 0 : i32
    %dma_start3A_62 = tpu.memref_slice %arg3[%arg0, %dma_start3A_60, %dma_start3A_61] : memref<2x10240x16xf32, #tpu.memory_space<hbm>> -> memref<1x10240x16xf32, #tpu.memory_space<hbm>>
    %dma_start3A_63 = tpu.memref_squeeze %dma_start3A_62 : memref<1x10240x16xf32, #tpu.memory_space<hbm>> -> memref<10240x16xf32, #tpu.memory_space<hbm>>
    %dma_start3A_64 = arith.constant 0 : i32
    %dma_start3A_65 = arith.constant 0 : i32
    %dma_start3A_66 = tpu.memref_slice %dma_start3A_63[%dma_start3A_64, %dma_start3A_65] : memref<10240x16xf32, #tpu.memory_space<hbm>> -> memref<10240x16xf32, #tpu.memory_space<hbm>>
    tpu.enqueue_indirect_dma source(%dma_start3A_66 : memref<10240x16xf32, #tpu.memory_space<hbm>>) target(%dma_start3A_56 : memref<80x16xf32, #tpu.memory_space<vmem>>) offsets(%dma_start3A_59 : memref<80xi32, #tpu.memory_space<vmem>>) semaphore(%arg11 : memref<!tpu.dma_semaphore, #tpu.memory_space<semaphore_mem>>)
    %scan3A = arith.constant 0 : i32
    %scan3A_67 = arith.constant 42 : i32
    %scan3A_68 = arith.addi %scan3A, %scan3A_67 : i32
    %scan3A_69 = arith.constant 1 : i32
    scf.for %scan3A_97 = %scan3A to %scan3A_68 step %scan3A_69  : i32 {
      %mul3A_98 = arith.constant 1 : i32
      %mul3A_99 = arith.muli %scan3A_97, %mul3A_98 : i32
      %add3A = arith.constant 0 : i32
      %add3A_100 = arith.addi %add3A, %mul3A_99 : i32
      %mul3A_101 = arith.constant 6 : i32
      %mul3A_102 = arith.muli %add3A_100, %mul3A_101 : i32
      %add3A_103 = arith.constant 0 : i32
      %add3A_104 = arith.addi %mul3A_102, %add3A_103 : i32
      %gt3A = arith.constant 1 : i32
      %gt3A_105 = arith.cmpi sgt, %add3A_104, %gt3A : i32
      %convert_element_type3A = arith.extui %gt3A_105 : i1 to i32
      %cond3A = arith.constant 0 : i32
      %cond3A_106 = arith.cmpi ne, %convert_element_type3A, %cond3A : i32
      scf.if %cond3A_106 {
        %dma_wait3A_1485 = arith.constant 1 : i32
        %dma_wait3A_1486 = arith.constant 4 : i32
        %dma_wait3A_1487 = arith.constant 0 : i32
        %dma_wait3A_1488 = arith.constant 0 : i32
        %dma_wait3A_1489 = arith.constant 0 : i32
        %dma_wait3A_1490 = tpu.memref_slice %arg8[%dma_wait3A_1485, %dma_wait3A_1488, %dma_wait3A_1489] : memref<3x80x144xf32, #tpu.memory_space<vmem>> -> memref<1x80x144xf32, #tpu.memory_space<vmem>>
        %dma_wait3A_1491 = tpu.memref_squeeze %dma_wait3A_1490 : memref<1x80x144xf32, #tpu.memory_space<vmem>> -> memref<80x144xf32, #tpu.memory_space<vmem>>
        %dma_wait3A_1492 = arith.constant 0 : i32
        %dma_wait3A_1493 = tpu.memref_slice %arg7[%dma_wait3A_1486, %dma_wait3A_1487, %dma_wait3A_1492] : memref<6x2x80xi32, #tpu.memory_space<vmem>> -> memref<1x1x80xi32, #tpu.memory_space<vmem>>
        %dma_wait3A_1494 = tpu.memref_squeeze %dma_wait3A_1493 : memref<1x1x80xi32, #tpu.memory_space<vmem>> -> memref<80xi32, #tpu.memory_space<vmem>>
        %dma_wait3A_1495 = arith.constant 0 : i32
        %dma_wait3A_1496 = arith.constant 0 : i32
        %dma_wait3A_1497 = tpu.memref_slice %arg10[%dma_wait3A_1495, %dma_wait3A_1496] : memref<10240x144xf32, #tpu.memory_space<vmem_shared>> -> memref<10240x144xf32, #tpu.memory_space<vmem_shared>>
        tpu.wait_indirect_dma semaphore(%arg17 : memref<!tpu.dma_semaphore, #tpu.memory_space<semaphore_mem>>) src(%dma_wait3A_1491 : memref<80x144xf32, #tpu.memory_space<vmem>>) dst(%dma_wait3A_1497 : memref<10240x144xf32, #tpu.memory_space<vmem_shared>>)
      } else {
      }
      %add3A_107 = arith.constant 2 : i32
      %add3A_108 = arith.addi %add3A_104, %add3A_107 : i32
      %lt3A = arith.constant 252 : i32
      %lt3A_109 = arith.cmpi slt, %add3A_108, %lt3A : i32
      %convert_element_type3A_110 = arith.extui %lt3A_109 : i1 to i32
      %cond3A_111 = arith.constant 0 : i32
      %cond3A_112 = arith.cmpi ne, %convert_element_type3A_110, %cond3A_111 : i32
      scf.if %cond3A_112 {
        %add3A_1485 = arith.constant 2 : i32
        %add3A_1486 = arith.addi %add3A_104, %add3A_1485 : i32
        %dma_start3A_1487 = arith.constant 2 : i32
        %dma_start3A_1488 = arith.constant 0 : i32
        %dma_start3A_1489 = arith.constant 0 : i32
        %dma_start3A_1490 = tpu.memref_slice %arg7[%dma_start3A_1487, %dma_start3A_1488, %dma_start3A_1489] : memref<6x2x80xi32, #tpu.memory_space<vmem>> -> memref<1x2x80xi32, #tpu.memory_space<vmem>>
        %dma_start3A_1491 = tpu.memref_squeeze %dma_start3A_1490 : memref<1x2x80xi32, #tpu.memory_space<vmem>> -> memref<2x80xi32, #tpu.memory_space<vmem>>
        %dma_start3A_1492 = arith.constant 0 : i32
        %dma_start3A_1493 = arith.constant 0 : i32
        %dma_start3A_1494 = arith.constant 0 : i32
        %dma_start3A_1495 = tpu.memref_slice %arg4[%arg0, %arg1, %dma_start3A_1492, %dma_start3A_1493, %dma_start3A_1494] : memref<2x16x252x2x80xi32, #tpu.memory_space<hbm>> -> memref<1x1x252x2x80xi32, #tpu.memory_space<hbm>>
        %dma_start3A_1496 = tpu.memref_squeeze %dma_start3A_1495 : memref<1x1x252x2x80xi32, #tpu.memory_space<hbm>> -> memref<252x2x80xi32, #tpu.memory_space<hbm>>
        %dma_start3A_1497 = arith.constant 0 : i32
        %dma_start3A_1498 = arith.constant 0 : i32
        %dma_start3A_1499 = tpu.memref_slice %dma_start3A_1496[%add3A_1486, %dma_start3A_1497, %dma_start3A_1498] : memref<252x2x80xi32, #tpu.memory_space<hbm>> -> memref<1x2x80xi32, #tpu.memory_space<hbm>>
        %dma_start3A_1500 = tpu.memref_squeeze %dma_start3A_1499 : memref<1x2x80xi32, #tpu.memory_space<hbm>> -> memref<2x80xi32, #tpu.memory_space<hbm>>
        %dma_start3A_1501 = arith.constant 0 : i32
        %dma_start3A_1502 = arith.constant 0 : i32
        %dma_start3A_1503 = tpu.memref_slice %arg7[%dma_start3A_1487, %dma_start3A_1501, %dma_start3A_1502] : memref<6x2x80xi32, #tpu.memory_space<vmem>> -> memref<1x2x80xi32, #tpu.memory_space<vmem>>
        %dma_start3A_1504 = tpu.memref_squeeze %dma_start3A_1503 : memref<1x2x80xi32, #tpu.memory_space<vmem>> -> memref<2x80xi32, #tpu.memory_space<vmem>>
        %dma_start3A_1505 = arith.constant 0 : i32
        %dma_start3A_1506 = arith.constant 0 : i32
        %dma_start3A_1507 = arith.constant 0 : i32
        %dma_start3A_1508 = tpu.memref_slice %arg4[%arg0, %arg1, %dma_start3A_1505, %dma_start3A_1506, %dma_start3A_1507] : memref<2x16x252x2x80xi32, #tpu.memory_space<hbm>> -> memref<1x1x252x2x80xi32, #tpu.memory_space<hbm>>
        %dma_start3A_1509 = tpu.memref_squeeze %dma_start3A_1508 : memref<1x1x252x2x80xi32, #tpu.memory_space<hbm>> -> memref<252x2x80xi32, #tpu.memory_space<hbm>>
        %dma_start3A_1510 = arith.constant 0 : i32
        %dma_start3A_1511 = arith.constant 0 : i32
        %dma_start3A_1512 = tpu.memref_slice %dma_start3A_1509[%add3A_1486, %dma_start3A_1510, %dma_start3A_1511] : memref<252x2x80xi32, #tpu.memory_space<hbm>> -> memref<1x2x80xi32, #tpu.memory_space<hbm>>
        %dma_start3A_1513 = tpu.memref_squeeze %dma_start3A_1512 : memref<1x2x80xi32, #tpu.memory_space<hbm>> -> memref<2x80xi32, #tpu.memory_space<hbm>>
        tpu.enqueue_dma source(%dma_start3A_1513 : memref<2x80xi32, #tpu.memory_space<hbm>>) target(%dma_start3A_1504 : memref<2x80xi32, #tpu.memory_space<vmem>>) target_semaphore(%arg14 : memref<!tpu.dma_semaphore, #tpu.memory_space<semaphore_mem>>)
      } else {
      }
      %add3A_113 = arith.constant 1 : i32
      %add3A_114 = arith.addi %add3A_104, %add3A_113 : i32
      %lt3A_115 = arith.constant 252 : i32
      %lt3A_116 = arith.cmpi slt, %add3A_114, %lt3A_115 : i32
      %convert_element_type3A_117 = arith.extui %lt3A_116 : i1 to i32
      %cond3A_118 = arith.constant 0 : i32
      %cond3A_119 = arith.cmpi ne, %convert_element_type3A_117, %cond3A_118 : i32
      scf.if %cond3A_119 {
        %add3A_1485 = arith.constant 1 : i32
        %add3A_1486 = arith.addi %add3A_104, %add3A_1485 : i32
        %dma_wait3A_1487 = arith.constant 1 : i32
        %dma_wait3A_1488 = arith.constant 0 : i32
        %dma_wait3A_1489 = arith.constant 0 : i32
        %dma_wait3A_1490 = tpu.memref_slice %arg7[%dma_wait3A_1487, %dma_wait3A_1488, %dma_wait3A_1489] : memref<6x2x80xi32, #tpu.memory_space<vmem>> -> memref<1x2x80xi32, #tpu.memory_space<vmem>>
        %dma_wait3A_1491 = tpu.memref_squeeze %dma_wait3A_1490 : memref<1x2x80xi32, #tpu.memory_space<vmem>> -> memref<2x80xi32, #tpu.memory_space<vmem>>
        %dma_wait3A_1492 = arith.constant 0 : i32
        %dma_wait3A_1493 = arith.constant 0 : i32
        %dma_wait3A_1494 = arith.constant 0 : i32
        %dma_wait3A_1495 = tpu.memref_slice %arg4[%arg0, %arg1, %dma_wait3A_1492, %dma_wait3A_1493, %dma_wait3A_1494] : memref<2x16x252x2x80xi32, #tpu.memory_space<hbm>> -> memref<1x1x252x2x80xi32, #tpu.memory_space<hbm>>
        %dma_wait3A_1496 = tpu.memref_squeeze %dma_wait3A_1495 : memref<1x1x252x2x80xi32, #tpu.memory_space<hbm>> -> memref<252x2x80xi32, #tpu.memory_space<hbm>>
        %dma_wait3A_1497 = arith.constant 0 : i32
        %dma_wait3A_1498 = arith.constant 0 : i32
        %dma_wait3A_1499 = tpu.memref_slice %dma_wait3A_1496[%add3A_1486, %dma_wait3A_1497, %dma_wait3A_1498] : memref<252x2x80xi32, #tpu.memory_space<hbm>> -> memref<1x2x80xi32, #tpu.memory_space<hbm>>
        %dma_wait3A_1500 = tpu.memref_squeeze %dma_wait3A_1499 : memref<1x2x80xi32, #tpu.memory_space<hbm>> -> memref<2x80xi32, #tpu.memory_space<hbm>>
        %dma_wait3A_1501 = arith.constant 0 : i32
        %dma_wait3A_1502 = arith.constant 0 : i32
        %dma_wait3A_1503 = tpu.memref_slice %arg7[%dma_wait3A_1487, %dma_wait3A_1501, %dma_wait3A_1502] : memref<6x2x80xi32, #tpu.memory_space<vmem>> -> memref<1x2x80xi32, #tpu.memory_space<vmem>>
        %dma_wait3A_1504 = tpu.memref_squeeze %dma_wait3A_1503 : memref<1x2x80xi32, #tpu.memory_space<vmem>> -> memref<2x80xi32, #tpu.memory_space<vmem>>
        %dma_wait3A_1505 = arith.constant 0 : i32
        %dma_wait3A_1506 = arith.constant 0 : i32
        %dma_wait3A_1507 = arith.constant 0 : i32
        %dma_wait3A_1508 = tpu.memref_slice %arg4[%arg0, %arg1, %dma_wait3A_1505, %dma_wait3A_1506, %dma_wait3A_1507] : memref<2x16x252x2x80xi32, #tpu.memory_space<hbm>> -> memref<1x1x252x2x80xi32, #tpu.memory_space<hbm>>
        %dma_wait3A_1509 = tpu.memref_squeeze %dma_wait3A_1508 : memref<1x1x252x2x80xi32, #tpu.memory_space<hbm>> -> memref<252x2x80xi32, #tpu.memory_space<hbm>>
        %dma_wait3A_1510 = arith.constant 0 : i32
        %dma_wait3A_1511 = arith.constant 0 : i32
        %dma_wait3A_1512 = tpu.memref_slice %dma_wait3A_1509[%add3A_1486, %dma_wait3A_1510, %dma_wait3A_1511] : memref<252x2x80xi32, #tpu.memory_space<hbm>> -> memref<1x2x80xi32, #tpu.memory_space<hbm>>
        %dma_wait3A_1513 = tpu.memref_squeeze %dma_wait3A_1512 : memref<1x2x80xi32, #tpu.memory_space<hbm>> -> memref<2x80xi32, #tpu.memory_space<hbm>>
        tpu.wait_dma2 semaphore(%arg15 : memref<!tpu.dma_semaphore, #tpu.memory_space<semaphore_mem>>) src(%dma_wait3A_1513 : memref<2x80xi32, #tpu.memory_space<hbm>>) dst(%dma_wait3A_1504 : memref<2x80xi32, #tpu.memory_space<vmem>>)
        %dma_start3A_1514 = arith.constant 1 : i32
        %dma_start3A_1515 = arith.constant 1 : i32
        %dma_start3A_1516 = arith.constant 1 : i32
        %dma_start3A_1517 = arith.constant 0 : i32
        %dma_start3A_1518 = arith.constant 0 : i32
        %dma_start3A_1519 = tpu.memref_slice %arg8[%dma_start3A_1516, %dma_start3A_1517, %dma_start3A_1518] : memref<3x80x144xf32, #tpu.memory_space<vmem>> -> memref<1x80x144xf32, #tpu.memory_space<vmem>>
        %dma_start3A_1520 = tpu.memref_squeeze %dma_start3A_1519 : memref<1x80x144xf32, #tpu.memory_space<vmem>> -> memref<80x144xf32, #tpu.memory_space<vmem>>
        %dma_start3A_1521 = arith.constant 0 : i32
        %dma_start3A_1522 = tpu.memref_slice %arg7[%dma_start3A_1514, %dma_start3A_1515, %dma_start3A_1521] : memref<6x2x80xi32, #tpu.memory_space<vmem>> -> memref<1x1x80xi32, #tpu.memory_space<vmem>>
        %dma_start3A_1523 = tpu.memref_squeeze %dma_start3A_1522 : memref<1x1x80xi32, #tpu.memory_space<vmem>> -> memref<80xi32, #tpu.memory_space<vmem>>
        %dma_start3A_1524 = arith.constant 0 : i32
        %dma_start3A_1525 = arith.constant 0 : i32
        %dma_start3A_1526 = tpu.memref_slice %arg2[%arg0, %dma_start3A_1524, %dma_start3A_1525] : memref<2x10240x144xf32, #tpu.memory_space<hbm>> -> memref<1x10240x144xf32, #tpu.memory_space<hbm>>
        %dma_start3A_1527 = tpu.memref_squeeze %dma_start3A_1526 : memref<1x10240x144xf32, #tpu.memory_space<hbm>> -> memref<10240x144xf32, #tpu.memory_space<hbm>>
        %dma_start3A_1528 = arith.constant 0 : i32
        %dma_start3A_1529 = arith.constant 0 : i32
        %dma_start3A_1530 = tpu.memref_slice %dma_start3A_1527[%dma_start3A_1528, %dma_start3A_1529] : memref<10240x144xf32, #tpu.memory_space<hbm>> -> memref<10240x144xf32, #tpu.memory_space<hbm>>
        tpu.enqueue_indirect_dma source(%dma_start3A_1530 : memref<10240x144xf32, #tpu.memory_space<hbm>>) target(%dma_start3A_1520 : memref<80x144xf32, #tpu.memory_space<vmem>>) offsets(%dma_start3A_1523 : memref<80xi32, #tpu.memory_space<vmem>>) semaphore(%arg12 : memref<!tpu.dma_semaphore, #tpu.memory_space<semaphore_mem>>)
        %dma_start3A_1531 = arith.constant 1 : i32
        %dma_start3A_1532 = arith.constant 0 : i32
        %dma_start3A_1533 = arith.constant 1 : i32
        %dma_start3A_1534 = arith.constant 0 : i32
        %dma_start3A_1535 = arith.constant 0 : i32
        %dma_start3A_1536 = tpu.memref_slice %arg9[%dma_start3A_1533, %dma_start3A_1534, %dma_start3A_1535] : memref<2x80x16xf32, #tpu.memory_space<vmem>> -> memref<1x80x16xf32, #tpu.memory_space<vmem>>
        %dma_start3A_1537 = tpu.memref_squeeze %dma_start3A_1536 : memref<1x80x16xf32, #tpu.memory_space<vmem>> -> memref<80x16xf32, #tpu.memory_space<vmem>>
        %dma_start3A_1538 = arith.constant 0 : i32
        %dma_start3A_1539 = tpu.memref_slice %arg7[%dma_start3A_1531, %dma_start3A_1532, %dma_start3A_1538] : memref<6x2x80xi32, #tpu.memory_space<vmem>> -> memref<1x1x80xi32, #tpu.memory_space<vmem>>
        %dma_start3A_1540 = tpu.memref_squeeze %dma_start3A_1539 : memref<1x1x80xi32, #tpu.memory_space<vmem>> -> memref<80xi32, #tpu.memory_space<vmem>>
        %dma_start3A_1541 = arith.constant 0 : i32
        %dma_start3A_1542 = arith.constant 0 : i32
        %dma_start3A_1543 = tpu.memref_slice %arg3[%arg0, %dma_start3A_1541, %dma_start3A_1542] : memref<2x10240x16xf32, #tpu.memory_space<hbm>> -> memref<1x10240x16xf32, #tpu.memory_space<hbm>>
        %dma_start3A_1544 = tpu.memref_squeeze %dma_start3A_1543 : memref<1x10240x16xf32, #tpu.memory_space<hbm>> -> memref<10240x16xf32, #tpu.memory_space<hbm>>
        %dma_start3A_1545 = arith.constant 0 : i32
        %dma_start3A_1546 = arith.constant 0 : i32
        %dma_start3A_1547 = tpu.memref_slice %dma_start3A_1544[%dma_start3A_1545, %dma_start3A_1546] : memref<10240x16xf32, #tpu.memory_space<hbm>> -> memref<10240x16xf32, #tpu.memory_space<hbm>>
        tpu.enqueue_indirect_dma source(%dma_start3A_1547 : memref<10240x16xf32, #tpu.memory_space<hbm>>) target(%dma_start3A_1537 : memref<80x16xf32, #tpu.memory_space<vmem>>) offsets(%dma_start3A_1540 : memref<80xi32, #tpu.memory_space<vmem>>) semaphore(%arg12 : memref<!tpu.dma_semaphore, #tpu.memory_space<semaphore_mem>>)
      } else {
      }
      %dma_wait3A_120 = arith.constant 0 : i32
      %dma_wait3A_121 = arith.constant 1 : i32
      %dma_wait3A_122 = arith.constant 0 : i32
      %dma_wait3A_123 = arith.constant 0 : i32
      %dma_wait3A_124 = arith.constant 0 : i32
      %dma_wait3A_125 = tpu.memref_slice %arg8[%dma_wait3A_122, %dma_wait3A_123, %dma_wait3A_124] : memref<3x80x144xf32, #tpu.memory_space<vmem>> -> memref<1x80x144xf32, #tpu.memory_space<vmem>>
      %dma_wait3A_126 = tpu.memref_squeeze %dma_wait3A_125 : memref<1x80x144xf32, #tpu.memory_space<vmem>> -> memref<80x144xf32, #tpu.memory_space<vmem>>
      %dma_wait3A_127 = arith.constant 0 : i32
      %dma_wait3A_128 = tpu.memref_slice %arg7[%dma_wait3A_120, %dma_wait3A_121, %dma_wait3A_127] : memref<6x2x80xi32, #tpu.memory_space<vmem>> -> memref<1x1x80xi32, #tpu.memory_space<vmem>>
      %dma_wait3A_129 = tpu.memref_squeeze %dma_wait3A_128 : memref<1x1x80xi32, #tpu.memory_space<vmem>> -> memref<80xi32, #tpu.memory_space<vmem>>
      %dma_wait3A_130 = arith.constant 0 : i32
      %dma_wait3A_131 = arith.constant 0 : i32
      %dma_wait3A_132 = tpu.memref_slice %arg2[%arg0, %dma_wait3A_130, %dma_wait3A_131] : memref<2x10240x144xf32, #tpu.memory_space<hbm>> -> memref<1x10240x144xf32, #tpu.memory_space<hbm>>
      %dma_wait3A_133 = tpu.memref_squeeze %dma_wait3A_132 : memref<1x10240x144xf32, #tpu.memory_space<hbm>> -> memref<10240x144xf32, #tpu.memory_space<hbm>>
      %dma_wait3A_134 = arith.constant 0 : i32
      %dma_wait3A_135 = arith.constant 0 : i32
      %dma_wait3A_136 = tpu.memref_slice %dma_wait3A_133[%dma_wait3A_134, %dma_wait3A_135] : memref<10240x144xf32, #tpu.memory_space<hbm>> -> memref<10240x144xf32, #tpu.memory_space<hbm>>
      tpu.wait_indirect_dma semaphore(%arg11 : memref<!tpu.dma_semaphore, #tpu.memory_space<semaphore_mem>>) src(%dma_wait3A_136 : memref<10240x144xf32, #tpu.memory_space<hbm>>) dst(%dma_wait3A_126 : memref<80x144xf32, #tpu.memory_space<vmem>>)
      %dma_wait3A_137 = arith.constant 0 : i32
      %dma_wait3A_138 = arith.constant 0 : i32
      %dma_wait3A_139 = arith.constant 0 : i32
      %dma_wait3A_140 = arith.constant 0 : i32
      %dma_wait3A_141 = arith.constant 0 : i32
      %dma_wait3A_142 = tpu.memref_slice %arg9[%dma_wait3A_139, %dma_wait3A_140, %dma_wait3A_141] : memref<2x80x16xf32, #tpu.memory_space<vmem>> -> memref<1x80x16xf32, #tpu.memory_space<vmem>>
      %dma_wait3A_143 = tpu.memref_squeeze %dma_wait3A_142 : memref<1x80x16xf32, #tpu.memory_space<vmem>> -> memref<80x16xf32, #tpu.memory_space<vmem>>
      %dma_wait3A_144 = arith.constant 0 : i32
      %dma_wait3A_145 = tpu.memref_slice %arg7[%dma_wait3A_137, %dma_wait3A_138, %dma_wait3A_144] : memref<6x2x80xi32, #tpu.memory_space<vmem>> -> memref<1x1x80xi32, #tpu.memory_space<vmem>>
      %dma_wait3A_146 = tpu.memref_squeeze %dma_wait3A_145 : memref<1x1x80xi32, #tpu.memory_space<vmem>> -> memref<80xi32, #tpu.memory_space<vmem>>
      %dma_wait3A_147 = arith.constant 0 : i32
      %dma_wait3A_148 = arith.constant 0 : i32
      %dma_wait3A_149 = tpu.memref_slice %arg3[%arg0, %dma_wait3A_147, %dma_wait3A_148] : memref<2x10240x16xf32, #tpu.memory_space<hbm>> -> memref<1x10240x16xf32, #tpu.memory_space<hbm>>
      %dma_wait3A_150 = tpu.memref_squeeze %dma_wait3A_149 : memref<1x10240x16xf32, #tpu.memory_space<hbm>> -> memref<10240x16xf32, #tpu.memory_space<hbm>>
      %dma_wait3A_151 = arith.constant 0 : i32
      %dma_wait3A_152 = arith.constant 0 : i32
      %dma_wait3A_153 = tpu.memref_slice %dma_wait3A_150[%dma_wait3A_151, %dma_wait3A_152] : memref<10240x16xf32, #tpu.memory_space<hbm>> -> memref<10240x16xf32, #tpu.memory_space<hbm>>
      tpu.wait_indirect_dma semaphore(%arg11 : memref<!tpu.dma_semaphore, #tpu.memory_space<semaphore_mem>>) src(%dma_wait3A_153 : memref<10240x16xf32, #tpu.memory_space<hbm>>) dst(%dma_wait3A_143 : memref<80x16xf32, #tpu.memory_space<vmem>>)
      %add3A_154 = arith.constant 0 : i32
      %add3A_155 = vector.broadcast %add3A_154 : i32 to vector<16xi32>
      %add3A_156 = arith.addi %iota3A, %add3A_155 : vector<16xi32>
      %gather3A = arith.constant 0 : i32
      %gather3A_157 = arith.constant 0 : i32
      %gather3A_158 = arith.constant 0 : i32
      %gather3A_159 = tpu.memref_slice %arg9[%gather3A, %gather3A_157, %gather3A_158] : memref<2x80x16xf32, #tpu.memory_space<vmem>> -> memref<1x80x16xf32, #tpu.memory_space<vmem>>
      %gather3A_160 = tpu.memref_squeeze %gather3A_159 : memref<1x80x16xf32, #tpu.memory_space<vmem>> -> memref<80x16xf32, #tpu.memory_space<vmem>>
      %gather3A_161 = tpu.vector_load_idx %gather3A_160[%add3A_156, %mul3A_3] : memref<80x16xf32, #tpu.memory_space<vmem>>[vector<16xi32>, vector<16xi32>], vector<16xf32>,
      %gather3A_162 = arith.constant 0 : i32
      %gather3A_163 = arith.constant 0 : i32
      %gather3A_164 = arith.constant 0 : i32
      %gather3A_165 = tpu.memref_slice %arg8[%gather3A_162, %gather3A_163, %gather3A_164] : memref<3x80x144xf32, #tpu.memory_space<vmem>> -> memref<1x80x144xf32, #tpu.memory_space<vmem>>
      %gather3A_166 = tpu.memref_squeeze %gather3A_165 : memref<1x80x144xf32, #tpu.memory_space<vmem>> -> memref<80x144xf32, #tpu.memory_space<vmem>>
      %gather3A_167 = tpu.vector_load_idx %gather3A_166[%add3A_156, %broadcast_in_dim3A_4] : memref<80x144xf32, #tpu.memory_space<vmem>>[vector<16xi32>, vector<16xi32>], vector<16xf32>,
      %add3A_168 = arith.addf %gather3A_161, %gather3A_167 : vector<16xf32>
      %gt3A_169 = arith.constant 0.000000e+00 : f32
      %gt3A_170 = vector.broadcast %gt3A_169 : f32 to vector<16xf32>
      %gt3A_171 = arith.cmpf ogt, %add3A_168, %gt3A_170 : vector<16xf32>
      %mul3A_172 = arith.constant 2.000000e-01 : f32
      %mul3A_173 = vector.broadcast %mul3A_172 : f32 to vector<16xf32>
      %mul3A_174 = arith.mulf %mul3A_173, %add3A_168 : vector<16xf32>
      %select_n3A = arith.select %gt3A_171, %add3A_168, %mul3A_174 : vector<16xi1>, vector<16xf32>
      %neg3A = arith.constant 0.000000e+00 : f32
      %neg3A_175 = vector.broadcast %neg3A : f32 to vector<16xf32>
      %neg3A_176 = arith.subf %neg3A_175, %select_n3A : vector<16xf32>
      %exp3A = math.exp %neg3A_176 : vector<16xf32>
      %scatter3A = arith.constant 0 : i32
      %scatter3A_177 = arith.constant 0 : i32
      %scatter3A_178 = arith.constant 0 : i32
      %scatter3A_179 = tpu.memref_slice %arg8[%scatter3A, %scatter3A_177, %scatter3A_178] : memref<3x80x144xf32, #tpu.memory_space<vmem>> -> memref<1x80x144xf32, #tpu.memory_space<vmem>>
      %scatter3A_180 = tpu.memref_squeeze %scatter3A_179 : memref<1x80x144xf32, #tpu.memory_space<vmem>> -> memref<80x144xf32, #tpu.memory_space<vmem>>
      tpu.vector_store_idx %scatter3A_180[%add3A_156, %broadcast_in_dim3A_4], %exp3A : memref<80x144xf32, #tpu.memory_space<vmem>>[vector<16xi32>, vector<16xi32>], vector<16xf32>,
      %add3A_181 = arith.constant 16 : i32
      %add3A_182 = vector.broadcast %add3A_181 : i32 to vector<16xi32>
      %add3A_183 = arith.addi %iota3A, %add3A_182 : vector<16xi32>
      %gather3A_184 = arith.constant 0 : i32
      %gather3A_185 = arith.constant 0 : i32
      %gather3A_186 = arith.constant 0 : i32
      %gather3A_187 = tpu.memref_slice %arg9[%gather3A_184, %gather3A_185, %gather3A_186] : memref<2x80x16xf32, #tpu.memory_space<vmem>> -> memref<1x80x16xf32, #tpu.memory_space<vmem>>
      %gather3A_188 = tpu.memref_squeeze %gather3A_187 : memref<1x80x16xf32, #tpu.memory_space<vmem>> -> memref<80x16xf32, #tpu.memory_space<vmem>>
      %gather3A_189 = tpu.vector_load_idx %gather3A_188[%add3A_183, %mul3A_3] : memref<80x16xf32, #tpu.memory_space<vmem>>[vector<16xi32>, vector<16xi32>], vector<16xf32>,
      %gather3A_190 = arith.constant 0 : i32
      %gather3A_191 = arith.constant 0 : i32
      %gather3A_192 = arith.constant 0 : i32
      %gather3A_193 = tpu.memref_slice %arg8[%gather3A_190, %gather3A_191, %gather3A_192] : memref<3x80x144xf32, #tpu.memory_space<vmem>> -> memref<1x80x144xf32, #tpu.memory_space<vmem>>
      %gather3A_194 = tpu.memref_squeeze %gather3A_193 : memref<1x80x144xf32, #tpu.memory_space<vmem>> -> memref<80x144xf32, #tpu.memory_space<vmem>>
      %gather3A_195 = tpu.vector_load_idx %gather3A_194[%add3A_183, %broadcast_in_dim3A_4] : memref<80x144xf32, #tpu.memory_space<vmem>>[vector<16xi32>, vector<16xi32>], vector<16xf32>,
      %add3A_196 = arith.addf %gather3A_189, %gather3A_195 : vector<16xf32>
      %gt3A_197 = arith.constant 0.000000e+00 : f32
      %gt3A_198 = vector.broadcast %gt3A_197 : f32 to vector<16xf32>
      %gt3A_199 = arith.cmpf ogt, %add3A_196, %gt3A_198 : vector<16xf32>
      %mul3A_200 = arith.constant 2.000000e-01 : f32
      %mul3A_201 = vector.broadcast %mul3A_200 : f32 to vector<16xf32>
      %mul3A_202 = arith.mulf %mul3A_201, %add3A_196 : vector<16xf32>
      %select_n3A_203 = arith.select %gt3A_199, %add3A_196, %mul3A_202 : vector<16xi1>, vector<16xf32>
      %neg3A_204 = arith.constant 0.000000e+00 : f32
      %neg3A_205 = vector.broadcast %neg3A_204 : f32 to vector<16xf32>
      %neg3A_206 = arith.subf %neg3A_205, %select_n3A_203 : vector<16xf32>
      %exp3A_207 = math.exp %neg3A_206 : vector<16xf32>
      %scatter3A_208 = arith.constant 0 : i32
      %scatter3A_209 = arith.constant 0 : i32
      %scatter3A_210 = arith.constant 0 : i32
      %scatter3A_211 = tpu.memref_slice %arg8[%scatter3A_208, %scatter3A_209, %scatter3A_210] : memref<3x80x144xf32, #tpu.memory_space<vmem>> -> memref<1x80x144xf32, #tpu.memory_space<vmem>>
      %scatter3A_212 = tpu.memref_squeeze %scatter3A_211 : memref<1x80x144xf32, #tpu.memory_space<vmem>> -> memref<80x144xf32, #tpu.memory_space<vmem>>
      tpu.vector_store_idx %scatter3A_212[%add3A_183, %broadcast_in_dim3A_4], %exp3A_207 : memref<80x144xf32, #tpu.memory_space<vmem>>[vector<16xi32>, vector<16xi32>], vector<16xf32>,
      %add3A_213 = arith.constant 32 : i32
      %add3A_214 = vector.broadcast %add3A_213 : i32 to vector<16xi32>
      %add3A_215 = arith.addi %iota3A, %add3A_214 : vector<16xi32>
      %gather3A_216 = arith.constant 0 : i32
      %gather3A_217 = arith.constant 0 : i32
      %gather3A_218 = arith.constant 0 : i32
      %gather3A_219 = tpu.memref_slice %arg9[%gather3A_216, %gather3A_217, %gather3A_218] : memref<2x80x16xf32, #tpu.memory_space<vmem>> -> memref<1x80x16xf32, #tpu.memory_space<vmem>>
      %gather3A_220 = tpu.memref_squeeze %gather3A_219 : memref<1x80x16xf32, #tpu.memory_space<vmem>> -> memref<80x16xf32, #tpu.memory_space<vmem>>
      %gather3A_221 = tpu.vector_load_idx %gather3A_220[%add3A_215, %mul3A_3] : memref<80x16xf32, #tpu.memory_space<vmem>>[vector<16xi32>, vector<16xi32>], vector<16xf32>,
      %gather3A_222 = arith.constant 0 : i32
      %gather3A_223 = arith.constant 0 : i32
      %gather3A_224 = arith.constant 0 : i32
      %gather3A_225 = tpu.memref_slice %arg8[%gather3A_222, %gather3A_223, %gather3A_224] : memref<3x80x144xf32, #tpu.memory_space<vmem>> -> memref<1x80x144xf32, #tpu.memory_space<vmem>>
      %gather3A_226 = tpu.memref_squeeze %gather3A_225 : memref<1x80x144xf32, #tpu.memory_space<vmem>> -> memref<80x144xf32, #tpu.memory_space<vmem>>
      %gather3A_227 = tpu.vector_load_idx %gather3A_226[%add3A_215, %broadcast_in_dim3A_4] : memref<80x144xf32, #tpu.memory_space<vmem>>[vector<16xi32>, vector<16xi32>], vector<16xf32>,
      %add3A_228 = arith.addf %gather3A_221, %gather3A_227 : vector<16xf32>
      %gt3A_229 = arith.constant 0.000000e+00 : f32
      %gt3A_230 = vector.broadcast %gt3A_229 : f32 to vector<16xf32>
      %gt3A_231 = arith.cmpf ogt, %add3A_228, %gt3A_230 : vector<16xf32>
      %mul3A_232 = arith.constant 2.000000e-01 : f32
      %mul3A_233 = vector.broadcast %mul3A_232 : f32 to vector<16xf32>
      %mul3A_234 = arith.mulf %mul3A_233, %add3A_228 : vector<16xf32>
      %select_n3A_235 = arith.select %gt3A_231, %add3A_228, %mul3A_234 : vector<16xi1>, vector<16xf32>
      %neg3A_236 = arith.constant 0.000000e+00 : f32
      %neg3A_237 = vector.broadcast %neg3A_236 : f32 to vector<16xf32>
      %neg3A_238 = arith.subf %neg3A_237, %select_n3A_235 : vector<16xf32>
      %exp3A_239 = math.exp %neg3A_238 : vector<16xf32>
      %scatter3A_240 = arith.constant 0 : i32
      %scatter3A_241 = arith.constant 0 : i32
      %scatter3A_242 = arith.constant 0 : i32
      %scatter3A_243 = tpu.memref_slice %arg8[%scatter3A_240, %scatter3A_241, %scatter3A_242] : memref<3x80x144xf32, #tpu.memory_space<vmem>> -> memref<1x80x144xf32, #tpu.memory_space<vmem>>
      %scatter3A_244 = tpu.memref_squeeze %scatter3A_243 : memref<1x80x144xf32, #tpu.memory_space<vmem>> -> memref<80x144xf32, #tpu.memory_space<vmem>>
      tpu.vector_store_idx %scatter3A_244[%add3A_215, %broadcast_in_dim3A_4], %exp3A_239 : memref<80x144xf32, #tpu.memory_space<vmem>>[vector<16xi32>, vector<16xi32>], vector<16xf32>,
      %add3A_245 = arith.constant 48 : i32
      %add3A_246 = vector.broadcast %add3A_245 : i32 to vector<16xi32>
      %add3A_247 = arith.addi %iota3A, %add3A_246 : vector<16xi32>
      %gather3A_248 = arith.constant 0 : i32
      %gather3A_249 = arith.constant 0 : i32
      %gather3A_250 = arith.constant 0 : i32
      %gather3A_251 = tpu.memref_slice %arg9[%gather3A_248, %gather3A_249, %gather3A_250] : memref<2x80x16xf32, #tpu.memory_space<vmem>> -> memref<1x80x16xf32, #tpu.memory_space<vmem>>
      %gather3A_252 = tpu.memref_squeeze %gather3A_251 : memref<1x80x16xf32, #tpu.memory_space<vmem>> -> memref<80x16xf32, #tpu.memory_space<vmem>>
      %gather3A_253 = tpu.vector_load_idx %gather3A_252[%add3A_247, %mul3A_3] : memref<80x16xf32, #tpu.memory_space<vmem>>[vector<16xi32>, vector<16xi32>], vector<16xf32>,
      %gather3A_254 = arith.constant 0 : i32
      %gather3A_255 = arith.constant 0 : i32
      %gather3A_256 = arith.constant 0 : i32
      %gather3A_257 = tpu.memref_slice %arg8[%gather3A_254, %gather3A_255, %gather3A_256] : memref<3x80x144xf32, #tpu.memory_space<vmem>> -> memref<1x80x144xf32, #tpu.memory_space<vmem>>
      %gather3A_258 = tpu.memref_squeeze %gather3A_257 : memref<1x80x144xf32, #tpu.memory_space<vmem>> -> memref<80x144xf32, #tpu.memory_space<vmem>>
      %gather3A_259 = tpu.vector_load_idx %gather3A_258[%add3A_247, %broadcast_in_dim3A_4] : memref<80x144xf32, #tpu.memory_space<vmem>>[vector<16xi32>, vector<16xi32>], vector<16xf32>,
      %add3A_260 = arith.addf %gather3A_253, %gather3A_259 : vector<16xf32>
      %gt3A_261 = arith.constant 0.000000e+00 : f32
      %gt3A_262 = vector.broadcast %gt3A_261 : f32 to vector<16xf32>
      %gt3A_263 = arith.cmpf ogt, %add3A_260, %gt3A_262 : vector<16xf32>
      %mul3A_264 = arith.constant 2.000000e-01 : f32
      %mul3A_265 = vector.broadcast %mul3A_264 : f32 to vector<16xf32>
      %mul3A_266 = arith.mulf %mul3A_265, %add3A_260 : vector<16xf32>
      %select_n3A_267 = arith.select %gt3A_263, %add3A_260, %mul3A_266 : vector<16xi1>, vector<16xf32>
      %neg3A_268 = arith.constant 0.000000e+00 : f32
      %neg3A_269 = vector.broadcast %neg3A_268 : f32 to vector<16xf32>
      %neg3A_270 = arith.subf %neg3A_269, %select_n3A_267 : vector<16xf32>
      %exp3A_271 = math.exp %neg3A_270 : vector<16xf32>
      %scatter3A_272 = arith.constant 0 : i32
      %scatter3A_273 = arith.constant 0 : i32
      %scatter3A_274 = arith.constant 0 : i32
      %scatter3A_275 = tpu.memref_slice %arg8[%scatter3A_272, %scatter3A_273, %scatter3A_274] : memref<3x80x144xf32, #tpu.memory_space<vmem>> -> memref<1x80x144xf32, #tpu.memory_space<vmem>>
      %scatter3A_276 = tpu.memref_squeeze %scatter3A_275 : memref<1x80x144xf32, #tpu.memory_space<vmem>> -> memref<80x144xf32, #tpu.memory_space<vmem>>
      tpu.vector_store_idx %scatter3A_276[%add3A_247, %broadcast_in_dim3A_4], %exp3A_271 : memref<80x144xf32, #tpu.memory_space<vmem>>[vector<16xi32>, vector<16xi32>], vector<16xf32>,
      %add3A_277 = arith.constant 64 : i32
      %add3A_278 = vector.broadcast %add3A_277 : i32 to vector<16xi32>
      %add3A_279 = arith.addi %iota3A, %add3A_278 : vector<16xi32>
      %gather3A_280 = arith.constant 0 : i32
      %gather3A_281 = arith.constant 0 : i32
      %gather3A_282 = arith.constant 0 : i32
      %gather3A_283 = tpu.memref_slice %arg9[%gather3A_280, %gather3A_281, %gather3A_282] : memref<2x80x16xf32, #tpu.memory_space<vmem>> -> memref<1x80x16xf32, #tpu.memory_space<vmem>>
      %gather3A_284 = tpu.memref_squeeze %gather3A_283 : memref<1x80x16xf32, #tpu.memory_space<vmem>> -> memref<80x16xf32, #tpu.memory_space<vmem>>
      %gather3A_285 = tpu.vector_load_idx %gather3A_284[%add3A_279, %mul3A_3] : memref<80x16xf32, #tpu.memory_space<vmem>>[vector<16xi32>, vector<16xi32>], vector<16xf32>,
      %gather3A_286 = arith.constant 0 : i32
      %gather3A_287 = arith.constant 0 : i32
      %gather3A_288 = arith.constant 0 : i32
      %gather3A_289 = tpu.memref_slice %arg8[%gather3A_286, %gather3A_287, %gather3A_288] : memref<3x80x144xf32, #tpu.memory_space<vmem>> -> memref<1x80x144xf32, #tpu.memory_space<vmem>>
      %gather3A_290 = tpu.memref_squeeze %gather3A_289 : memref<1x80x144xf32, #tpu.memory_space<vmem>> -> memref<80x144xf32, #tpu.memory_space<vmem>>
      %gather3A_291 = tpu.vector_load_idx %gather3A_290[%add3A_279, %broadcast_in_dim3A_4] : memref<80x144xf32, #tpu.memory_space<vmem>>[vector<16xi32>, vector<16xi32>], vector<16xf32>,
      %add3A_292 = arith.addf %gather3A_285, %gather3A_291 : vector<16xf32>
      %gt3A_293 = arith.constant 0.000000e+00 : f32
      %gt3A_294 = vector.broadcast %gt3A_293 : f32 to vector<16xf32>
      %gt3A_295 = arith.cmpf ogt, %add3A_292, %gt3A_294 : vector<16xf32>
      %mul3A_296 = arith.constant 2.000000e-01 : f32
      %mul3A_297 = vector.broadcast %mul3A_296 : f32 to vector<16xf32>
      %mul3A_298 = arith.mulf %mul3A_297, %add3A_292 : vector<16xf32>
      %select_n3A_299 = arith.select %gt3A_295, %add3A_292, %mul3A_298 : vector<16xi1>, vector<16xf32>
      %neg3A_300 = arith.constant 0.000000e+00 : f32
      %neg3A_301 = vector.broadcast %neg3A_300 : f32 to vector<16xf32>
      %neg3A_302 = arith.subf %neg3A_301, %select_n3A_299 : vector<16xf32>
      %exp3A_303 = math.exp %neg3A_302 : vector<16xf32>
      %scatter3A_304 = arith.constant 0 : i32
      %scatter3A_305 = arith.constant 0 : i32
      %scatter3A_306 = arith.constant 0 : i32
      %scatter3A_307 = tpu.memref_slice %arg8[%scatter3A_304, %scatter3A_305, %scatter3A_306] : memref<3x80x144xf32, #tpu.memory_space<vmem>> -> memref<1x80x144xf32, #tpu.memory_space<vmem>>
      %scatter3A_308 = tpu.memref_squeeze %scatter3A_307 : memref<1x80x144xf32, #tpu.memory_space<vmem>> -> memref<80x144xf32, #tpu.memory_space<vmem>>
      tpu.vector_store_idx %scatter3A_308[%add3A_279, %broadcast_in_dim3A_4], %exp3A_303 : memref<80x144xf32, #tpu.memory_space<vmem>>[vector<16xi32>, vector<16xi32>], vector<16xf32>,
      %parallel_loop3A = arith.constant 0 : i32
      %parallel_loop3A_309 = arith.constant 80 : i32
      %parallel_loop3A_310 = arith.constant 1 : i32
      %parallel_loop3A_311 = arith.constant 0 : i32
      scf.for %parallel_loop3A_1485 = %parallel_loop3A to %parallel_loop3A_309 step %parallel_loop3A_310  : i32 {
        %parallel_loop3A_1486 = vector.broadcast %parallel_loop3A_1485 : i32 to vector<16xi32>
        %parallel_loop3A_1487 = arith.constant 0 : i32
        %parallel_loop3A_1488 = arith.constant 0 : i32
        %parallel_loop3A_1489 = tpu.memref_slice %arg8[%parallel_loop3A_311, %parallel_loop3A_1487, %parallel_loop3A_1488] : memref<3x80x144xf32, #tpu.memory_space<vmem>> -> memref<1x80x144xf32, #tpu.memory_space<vmem>>
        %parallel_loop3A_1490 = tpu.memref_squeeze %parallel_loop3A_1489 : memref<1x80x144xf32, #tpu.memory_space<vmem>> -> memref<80x144xf32, #tpu.memory_space<vmem>>
        %parallel_loop3A_1491 = tpu.vector_load_idx %parallel_loop3A_1490[%parallel_loop3A_1486, %broadcast_in_dim3A_4] : memref<80x144xf32, #tpu.memory_space<vmem>>[vector<16xi32>, vector<16xi32>], vector<16xf32>,
        %parallel_loop3A_1492 = arith.constant 0 : i32
        %parallel_loop3A_1493 = arith.constant 0 : i32
        %parallel_loop3A_1494 = tpu.memref_slice %arg8[%parallel_loop3A_311, %parallel_loop3A_1492, %parallel_loop3A_1493] : memref<3x80x144xf32, #tpu.memory_space<vmem>> -> memref<1x80x144xf32, #tpu.memory_space<vmem>>
        %parallel_loop3A_1495 = tpu.memref_squeeze %parallel_loop3A_1494 : memref<1x80x144xf32, #tpu.memory_space<vmem>> -> memref<80x144xf32, #tpu.memory_space<vmem>>
        %parallel_loop3A_1496 = arith.index_cast %parallel_loop3A_1485 : i32 to index
        %parallel_loop3A_1497 = arith.constant 0 : index
        %parallel_loop3A_1498 = tpu.vector_load %parallel_loop3A_1495[%parallel_loop3A_1496, %parallel_loop3A_1497] {strides = array<i32>} : memref<80x144xf32, #tpu.memory_space<vmem>>, vector<16xf32>,
        %parallel_loop3A_1499 = arith.mulf %parallel_loop3A_1498, %parallel_loop3A_1491 : vector<16xf32>
        %parallel_loop3A_1500 = arith.constant 0 : i32
        %parallel_loop3A_1501 = arith.constant 0 : i32
        %parallel_loop3A_1502 = tpu.memref_slice %arg8[%parallel_loop3A_311, %parallel_loop3A_1500, %parallel_loop3A_1501] : memref<3x80x144xf32, #tpu.memory_space<vmem>> -> memref<1x80x144xf32, #tpu.memory_space<vmem>>
        %parallel_loop3A_1503 = tpu.memref_squeeze %parallel_loop3A_1502 : memref<1x80x144xf32, #tpu.memory_space<vmem>> -> memref<80x144xf32, #tpu.memory_space<vmem>>
        %parallel_loop3A_1504 = arith.index_cast %parallel_loop3A_1485 : i32 to index
        %parallel_loop3A_1505 = arith.constant 0 : index
        %parallel_loop3A_1506 = tpu.vector_load %parallel_loop3A_1503[%parallel_loop3A_1504, %parallel_loop3A_1505] {strides = array<i32>} : memref<80x144xf32, #tpu.memory_space<vmem>>, vector<16xf32>,
        tpu.vector_store %parallel_loop3A_1503[%parallel_loop3A_1504, %parallel_loop3A_1505], %parallel_loop3A_1499 {strides = array<i32>} : memref<80x144xf32, #tpu.memory_space<vmem>>, vector<16xf32>,
        %parallel_loop3A_1507 = arith.constant 0 : i32
        %parallel_loop3A_1508 = arith.constant 0 : i32
        %parallel_loop3A_1509 = tpu.memref_slice %arg8[%parallel_loop3A_311, %parallel_loop3A_1507, %parallel_loop3A_1508] : memref<3x80x144xf32, #tpu.memory_space<vmem>> -> memref<1x80x144xf32, #tpu.memory_space<vmem>>
        %parallel_loop3A_1510 = tpu.memref_squeeze %parallel_loop3A_1509 : memref<1x80x144xf32, #tpu.memory_space<vmem>> -> memref<80x144xf32, #tpu.memory_space<vmem>>
        %parallel_loop3A_1511 = arith.index_cast %parallel_loop3A_1485 : i32 to index
        %parallel_loop3A_1512 = arith.constant 16 : index
        %parallel_loop3A_1513 = tpu.vector_load %parallel_loop3A_1510[%parallel_loop3A_1511, %parallel_loop3A_1512] {strides = array<i32>} : memref<80x144xf32, #tpu.memory_space<vmem>>, vector<16xf32>,
        %parallel_loop3A_1514 = arith.mulf %parallel_loop3A_1513, %parallel_loop3A_1491 : vector<16xf32>
        %parallel_loop3A_1515 = arith.constant 0 : i32
        %parallel_loop3A_1516 = arith.constant 0 : i32
        %parallel_loop3A_1517 = tpu.memref_slice %arg8[%parallel_loop3A_311, %parallel_loop3A_1515, %parallel_loop3A_1516] : memref<3x80x144xf32, #tpu.memory_space<vmem>> -> memref<1x80x144xf32, #tpu.memory_space<vmem>>
        %parallel_loop3A_1518 = tpu.memref_squeeze %parallel_loop3A_1517 : memref<1x80x144xf32, #tpu.memory_space<vmem>> -> memref<80x144xf32, #tpu.memory_space<vmem>>
        %parallel_loop3A_1519 = arith.index_cast %parallel_loop3A_1485 : i32 to index
        %parallel_loop3A_1520 = arith.constant 16 : index
        %parallel_loop3A_1521 = tpu.vector_load %parallel_loop3A_1518[%parallel_loop3A_1519, %parallel_loop3A_1520] {strides = array<i32>} : memref<80x144xf32, #tpu.memory_space<vmem>>, vector<16xf32>,
        tpu.vector_store %parallel_loop3A_1518[%parallel_loop3A_1519, %parallel_loop3A_1520], %parallel_loop3A_1514 {strides = array<i32>} : memref<80x144xf32, #tpu.memory_space<vmem>>, vector<16xf32>,
        %parallel_loop3A_1522 = arith.constant 0 : i32
        %parallel_loop3A_1523 = arith.constant 0 : i32
        %parallel_loop3A_1524 = tpu.memref_slice %arg8[%parallel_loop3A_311, %parallel_loop3A_1522, %parallel_loop3A_1523] : memref<3x80x144xf32, #tpu.memory_space<vmem>> -> memref<1x80x144xf32, #tpu.memory_space<vmem>>
        %parallel_loop3A_1525 = tpu.memref_squeeze %parallel_loop3A_1524 : memref<1x80x144xf32, #tpu.memory_space<vmem>> -> memref<80x144xf32, #tpu.memory_space<vmem>>
        %parallel_loop3A_1526 = arith.index_cast %parallel_loop3A_1485 : i32 to index
        %parallel_loop3A_1527 = arith.constant 32 : index
        %parallel_loop3A_1528 = tpu.vector_load %parallel_loop3A_1525[%parallel_loop3A_1526, %parallel_loop3A_1527] {strides = array<i32>} : memref<80x144xf32, #tpu.memory_space<vmem>>, vector<16xf32>,
        %parallel_loop3A_1529 = arith.mulf %parallel_loop3A_1528, %parallel_loop3A_1491 : vector<16xf32>
        %parallel_loop3A_1530 = arith.constant 0 : i32
        %parallel_loop3A_1531 = arith.constant 0 : i32
        %parallel_loop3A_1532 = tpu.memref_slice %arg8[%parallel_loop3A_311, %parallel_loop3A_1530, %parallel_loop3A_1531] : memref<3x80x144xf32, #tpu.memory_space<vmem>> -> memref<1x80x144xf32, #tpu.memory_space<vmem>>
        %parallel_loop3A_1533 = tpu.memref_squeeze %parallel_loop3A_1532 : memref<1x80x144xf32, #tpu.memory_space<vmem>> -> memref<80x144xf32, #tpu.memory_space<vmem>>
        %parallel_loop3A_1534 = arith.index_cast %parallel_loop3A_1485 : i32 to index
        %parallel_loop3A_1535 = arith.constant 32 : index
        %parallel_loop3A_1536 = tpu.vector_load %parallel_loop3A_1533[%parallel_loop3A_1534, %parallel_loop3A_1535] {strides = array<i32>} : memref<80x144xf32, #tpu.memory_space<vmem>>, vector<16xf32>,
        tpu.vector_store %parallel_loop3A_1533[%parallel_loop3A_1534, %parallel_loop3A_1535], %parallel_loop3A_1529 {strides = array<i32>} : memref<80x144xf32, #tpu.memory_space<vmem>>, vector<16xf32>,
        %parallel_loop3A_1537 = arith.constant 0 : i32
        %parallel_loop3A_1538 = arith.constant 0 : i32
        %parallel_loop3A_1539 = tpu.memref_slice %arg8[%parallel_loop3A_311, %parallel_loop3A_1537, %parallel_loop3A_1538] : memref<3x80x144xf32, #tpu.memory_space<vmem>> -> memref<1x80x144xf32, #tpu.memory_space<vmem>>
        %parallel_loop3A_1540 = tpu.memref_squeeze %parallel_loop3A_1539 : memref<1x80x144xf32, #tpu.memory_space<vmem>> -> memref<80x144xf32, #tpu.memory_space<vmem>>
        %parallel_loop3A_1541 = arith.index_cast %parallel_loop3A_1485 : i32 to index
        %parallel_loop3A_1542 = arith.constant 48 : index
        %parallel_loop3A_1543 = tpu.vector_load %parallel_loop3A_1540[%parallel_loop3A_1541, %parallel_loop3A_1542] {strides = array<i32>} : memref<80x144xf32, #tpu.memory_space<vmem>>, vector<16xf32>,
        %parallel_loop3A_1544 = arith.mulf %parallel_loop3A_1543, %parallel_loop3A_1491 : vector<16xf32>
        %parallel_loop3A_1545 = arith.constant 0 : i32
        %parallel_loop3A_1546 = arith.constant 0 : i32
        %parallel_loop3A_1547 = tpu.memref_slice %arg8[%parallel_loop3A_311, %parallel_loop3A_1545, %parallel_loop3A_1546] : memref<3x80x144xf32, #tpu.memory_space<vmem>> -> memref<1x80x144xf32, #tpu.memory_space<vmem>>
        %parallel_loop3A_1548 = tpu.memref_squeeze %parallel_loop3A_1547 : memref<1x80x144xf32, #tpu.memory_space<vmem>> -> memref<80x144xf32, #tpu.memory_space<vmem>>
        %parallel_loop3A_1549 = arith.index_cast %parallel_loop3A_1485 : i32 to index
        %parallel_loop3A_1550 = arith.constant 48 : index
        %parallel_loop3A_1551 = tpu.vector_load %parallel_loop3A_1548[%parallel_loop3A_1549, %parallel_loop3A_1550] {strides = array<i32>} : memref<80x144xf32, #tpu.memory_space<vmem>>, vector<16xf32>,
        tpu.vector_store %parallel_loop3A_1548[%parallel_loop3A_1549, %parallel_loop3A_1550], %parallel_loop3A_1544 {strides = array<i32>} : memref<80x144xf32, #tpu.memory_space<vmem>>, vector<16xf32>,
        %parallel_loop3A_1552 = arith.constant 0 : i32
        %parallel_loop3A_1553 = arith.constant 0 : i32
        %parallel_loop3A_1554 = tpu.memref_slice %arg8[%parallel_loop3A_311, %parallel_loop3A_1552, %parallel_loop3A_1553] : memref<3x80x144xf32, #tpu.memory_space<vmem>> -> memref<1x80x144xf32, #tpu.memory_space<vmem>>
        %parallel_loop3A_1555 = tpu.memref_squeeze %parallel_loop3A_1554 : memref<1x80x144xf32, #tpu.memory_space<vmem>> -> memref<80x144xf32, #tpu.memory_space<vmem>>
        %parallel_loop3A_1556 = arith.index_cast %parallel_loop3A_1485 : i32 to index
        %parallel_loop3A_1557 = arith.constant 64 : index
        %parallel_loop3A_1558 = tpu.vector_load %parallel_loop3A_1555[%parallel_loop3A_1556, %parallel_loop3A_1557] {strides = array<i32>} : memref<80x144xf32, #tpu.memory_space<vmem>>, vector<16xf32>,
        %parallel_loop3A_1559 = arith.mulf %parallel_loop3A_1558, %parallel_loop3A_1491 : vector<16xf32>
        %parallel_loop3A_1560 = arith.constant 0 : i32
        %parallel_loop3A_1561 = arith.constant 0 : i32
        %parallel_loop3A_1562 = tpu.memref_slice %arg8[%parallel_loop3A_311, %parallel_loop3A_1560, %parallel_loop3A_1561] : memref<3x80x144xf32, #tpu.memory_space<vmem>> -> memref<1x80x144xf32, #tpu.memory_space<vmem>>
        %parallel_loop3A_1563 = tpu.memref_squeeze %parallel_loop3A_1562 : memref<1x80x144xf32, #tpu.memory_space<vmem>> -> memref<80x144xf32, #tpu.memory_space<vmem>>
        %parallel_loop3A_1564 = arith.index_cast %parallel_loop3A_1485 : i32 to index
        %parallel_loop3A_1565 = arith.constant 64 : index
        %parallel_loop3A_1566 = tpu.vector_load %parallel_loop3A_1563[%parallel_loop3A_1564, %parallel_loop3A_1565] {strides = array<i32>} : memref<80x144xf32, #tpu.memory_space<vmem>>, vector<16xf32>,
        tpu.vector_store %parallel_loop3A_1563[%parallel_loop3A_1564, %parallel_loop3A_1565], %parallel_loop3A_1559 {strides = array<i32>} : memref<80x144xf32, #tpu.memory_space<vmem>>, vector<16xf32>,
        %parallel_loop3A_1567 = arith.constant 0 : i32
        %parallel_loop3A_1568 = arith.constant 0 : i32
        %parallel_loop3A_1569 = tpu.memref_slice %arg8[%parallel_loop3A_311, %parallel_loop3A_1567, %parallel_loop3A_1568] : memref<3x80x144xf32, #tpu.memory_space<vmem>> -> memref<1x80x144xf32, #tpu.memory_space<vmem>>
        %parallel_loop3A_1570 = tpu.memref_squeeze %parallel_loop3A_1569 : memref<1x80x144xf32, #tpu.memory_space<vmem>> -> memref<80x144xf32, #tpu.memory_space<vmem>>
        %parallel_loop3A_1571 = arith.index_cast %parallel_loop3A_1485 : i32 to index
        %parallel_loop3A_1572 = arith.constant 80 : index
        %parallel_loop3A_1573 = tpu.vector_load %parallel_loop3A_1570[%parallel_loop3A_1571, %parallel_loop3A_1572] {strides = array<i32>} : memref<80x144xf32, #tpu.memory_space<vmem>>, vector<16xf32>,
        %parallel_loop3A_1574 = arith.mulf %parallel_loop3A_1573, %parallel_loop3A_1491 : vector<16xf32>
        %parallel_loop3A_1575 = arith.constant 0 : i32
        %parallel_loop3A_1576 = arith.constant 0 : i32
        %parallel_loop3A_1577 = tpu.memref_slice %arg8[%parallel_loop3A_311, %parallel_loop3A_1575, %parallel_loop3A_1576] : memref<3x80x144xf32, #tpu.memory_space<vmem>> -> memref<1x80x144xf32, #tpu.memory_space<vmem>>
        %parallel_loop3A_1578 = tpu.memref_squeeze %parallel_loop3A_1577 : memref<1x80x144xf32, #tpu.memory_space<vmem>> -> memref<80x144xf32, #tpu.memory_space<vmem>>
        %parallel_loop3A_1579 = arith.index_cast %parallel_loop3A_1485 : i32 to index
        %parallel_loop3A_1580 = arith.constant 80 : index
        %parallel_loop3A_1581 = tpu.vector_load %parallel_loop3A_1578[%parallel_loop3A_1579, %parallel_loop3A_1580] {strides = array<i32>} : memref<80x144xf32, #tpu.memory_space<vmem>>, vector<16xf32>,
        tpu.vector_store %parallel_loop3A_1578[%parallel_loop3A_1579, %parallel_loop3A_1580], %parallel_loop3A_1574 {strides = array<i32>} : memref<80x144xf32, #tpu.memory_space<vmem>>, vector<16xf32>,
        %parallel_loop3A_1582 = arith.constant 0 : i32
        %parallel_loop3A_1583 = arith.constant 0 : i32
        %parallel_loop3A_1584 = tpu.memref_slice %arg8[%parallel_loop3A_311, %parallel_loop3A_1582, %parallel_loop3A_1583] : memref<3x80x144xf32, #tpu.memory_space<vmem>> -> memref<1x80x144xf32, #tpu.memory_space<vmem>>
        %parallel_loop3A_1585 = tpu.memref_squeeze %parallel_loop3A_1584 : memref<1x80x144xf32, #tpu.memory_space<vmem>> -> memref<80x144xf32, #tpu.memory_space<vmem>>
        %parallel_loop3A_1586 = arith.index_cast %parallel_loop3A_1485 : i32 to index
        %parallel_loop3A_1587 = arith.constant 96 : index
        %parallel_loop3A_1588 = tpu.vector_load %parallel_loop3A_1585[%parallel_loop3A_1586, %parallel_loop3A_1587] {strides = array<i32>} : memref<80x144xf32, #tpu.memory_space<vmem>>, vector<16xf32>,
        %parallel_loop3A_1589 = arith.mulf %parallel_loop3A_1588, %parallel_loop3A_1491 : vector<16xf32>
        %parallel_loop3A_1590 = arith.constant 0 : i32
        %parallel_loop3A_1591 = arith.constant 0 : i32
        %parallel_loop3A_1592 = tpu.memref_slice %arg8[%parallel_loop3A_311, %parallel_loop3A_1590, %parallel_loop3A_1591] : memref<3x80x144xf32, #tpu.memory_space<vmem>> -> memref<1x80x144xf32, #tpu.memory_space<vmem>>
        %parallel_loop3A_1593 = tpu.memref_squeeze %parallel_loop3A_1592 : memref<1x80x144xf32, #tpu.memory_space<vmem>> -> memref<80x144xf32, #tpu.memory_space<vmem>>
        %parallel_loop3A_1594 = arith.index_cast %parallel_loop3A_1485 : i32 to index
        %parallel_loop3A_1595 = arith.constant 96 : index
        %parallel_loop3A_1596 = tpu.vector_load %parallel_loop3A_1593[%parallel_loop3A_1594, %parallel_loop3A_1595] {strides = array<i32>} : memref<80x144xf32, #tpu.memory_space<vmem>>, vector<16xf32>,
        tpu.vector_store %parallel_loop3A_1593[%parallel_loop3A_1594, %parallel_loop3A_1595], %parallel_loop3A_1589 {strides = array<i32>} : memref<80x144xf32, #tpu.memory_space<vmem>>, vector<16xf32>,
        %parallel_loop3A_1597 = arith.constant 0 : i32
        %parallel_loop3A_1598 = arith.constant 0 : i32
        %parallel_loop3A_1599 = tpu.memref_slice %arg8[%parallel_loop3A_311, %parallel_loop3A_1597, %parallel_loop3A_1598] : memref<3x80x144xf32, #tpu.memory_space<vmem>> -> memref<1x80x144xf32, #tpu.memory_space<vmem>>
        %parallel_loop3A_1600 = tpu.memref_squeeze %parallel_loop3A_1599 : memref<1x80x144xf32, #tpu.memory_space<vmem>> -> memref<80x144xf32, #tpu.memory_space<vmem>>
        %parallel_loop3A_1601 = arith.index_cast %parallel_loop3A_1485 : i32 to index
        %parallel_loop3A_1602 = arith.constant 112 : index
        %parallel_loop3A_1603 = tpu.vector_load %parallel_loop3A_1600[%parallel_loop3A_1601, %parallel_loop3A_1602] {strides = array<i32>} : memref<80x144xf32, #tpu.memory_space<vmem>>, vector<16xf32>,
        %parallel_loop3A_1604 = arith.mulf %parallel_loop3A_1603, %parallel_loop3A_1491 : vector<16xf32>
        %parallel_loop3A_1605 = arith.constant 0 : i32
        %parallel_loop3A_1606 = arith.constant 0 : i32
        %parallel_loop3A_1607 = tpu.memref_slice %arg8[%parallel_loop3A_311, %parallel_loop3A_1605, %parallel_loop3A_1606] : memref<3x80x144xf32, #tpu.memory_space<vmem>> -> memref<1x80x144xf32, #tpu.memory_space<vmem>>
        %parallel_loop3A_1608 = tpu.memref_squeeze %parallel_loop3A_1607 : memref<1x80x144xf32, #tpu.memory_space<vmem>> -> memref<80x144xf32, #tpu.memory_space<vmem>>
        %parallel_loop3A_1609 = arith.index_cast %parallel_loop3A_1485 : i32 to index
        %parallel_loop3A_1610 = arith.constant 112 : index
        %parallel_loop3A_1611 = tpu.vector_load %parallel_loop3A_1608[%parallel_loop3A_1609, %parallel_loop3A_1610] {strides = array<i32>} : memref<80x144xf32, #tpu.memory_space<vmem>>, vector<16xf32>,
        tpu.vector_store %parallel_loop3A_1608[%parallel_loop3A_1609, %parallel_loop3A_1610], %parallel_loop3A_1604 {strides = array<i32>} : memref<80x144xf32, #tpu.memory_space<vmem>>, vector<16xf32>,
      } {sc.loop_unroll_factor = 2 : i64, sc.parallel_access}
      %dma_start3A_312 = arith.constant 0 : i32
      %dma_start3A_313 = arith.constant 0 : i32
      %dma_start3A_314 = arith.constant 0 : i32
      %dma_start3A_315 = arith.constant 0 : i32
      %dma_start3A_316 = arith.constant 0 : i32
      %dma_start3A_317 = tpu.memref_slice %arg8[%dma_start3A_312, %dma_start3A_315, %dma_start3A_316] : memref<3x80x144xf32, #tpu.memory_space<vmem>> -> memref<1x80x144xf32, #tpu.memory_space<vmem>>
      %dma_start3A_318 = tpu.memref_squeeze %dma_start3A_317 : memref<1x80x144xf32, #tpu.memory_space<vmem>> -> memref<80x144xf32, #tpu.memory_space<vmem>>
      %dma_start3A_319 = arith.constant 0 : i32
      %dma_start3A_320 = tpu.memref_slice %arg7[%dma_start3A_313, %dma_start3A_314, %dma_start3A_319] : memref<6x2x80xi32, #tpu.memory_space<vmem>> -> memref<1x1x80xi32, #tpu.memory_space<vmem>>
      %dma_start3A_321 = tpu.memref_squeeze %dma_start3A_320 : memref<1x1x80xi32, #tpu.memory_space<vmem>> -> memref<80xi32, #tpu.memory_space<vmem>>
      %dma_start3A_322 = arith.constant 0 : i32
      %dma_start3A_323 = arith.constant 0 : i32
      %dma_start3A_324 = tpu.memref_slice %arg10[%dma_start3A_322, %dma_start3A_323] : memref<10240x144xf32, #tpu.memory_space<vmem_shared>> -> memref<10240x144xf32, #tpu.memory_space<vmem_shared>>
      tpu.enqueue_indirect_dma source(%dma_start3A_318 : memref<80x144xf32, #tpu.memory_space<vmem>>) target(%dma_start3A_324 : memref<10240x144xf32, #tpu.memory_space<vmem_shared>>) offsets(%dma_start3A_321 : memref<80xi32, #tpu.memory_space<vmem>>) semaphore(%arg16 : memref<!tpu.dma_semaphore, #tpu.memory_space<semaphore_mem>>) {add = true}
      %add3A_325 = arith.constant 1 : i32
      %add3A_326 = arith.addi %mul3A_102, %add3A_325 : i32
      %gt3A_327 = arith.constant 1 : i32
      %gt3A_328 = arith.cmpi sgt, %add3A_326, %gt3A_327 : i32
      %convert_element_type3A_329 = arith.extui %gt3A_328 : i1 to i32
      %cond3A_330 = arith.constant 0 : i32
      %cond3A_331 = arith.cmpi ne, %convert_element_type3A_329, %cond3A_330 : i32
      scf.if %cond3A_331 {
        %dma_wait3A_1485 = arith.constant 2 : i32
        %dma_wait3A_1486 = arith.constant 5 : i32
        %dma_wait3A_1487 = arith.constant 0 : i32
        %dma_wait3A_1488 = arith.constant 0 : i32
        %dma_wait3A_1489 = arith.constant 0 : i32
        %dma_wait3A_1490 = tpu.memref_slice %arg8[%dma_wait3A_1485, %dma_wait3A_1488, %dma_wait3A_1489] : memref<3x80x144xf32, #tpu.memory_space<vmem>> -> memref<1x80x144xf32, #tpu.memory_space<vmem>>
        %dma_wait3A_1491 = tpu.memref_squeeze %dma_wait3A_1490 : memref<1x80x144xf32, #tpu.memory_space<vmem>> -> memref<80x144xf32, #tpu.memory_space<vmem>>
        %dma_wait3A_1492 = arith.constant 0 : i32
        %dma_wait3A_1493 = tpu.memref_slice %arg7[%dma_wait3A_1486, %dma_wait3A_1487, %dma_wait3A_1492] : memref<6x2x80xi32, #tpu.memory_space<vmem>> -> memref<1x1x80xi32, #tpu.memory_space<vmem>>
        %dma_wait3A_1494 = tpu.memref_squeeze %dma_wait3A_1493 : memref<1x1x80xi32, #tpu.memory_space<vmem>> -> memref<80xi32, #tpu.memory_space<vmem>>
        %dma_wait3A_1495 = arith.constant 0 : i32
        %dma_wait3A_1496 = arith.constant 0 : i32
        %dma_wait3A_1497 = tpu.memref_slice %arg10[%dma_wait3A_1495, %dma_wait3A_1496] : memref<10240x144xf32, #tpu.memory_space<vmem_shared>> -> memref<10240x144xf32, #tpu.memory_space<vmem_shared>>
        tpu.wait_indirect_dma semaphore(%arg18 : memref<!tpu.dma_semaphore, #tpu.memory_space<semaphore_mem>>) src(%dma_wait3A_1491 : memref<80x144xf32, #tpu.memory_space<vmem>>) dst(%dma_wait3A_1497 : memref<10240x144xf32, #tpu.memory_space<vmem_shared>>)
      } else {
      }
      %add3A_332 = arith.constant 2 : i32
      %add3A_333 = arith.addi %add3A_326, %add3A_332 : i32
      %lt3A_334 = arith.constant 252 : i32
      %lt3A_335 = arith.cmpi slt, %add3A_333, %lt3A_334 : i32
      %convert_element_type3A_336 = arith.extui %lt3A_335 : i1 to i32
      %cond3A_337 = arith.constant 0 : i32
      %cond3A_338 = arith.cmpi ne, %convert_element_type3A_336, %cond3A_337 : i32
      scf.if %cond3A_338 {
        %add3A_1485 = arith.constant 2 : i32
        %add3A_1486 = arith.addi %add3A_326, %add3A_1485 : i32
        %dma_start3A_1487 = arith.constant 3 : i32
        %dma_start3A_1488 = arith.constant 0 : i32
        %dma_start3A_1489 = arith.constant 0 : i32
        %dma_start3A_1490 = tpu.memref_slice %arg7[%dma_start3A_1487, %dma_start3A_1488, %dma_start3A_1489] : memref<6x2x80xi32, #tpu.memory_space<vmem>> -> memref<1x2x80xi32, #tpu.memory_space<vmem>>
        %dma_start3A_1491 = tpu.memref_squeeze %dma_start3A_1490 : memref<1x2x80xi32, #tpu.memory_space<vmem>> -> memref<2x80xi32, #tpu.memory_space<vmem>>
        %dma_start3A_1492 = arith.constant 0 : i32
        %dma_start3A_1493 = arith.constant 0 : i32
        %dma_start3A_1494 = arith.constant 0 : i32
        %dma_start3A_1495 = tpu.memref_slice %arg4[%arg0, %arg1, %dma_start3A_1492, %dma_start3A_1493, %dma_start3A_1494] : memref<2x16x252x2x80xi32, #tpu.memory_space<hbm>> -> memref<1x1x252x2x80xi32, #tpu.memory_space<hbm>>
        %dma_start3A_1496 = tpu.memref_squeeze %dma_start3A_1495 : memref<1x1x252x2x80xi32, #tpu.memory_space<hbm>> -> memref<252x2x80xi32, #tpu.memory_space<hbm>>
        %dma_start3A_1497 = arith.constant 0 : i32
        %dma_start3A_1498 = arith.constant 0 : i32
        %dma_start3A_1499 = tpu.memref_slice %dma_start3A_1496[%add3A_1486, %dma_start3A_1497, %dma_start3A_1498] : memref<252x2x80xi32, #tpu.memory_space<hbm>> -> memref<1x2x80xi32, #tpu.memory_space<hbm>>
        %dma_start3A_1500 = tpu.memref_squeeze %dma_start3A_1499 : memref<1x2x80xi32, #tpu.memory_space<hbm>> -> memref<2x80xi32, #tpu.memory_space<hbm>>
        %dma_start3A_1501 = arith.constant 0 : i32
        %dma_start3A_1502 = arith.constant 0 : i32
        %dma_start3A_1503 = tpu.memref_slice %arg7[%dma_start3A_1487, %dma_start3A_1501, %dma_start3A_1502] : memref<6x2x80xi32, #tpu.memory_space<vmem>> -> memref<1x2x80xi32, #tpu.memory_space<vmem>>
        %dma_start3A_1504 = tpu.memref_squeeze %dma_start3A_1503 : memref<1x2x80xi32, #tpu.memory_space<vmem>> -> memref<2x80xi32, #tpu.memory_space<vmem>>
        %dma_start3A_1505 = arith.constant 0 : i32
        %dma_start3A_1506 = arith.constant 0 : i32
        %dma_start3A_1507 = arith.constant 0 : i32
        %dma_start3A_1508 = tpu.memref_slice %arg4[%arg0, %arg1, %dma_start3A_1505, %dma_start3A_1506, %dma_start3A_1507] : memref<2x16x252x2x80xi32, #tpu.memory_space<hbm>> -> memref<1x1x252x2x80xi32, #tpu.memory_space<hbm>>
        %dma_start3A_1509 = tpu.memref_squeeze %dma_start3A_1508 : memref<1x1x252x2x80xi32, #tpu.memory_space<hbm>> -> memref<252x2x80xi32, #tpu.memory_space<hbm>>
        %dma_start3A_1510 = arith.constant 0 : i32
        %dma_start3A_1511 = arith.constant 0 : i32
        %dma_start3A_1512 = tpu.memref_slice %dma_start3A_1509[%add3A_1486, %dma_start3A_1510, %dma_start3A_1511] : memref<252x2x80xi32, #tpu.memory_space<hbm>> -> memref<1x2x80xi32, #tpu.memory_space<hbm>>
        %dma_start3A_1513 = tpu.memref_squeeze %dma_start3A_1512 : memref<1x2x80xi32, #tpu.memory_space<hbm>> -> memref<2x80xi32, #tpu.memory_space<hbm>>
        tpu.enqueue_dma source(%dma_start3A_1513 : memref<2x80xi32, #tpu.memory_space<hbm>>) target(%dma_start3A_1504 : memref<2x80xi32, #tpu.memory_space<vmem>>) target_semaphore(%arg15 : memref<!tpu.dma_semaphore, #tpu.memory_space<semaphore_mem>>)
      } else {
      }
      %add3A_339 = arith.constant 1 : i32
      %add3A_340 = arith.addi %add3A_326, %add3A_339 : i32
      %lt3A_341 = arith.constant 252 : i32
      %lt3A_342 = arith.cmpi slt, %add3A_340, %lt3A_341 : i32
      %convert_element_type3A_343 = arith.extui %lt3A_342 : i1 to i32
      %cond3A_344 = arith.constant 0 : i32
      %cond3A_345 = arith.cmpi ne, %convert_element_type3A_343, %cond3A_344 : i32
      scf.if %cond3A_345 {
        %add3A_1485 = arith.constant 1 : i32
        %add3A_1486 = arith.addi %add3A_326, %add3A_1485 : i32
        %dma_wait3A_1487 = arith.constant 2 : i32
        %dma_wait3A_1488 = arith.constant 0 : i32
        %dma_wait3A_1489 = arith.constant 0 : i32
        %dma_wait3A_1490 = tpu.memref_slice %arg7[%dma_wait3A_1487, %dma_wait3A_1488, %dma_wait3A_1489] : memref<6x2x80xi32, #tpu.memory_space<vmem>> -> memref<1x2x80xi32, #tpu.memory_space<vmem>>
        %dma_wait3A_1491 = tpu.memref_squeeze %dma_wait3A_1490 : memref<1x2x80xi32, #tpu.memory_space<vmem>> -> memref<2x80xi32, #tpu.memory_space<vmem>>
        %dma_wait3A_1492 = arith.constant 0 : i32
        %dma_wait3A_1493 = arith.constant 0 : i32
        %dma_wait3A_1494 = arith.constant 0 : i32
        %dma_wait3A_1495 = tpu.memref_slice %arg4[%arg0, %arg1, %dma_wait3A_1492, %dma_wait3A_1493, %dma_wait3A_1494] : memref<2x16x252x2x80xi32, #tpu.memory_space<hbm>> -> memref<1x1x252x2x80xi32, #tpu.memory_space<hbm>>
        %dma_wait3A_1496 = tpu.memref_squeeze %dma_wait3A_1495 : memref<1x1x252x2x80xi32, #tpu.memory_space<hbm>> -> memref<252x2x80xi32, #tpu.memory_space<hbm>>
        %dma_wait3A_1497 = arith.constant 0 : i32
        %dma_wait3A_1498 = arith.constant 0 : i32
        %dma_wait3A_1499 = tpu.memref_slice %dma_wait3A_1496[%add3A_1486, %dma_wait3A_1497, %dma_wait3A_1498] : memref<252x2x80xi32, #tpu.memory_space<hbm>> -> memref<1x2x80xi32, #tpu.memory_space<hbm>>
        %dma_wait3A_1500 = tpu.memref_squeeze %dma_wait3A_1499 : memref<1x2x80xi32, #tpu.memory_space<hbm>> -> memref<2x80xi32, #tpu.memory_space<hbm>>
        %dma_wait3A_1501 = arith.constant 0 : i32
        %dma_wait3A_1502 = arith.constant 0 : i32
        %dma_wait3A_1503 = tpu.memref_slice %arg7[%dma_wait3A_1487, %dma_wait3A_1501, %dma_wait3A_1502] : memref<6x2x80xi32, #tpu.memory_space<vmem>> -> memref<1x2x80xi32, #tpu.memory_space<vmem>>
        %dma_wait3A_1504 = tpu.memref_squeeze %dma_wait3A_1503 : memref<1x2x80xi32, #tpu.memory_space<vmem>> -> memref<2x80xi32, #tpu.memory_space<vmem>>
        %dma_wait3A_1505 = arith.constant 0 : i32
        %dma_wait3A_1506 = arith.constant 0 : i32
        %dma_wait3A_1507 = arith.constant 0 : i32
        %dma_wait3A_1508 = tpu.memref_slice %arg4[%arg0, %arg1, %dma_wait3A_1505, %dma_wait3A_1506, %dma_wait3A_1507] : memref<2x16x252x2x80xi32, #tpu.memory_space<hbm>> -> memref<1x1x252x2x80xi32, #tpu.memory_space<hbm>>
        %dma_wait3A_1509 = tpu.memref_squeeze %dma_wait3A_1508 : memref<1x1x252x2x80xi32, #tpu.memory_space<hbm>> -> memref<252x2x80xi32, #tpu.memory_space<hbm>>
        %dma_wait3A_1510 = arith.constant 0 : i32
        %dma_wait3A_1511 = arith.constant 0 : i32
        %dma_wait3A_1512 = tpu.memref_slice %dma_wait3A_1509[%add3A_1486, %dma_wait3A_1510, %dma_wait3A_1511] : memref<252x2x80xi32, #tpu.memory_space<hbm>> -> memref<1x2x80xi32, #tpu.memory_space<hbm>>
        %dma_wait3A_1513 = tpu.memref_squeeze %dma_wait3A_1512 : memref<1x2x80xi32, #tpu.memory_space<hbm>> -> memref<2x80xi32, #tpu.memory_space<hbm>>
        tpu.wait_dma2 semaphore(%arg14 : memref<!tpu.dma_semaphore, #tpu.memory_space<semaphore_mem>>) src(%dma_wait3A_1513 : memref<2x80xi32, #tpu.memory_space<hbm>>) dst(%dma_wait3A_1504 : memref<2x80xi32, #tpu.memory_space<vmem>>)
        %dma_start3A_1514 = arith.constant 2 : i32
        %dma_start3A_1515 = arith.constant 1 : i32
        %dma_start3A_1516 = arith.constant 2 : i32
        %dma_start3A_1517 = arith.constant 0 : i32
        %dma_start3A_1518 = arith.constant 0 : i32
        %dma_start3A_1519 = tpu.memref_slice %arg8[%dma_start3A_1516, %dma_start3A_1517, %dma_start3A_1518] : memref<3x80x144xf32, #tpu.memory_space<vmem>> -> memref<1x80x144xf32, #tpu.memory_space<vmem>>
        %dma_start3A_1520 = tpu.memref_squeeze %dma_start3A_1519 : memref<1x80x144xf32, #tpu.memory_space<vmem>> -> memref<80x144xf32, #tpu.memory_space<vmem>>
        %dma_start3A_1521 = arith.constant 0 : i32
        %dma_start3A_1522 = tpu.memref_slice %arg7[%dma_start3A_1514, %dma_start3A_1515, %dma_start3A_1521] : memref<6x2x80xi32, #tpu.memory_space<vmem>> -> memref<1x1x80xi32, #tpu.memory_space<vmem>>
        %dma_start3A_1523 = tpu.memref_squeeze %dma_start3A_1522 : memref<1x1x80xi32, #tpu.memory_space<vmem>> -> memref<80xi32, #tpu.memory_space<vmem>>
        %dma_start3A_1524 = arith.constant 0 : i32
        %dma_start3A_1525 = arith.constant 0 : i32
        %dma_start3A_1526 = tpu.memref_slice %arg2[%arg0, %dma_start3A_1524, %dma_start3A_1525] : memref<2x10240x144xf32, #tpu.memory_space<hbm>> -> memref<1x10240x144xf32, #tpu.memory_space<hbm>>
        %dma_start3A_1527 = tpu.memref_squeeze %dma_start3A_1526 : memref<1x10240x144xf32, #tpu.memory_space<hbm>> -> memref<10240x144xf32, #tpu.memory_space<hbm>>
        %dma_start3A_1528 = arith.constant 0 : i32
        %dma_start3A_1529 = arith.constant 0 : i32
        %dma_start3A_1530 = tpu.memref_slice %dma_start3A_1527[%dma_start3A_1528, %dma_start3A_1529] : memref<10240x144xf32, #tpu.memory_space<hbm>> -> memref<10240x144xf32, #tpu.memory_space<hbm>>
        tpu.enqueue_indirect_dma source(%dma_start3A_1530 : memref<10240x144xf32, #tpu.memory_space<hbm>>) target(%dma_start3A_1520 : memref<80x144xf32, #tpu.memory_space<vmem>>) offsets(%dma_start3A_1523 : memref<80xi32, #tpu.memory_space<vmem>>) semaphore(%arg13 : memref<!tpu.dma_semaphore, #tpu.memory_space<semaphore_mem>>)
        %dma_start3A_1531 = arith.constant 2 : i32
        %dma_start3A_1532 = arith.constant 0 : i32
        %dma_start3A_1533 = arith.constant 0 : i32
        %dma_start3A_1534 = arith.constant 0 : i32
        %dma_start3A_1535 = arith.constant 0 : i32
        %dma_start3A_1536 = tpu.memref_slice %arg9[%dma_start3A_1533, %dma_start3A_1534, %dma_start3A_1535] : memref<2x80x16xf32, #tpu.memory_space<vmem>> -> memref<1x80x16xf32, #tpu.memory_space<vmem>>
        %dma_start3A_1537 = tpu.memref_squeeze %dma_start3A_1536 : memref<1x80x16xf32, #tpu.memory_space<vmem>> -> memref<80x16xf32, #tpu.memory_space<vmem>>
        %dma_start3A_1538 = arith.constant 0 : i32
        %dma_start3A_1539 = tpu.memref_slice %arg7[%dma_start3A_1531, %dma_start3A_1532, %dma_start3A_1538] : memref<6x2x80xi32, #tpu.memory_space<vmem>> -> memref<1x1x80xi32, #tpu.memory_space<vmem>>
        %dma_start3A_1540 = tpu.memref_squeeze %dma_start3A_1539 : memref<1x1x80xi32, #tpu.memory_space<vmem>> -> memref<80xi32, #tpu.memory_space<vmem>>
        %dma_start3A_1541 = arith.constant 0 : i32
        %dma_start3A_1542 = arith.constant 0 : i32
        %dma_start3A_1543 = tpu.memref_slice %arg3[%arg0, %dma_start3A_1541, %dma_start3A_1542] : memref<2x10240x16xf32, #tpu.memory_space<hbm>> -> memref<1x10240x16xf32, #tpu.memory_space<hbm>>
        %dma_start3A_1544 = tpu.memref_squeeze %dma_start3A_1543 : memref<1x10240x16xf32, #tpu.memory_space<hbm>> -> memref<10240x16xf32, #tpu.memory_space<hbm>>
        %dma_start3A_1545 = arith.constant 0 : i32
        %dma_start3A_1546 = arith.constant 0 : i32
        %dma_start3A_1547 = tpu.memref_slice %dma_start3A_1544[%dma_start3A_1545, %dma_start3A_1546] : memref<10240x16xf32, #tpu.memory_space<hbm>> -> memref<10240x16xf32, #tpu.memory_space<hbm>>
        tpu.enqueue_indirect_dma source(%dma_start3A_1547 : memref<10240x16xf32, #tpu.memory_space<hbm>>) target(%dma_start3A_1537 : memref<80x16xf32, #tpu.memory_space<vmem>>) offsets(%dma_start3A_1540 : memref<80xi32, #tpu.memory_space<vmem>>) semaphore(%arg13 : memref<!tpu.dma_semaphore, #tpu.memory_space<semaphore_mem>>)
      } else {
      }
      %dma_wait3A_346 = arith.constant 1 : i32
      %dma_wait3A_347 = arith.constant 1 : i32
      %dma_wait3A_348 = arith.constant 1 : i32
      %dma_wait3A_349 = arith.constant 0 : i32
      %dma_wait3A_350 = arith.constant 0 : i32
      %dma_wait3A_351 = tpu.memref_slice %arg8[%dma_wait3A_348, %dma_wait3A_349, %dma_wait3A_350] : memref<3x80x144xf32, #tpu.memory_space<vmem>> -> memref<1x80x144xf32, #tpu.memory_space<vmem>>
      %dma_wait3A_352 = tpu.memref_squeeze %dma_wait3A_351 : memref<1x80x144xf32, #tpu.memory_space<vmem>> -> memref<80x144xf32, #tpu.memory_space<vmem>>
      %dma_wait3A_353 = arith.constant 0 : i32
      %dma_wait3A_354 = tpu.memref_slice %arg7[%dma_wait3A_346, %dma_wait3A_347, %dma_wait3A_353] : memref<6x2x80xi32, #tpu.memory_space<vmem>> -> memref<1x1x80xi32, #tpu.memory_space<vmem>>
      %dma_wait3A_355 = tpu.memref_squeeze %dma_wait3A_354 : memref<1x1x80xi32, #tpu.memory_space<vmem>> -> memref<80xi32, #tpu.memory_space<vmem>>
      %dma_wait3A_356 = arith.constant 0 : i32
      %dma_wait3A_357 = arith.constant 0 : i32
      %dma_wait3A_358 = tpu.memref_slice %arg2[%arg0, %dma_wait3A_356, %dma_wait3A_357] : memref<2x10240x144xf32, #tpu.memory_space<hbm>> -> memref<1x10240x144xf32, #tpu.memory_space<hbm>>
      %dma_wait3A_359 = tpu.memref_squeeze %dma_wait3A_358 : memref<1x10240x144xf32, #tpu.memory_space<hbm>> -> memref<10240x144xf32, #tpu.memory_space<hbm>>
      %dma_wait3A_360 = arith.constant 0 : i32
      %dma_wait3A_361 = arith.constant 0 : i32
      %dma_wait3A_362 = tpu.memref_slice %dma_wait3A_359[%dma_wait3A_360, %dma_wait3A_361] : memref<10240x144xf32, #tpu.memory_space<hbm>> -> memref<10240x144xf32, #tpu.memory_space<hbm>>
      tpu.wait_indirect_dma semaphore(%arg12 : memref<!tpu.dma_semaphore, #tpu.memory_space<semaphore_mem>>) src(%dma_wait3A_362 : memref<10240x144xf32, #tpu.memory_space<hbm>>) dst(%dma_wait3A_352 : memref<80x144xf32, #tpu.memory_space<vmem>>)
      %dma_wait3A_363 = arith.constant 1 : i32
      %dma_wait3A_364 = arith.constant 0 : i32
      %dma_wait3A_365 = arith.constant 1 : i32
      %dma_wait3A_366 = arith.constant 0 : i32
      %dma_wait3A_367 = arith.constant 0 : i32
      %dma_wait3A_368 = tpu.memref_slice %arg9[%dma_wait3A_365, %dma_wait3A_366, %dma_wait3A_367] : memref<2x80x16xf32, #tpu.memory_space<vmem>> -> memref<1x80x16xf32, #tpu.memory_space<vmem>>
      %dma_wait3A_369 = tpu.memref_squeeze %dma_wait3A_368 : memref<1x80x16xf32, #tpu.memory_space<vmem>> -> memref<80x16xf32, #tpu.memory_space<vmem>>
      %dma_wait3A_370 = arith.constant 0 : i32
      %dma_wait3A_371 = tpu.memref_slice %arg7[%dma_wait3A_363, %dma_wait3A_364, %dma_wait3A_370] : memref<6x2x80xi32, #tpu.memory_space<vmem>> -> memref<1x1x80xi32, #tpu.memory_space<vmem>>
      %dma_wait3A_372 = tpu.memref_squeeze %dma_wait3A_371 : memref<1x1x80xi32, #tpu.memory_space<vmem>> -> memref<80xi32, #tpu.memory_space<vmem>>
      %dma_wait3A_373 = arith.constant 0 : i32
      %dma_wait3A_374 = arith.constant 0 : i32
      %dma_wait3A_375 = tpu.memref_slice %arg3[%arg0, %dma_wait3A_373, %dma_wait3A_374] : memref<2x10240x16xf32, #tpu.memory_space<hbm>> -> memref<1x10240x16xf32, #tpu.memory_space<hbm>>
      %dma_wait3A_376 = tpu.memref_squeeze %dma_wait3A_375 : memref<1x10240x16xf32, #tpu.memory_space<hbm>> -> memref<10240x16xf32, #tpu.memory_space<hbm>>
      %dma_wait3A_377 = arith.constant 0 : i32
      %dma_wait3A_378 = arith.constant 0 : i32
      %dma_wait3A_379 = tpu.memref_slice %dma_wait3A_376[%dma_wait3A_377, %dma_wait3A_378] : memref<10240x16xf32, #tpu.memory_space<hbm>> -> memref<10240x16xf32, #tpu.memory_space<hbm>>
      tpu.wait_indirect_dma semaphore(%arg12 : memref<!tpu.dma_semaphore, #tpu.memory_space<semaphore_mem>>) src(%dma_wait3A_379 : memref<10240x16xf32, #tpu.memory_space<hbm>>) dst(%dma_wait3A_369 : memref<80x16xf32, #tpu.memory_space<vmem>>)
      %add3A_380 = arith.constant 0 : i32
      %add3A_381 = vector.broadcast %add3A_380 : i32 to vector<16xi32>
      %add3A_382 = arith.addi %iota3A, %add3A_381 : vector<16xi32>
      %gather3A_383 = arith.constant 1 : i32
      %gather3A_384 = arith.constant 0 : i32
      %gather3A_385 = arith.constant 0 : i32
      %gather3A_386 = tpu.memref_slice %arg9[%gather3A_383, %gather3A_384, %gather3A_385] : memref<2x80x16xf32, #tpu.memory_space<vmem>> -> memref<1x80x16xf32, #tpu.memory_space<vmem>>
      %gather3A_387 = tpu.memref_squeeze %gather3A_386 : memref<1x80x16xf32, #tpu.memory_space<vmem>> -> memref<80x16xf32, #tpu.memory_space<vmem>>
      %gather3A_388 = tpu.vector_load_idx %gather3A_387[%add3A_382, %mul3A_3] : memref<80x16xf32, #tpu.memory_space<vmem>>[vector<16xi32>, vector<16xi32>], vector<16xf32>,
      %gather3A_389 = arith.constant 1 : i32
      %gather3A_390 = arith.constant 0 : i32
      %gather3A_391 = arith.constant 0 : i32
      %gather3A_392 = tpu.memref_slice %arg8[%gather3A_389, %gather3A_390, %gather3A_391] : memref<3x80x144xf32, #tpu.memory_space<vmem>> -> memref<1x80x144xf32, #tpu.memory_space<vmem>>
      %gather3A_393 = tpu.memref_squeeze %gather3A_392 : memref<1x80x144xf32, #tpu.memory_space<vmem>> -> memref<80x144xf32, #tpu.memory_space<vmem>>
      %gather3A_394 = tpu.vector_load_idx %gather3A_393[%add3A_382, %broadcast_in_dim3A_4] : memref<80x144xf32, #tpu.memory_space<vmem>>[vector<16xi32>, vector<16xi32>], vector<16xf32>,
      %add3A_395 = arith.addf %gather3A_388, %gather3A_394 : vector<16xf32>
      %gt3A_396 = arith.constant 0.000000e+00 : f32
      %gt3A_397 = vector.broadcast %gt3A_396 : f32 to vector<16xf32>
      %gt3A_398 = arith.cmpf ogt, %add3A_395, %gt3A_397 : vector<16xf32>
      %mul3A_399 = arith.constant 2.000000e-01 : f32
      %mul3A_400 = vector.broadcast %mul3A_399 : f32 to vector<16xf32>
      %mul3A_401 = arith.mulf %mul3A_400, %add3A_395 : vector<16xf32>
      %select_n3A_402 = arith.select %gt3A_398, %add3A_395, %mul3A_401 : vector<16xi1>, vector<16xf32>
      %neg3A_403 = arith.constant 0.000000e+00 : f32
      %neg3A_404 = vector.broadcast %neg3A_403 : f32 to vector<16xf32>
      %neg3A_405 = arith.subf %neg3A_404, %select_n3A_402 : vector<16xf32>
      %exp3A_406 = math.exp %neg3A_405 : vector<16xf32>
      %scatter3A_407 = arith.constant 1 : i32
      %scatter3A_408 = arith.constant 0 : i32
      %scatter3A_409 = arith.constant 0 : i32
      %scatter3A_410 = tpu.memref_slice %arg8[%scatter3A_407, %scatter3A_408, %scatter3A_409] : memref<3x80x144xf32, #tpu.memory_space<vmem>> -> memref<1x80x144xf32, #tpu.memory_space<vmem>>
      %scatter3A_411 = tpu.memref_squeeze %scatter3A_410 : memref<1x80x144xf32, #tpu.memory_space<vmem>> -> memref<80x144xf32, #tpu.memory_space<vmem>>
      tpu.vector_store_idx %scatter3A_411[%add3A_382, %broadcast_in_dim3A_4], %exp3A_406 : memref<80x144xf32, #tpu.memory_space<vmem>>[vector<16xi32>, vector<16xi32>], vector<16xf32>,
      %add3A_412 = arith.constant 16 : i32
      %add3A_413 = vector.broadcast %add3A_412 : i32 to vector<16xi32>
      %add3A_414 = arith.addi %iota3A, %add3A_413 : vector<16xi32>
      %gather3A_415 = arith.constant 1 : i32
      %gather3A_416 = arith.constant 0 : i32
      %gather3A_417 = arith.constant 0 : i32
      %gather3A_418 = tpu.memref_slice %arg9[%gather3A_415, %gather3A_416, %gather3A_417] : memref<2x80x16xf32, #tpu.memory_space<vmem>> -> memref<1x80x16xf32, #tpu.memory_space<vmem>>
      %gather3A_419 = tpu.memref_squeeze %gather3A_418 : memref<1x80x16xf32, #tpu.memory_space<vmem>> -> memref<80x16xf32, #tpu.memory_space<vmem>>
      %gather3A_420 = tpu.vector_load_idx %gather3A_419[%add3A_414, %mul3A_3] : memref<80x16xf32, #tpu.memory_space<vmem>>[vector<16xi32>, vector<16xi32>], vector<16xf32>,
      %gather3A_421 = arith.constant 1 : i32
      %gather3A_422 = arith.constant 0 : i32
      %gather3A_423 = arith.constant 0 : i32
      %gather3A_424 = tpu.memref_slice %arg8[%gather3A_421, %gather3A_422, %gather3A_423] : memref<3x80x144xf32, #tpu.memory_space<vmem>> -> memref<1x80x144xf32, #tpu.memory_space<vmem>>
      %gather3A_425 = tpu.memref_squeeze %gather3A_424 : memref<1x80x144xf32, #tpu.memory_space<vmem>> -> memref<80x144xf32, #tpu.memory_space<vmem>>
      %gather3A_426 = tpu.vector_load_idx %gather3A_425[%add3A_414, %broadcast_in_dim3A_4] : memref<80x144xf32, #tpu.memory_space<vmem>>[vector<16xi32>, vector<16xi32>], vector<16xf32>,
      %add3A_427 = arith.addf %gather3A_420, %gather3A_426 : vector<16xf32>
      %gt3A_428 = arith.constant 0.000000e+00 : f32
      %gt3A_429 = vector.broadcast %gt3A_428 : f32 to vector<16xf32>
      %gt3A_430 = arith.cmpf ogt, %add3A_427, %gt3A_429 : vector<16xf32>
      %mul3A_431 = arith.constant 2.000000e-01 : f32
      %mul3A_432 = vector.broadcast %mul3A_431 : f32 to vector<16xf32>
      %mul3A_433 = arith.mulf %mul3A_432, %add3A_427 : vector<16xf32>
      %select_n3A_434 = arith.select %gt3A_430, %add3A_427, %mul3A_433 : vector<16xi1>, vector<16xf32>
      %neg3A_435 = arith.constant 0.000000e+00 : f32
      %neg3A_436 = vector.broadcast %neg3A_435 : f32 to vector<16xf32>
      %neg3A_437 = arith.subf %neg3A_436, %select_n3A_434 : vector<16xf32>
      %exp3A_438 = math.exp %neg3A_437 : vector<16xf32>
      %scatter3A_439 = arith.constant 1 : i32
      %scatter3A_440 = arith.constant 0 : i32
      %scatter3A_441 = arith.constant 0 : i32
      %scatter3A_442 = tpu.memref_slice %arg8[%scatter3A_439, %scatter3A_440, %scatter3A_441] : memref<3x80x144xf32, #tpu.memory_space<vmem>> -> memref<1x80x144xf32, #tpu.memory_space<vmem>>
      %scatter3A_443 = tpu.memref_squeeze %scatter3A_442 : memref<1x80x144xf32, #tpu.memory_space<vmem>> -> memref<80x144xf32, #tpu.memory_space<vmem>>
      tpu.vector_store_idx %scatter3A_443[%add3A_414, %broadcast_in_dim3A_4], %exp3A_438 : memref<80x144xf32, #tpu.memory_space<vmem>>[vector<16xi32>, vector<16xi32>], vector<16xf32>,
      %add3A_444 = arith.constant 32 : i32
      %add3A_445 = vector.broadcast %add3A_444 : i32 to vector<16xi32>
      %add3A_446 = arith.addi %iota3A, %add3A_445 : vector<16xi32>
      %gather3A_447 = arith.constant 1 : i32
      %gather3A_448 = arith.constant 0 : i32
      %gather3A_449 = arith.constant 0 : i32
      %gather3A_450 = tpu.memref_slice %arg9[%gather3A_447, %gather3A_448, %gather3A_449] : memref<2x80x16xf32, #tpu.memory_space<vmem>> -> memref<1x80x16xf32, #tpu.memory_space<vmem>>
      %gather3A_451 = tpu.memref_squeeze %gather3A_450 : memref<1x80x16xf32, #tpu.memory_space<vmem>> -> memref<80x16xf32, #tpu.memory_space<vmem>>
      %gather3A_452 = tpu.vector_load_idx %gather3A_451[%add3A_446, %mul3A_3] : memref<80x16xf32, #tpu.memory_space<vmem>>[vector<16xi32>, vector<16xi32>], vector<16xf32>,
      %gather3A_453 = arith.constant 1 : i32
      %gather3A_454 = arith.constant 0 : i32
      %gather3A_455 = arith.constant 0 : i32
      %gather3A_456 = tpu.memref_slice %arg8[%gather3A_453, %gather3A_454, %gather3A_455] : memref<3x80x144xf32, #tpu.memory_space<vmem>> -> memref<1x80x144xf32, #tpu.memory_space<vmem>>
      %gather3A_457 = tpu.memref_squeeze %gather3A_456 : memref<1x80x144xf32, #tpu.memory_space<vmem>> -> memref<80x144xf32, #tpu.memory_space<vmem>>
      %gather3A_458 = tpu.vector_load_idx %gather3A_457[%add3A_446, %broadcast_in_dim3A_4] : memref<80x144xf32, #tpu.memory_space<vmem>>[vector<16xi32>, vector<16xi32>], vector<16xf32>,
      %add3A_459 = arith.addf %gather3A_452, %gather3A_458 : vector<16xf32>
      %gt3A_460 = arith.constant 0.000000e+00 : f32
      %gt3A_461 = vector.broadcast %gt3A_460 : f32 to vector<16xf32>
      %gt3A_462 = arith.cmpf ogt, %add3A_459, %gt3A_461 : vector<16xf32>
      %mul3A_463 = arith.constant 2.000000e-01 : f32
      %mul3A_464 = vector.broadcast %mul3A_463 : f32 to vector<16xf32>
      %mul3A_465 = arith.mulf %mul3A_464, %add3A_459 : vector<16xf32>
      %select_n3A_466 = arith.select %gt3A_462, %add3A_459, %mul3A_465 : vector<16xi1>, vector<16xf32>
      %neg3A_467 = arith.constant 0.000000e+00 : f32
      %neg3A_468 = vector.broadcast %neg3A_467 : f32 to vector<16xf32>
      %neg3A_469 = arith.subf %neg3A_468, %select_n3A_466 : vector<16xf32>
      %exp3A_470 = math.exp %neg3A_469 : vector<16xf32>
      %scatter3A_471 = arith.constant 1 : i32
      %scatter3A_472 = arith.constant 0 : i32
      %scatter3A_473 = arith.constant 0 : i32
      %scatter3A_474 = tpu.memref_slice %arg8[%scatter3A_471, %scatter3A_472, %scatter3A_473] : memref<3x80x144xf32, #tpu.memory_space<vmem>> -> memref<1x80x144xf32, #tpu.memory_space<vmem>>
      %scatter3A_475 = tpu.memref_squeeze %scatter3A_474 : memref<1x80x144xf32, #tpu.memory_space<vmem>> -> memref<80x144xf32, #tpu.memory_space<vmem>>
      tpu.vector_store_idx %scatter3A_475[%add3A_446, %broadcast_in_dim3A_4], %exp3A_470 : memref<80x144xf32, #tpu.memory_space<vmem>>[vector<16xi32>, vector<16xi32>], vector<16xf32>,
      %add3A_476 = arith.constant 48 : i32
      %add3A_477 = vector.broadcast %add3A_476 : i32 to vector<16xi32>
      %add3A_478 = arith.addi %iota3A, %add3A_477 : vector<16xi32>
      %gather3A_479 = arith.constant 1 : i32
      %gather3A_480 = arith.constant 0 : i32
      %gather3A_481 = arith.constant 0 : i32
      %gather3A_482 = tpu.memref_slice %arg9[%gather3A_479, %gather3A_480, %gather3A_481] : memref<2x80x16xf32, #tpu.memory_space<vmem>> -> memref<1x80x16xf32, #tpu.memory_space<vmem>>
      %gather3A_483 = tpu.memref_squeeze %gather3A_482 : memref<1x80x16xf32, #tpu.memory_space<vmem>> -> memref<80x16xf32, #tpu.memory_space<vmem>>
      %gather3A_484 = tpu.vector_load_idx %gather3A_483[%add3A_478, %mul3A_3] : memref<80x16xf32, #tpu.memory_space<vmem>>[vector<16xi32>, vector<16xi32>], vector<16xf32>,
      %gather3A_485 = arith.constant 1 : i32
      %gather3A_486 = arith.constant 0 : i32
      %gather3A_487 = arith.constant 0 : i32
      %gather3A_488 = tpu.memref_slice %arg8[%gather3A_485, %gather3A_486, %gather3A_487] : memref<3x80x144xf32, #tpu.memory_space<vmem>> -> memref<1x80x144xf32, #tpu.memory_space<vmem>>
      %gather3A_489 = tpu.memref_squeeze %gather3A_488 : memref<1x80x144xf32, #tpu.memory_space<vmem>> -> memref<80x144xf32, #tpu.memory_space<vmem>>
      %gather3A_490 = tpu.vector_load_idx %gather3A_489[%add3A_478, %broadcast_in_dim3A_4] : memref<80x144xf32, #tpu.memory_space<vmem>>[vector<16xi32>, vector<16xi32>], vector<16xf32>,
      %add3A_491 = arith.addf %gather3A_484, %gather3A_490 : vector<16xf32>
      %gt3A_492 = arith.constant 0.000000e+00 : f32
      %gt3A_493 = vector.broadcast %gt3A_492 : f32 to vector<16xf32>
      %gt3A_494 = arith.cmpf ogt, %add3A_491, %gt3A_493 : vector<16xf32>
      %mul3A_495 = arith.constant 2.000000e-01 : f32
      %mul3A_496 = vector.broadcast %mul3A_495 : f32 to vector<16xf32>
      %mul3A_497 = arith.mulf %mul3A_496, %add3A_491 : vector<16xf32>
      %select_n3A_498 = arith.select %gt3A_494, %add3A_491, %mul3A_497 : vector<16xi1>, vector<16xf32>
      %neg3A_499 = arith.constant 0.000000e+00 : f32
      %neg3A_500 = vector.broadcast %neg3A_499 : f32 to vector<16xf32>
      %neg3A_501 = arith.subf %neg3A_500, %select_n3A_498 : vector<16xf32>
      %exp3A_502 = math.exp %neg3A_501 : vector<16xf32>
      %scatter3A_503 = arith.constant 1 : i32
      %scatter3A_504 = arith.constant 0 : i32
      %scatter3A_505 = arith.constant 0 : i32
      %scatter3A_506 = tpu.memref_slice %arg8[%scatter3A_503, %scatter3A_504, %scatter3A_505] : memref<3x80x144xf32, #tpu.memory_space<vmem>> -> memref<1x80x144xf32, #tpu.memory_space<vmem>>
      %scatter3A_507 = tpu.memref_squeeze %scatter3A_506 : memref<1x80x144xf32, #tpu.memory_space<vmem>> -> memref<80x144xf32, #tpu.memory_space<vmem>>
      tpu.vector_store_idx %scatter3A_507[%add3A_478, %broadcast_in_dim3A_4], %exp3A_502 : memref<80x144xf32, #tpu.memory_space<vmem>>[vector<16xi32>, vector<16xi32>], vector<16xf32>,
      %add3A_508 = arith.constant 64 : i32
      %add3A_509 = vector.broadcast %add3A_508 : i32 to vector<16xi32>
      %add3A_510 = arith.addi %iota3A, %add3A_509 : vector<16xi32>
      %gather3A_511 = arith.constant 1 : i32
      %gather3A_512 = arith.constant 0 : i32
      %gather3A_513 = arith.constant 0 : i32
      %gather3A_514 = tpu.memref_slice %arg9[%gather3A_511, %gather3A_512, %gather3A_513] : memref<2x80x16xf32, #tpu.memory_space<vmem>> -> memref<1x80x16xf32, #tpu.memory_space<vmem>>
      %gather3A_515 = tpu.memref_squeeze %gather3A_514 : memref<1x80x16xf32, #tpu.memory_space<vmem>> -> memref<80x16xf32, #tpu.memory_space<vmem>>
      %gather3A_516 = tpu.vector_load_idx %gather3A_515[%add3A_510, %mul3A_3] : memref<80x16xf32, #tpu.memory_space<vmem>>[vector<16xi32>, vector<16xi32>], vector<16xf32>,
      %gather3A_517 = arith.constant 1 : i32
      %gather3A_518 = arith.constant 0 : i32
      %gather3A_519 = arith.constant 0 : i32
      %gather3A_520 = tpu.memref_slice %arg8[%gather3A_517, %gather3A_518, %gather3A_519] : memref<3x80x144xf32, #tpu.memory_space<vmem>> -> memref<1x80x144xf32, #tpu.memory_space<vmem>>
      %gather3A_521 = tpu.memref_squeeze %gather3A_520 : memref<1x80x144xf32, #tpu.memory_space<vmem>> -> memref<80x144xf32, #tpu.memory_space<vmem>>
      %gather3A_522 = tpu.vector_load_idx %gather3A_521[%add3A_510, %broadcast_in_dim3A_4] : memref<80x144xf32, #tpu.memory_space<vmem>>[vector<16xi32>, vector<16xi32>], vector<16xf32>,
      %add3A_523 = arith.addf %gather3A_516, %gather3A_522 : vector<16xf32>
      %gt3A_524 = arith.constant 0.000000e+00 : f32
      %gt3A_525 = vector.broadcast %gt3A_524 : f32 to vector<16xf32>
      %gt3A_526 = arith.cmpf ogt, %add3A_523, %gt3A_525 : vector<16xf32>
      %mul3A_527 = arith.constant 2.000000e-01 : f32
      %mul3A_528 = vector.broadcast %mul3A_527 : f32 to vector<16xf32>
      %mul3A_529 = arith.mulf %mul3A_528, %add3A_523 : vector<16xf32>
      %select_n3A_530 = arith.select %gt3A_526, %add3A_523, %mul3A_529 : vector<16xi1>, vector<16xf32>
      %neg3A_531 = arith.constant 0.000000e+00 : f32
      %neg3A_532 = vector.broadcast %neg3A_531 : f32 to vector<16xf32>
      %neg3A_533 = arith.subf %neg3A_532, %select_n3A_530 : vector<16xf32>
      %exp3A_534 = math.exp %neg3A_533 : vector<16xf32>
      %scatter3A_535 = arith.constant 1 : i32
      %scatter3A_536 = arith.constant 0 : i32
      %scatter3A_537 = arith.constant 0 : i32
      %scatter3A_538 = tpu.memref_slice %arg8[%scatter3A_535, %scatter3A_536, %scatter3A_537] : memref<3x80x144xf32, #tpu.memory_space<vmem>> -> memref<1x80x144xf32, #tpu.memory_space<vmem>>
      %scatter3A_539 = tpu.memref_squeeze %scatter3A_538 : memref<1x80x144xf32, #tpu.memory_space<vmem>> -> memref<80x144xf32, #tpu.memory_space<vmem>>
      tpu.vector_store_idx %scatter3A_539[%add3A_510, %broadcast_in_dim3A_4], %exp3A_534 : memref<80x144xf32, #tpu.memory_space<vmem>>[vector<16xi32>, vector<16xi32>], vector<16xf32>,
      %parallel_loop3A_540 = arith.constant 0 : i32
      %parallel_loop3A_541 = arith.constant 80 : i32
      %parallel_loop3A_542 = arith.constant 1 : i32
      %parallel_loop3A_543 = arith.constant 1 : i32
      scf.for %parallel_loop3A_1485 = %parallel_loop3A_540 to %parallel_loop3A_541 step %parallel_loop3A_542  : i32 {
        %parallel_loop3A_1486 = vector.broadcast %parallel_loop3A_1485 : i32 to vector<16xi32>
        %parallel_loop3A_1487 = arith.constant 0 : i32
        %parallel_loop3A_1488 = arith.constant 0 : i32
        %parallel_loop3A_1489 = tpu.memref_slice %arg8[%parallel_loop3A_543, %parallel_loop3A_1487, %parallel_loop3A_1488] : memref<3x80x144xf32, #tpu.memory_space<vmem>> -> memref<1x80x144xf32, #tpu.memory_space<vmem>>
        %parallel_loop3A_1490 = tpu.memref_squeeze %parallel_loop3A_1489 : memref<1x80x144xf32, #tpu.memory_space<vmem>> -> memref<80x144xf32, #tpu.memory_space<vmem>>
        %parallel_loop3A_1491 = tpu.vector_load_idx %parallel_loop3A_1490[%parallel_loop3A_1486, %broadcast_in_dim3A_4] : memref<80x144xf32, #tpu.memory_space<vmem>>[vector<16xi32>, vector<16xi32>], vector<16xf32>,
        %parallel_loop3A_1492 = arith.constant 0 : i32
        %parallel_loop3A_1493 = arith.constant 0 : i32
        %parallel_loop3A_1494 = tpu.memref_slice %arg8[%parallel_loop3A_543, %parallel_loop3A_1492, %parallel_loop3A_1493] : memref<3x80x144xf32, #tpu.memory_space<vmem>> -> memref<1x80x144xf32, #tpu.memory_space<vmem>>
        %parallel_loop3A_1495 = tpu.memref_squeeze %parallel_loop3A_1494 : memref<1x80x144xf32, #tpu.memory_space<vmem>> -> memref<80x144xf32, #tpu.memory_space<vmem>>
        %parallel_loop3A_1496 = arith.index_cast %parallel_loop3A_1485 : i32 to index
        %parallel_loop3A_1497 = arith.constant 0 : index
        %parallel_loop3A_1498 = tpu.vector_load %parallel_loop3A_1495[%parallel_loop3A_1496, %parallel_loop3A_1497] {strides = array<i32>} : memref<80x144xf32, #tpu.memory_space<vmem>>, vector<16xf32>,
        %parallel_loop3A_1499 = arith.mulf %parallel_loop3A_1498, %parallel_loop3A_1491 : vector<16xf32>
        %parallel_loop3A_1500 = arith.constant 0 : i32
        %parallel_loop3A_1501 = arith.constant 0 : i32
        %parallel_loop3A_1502 = tpu.memref_slice %arg8[%parallel_loop3A_543, %parallel_loop3A_1500, %parallel_loop3A_1501] : memref<3x80x144xf32, #tpu.memory_space<vmem>> -> memref<1x80x144xf32, #tpu.memory_space<vmem>>
        %parallel_loop3A_1503 = tpu.memref_squeeze %parallel_loop3A_1502 : memref<1x80x144xf32, #tpu.memory_space<vmem>> -> memref<80x144xf32, #tpu.memory_space<vmem>>
        %parallel_loop3A_1504 = arith.index_cast %parallel_loop3A_1485 : i32 to index
        %parallel_loop3A_1505 = arith.constant 0 : index
        %parallel_loop3A_1506 = tpu.vector_load %parallel_loop3A_1503[%parallel_loop3A_1504, %parallel_loop3A_1505] {strides = array<i32>} : memref<80x144xf32, #tpu.memory_space<vmem>>, vector<16xf32>,
        tpu.vector_store %parallel_loop3A_1503[%parallel_loop3A_1504, %parallel_loop3A_1505], %parallel_loop3A_1499 {strides = array<i32>} : memref<80x144xf32, #tpu.memory_space<vmem>>, vector<16xf32>,
        %parallel_loop3A_1507 = arith.constant 0 : i32
        %parallel_loop3A_1508 = arith.constant 0 : i32
        %parallel_loop3A_1509 = tpu.memref_slice %arg8[%parallel_loop3A_543, %parallel_loop3A_1507, %parallel_loop3A_1508] : memref<3x80x144xf32, #tpu.memory_space<vmem>> -> memref<1x80x144xf32, #tpu.memory_space<vmem>>
        %parallel_loop3A_1510 = tpu.memref_squeeze %parallel_loop3A_1509 : memref<1x80x144xf32, #tpu.memory_space<vmem>> -> memref<80x144xf32, #tpu.memory_space<vmem>>
        %parallel_loop3A_1511 = arith.index_cast %parallel_loop3A_1485 : i32 to index
        %parallel_loop3A_1512 = arith.constant 16 : index
        %parallel_loop3A_1513 = tpu.vector_load %parallel_loop3A_1510[%parallel_loop3A_1511, %parallel_loop3A_1512] {strides = array<i32>} : memref<80x144xf32, #tpu.memory_space<vmem>>, vector<16xf32>,
        %parallel_loop3A_1514 = arith.mulf %parallel_loop3A_1513, %parallel_loop3A_1491 : vector<16xf32>
        %parallel_loop3A_1515 = arith.constant 0 : i32
        %parallel_loop3A_1516 = arith.constant 0 : i32
        %parallel_loop3A_1517 = tpu.memref_slice %arg8[%parallel_loop3A_543, %parallel_loop3A_1515, %parallel_loop3A_1516] : memref<3x80x144xf32, #tpu.memory_space<vmem>> -> memref<1x80x144xf32, #tpu.memory_space<vmem>>
        %parallel_loop3A_1518 = tpu.memref_squeeze %parallel_loop3A_1517 : memref<1x80x144xf32, #tpu.memory_space<vmem>> -> memref<80x144xf32, #tpu.memory_space<vmem>>
        %parallel_loop3A_1519 = arith.index_cast %parallel_loop3A_1485 : i32 to index
        %parallel_loop3A_1520 = arith.constant 16 : index
        %parallel_loop3A_1521 = tpu.vector_load %parallel_loop3A_1518[%parallel_loop3A_1519, %parallel_loop3A_1520] {strides = array<i32>} : memref<80x144xf32, #tpu.memory_space<vmem>>, vector<16xf32>,
        tpu.vector_store %parallel_loop3A_1518[%parallel_loop3A_1519, %parallel_loop3A_1520], %parallel_loop3A_1514 {strides = array<i32>} : memref<80x144xf32, #tpu.memory_space<vmem>>, vector<16xf32>,
        %parallel_loop3A_1522 = arith.constant 0 : i32
        %parallel_loop3A_1523 = arith.constant 0 : i32
        %parallel_loop3A_1524 = tpu.memref_slice %arg8[%parallel_loop3A_543, %parallel_loop3A_1522, %parallel_loop3A_1523] : memref<3x80x144xf32, #tpu.memory_space<vmem>> -> memref<1x80x144xf32, #tpu.memory_space<vmem>>
        %parallel_loop3A_1525 = tpu.memref_squeeze %parallel_loop3A_1524 : memref<1x80x144xf32, #tpu.memory_space<vmem>> -> memref<80x144xf32, #tpu.memory_space<vmem>>
        %parallel_loop3A_1526 = arith.index_cast %parallel_loop3A_1485 : i32 to index
        %parallel_loop3A_1527 = arith.constant 32 : index
        %parallel_loop3A_1528 = tpu.vector_load %parallel_loop3A_1525[%parallel_loop3A_1526, %parallel_loop3A_1527] {strides = array<i32>} : memref<80x144xf32, #tpu.memory_space<vmem>>, vector<16xf32>,
        %parallel_loop3A_1529 = arith.mulf %parallel_loop3A_1528, %parallel_loop3A_1491 : vector<16xf32>
        %parallel_loop3A_1530 = arith.constant 0 : i32
        %parallel_loop3A_1531 = arith.constant 0 : i32
        %parallel_loop3A_1532 = tpu.memref_slice %arg8[%parallel_loop3A_543, %parallel_loop3A_1530, %parallel_loop3A_1531] : memref<3x80x144xf32, #tpu.memory_space<vmem>> -> memref<1x80x144xf32, #tpu.memory_space<vmem>>
        %parallel_loop3A_1533 = tpu.memref_squeeze %parallel_loop3A_1532 : memref<1x80x144xf32, #tpu.memory_space<vmem>> -> memref<80x144xf32, #tpu.memory_space<vmem>>
        %parallel_loop3A_1534 = arith.index_cast %parallel_loop3A_1485 : i32 to index
        %parallel_loop3A_1535 = arith.constant 32 : index
        %parallel_loop3A_1536 = tpu.vector_load %parallel_loop3A_1533[%parallel_loop3A_1534, %parallel_loop3A_1535] {strides = array<i32>} : memref<80x144xf32, #tpu.memory_space<vmem>>, vector<16xf32>,
        tpu.vector_store %parallel_loop3A_1533[%parallel_loop3A_1534, %parallel_loop3A_1535], %parallel_loop3A_1529 {strides = array<i32>} : memref<80x144xf32, #tpu.memory_space<vmem>>, vector<16xf32>,
        %parallel_loop3A_1537 = arith.constant 0 : i32
        %parallel_loop3A_1538 = arith.constant 0 : i32
        %parallel_loop3A_1539 = tpu.memref_slice %arg8[%parallel_loop3A_543, %parallel_loop3A_1537, %parallel_loop3A_1538] : memref<3x80x144xf32, #tpu.memory_space<vmem>> -> memref<1x80x144xf32, #tpu.memory_space<vmem>>
        %parallel_loop3A_1540 = tpu.memref_squeeze %parallel_loop3A_1539 : memref<1x80x144xf32, #tpu.memory_space<vmem>> -> memref<80x144xf32, #tpu.memory_space<vmem>>
        %parallel_loop3A_1541 = arith.index_cast %parallel_loop3A_1485 : i32 to index
        %parallel_loop3A_1542 = arith.constant 48 : index
        %parallel_loop3A_1543 = tpu.vector_load %parallel_loop3A_1540[%parallel_loop3A_1541, %parallel_loop3A_1542] {strides = array<i32>} : memref<80x144xf32, #tpu.memory_space<vmem>>, vector<16xf32>,
        %parallel_loop3A_1544 = arith.mulf %parallel_loop3A_1543, %parallel_loop3A_1491 : vector<16xf32>
        %parallel_loop3A_1545 = arith.constant 0 : i32
        %parallel_loop3A_1546 = arith.constant 0 : i32
        %parallel_loop3A_1547 = tpu.memref_slice %arg8[%parallel_loop3A_543, %parallel_loop3A_1545, %parallel_loop3A_1546] : memref<3x80x144xf32, #tpu.memory_space<vmem>> -> memref<1x80x144xf32, #tpu.memory_space<vmem>>
        %parallel_loop3A_1548 = tpu.memref_squeeze %parallel_loop3A_1547 : memref<1x80x144xf32, #tpu.memory_space<vmem>> -> memref<80x144xf32, #tpu.memory_space<vmem>>
        %parallel_loop3A_1549 = arith.index_cast %parallel_loop3A_1485 : i32 to index
        %parallel_loop3A_1550 = arith.constant 48 : index
        %parallel_loop3A_1551 = tpu.vector_load %parallel_loop3A_1548[%parallel_loop3A_1549, %parallel_loop3A_1550] {strides = array<i32>} : memref<80x144xf32, #tpu.memory_space<vmem>>, vector<16xf32>,
        tpu.vector_store %parallel_loop3A_1548[%parallel_loop3A_1549, %parallel_loop3A_1550], %parallel_loop3A_1544 {strides = array<i32>} : memref<80x144xf32, #tpu.memory_space<vmem>>, vector<16xf32>,
        %parallel_loop3A_1552 = arith.constant 0 : i32
        %parallel_loop3A_1553 = arith.constant 0 : i32
        %parallel_loop3A_1554 = tpu.memref_slice %arg8[%parallel_loop3A_543, %parallel_loop3A_1552, %parallel_loop3A_1553] : memref<3x80x144xf32, #tpu.memory_space<vmem>> -> memref<1x80x144xf32, #tpu.memory_space<vmem>>
        %parallel_loop3A_1555 = tpu.memref_squeeze %parallel_loop3A_1554 : memref<1x80x144xf32, #tpu.memory_space<vmem>> -> memref<80x144xf32, #tpu.memory_space<vmem>>
        %parallel_loop3A_1556 = arith.index_cast %parallel_loop3A_1485 : i32 to index
        %parallel_loop3A_1557 = arith.constant 64 : index
        %parallel_loop3A_1558 = tpu.vector_load %parallel_loop3A_1555[%parallel_loop3A_1556, %parallel_loop3A_1557] {strides = array<i32>} : memref<80x144xf32, #tpu.memory_space<vmem>>, vector<16xf32>,
        %parallel_loop3A_1559 = arith.mulf %parallel_loop3A_1558, %parallel_loop3A_1491 : vector<16xf32>
        %parallel_loop3A_1560 = arith.constant 0 : i32
        %parallel_loop3A_1561 = arith.constant 0 : i32
        %parallel_loop3A_1562 = tpu.memref_slice %arg8[%parallel_loop3A_543, %parallel_loop3A_1560, %parallel_loop3A_1561] : memref<3x80x144xf32, #tpu.memory_space<vmem>> -> memref<1x80x144xf32, #tpu.memory_space<vmem>>
        %parallel_loop3A_1563 = tpu.memref_squeeze %parallel_loop3A_1562 : memref<1x80x144xf32, #tpu.memory_space<vmem>> -> memref<80x144xf32, #tpu.memory_space<vmem>>
        %parallel_loop3A_1564 = arith.index_cast %parallel_loop3A_1485 : i32 to index
        %parallel_loop3A_1565 = arith.constant 64 : index
        %parallel_loop3A_1566 = tpu.vector_load %parallel_loop3A_1563[%parallel_loop3A_1564, %parallel_loop3A_1565] {strides = array<i32>} : memref<80x144xf32, #tpu.memory_space<vmem>>, vector<16xf32>,
        tpu.vector_store %parallel_loop3A_1563[%parallel_loop3A_1564, %parallel_loop3A_1565], %parallel_loop3A_1559 {strides = array<i32>} : memref<80x144xf32, #tpu.memory_space<vmem>>, vector<16xf32>,
        %parallel_loop3A_1567 = arith.constant 0 : i32
        %parallel_loop3A_1568 = arith.constant 0 : i32
        %parallel_loop3A_1569 = tpu.memref_slice %arg8[%parallel_loop3A_543, %parallel_loop3A_1567, %parallel_loop3A_1568] : memref<3x80x144xf32, #tpu.memory_space<vmem>> -> memref<1x80x144xf32, #tpu.memory_space<vmem>>
        %parallel_loop3A_1570 = tpu.memref_squeeze %parallel_loop3A_1569 : memref<1x80x144xf32, #tpu.memory_space<vmem>> -> memref<80x144xf32, #tpu.memory_space<vmem>>
        %parallel_loop3A_1571 = arith.index_cast %parallel_loop3A_1485 : i32 to index
        %parallel_loop3A_1572 = arith.constant 80 : index
        %parallel_loop3A_1573 = tpu.vector_load %parallel_loop3A_1570[%parallel_loop3A_1571, %parallel_loop3A_1572] {strides = array<i32>} : memref<80x144xf32, #tpu.memory_space<vmem>>, vector<16xf32>,
        %parallel_loop3A_1574 = arith.mulf %parallel_loop3A_1573, %parallel_loop3A_1491 : vector<16xf32>
        %parallel_loop3A_1575 = arith.constant 0 : i32
        %parallel_loop3A_1576 = arith.constant 0 : i32
        %parallel_loop3A_1577 = tpu.memref_slice %arg8[%parallel_loop3A_543, %parallel_loop3A_1575, %parallel_loop3A_1576] : memref<3x80x144xf32, #tpu.memory_space<vmem>> -> memref<1x80x144xf32, #tpu.memory_space<vmem>>
        %parallel_loop3A_1578 = tpu.memref_squeeze %parallel_loop3A_1577 : memref<1x80x144xf32, #tpu.memory_space<vmem>> -> memref<80x144xf32, #tpu.memory_space<vmem>>
        %parallel_loop3A_1579 = arith.index_cast %parallel_loop3A_1485 : i32 to index
        %parallel_loop3A_1580 = arith.constant 80 : index
        %parallel_loop3A_1581 = tpu.vector_load %parallel_loop3A_1578[%parallel_loop3A_1579, %parallel_loop3A_1580] {strides = array<i32>} : memref<80x144xf32, #tpu.memory_space<vmem>>, vector<16xf32>,
        tpu.vector_store %parallel_loop3A_1578[%parallel_loop3A_1579, %parallel_loop3A_1580], %parallel_loop3A_1574 {strides = array<i32>} : memref<80x144xf32, #tpu.memory_space<vmem>>, vector<16xf32>,
        %parallel_loop3A_1582 = arith.constant 0 : i32
        %parallel_loop3A_1583 = arith.constant 0 : i32
        %parallel_loop3A_1584 = tpu.memref_slice %arg8[%parallel_loop3A_543, %parallel_loop3A_1582, %parallel_loop3A_1583] : memref<3x80x144xf32, #tpu.memory_space<vmem>> -> memref<1x80x144xf32, #tpu.memory_space<vmem>>
        %parallel_loop3A_1585 = tpu.memref_squeeze %parallel_loop3A_1584 : memref<1x80x144xf32, #tpu.memory_space<vmem>> -> memref<80x144xf32, #tpu.memory_space<vmem>>
        %parallel_loop3A_1586 = arith.index_cast %parallel_loop3A_1485 : i32 to index
        %parallel_loop3A_1587 = arith.constant 96 : index
        %parallel_loop3A_1588 = tpu.vector_load %parallel_loop3A_1585[%parallel_loop3A_1586, %parallel_loop3A_1587] {strides = array<i32>} : memref<80x144xf32, #tpu.memory_space<vmem>>, vector<16xf32>,
        %parallel_loop3A_1589 = arith.mulf %parallel_loop3A_1588, %parallel_loop3A_1491 : vector<16xf32>
        %parallel_loop3A_1590 = arith.constant 0 : i32
        %parallel_loop3A_1591 = arith.constant 0 : i32
        %parallel_loop3A_1592 = tpu.memref_slice %arg8[%parallel_loop3A_543, %parallel_loop3A_1590, %parallel_loop3A_1591] : memref<3x80x144xf32, #tpu.memory_space<vmem>> -> memref<1x80x144xf32, #tpu.memory_space<vmem>>
        %parallel_loop3A_1593 = tpu.memref_squeeze %parallel_loop3A_1592 : memref<1x80x144xf32, #tpu.memory_space<vmem>> -> memref<80x144xf32, #tpu.memory_space<vmem>>
        %parallel_loop3A_1594 = arith.index_cast %parallel_loop3A_1485 : i32 to index
        %parallel_loop3A_1595 = arith.constant 96 : index
        %parallel_loop3A_1596 = tpu.vector_load %parallel_loop3A_1593[%parallel_loop3A_1594, %parallel_loop3A_1595] {strides = array<i32>} : memref<80x144xf32, #tpu.memory_space<vmem>>, vector<16xf32>,
        tpu.vector_store %parallel_loop3A_1593[%parallel_loop3A_1594, %parallel_loop3A_1595], %parallel_loop3A_1589 {strides = array<i32>} : memref<80x144xf32, #tpu.memory_space<vmem>>, vector<16xf32>,
        %parallel_loop3A_1597 = arith.constant 0 : i32
        %parallel_loop3A_1598 = arith.constant 0 : i32
        %parallel_loop3A_1599 = tpu.memref_slice %arg8[%parallel_loop3A_543, %parallel_loop3A_1597, %parallel_loop3A_1598] : memref<3x80x144xf32, #tpu.memory_space<vmem>> -> memref<1x80x144xf32, #tpu.memory_space<vmem>>
        %parallel_loop3A_1600 = tpu.memref_squeeze %parallel_loop3A_1599 : memref<1x80x144xf32, #tpu.memory_space<vmem>> -> memref<80x144xf32, #tpu.memory_space<vmem>>
        %parallel_loop3A_1601 = arith.index_cast %parallel_loop3A_1485 : i32 to index
        %parallel_loop3A_1602 = arith.constant 112 : index
        %parallel_loop3A_1603 = tpu.vector_load %parallel_loop3A_1600[%parallel_loop3A_1601, %parallel_loop3A_1602] {strides = array<i32>} : memref<80x144xf32, #tpu.memory_space<vmem>>, vector<16xf32>,
        %parallel_loop3A_1604 = arith.mulf %parallel_loop3A_1603, %parallel_loop3A_1491 : vector<16xf32>
        %parallel_loop3A_1605 = arith.constant 0 : i32
        %parallel_loop3A_1606 = arith.constant 0 : i32
        %parallel_loop3A_1607 = tpu.memref_slice %arg8[%parallel_loop3A_543, %parallel_loop3A_1605, %parallel_loop3A_1606] : memref<3x80x144xf32, #tpu.memory_space<vmem>> -> memref<1x80x144xf32, #tpu.memory_space<vmem>>
        %parallel_loop3A_1608 = tpu.memref_squeeze %parallel_loop3A_1607 : memref<1x80x144xf32, #tpu.memory_space<vmem>> -> memref<80x144xf32, #tpu.memory_space<vmem>>
        %parallel_loop3A_1609 = arith.index_cast %parallel_loop3A_1485 : i32 to index
        %parallel_loop3A_1610 = arith.constant 112 : index
        %parallel_loop3A_1611 = tpu.vector_load %parallel_loop3A_1608[%parallel_loop3A_1609, %parallel_loop3A_1610] {strides = array<i32>} : memref<80x144xf32, #tpu.memory_space<vmem>>, vector<16xf32>,
        tpu.vector_store %parallel_loop3A_1608[%parallel_loop3A_1609, %parallel_loop3A_1610], %parallel_loop3A_1604 {strides = array<i32>} : memref<80x144xf32, #tpu.memory_space<vmem>>, vector<16xf32>,
      } {sc.loop_unroll_factor = 2 : i64, sc.parallel_access}
      %dma_start3A_544 = arith.constant 1 : i32
      %dma_start3A_545 = arith.constant 1 : i32
      %dma_start3A_546 = arith.constant 0 : i32
      %dma_start3A_547 = arith.constant 0 : i32
      %dma_start3A_548 = arith.constant 0 : i32
      %dma_start3A_549 = tpu.memref_slice %arg8[%dma_start3A_544, %dma_start3A_547, %dma_start3A_548] : memref<3x80x144xf32, #tpu.memory_space<vmem>> -> memref<1x80x144xf32, #tpu.memory_space<vmem>>
      %dma_start3A_550 = tpu.memref_squeeze %dma_start3A_549 : memref<1x80x144xf32, #tpu.memory_space<vmem>> -> memref<80x144xf32, #tpu.memory_space<vmem>>
      %dma_start3A_551 = arith.constant 0 : i32
      %dma_start3A_552 = tpu.memref_slice %arg7[%dma_start3A_545, %dma_start3A_546, %dma_start3A_551] : memref<6x2x80xi32, #tpu.memory_space<vmem>> -> memref<1x1x80xi32, #tpu.memory_space<vmem>>
      %dma_start3A_553 = tpu.memref_squeeze %dma_start3A_552 : memref<1x1x80xi32, #tpu.memory_space<vmem>> -> memref<80xi32, #tpu.memory_space<vmem>>
      %dma_start3A_554 = arith.constant 0 : i32
      %dma_start3A_555 = arith.constant 0 : i32
      %dma_start3A_556 = tpu.memref_slice %arg10[%dma_start3A_554, %dma_start3A_555] : memref<10240x144xf32, #tpu.memory_space<vmem_shared>> -> memref<10240x144xf32, #tpu.memory_space<vmem_shared>>
      tpu.enqueue_indirect_dma source(%dma_start3A_550 : memref<80x144xf32, #tpu.memory_space<vmem>>) target(%dma_start3A_556 : memref<10240x144xf32, #tpu.memory_space<vmem_shared>>) offsets(%dma_start3A_553 : memref<80xi32, #tpu.memory_space<vmem>>) semaphore(%arg17 : memref<!tpu.dma_semaphore, #tpu.memory_space<semaphore_mem>>) {add = true}
      %add3A_557 = arith.constant 2 : i32
      %add3A_558 = arith.addi %mul3A_102, %add3A_557 : i32
      %gt3A_559 = arith.constant 1 : i32
      %gt3A_560 = arith.cmpi sgt, %add3A_558, %gt3A_559 : i32
      %convert_element_type3A_561 = arith.extui %gt3A_560 : i1 to i32
      %cond3A_562 = arith.constant 0 : i32
      %cond3A_563 = arith.cmpi ne, %convert_element_type3A_561, %cond3A_562 : i32
      scf.if %cond3A_563 {
        %dma_wait3A_1485 = arith.constant 0 : i32
        %dma_wait3A_1486 = arith.constant 0 : i32
        %dma_wait3A_1487 = arith.constant 0 : i32
        %dma_wait3A_1488 = arith.constant 0 : i32
        %dma_wait3A_1489 = arith.constant 0 : i32
        %dma_wait3A_1490 = tpu.memref_slice %arg8[%dma_wait3A_1485, %dma_wait3A_1488, %dma_wait3A_1489] : memref<3x80x144xf32, #tpu.memory_space<vmem>> -> memref<1x80x144xf32, #tpu.memory_space<vmem>>
        %dma_wait3A_1491 = tpu.memref_squeeze %dma_wait3A_1490 : memref<1x80x144xf32, #tpu.memory_space<vmem>> -> memref<80x144xf32, #tpu.memory_space<vmem>>
        %dma_wait3A_1492 = arith.constant 0 : i32
        %dma_wait3A_1493 = tpu.memref_slice %arg7[%dma_wait3A_1486, %dma_wait3A_1487, %dma_wait3A_1492] : memref<6x2x80xi32, #tpu.memory_space<vmem>> -> memref<1x1x80xi32, #tpu.memory_space<vmem>>
        %dma_wait3A_1494 = tpu.memref_squeeze %dma_wait3A_1493 : memref<1x1x80xi32, #tpu.memory_space<vmem>> -> memref<80xi32, #tpu.memory_space<vmem>>
        %dma_wait3A_1495 = arith.constant 0 : i32
        %dma_wait3A_1496 = arith.constant 0 : i32
        %dma_wait3A_1497 = tpu.memref_slice %arg10[%dma_wait3A_1495, %dma_wait3A_1496] : memref<10240x144xf32, #tpu.memory_space<vmem_shared>> -> memref<10240x144xf32, #tpu.memory_space<vmem_shared>>
        tpu.wait_indirect_dma semaphore(%arg16 : memref<!tpu.dma_semaphore, #tpu.memory_space<semaphore_mem>>) src(%dma_wait3A_1491 : memref<80x144xf32, #tpu.memory_space<vmem>>) dst(%dma_wait3A_1497 : memref<10240x144xf32, #tpu.memory_space<vmem_shared>>)
      } else {
      }
      %add3A_564 = arith.constant 2 : i32
      %add3A_565 = arith.addi %add3A_558, %add3A_564 : i32
      %lt3A_566 = arith.constant 252 : i32
      %lt3A_567 = arith.cmpi slt, %add3A_565, %lt3A_566 : i32
      %convert_element_type3A_568 = arith.extui %lt3A_567 : i1 to i32
      %cond3A_569 = arith.constant 0 : i32
      %cond3A_570 = arith.cmpi ne, %convert_element_type3A_568, %cond3A_569 : i32
      scf.if %cond3A_570 {
        %add3A_1485 = arith.constant 2 : i32
        %add3A_1486 = arith.addi %add3A_558, %add3A_1485 : i32
        %dma_start3A_1487 = arith.constant 4 : i32
        %dma_start3A_1488 = arith.constant 0 : i32
        %dma_start3A_1489 = arith.constant 0 : i32
        %dma_start3A_1490 = tpu.memref_slice %arg7[%dma_start3A_1487, %dma_start3A_1488, %dma_start3A_1489] : memref<6x2x80xi32, #tpu.memory_space<vmem>> -> memref<1x2x80xi32, #tpu.memory_space<vmem>>
        %dma_start3A_1491 = tpu.memref_squeeze %dma_start3A_1490 : memref<1x2x80xi32, #tpu.memory_space<vmem>> -> memref<2x80xi32, #tpu.memory_space<vmem>>
        %dma_start3A_1492 = arith.constant 0 : i32
        %dma_start3A_1493 = arith.constant 0 : i32
        %dma_start3A_1494 = arith.constant 0 : i32
        %dma_start3A_1495 = tpu.memref_slice %arg4[%arg0, %arg1, %dma_start3A_1492, %dma_start3A_1493, %dma_start3A_1494] : memref<2x16x252x2x80xi32, #tpu.memory_space<hbm>> -> memref<1x1x252x2x80xi32, #tpu.memory_space<hbm>>
        %dma_start3A_1496 = tpu.memref_squeeze %dma_start3A_1495 : memref<1x1x252x2x80xi32, #tpu.memory_space<hbm>> -> memref<252x2x80xi32, #tpu.memory_space<hbm>>
        %dma_start3A_1497 = arith.constant 0 : i32
        %dma_start3A_1498 = arith.constant 0 : i32
        %dma_start3A_1499 = tpu.memref_slice %dma_start3A_1496[%add3A_1486, %dma_start3A_1497, %dma_start3A_1498] : memref<252x2x80xi32, #tpu.memory_space<hbm>> -> memref<1x2x80xi32, #tpu.memory_space<hbm>>
        %dma_start3A_1500 = tpu.memref_squeeze %dma_start3A_1499 : memref<1x2x80xi32, #tpu.memory_space<hbm>> -> memref<2x80xi32, #tpu.memory_space<hbm>>
        %dma_start3A_1501 = arith.constant 0 : i32
        %dma_start3A_1502 = arith.constant 0 : i32
        %dma_start3A_1503 = tpu.memref_slice %arg7[%dma_start3A_1487, %dma_start3A_1501, %dma_start3A_1502] : memref<6x2x80xi32, #tpu.memory_space<vmem>> -> memref<1x2x80xi32, #tpu.memory_space<vmem>>
        %dma_start3A_1504 = tpu.memref_squeeze %dma_start3A_1503 : memref<1x2x80xi32, #tpu.memory_space<vmem>> -> memref<2x80xi32, #tpu.memory_space<vmem>>
        %dma_start3A_1505 = arith.constant 0 : i32
        %dma_start3A_1506 = arith.constant 0 : i32
        %dma_start3A_1507 = arith.constant 0 : i32
        %dma_start3A_1508 = tpu.memref_slice %arg4[%arg0, %arg1, %dma_start3A_1505, %dma_start3A_1506, %dma_start3A_1507] : memref<2x16x252x2x80xi32, #tpu.memory_space<hbm>> -> memref<1x1x252x2x80xi32, #tpu.memory_space<hbm>>
        %dma_start3A_1509 = tpu.memref_squeeze %dma_start3A_1508 : memref<1x1x252x2x80xi32, #tpu.memory_space<hbm>> -> memref<252x2x80xi32, #tpu.memory_space<hbm>>
        %dma_start3A_1510 = arith.constant 0 : i32
        %dma_start3A_1511 = arith.constant 0 : i32
        %dma_start3A_1512 = tpu.memref_slice %dma_start3A_1509[%add3A_1486, %dma_start3A_1510, %dma_start3A_1511] : memref<252x2x80xi32, #tpu.memory_space<hbm>> -> memref<1x2x80xi32, #tpu.memory_space<hbm>>
        %dma_start3A_1513 = tpu.memref_squeeze %dma_start3A_1512 : memref<1x2x80xi32, #tpu.memory_space<hbm>> -> memref<2x80xi32, #tpu.memory_space<hbm>>
        tpu.enqueue_dma source(%dma_start3A_1513 : memref<2x80xi32, #tpu.memory_space<hbm>>) target(%dma_start3A_1504 : memref<2x80xi32, #tpu.memory_space<vmem>>) target_semaphore(%arg14 : memref<!tpu.dma_semaphore, #tpu.memory_space<semaphore_mem>>)
      } else {
      }
      %add3A_571 = arith.constant 1 : i32
      %add3A_572 = arith.addi %add3A_558, %add3A_571 : i32
      %lt3A_573 = arith.constant 252 : i32
      %lt3A_574 = arith.cmpi slt, %add3A_572, %lt3A_573 : i32
      %convert_element_type3A_575 = arith.extui %lt3A_574 : i1 to i32
      %cond3A_576 = arith.constant 0 : i32
      %cond3A_577 = arith.cmpi ne, %convert_element_type3A_575, %cond3A_576 : i32
      scf.if %cond3A_577 {
        %add3A_1485 = arith.constant 1 : i32
        %add3A_1486 = arith.addi %add3A_558, %add3A_1485 : i32
        %dma_wait3A_1487 = arith.constant 3 : i32
        %dma_wait3A_1488 = arith.constant 0 : i32
        %dma_wait3A_1489 = arith.constant 0 : i32
        %dma_wait3A_1490 = tpu.memref_slice %arg7[%dma_wait3A_1487, %dma_wait3A_1488, %dma_wait3A_1489] : memref<6x2x80xi32, #tpu.memory_space<vmem>> -> memref<1x2x80xi32, #tpu.memory_space<vmem>>
        %dma_wait3A_1491 = tpu.memref_squeeze %dma_wait3A_1490 : memref<1x2x80xi32, #tpu.memory_space<vmem>> -> memref<2x80xi32, #tpu.memory_space<vmem>>
        %dma_wait3A_1492 = arith.constant 0 : i32
        %dma_wait3A_1493 = arith.constant 0 : i32
        %dma_wait3A_1494 = arith.constant 0 : i32
        %dma_wait3A_1495 = tpu.memref_slice %arg4[%arg0, %arg1, %dma_wait3A_1492, %dma_wait3A_1493, %dma_wait3A_1494] : memref<2x16x252x2x80xi32, #tpu.memory_space<hbm>> -> memref<1x1x252x2x80xi32, #tpu.memory_space<hbm>>
        %dma_wait3A_1496 = tpu.memref_squeeze %dma_wait3A_1495 : memref<1x1x252x2x80xi32, #tpu.memory_space<hbm>> -> memref<252x2x80xi32, #tpu.memory_space<hbm>>
        %dma_wait3A_1497 = arith.constant 0 : i32
        %dma_wait3A_1498 = arith.constant 0 : i32
        %dma_wait3A_1499 = tpu.memref_slice %dma_wait3A_1496[%add3A_1486, %dma_wait3A_1497, %dma_wait3A_1498] : memref<252x2x80xi32, #tpu.memory_space<hbm>> -> memref<1x2x80xi32, #tpu.memory_space<hbm>>
        %dma_wait3A_1500 = tpu.memref_squeeze %dma_wait3A_1499 : memref<1x2x80xi32, #tpu.memory_space<hbm>> -> memref<2x80xi32, #tpu.memory_space<hbm>>
        %dma_wait3A_1501 = arith.constant 0 : i32
        %dma_wait3A_1502 = arith.constant 0 : i32
        %dma_wait3A_1503 = tpu.memref_slice %arg7[%dma_wait3A_1487, %dma_wait3A_1501, %dma_wait3A_1502] : memref<6x2x80xi32, #tpu.memory_space<vmem>> -> memref<1x2x80xi32, #tpu.memory_space<vmem>>
        %dma_wait3A_1504 = tpu.memref_squeeze %dma_wait3A_1503 : memref<1x2x80xi32, #tpu.memory_space<vmem>> -> memref<2x80xi32, #tpu.memory_space<vmem>>
        %dma_wait3A_1505 = arith.constant 0 : i32
        %dma_wait3A_1506 = arith.constant 0 : i32
        %dma_wait3A_1507 = arith.constant 0 : i32
        %dma_wait3A_1508 = tpu.memref_slice %arg4[%arg0, %arg1, %dma_wait3A_1505, %dma_wait3A_1506, %dma_wait3A_1507] : memref<2x16x252x2x80xi32, #tpu.memory_space<hbm>> -> memref<1x1x252x2x80xi32, #tpu.memory_space<hbm>>
        %dma_wait3A_1509 = tpu.memref_squeeze %dma_wait3A_1508 : memref<1x1x252x2x80xi32, #tpu.memory_space<hbm>> -> memref<252x2x80xi32, #tpu.memory_space<hbm>>
        %dma_wait3A_1510 = arith.constant 0 : i32
        %dma_wait3A_1511 = arith.constant 0 : i32
        %dma_wait3A_1512 = tpu.memref_slice %dma_wait3A_1509[%add3A_1486, %dma_wait3A_1510, %dma_wait3A_1511] : memref<252x2x80xi32, #tpu.memory_space<hbm>> -> memref<1x2x80xi32, #tpu.memory_space<hbm>>
        %dma_wait3A_1513 = tpu.memref_squeeze %dma_wait3A_1512 : memref<1x2x80xi32, #tpu.memory_space<hbm>> -> memref<2x80xi32, #tpu.memory_space<hbm>>
        tpu.wait_dma2 semaphore(%arg15 : memref<!tpu.dma_semaphore, #tpu.memory_space<semaphore_mem>>) src(%dma_wait3A_1513 : memref<2x80xi32, #tpu.memory_space<hbm>>) dst(%dma_wait3A_1504 : memref<2x80xi32, #tpu.memory_space<vmem>>)
        %dma_start3A_1514 = arith.constant 3 : i32
        %dma_start3A_1515 = arith.constant 1 : i32
        %dma_start3A_1516 = arith.constant 0 : i32
        %dma_start3A_1517 = arith.constant 0 : i32
        %dma_start3A_1518 = arith.constant 0 : i32
        %dma_start3A_1519 = tpu.memref_slice %arg8[%dma_start3A_1516, %dma_start3A_1517, %dma_start3A_1518] : memref<3x80x144xf32, #tpu.memory_space<vmem>> -> memref<1x80x144xf32, #tpu.memory_space<vmem>>
        %dma_start3A_1520 = tpu.memref_squeeze %dma_start3A_1519 : memref<1x80x144xf32, #tpu.memory_space<vmem>> -> memref<80x144xf32, #tpu.memory_space<vmem>>
        %dma_start3A_1521 = arith.constant 0 : i32
        %dma_start3A_1522 = tpu.memref_slice %arg7[%dma_start3A_1514, %dma_start3A_1515, %dma_start3A_1521] : memref<6x2x80xi32, #tpu.memory_space<vmem>> -> memref<1x1x80xi32, #tpu.memory_space<vmem>>
        %dma_start3A_1523 = tpu.memref_squeeze %dma_start3A_1522 : memref<1x1x80xi32, #tpu.memory_space<vmem>> -> memref<80xi32, #tpu.memory_space<vmem>>
        %dma_start3A_1524 = arith.constant 0 : i32
        %dma_start3A_1525 = arith.constant 0 : i32
        %dma_start3A_1526 = tpu.memref_slice %arg2[%arg0, %dma_start3A_1524, %dma_start3A_1525] : memref<2x10240x144xf32, #tpu.memory_space<hbm>> -> memref<1x10240x144xf32, #tpu.memory_space<hbm>>
        %dma_start3A_1527 = tpu.memref_squeeze %dma_start3A_1526 : memref<1x10240x144xf32, #tpu.memory_space<hbm>> -> memref<10240x144xf32, #tpu.memory_space<hbm>>
        %dma_start3A_1528 = arith.constant 0 : i32
        %dma_start3A_1529 = arith.constant 0 : i32
        %dma_start3A_1530 = tpu.memref_slice %dma_start3A_1527[%dma_start3A_1528, %dma_start3A_1529] : memref<10240x144xf32, #tpu.memory_space<hbm>> -> memref<10240x144xf32, #tpu.memory_space<hbm>>
        tpu.enqueue_indirect_dma source(%dma_start3A_1530 : memref<10240x144xf32, #tpu.memory_space<hbm>>) target(%dma_start3A_1520 : memref<80x144xf32, #tpu.memory_space<vmem>>) offsets(%dma_start3A_1523 : memref<80xi32, #tpu.memory_space<vmem>>) semaphore(%arg11 : memref<!tpu.dma_semaphore, #tpu.memory_space<semaphore_mem>>)
        %dma_start3A_1531 = arith.constant 3 : i32
        %dma_start3A_1532 = arith.constant 0 : i32
        %dma_start3A_1533 = arith.constant 1 : i32
        %dma_start3A_1534 = arith.constant 0 : i32
        %dma_start3A_1535 = arith.constant 0 : i32
        %dma_start3A_1536 = tpu.memref_slice %arg9[%dma_start3A_1533, %dma_start3A_1534, %dma_start3A_1535] : memref<2x80x16xf32, #tpu.memory_space<vmem>> -> memref<1x80x16xf32, #tpu.memory_space<vmem>>
        %dma_start3A_1537 = tpu.memref_squeeze %dma_start3A_1536 : memref<1x80x16xf32, #tpu.memory_space<vmem>> -> memref<80x16xf32, #tpu.memory_space<vmem>>
        %dma_start3A_1538 = arith.constant 0 : i32
        %dma_start3A_1539 = tpu.memref_slice %arg7[%dma_start3A_1531, %dma_start3A_1532, %dma_start3A_1538] : memref<6x2x80xi32, #tpu.memory_space<vmem>> -> memref<1x1x80xi32, #tpu.memory_space<vmem>>
        %dma_start3A_1540 = tpu.memref_squeeze %dma_start3A_1539 : memref<1x1x80xi32, #tpu.memory_space<vmem>> -> memref<80xi32, #tpu.memory_space<vmem>>
        %dma_start3A_1541 = arith.constant 0 : i32
        %dma_start3A_1542 = arith.constant 0 : i32
        %dma_start3A_1543 = tpu.memref_slice %arg3[%arg0, %dma_start3A_1541, %dma_start3A_1542] : memref<2x10240x16xf32, #tpu.memory_space<hbm>> -> memref<1x10240x16xf32, #tpu.memory_space<hbm>>
        %dma_start3A_1544 = tpu.memref_squeeze %dma_start3A_1543 : memref<1x10240x16xf32, #tpu.memory_space<hbm>> -> memref<10240x16xf32, #tpu.memory_space<hbm>>
        %dma_start3A_1545 = arith.constant 0 : i32
        %dma_start3A_1546 = arith.constant 0 : i32
        %dma_start3A_1547 = tpu.memref_slice %dma_start3A_1544[%dma_start3A_1545, %dma_start3A_1546] : memref<10240x16xf32, #tpu.memory_space<hbm>> -> memref<10240x16xf32, #tpu.memory_space<hbm>>
        tpu.enqueue_indirect_dma source(%dma_start3A_1547 : memref<10240x16xf32, #tpu.memory_space<hbm>>) target(%dma_start3A_1537 : memref<80x16xf32, #tpu.memory_space<vmem>>) offsets(%dma_start3A_1540 : memref<80xi32, #tpu.memory_space<vmem>>) semaphore(%arg11 : memref<!tpu.dma_semaphore, #tpu.memory_space<semaphore_mem>>)
      } else {
      }
      %dma_wait3A_578 = arith.constant 2 : i32
      %dma_wait3A_579 = arith.constant 1 : i32
      %dma_wait3A_580 = arith.constant 2 : i32
      %dma_wait3A_581 = arith.constant 0 : i32
      %dma_wait3A_582 = arith.constant 0 : i32
      %dma_wait3A_583 = tpu.memref_slice %arg8[%dma_wait3A_580, %dma_wait3A_581, %dma_wait3A_582] : memref<3x80x144xf32, #tpu.memory_space<vmem>> -> memref<1x80x144xf32, #tpu.memory_space<vmem>>
      %dma_wait3A_584 = tpu.memref_squeeze %dma_wait3A_583 : memref<1x80x144xf32, #tpu.memory_space<vmem>> -> memref<80x144xf32, #tpu.memory_space<vmem>>
      %dma_wait3A_585 = arith.constant 0 : i32
      %dma_wait3A_586 = tpu.memref_slice %arg7[%dma_wait3A_578, %dma_wait3A_579, %dma_wait3A_585] : memref<6x2x80xi32, #tpu.memory_space<vmem>> -> memref<1x1x80xi32, #tpu.memory_space<vmem>>
      %dma_wait3A_587 = tpu.memref_squeeze %dma_wait3A_586 : memref<1x1x80xi32, #tpu.memory_space<vmem>> -> memref<80xi32, #tpu.memory_space<vmem>>
      %dma_wait3A_588 = arith.constant 0 : i32
      %dma_wait3A_589 = arith.constant 0 : i32
      %dma_wait3A_590 = tpu.memref_slice %arg2[%arg0, %dma_wait3A_588, %dma_wait3A_589] : memref<2x10240x144xf32, #tpu.memory_space<hbm>> -> memref<1x10240x144xf32, #tpu.memory_space<hbm>>
      %dma_wait3A_591 = tpu.memref_squeeze %dma_wait3A_590 : memref<1x10240x144xf32, #tpu.memory_space<hbm>> -> memref<10240x144xf32, #tpu.memory_space<hbm>>
      %dma_wait3A_592 = arith.constant 0 : i32
      %dma_wait3A_593 = arith.constant 0 : i32
      %dma_wait3A_594 = tpu.memref_slice %dma_wait3A_591[%dma_wait3A_592, %dma_wait3A_593] : memref<10240x144xf32, #tpu.memory_space<hbm>> -> memref<10240x144xf32, #tpu.memory_space<hbm>>
      tpu.wait_indirect_dma semaphore(%arg13 : memref<!tpu.dma_semaphore, #tpu.memory_space<semaphore_mem>>) src(%dma_wait3A_594 : memref<10240x144xf32, #tpu.memory_space<hbm>>) dst(%dma_wait3A_584 : memref<80x144xf32, #tpu.memory_space<vmem>>)
      %dma_wait3A_595 = arith.constant 2 : i32
      %dma_wait3A_596 = arith.constant 0 : i32
      %dma_wait3A_597 = arith.constant 0 : i32
      %dma_wait3A_598 = arith.constant 0 : i32
      %dma_wait3A_599 = arith.constant 0 : i32
      %dma_wait3A_600 = tpu.memref_slice %arg9[%dma_wait3A_597, %dma_wait3A_598, %dma_wait3A_599] : memref<2x80x16xf32, #tpu.memory_space<vmem>> -> memref<1x80x16xf32, #tpu.memory_space<vmem>>
      %dma_wait3A_601 = tpu.memref_squeeze %dma_wait3A_600 : memref<1x80x16xf32, #tpu.memory_space<vmem>> -> memref<80x16xf32, #tpu.memory_space<vmem>>
      %dma_wait3A_602 = arith.constant 0 : i32
      %dma_wait3A_603 = tpu.memref_slice %arg7[%dma_wait3A_595, %dma_wait3A_596, %dma_wait3A_602] : memref<6x2x80xi32, #tpu.memory_space<vmem>> -> memref<1x1x80xi32, #tpu.memory_space<vmem>>
      %dma_wait3A_604 = tpu.memref_squeeze %dma_wait3A_603 : memref<1x1x80xi32, #tpu.memory_space<vmem>> -> memref<80xi32, #tpu.memory_space<vmem>>
      %dma_wait3A_605 = arith.constant 0 : i32
      %dma_wait3A_606 = arith.constant 0 : i32
      %dma_wait3A_607 = tpu.memref_slice %arg3[%arg0, %dma_wait3A_605, %dma_wait3A_606] : memref<2x10240x16xf32, #tpu.memory_space<hbm>> -> memref<1x10240x16xf32, #tpu.memory_space<hbm>>
      %dma_wait3A_608 = tpu.memref_squeeze %dma_wait3A_607 : memref<1x10240x16xf32, #tpu.memory_space<hbm>> -> memref<10240x16xf32, #tpu.memory_space<hbm>>
      %dma_wait3A_609 = arith.constant 0 : i32
      %dma_wait3A_610 = arith.constant 0 : i32
      %dma_wait3A_611 = tpu.memref_slice %dma_wait3A_608[%dma_wait3A_609, %dma_wait3A_610] : memref<10240x16xf32, #tpu.memory_space<hbm>> -> memref<10240x16xf32, #tpu.memory_space<hbm>>
      tpu.wait_indirect_dma semaphore(%arg13 : memref<!tpu.dma_semaphore, #tpu.memory_space<semaphore_mem>>) src(%dma_wait3A_611 : memref<10240x16xf32, #tpu.memory_space<hbm>>) dst(%dma_wait3A_601 : memref<80x16xf32, #tpu.memory_space<vmem>>)
      %add3A_612 = arith.constant 0 : i32
      %add3A_613 = vector.broadcast %add3A_612 : i32 to vector<16xi32>
      %add3A_614 = arith.addi %iota3A, %add3A_613 : vector<16xi32>
      %gather3A_615 = arith.constant 0 : i32
      %gather3A_616 = arith.constant 0 : i32
      %gather3A_617 = arith.constant 0 : i32
      %gather3A_618 = tpu.memref_slice %arg9[%gather3A_615, %gather3A_616, %gather3A_617] : memref<2x80x16xf32, #tpu.memory_space<vmem>> -> memref<1x80x16xf32, #tpu.memory_space<vmem>>
      %gather3A_619 = tpu.memref_squeeze %gather3A_618 : memref<1x80x16xf32, #tpu.memory_space<vmem>> -> memref<80x16xf32, #tpu.memory_space<vmem>>
      %gather3A_620 = tpu.vector_load_idx %gather3A_619[%add3A_614, %mul3A_3] : memref<80x16xf32, #tpu.memory_space<vmem>>[vector<16xi32>, vector<16xi32>], vector<16xf32>,
      %gather3A_621 = arith.constant 2 : i32
      %gather3A_622 = arith.constant 0 : i32
      %gather3A_623 = arith.constant 0 : i32
      %gather3A_624 = tpu.memref_slice %arg8[%gather3A_621, %gather3A_622, %gather3A_623] : memref<3x80x144xf32, #tpu.memory_space<vmem>> -> memref<1x80x144xf32, #tpu.memory_space<vmem>>
      %gather3A_625 = tpu.memref_squeeze %gather3A_624 : memref<1x80x144xf32, #tpu.memory_space<vmem>> -> memref<80x144xf32, #tpu.memory_space<vmem>>
      %gather3A_626 = tpu.vector_load_idx %gather3A_625[%add3A_614, %broadcast_in_dim3A_4] : memref<80x144xf32, #tpu.memory_space<vmem>>[vector<16xi32>, vector<16xi32>], vector<16xf32>,
      %add3A_627 = arith.addf %gather3A_620, %gather3A_626 : vector<16xf32>
      %gt3A_628 = arith.constant 0.000000e+00 : f32
      %gt3A_629 = vector.broadcast %gt3A_628 : f32 to vector<16xf32>
      %gt3A_630 = arith.cmpf ogt, %add3A_627, %gt3A_629 : vector<16xf32>
      %mul3A_631 = arith.constant 2.000000e-01 : f32
      %mul3A_632 = vector.broadcast %mul3A_631 : f32 to vector<16xf32>
      %mul3A_633 = arith.mulf %mul3A_632, %add3A_627 : vector<16xf32>
      %select_n3A_634 = arith.select %gt3A_630, %add3A_627, %mul3A_633 : vector<16xi1>, vector<16xf32>
      %neg3A_635 = arith.constant 0.000000e+00 : f32
      %neg3A_636 = vector.broadcast %neg3A_635 : f32 to vector<16xf32>
      %neg3A_637 = arith.subf %neg3A_636, %select_n3A_634 : vector<16xf32>
      %exp3A_638 = math.exp %neg3A_637 : vector<16xf32>
      %scatter3A_639 = arith.constant 2 : i32
      %scatter3A_640 = arith.constant 0 : i32
      %scatter3A_641 = arith.constant 0 : i32
      %scatter3A_642 = tpu.memref_slice %arg8[%scatter3A_639, %scatter3A_640, %scatter3A_641] : memref<3x80x144xf32, #tpu.memory_space<vmem>> -> memref<1x80x144xf32, #tpu.memory_space<vmem>>
      %scatter3A_643 = tpu.memref_squeeze %scatter3A_642 : memref<1x80x144xf32, #tpu.memory_space<vmem>> -> memref<80x144xf32, #tpu.memory_space<vmem>>
      tpu.vector_store_idx %scatter3A_643[%add3A_614, %broadcast_in_dim3A_4], %exp3A_638 : memref<80x144xf32, #tpu.memory_space<vmem>>[vector<16xi32>, vector<16xi32>], vector<16xf32>,
      %add3A_644 = arith.constant 16 : i32
      %add3A_645 = vector.broadcast %add3A_644 : i32 to vector<16xi32>
      %add3A_646 = arith.addi %iota3A, %add3A_645 : vector<16xi32>
      %gather3A_647 = arith.constant 0 : i32
      %gather3A_648 = arith.constant 0 : i32
      %gather3A_649 = arith.constant 0 : i32
      %gather3A_650 = tpu.memref_slice %arg9[%gather3A_647, %gather3A_648, %gather3A_649] : memref<2x80x16xf32, #tpu.memory_space<vmem>> -> memref<1x80x16xf32, #tpu.memory_space<vmem>>
      %gather3A_651 = tpu.memref_squeeze %gather3A_650 : memref<1x80x16xf32, #tpu.memory_space<vmem>> -> memref<80x16xf32, #tpu.memory_space<vmem>>
      %gather3A_652 = tpu.vector_load_idx %gather3A_651[%add3A_646, %mul3A_3] : memref<80x16xf32, #tpu.memory_space<vmem>>[vector<16xi32>, vector<16xi32>], vector<16xf32>,
      %gather3A_653 = arith.constant 2 : i32
      %gather3A_654 = arith.constant 0 : i32
      %gather3A_655 = arith.constant 0 : i32
      %gather3A_656 = tpu.memref_slice %arg8[%gather3A_653, %gather3A_654, %gather3A_655] : memref<3x80x144xf32, #tpu.memory_space<vmem>> -> memref<1x80x144xf32, #tpu.memory_space<vmem>>
      %gather3A_657 = tpu.memref_squeeze %gather3A_656 : memref<1x80x144xf32, #tpu.memory_space<vmem>> -> memref<80x144xf32, #tpu.memory_space<vmem>>
      %gather3A_658 = tpu.vector_load_idx %gather3A_657[%add3A_646, %broadcast_in_dim3A_4] : memref<80x144xf32, #tpu.memory_space<vmem>>[vector<16xi32>, vector<16xi32>], vector<16xf32>,
      %add3A_659 = arith.addf %gather3A_652, %gather3A_658 : vector<16xf32>
      %gt3A_660 = arith.constant 0.000000e+00 : f32
      %gt3A_661 = vector.broadcast %gt3A_660 : f32 to vector<16xf32>
      %gt3A_662 = arith.cmpf ogt, %add3A_659, %gt3A_661 : vector<16xf32>
      %mul3A_663 = arith.constant 2.000000e-01 : f32
      %mul3A_664 = vector.broadcast %mul3A_663 : f32 to vector<16xf32>
      %mul3A_665 = arith.mulf %mul3A_664, %add3A_659 : vector<16xf32>
      %select_n3A_666 = arith.select %gt3A_662, %add3A_659, %mul3A_665 : vector<16xi1>, vector<16xf32>
      %neg3A_667 = arith.constant 0.000000e+00 : f32
      %neg3A_668 = vector.broadcast %neg3A_667 : f32 to vector<16xf32>
      %neg3A_669 = arith.subf %neg3A_668, %select_n3A_666 : vector<16xf32>
      %exp3A_670 = math.exp %neg3A_669 : vector<16xf32>
      %scatter3A_671 = arith.constant 2 : i32
      %scatter3A_672 = arith.constant 0 : i32
      %scatter3A_673 = arith.constant 0 : i32
      %scatter3A_674 = tpu.memref_slice %arg8[%scatter3A_671, %scatter3A_672, %scatter3A_673] : memref<3x80x144xf32, #tpu.memory_space<vmem>> -> memref<1x80x144xf32, #tpu.memory_space<vmem>>
      %scatter3A_675 = tpu.memref_squeeze %scatter3A_674 : memref<1x80x144xf32, #tpu.memory_space<vmem>> -> memref<80x144xf32, #tpu.memory_space<vmem>>
      tpu.vector_store_idx %scatter3A_675[%add3A_646, %broadcast_in_dim3A_4], %exp3A_670 : memref<80x144xf32, #tpu.memory_space<vmem>>[vector<16xi32>, vector<16xi32>], vector<16xf32>,
      %add3A_676 = arith.constant 32 : i32
      %add3A_677 = vector.broadcast %add3A_676 : i32 to vector<16xi32>
      %add3A_678 = arith.addi %iota3A, %add3A_677 : vector<16xi32>
      %gather3A_679 = arith.constant 0 : i32
      %gather3A_680 = arith.constant 0 : i32
      %gather3A_681 = arith.constant 0 : i32
      %gather3A_682 = tpu.memref_slice %arg9[%gather3A_679, %gather3A_680, %gather3A_681] : memref<2x80x16xf32, #tpu.memory_space<vmem>> -> memref<1x80x16xf32, #tpu.memory_space<vmem>>
      %gather3A_683 = tpu.memref_squeeze %gather3A_682 : memref<1x80x16xf32, #tpu.memory_space<vmem>> -> memref<80x16xf32, #tpu.memory_space<vmem>>
      %gather3A_684 = tpu.vector_load_idx %gather3A_683[%add3A_678, %mul3A_3] : memref<80x16xf32, #tpu.memory_space<vmem>>[vector<16xi32>, vector<16xi32>], vector<16xf32>,
      %gather3A_685 = arith.constant 2 : i32
      %gather3A_686 = arith.constant 0 : i32
      %gather3A_687 = arith.constant 0 : i32
      %gather3A_688 = tpu.memref_slice %arg8[%gather3A_685, %gather3A_686, %gather3A_687] : memref<3x80x144xf32, #tpu.memory_space<vmem>> -> memref<1x80x144xf32, #tpu.memory_space<vmem>>
      %gather3A_689 = tpu.memref_squeeze %gather3A_688 : memref<1x80x144xf32, #tpu.memory_space<vmem>> -> memref<80x144xf32, #tpu.memory_space<vmem>>
      %gather3A_690 = tpu.vector_load_idx %gather3A_689[%add3A_678, %broadcast_in_dim3A_4] : memref<80x144xf32, #tpu.memory_space<vmem>>[vector<16xi32>, vector<16xi32>], vector<16xf32>,
      %add3A_691 = arith.addf %gather3A_684, %gather3A_690 : vector<16xf32>
      %gt3A_692 = arith.constant 0.000000e+00 : f32
      %gt3A_693 = vector.broadcast %gt3A_692 : f32 to vector<16xf32>
      %gt3A_694 = arith.cmpf ogt, %add3A_691, %gt3A_693 : vector<16xf32>
      %mul3A_695 = arith.constant 2.000000e-01 : f32
      %mul3A_696 = vector.broadcast %mul3A_695 : f32 to vector<16xf32>
      %mul3A_697 = arith.mulf %mul3A_696, %add3A_691 : vector<16xf32>
      %select_n3A_698 = arith.select %gt3A_694, %add3A_691, %mul3A_697 : vector<16xi1>, vector<16xf32>
      %neg3A_699 = arith.constant 0.000000e+00 : f32
      %neg3A_700 = vector.broadcast %neg3A_699 : f32 to vector<16xf32>
      %neg3A_701 = arith.subf %neg3A_700, %select_n3A_698 : vector<16xf32>
      %exp3A_702 = math.exp %neg3A_701 : vector<16xf32>
      %scatter3A_703 = arith.constant 2 : i32
      %scatter3A_704 = arith.constant 0 : i32
      %scatter3A_705 = arith.constant 0 : i32
      %scatter3A_706 = tpu.memref_slice %arg8[%scatter3A_703, %scatter3A_704, %scatter3A_705] : memref<3x80x144xf32, #tpu.memory_space<vmem>> -> memref<1x80x144xf32, #tpu.memory_space<vmem>>
      %scatter3A_707 = tpu.memref_squeeze %scatter3A_706 : memref<1x80x144xf32, #tpu.memory_space<vmem>> -> memref<80x144xf32, #tpu.memory_space<vmem>>
      tpu.vector_store_idx %scatter3A_707[%add3A_678, %broadcast_in_dim3A_4], %exp3A_702 : memref<80x144xf32, #tpu.memory_space<vmem>>[vector<16xi32>, vector<16xi32>], vector<16xf32>,
      %add3A_708 = arith.constant 48 : i32
      %add3A_709 = vector.broadcast %add3A_708 : i32 to vector<16xi32>
      %add3A_710 = arith.addi %iota3A, %add3A_709 : vector<16xi32>
      %gather3A_711 = arith.constant 0 : i32
      %gather3A_712 = arith.constant 0 : i32
      %gather3A_713 = arith.constant 0 : i32
      %gather3A_714 = tpu.memref_slice %arg9[%gather3A_711, %gather3A_712, %gather3A_713] : memref<2x80x16xf32, #tpu.memory_space<vmem>> -> memref<1x80x16xf32, #tpu.memory_space<vmem>>
      %gather3A_715 = tpu.memref_squeeze %gather3A_714 : memref<1x80x16xf32, #tpu.memory_space<vmem>> -> memref<80x16xf32, #tpu.memory_space<vmem>>
      %gather3A_716 = tpu.vector_load_idx %gather3A_715[%add3A_710, %mul3A_3] : memref<80x16xf32, #tpu.memory_space<vmem>>[vector<16xi32>, vector<16xi32>], vector<16xf32>,
      %gather3A_717 = arith.constant 2 : i32
      %gather3A_718 = arith.constant 0 : i32
      %gather3A_719 = arith.constant 0 : i32
      %gather3A_720 = tpu.memref_slice %arg8[%gather3A_717, %gather3A_718, %gather3A_719] : memref<3x80x144xf32, #tpu.memory_space<vmem>> -> memref<1x80x144xf32, #tpu.memory_space<vmem>>
      %gather3A_721 = tpu.memref_squeeze %gather3A_720 : memref<1x80x144xf32, #tpu.memory_space<vmem>> -> memref<80x144xf32, #tpu.memory_space<vmem>>
      %gather3A_722 = tpu.vector_load_idx %gather3A_721[%add3A_710, %broadcast_in_dim3A_4] : memref<80x144xf32, #tpu.memory_space<vmem>>[vector<16xi32>, vector<16xi32>], vector<16xf32>,
      %add3A_723 = arith.addf %gather3A_716, %gather3A_722 : vector<16xf32>
      %gt3A_724 = arith.constant 0.000000e+00 : f32
      %gt3A_725 = vector.broadcast %gt3A_724 : f32 to vector<16xf32>
      %gt3A_726 = arith.cmpf ogt, %add3A_723, %gt3A_725 : vector<16xf32>
      %mul3A_727 = arith.constant 2.000000e-01 : f32
      %mul3A_728 = vector.broadcast %mul3A_727 : f32 to vector<16xf32>
      %mul3A_729 = arith.mulf %mul3A_728, %add3A_723 : vector<16xf32>
      %select_n3A_730 = arith.select %gt3A_726, %add3A_723, %mul3A_729 : vector<16xi1>, vector<16xf32>
      %neg3A_731 = arith.constant 0.000000e+00 : f32
      %neg3A_732 = vector.broadcast %neg3A_731 : f32 to vector<16xf32>
      %neg3A_733 = arith.subf %neg3A_732, %select_n3A_730 : vector<16xf32>
      %exp3A_734 = math.exp %neg3A_733 : vector<16xf32>
      %scatter3A_735 = arith.constant 2 : i32
      %scatter3A_736 = arith.constant 0 : i32
      %scatter3A_737 = arith.constant 0 : i32
      %scatter3A_738 = tpu.memref_slice %arg8[%scatter3A_735, %scatter3A_736, %scatter3A_737] : memref<3x80x144xf32, #tpu.memory_space<vmem>> -> memref<1x80x144xf32, #tpu.memory_space<vmem>>
      %scatter3A_739 = tpu.memref_squeeze %scatter3A_738 : memref<1x80x144xf32, #tpu.memory_space<vmem>> -> memref<80x144xf32, #tpu.memory_space<vmem>>
      tpu.vector_store_idx %scatter3A_739[%add3A_710, %broadcast_in_dim3A_4], %exp3A_734 : memref<80x144xf32, #tpu.memory_space<vmem>>[vector<16xi32>, vector<16xi32>], vector<16xf32>,
      %add3A_740 = arith.constant 64 : i32
      %add3A_741 = vector.broadcast %add3A_740 : i32 to vector<16xi32>
      %add3A_742 = arith.addi %iota3A, %add3A_741 : vector<16xi32>
      %gather3A_743 = arith.constant 0 : i32
      %gather3A_744 = arith.constant 0 : i32
      %gather3A_745 = arith.constant 0 : i32
      %gather3A_746 = tpu.memref_slice %arg9[%gather3A_743, %gather3A_744, %gather3A_745] : memref<2x80x16xf32, #tpu.memory_space<vmem>> -> memref<1x80x16xf32, #tpu.memory_space<vmem>>
      %gather3A_747 = tpu.memref_squeeze %gather3A_746 : memref<1x80x16xf32, #tpu.memory_space<vmem>> -> memref<80x16xf32, #tpu.memory_space<vmem>>
      %gather3A_748 = tpu.vector_load_idx %gather3A_747[%add3A_742, %mul3A_3] : memref<80x16xf32, #tpu.memory_space<vmem>>[vector<16xi32>, vector<16xi32>], vector<16xf32>,
      %gather3A_749 = arith.constant 2 : i32
      %gather3A_750 = arith.constant 0 : i32
      %gather3A_751 = arith.constant 0 : i32
      %gather3A_752 = tpu.memref_slice %arg8[%gather3A_749, %gather3A_750, %gather3A_751] : memref<3x80x144xf32, #tpu.memory_space<vmem>> -> memref<1x80x144xf32, #tpu.memory_space<vmem>>
      %gather3A_753 = tpu.memref_squeeze %gather3A_752 : memref<1x80x144xf32, #tpu.memory_space<vmem>> -> memref<80x144xf32, #tpu.memory_space<vmem>>
      %gather3A_754 = tpu.vector_load_idx %gather3A_753[%add3A_742, %broadcast_in_dim3A_4] : memref<80x144xf32, #tpu.memory_space<vmem>>[vector<16xi32>, vector<16xi32>], vector<16xf32>,
      %add3A_755 = arith.addf %gather3A_748, %gather3A_754 : vector<16xf32>
      %gt3A_756 = arith.constant 0.000000e+00 : f32
      %gt3A_757 = vector.broadcast %gt3A_756 : f32 to vector<16xf32>
      %gt3A_758 = arith.cmpf ogt, %add3A_755, %gt3A_757 : vector<16xf32>
      %mul3A_759 = arith.constant 2.000000e-01 : f32
      %mul3A_760 = vector.broadcast %mul3A_759 : f32 to vector<16xf32>
      %mul3A_761 = arith.mulf %mul3A_760, %add3A_755 : vector<16xf32>
      %select_n3A_762 = arith.select %gt3A_758, %add3A_755, %mul3A_761 : vector<16xi1>, vector<16xf32>
      %neg3A_763 = arith.constant 0.000000e+00 : f32
      %neg3A_764 = vector.broadcast %neg3A_763 : f32 to vector<16xf32>
      %neg3A_765 = arith.subf %neg3A_764, %select_n3A_762 : vector<16xf32>
      %exp3A_766 = math.exp %neg3A_765 : vector<16xf32>
      %scatter3A_767 = arith.constant 2 : i32
      %scatter3A_768 = arith.constant 0 : i32
      %scatter3A_769 = arith.constant 0 : i32
      %scatter3A_770 = tpu.memref_slice %arg8[%scatter3A_767, %scatter3A_768, %scatter3A_769] : memref<3x80x144xf32, #tpu.memory_space<vmem>> -> memref<1x80x144xf32, #tpu.memory_space<vmem>>
      %scatter3A_771 = tpu.memref_squeeze %scatter3A_770 : memref<1x80x144xf32, #tpu.memory_space<vmem>> -> memref<80x144xf32, #tpu.memory_space<vmem>>
      tpu.vector_store_idx %scatter3A_771[%add3A_742, %broadcast_in_dim3A_4], %exp3A_766 : memref<80x144xf32, #tpu.memory_space<vmem>>[vector<16xi32>, vector<16xi32>], vector<16xf32>,
      %parallel_loop3A_772 = arith.constant 0 : i32
      %parallel_loop3A_773 = arith.constant 80 : i32
      %parallel_loop3A_774 = arith.constant 1 : i32
      %parallel_loop3A_775 = arith.constant 2 : i32
      scf.for %parallel_loop3A_1485 = %parallel_loop3A_772 to %parallel_loop3A_773 step %parallel_loop3A_774  : i32 {
        %parallel_loop3A_1486 = vector.broadcast %parallel_loop3A_1485 : i32 to vector<16xi32>
        %parallel_loop3A_1487 = arith.constant 0 : i32
        %parallel_loop3A_1488 = arith.constant 0 : i32
        %parallel_loop3A_1489 = tpu.memref_slice %arg8[%parallel_loop3A_775, %parallel_loop3A_1487, %parallel_loop3A_1488] : memref<3x80x144xf32, #tpu.memory_space<vmem>> -> memref<1x80x144xf32, #tpu.memory_space<vmem>>
        %parallel_loop3A_1490 = tpu.memref_squeeze %parallel_loop3A_1489 : memref<1x80x144xf32, #tpu.memory_space<vmem>> -> memref<80x144xf32, #tpu.memory_space<vmem>>
        %parallel_loop3A_1491 = tpu.vector_load_idx %parallel_loop3A_1490[%parallel_loop3A_1486, %broadcast_in_dim3A_4] : memref<80x144xf32, #tpu.memory_space<vmem>>[vector<16xi32>, vector<16xi32>], vector<16xf32>,
        %parallel_loop3A_1492 = arith.constant 0 : i32
        %parallel_loop3A_1493 = arith.constant 0 : i32
        %parallel_loop3A_1494 = tpu.memref_slice %arg8[%parallel_loop3A_775, %parallel_loop3A_1492, %parallel_loop3A_1493] : memref<3x80x144xf32, #tpu.memory_space<vmem>> -> memref<1x80x144xf32, #tpu.memory_space<vmem>>
        %parallel_loop3A_1495 = tpu.memref_squeeze %parallel_loop3A_1494 : memref<1x80x144xf32, #tpu.memory_space<vmem>> -> memref<80x144xf32, #tpu.memory_space<vmem>>
        %parallel_loop3A_1496 = arith.index_cast %parallel_loop3A_1485 : i32 to index
        %parallel_loop3A_1497 = arith.constant 0 : index
        %parallel_loop3A_1498 = tpu.vector_load %parallel_loop3A_1495[%parallel_loop3A_1496, %parallel_loop3A_1497] {strides = array<i32>} : memref<80x144xf32, #tpu.memory_space<vmem>>, vector<16xf32>,
        %parallel_loop3A_1499 = arith.mulf %parallel_loop3A_1498, %parallel_loop3A_1491 : vector<16xf32>
        %parallel_loop3A_1500 = arith.constant 0 : i32
        %parallel_loop3A_1501 = arith.constant 0 : i32
        %parallel_loop3A_1502 = tpu.memref_slice %arg8[%parallel_loop3A_775, %parallel_loop3A_1500, %parallel_loop3A_1501] : memref<3x80x144xf32, #tpu.memory_space<vmem>> -> memref<1x80x144xf32, #tpu.memory_space<vmem>>
        %parallel_loop3A_1503 = tpu.memref_squeeze %parallel_loop3A_1502 : memref<1x80x144xf32, #tpu.memory_space<vmem>> -> memref<80x144xf32, #tpu.memory_space<vmem>>
        %parallel_loop3A_1504 = arith.index_cast %parallel_loop3A_1485 : i32 to index
        %parallel_loop3A_1505 = arith.constant 0 : index
        %parallel_loop3A_1506 = tpu.vector_load %parallel_loop3A_1503[%parallel_loop3A_1504, %parallel_loop3A_1505] {strides = array<i32>} : memref<80x144xf32, #tpu.memory_space<vmem>>, vector<16xf32>,
        tpu.vector_store %parallel_loop3A_1503[%parallel_loop3A_1504, %parallel_loop3A_1505], %parallel_loop3A_1499 {strides = array<i32>} : memref<80x144xf32, #tpu.memory_space<vmem>>, vector<16xf32>,
        %parallel_loop3A_1507 = arith.constant 0 : i32
        %parallel_loop3A_1508 = arith.constant 0 : i32
        %parallel_loop3A_1509 = tpu.memref_slice %arg8[%parallel_loop3A_775, %parallel_loop3A_1507, %parallel_loop3A_1508] : memref<3x80x144xf32, #tpu.memory_space<vmem>> -> memref<1x80x144xf32, #tpu.memory_space<vmem>>
        %parallel_loop3A_1510 = tpu.memref_squeeze %parallel_loop3A_1509 : memref<1x80x144xf32, #tpu.memory_space<vmem>> -> memref<80x144xf32, #tpu.memory_space<vmem>>
        %parallel_loop3A_1511 = arith.index_cast %parallel_loop3A_1485 : i32 to index
        %parallel_loop3A_1512 = arith.constant 16 : index
        %parallel_loop3A_1513 = tpu.vector_load %parallel_loop3A_1510[%parallel_loop3A_1511, %parallel_loop3A_1512] {strides = array<i32>} : memref<80x144xf32, #tpu.memory_space<vmem>>, vector<16xf32>,
        %parallel_loop3A_1514 = arith.mulf %parallel_loop3A_1513, %parallel_loop3A_1491 : vector<16xf32>
        %parallel_loop3A_1515 = arith.constant 0 : i32
        %parallel_loop3A_1516 = arith.constant 0 : i32
        %parallel_loop3A_1517 = tpu.memref_slice %arg8[%parallel_loop3A_775, %parallel_loop3A_1515, %parallel_loop3A_1516] : memref<3x80x144xf32, #tpu.memory_space<vmem>> -> memref<1x80x144xf32, #tpu.memory_space<vmem>>
        %parallel_loop3A_1518 = tpu.memref_squeeze %parallel_loop3A_1517 : memref<1x80x144xf32, #tpu.memory_space<vmem>> -> memref<80x144xf32, #tpu.memory_space<vmem>>
        %parallel_loop3A_1519 = arith.index_cast %parallel_loop3A_1485 : i32 to index
        %parallel_loop3A_1520 = arith.constant 16 : index
        %parallel_loop3A_1521 = tpu.vector_load %parallel_loop3A_1518[%parallel_loop3A_1519, %parallel_loop3A_1520] {strides = array<i32>} : memref<80x144xf32, #tpu.memory_space<vmem>>, vector<16xf32>,
        tpu.vector_store %parallel_loop3A_1518[%parallel_loop3A_1519, %parallel_loop3A_1520], %parallel_loop3A_1514 {strides = array<i32>} : memref<80x144xf32, #tpu.memory_space<vmem>>, vector<16xf32>,
        %parallel_loop3A_1522 = arith.constant 0 : i32
        %parallel_loop3A_1523 = arith.constant 0 : i32
        %parallel_loop3A_1524 = tpu.memref_slice %arg8[%parallel_loop3A_775, %parallel_loop3A_1522, %parallel_loop3A_1523] : memref<3x80x144xf32, #tpu.memory_space<vmem>> -> memref<1x80x144xf32, #tpu.memory_space<vmem>>
        %parallel_loop3A_1525 = tpu.memref_squeeze %parallel_loop3A_1524 : memref<1x80x144xf32, #tpu.memory_space<vmem>> -> memref<80x144xf32, #tpu.memory_space<vmem>>
        %parallel_loop3A_1526 = arith.index_cast %parallel_loop3A_1485 : i32 to index
        %parallel_loop3A_1527 = arith.constant 32 : index
        %parallel_loop3A_1528 = tpu.vector_load %parallel_loop3A_1525[%parallel_loop3A_1526, %parallel_loop3A_1527] {strides = array<i32>} : memref<80x144xf32, #tpu.memory_space<vmem>>, vector<16xf32>,
        %parallel_loop3A_1529 = arith.mulf %parallel_loop3A_1528, %parallel_loop3A_1491 : vector<16xf32>
        %parallel_loop3A_1530 = arith.constant 0 : i32
        %parallel_loop3A_1531 = arith.constant 0 : i32
        %parallel_loop3A_1532 = tpu.memref_slice %arg8[%parallel_loop3A_775, %parallel_loop3A_1530, %parallel_loop3A_1531] : memref<3x80x144xf32, #tpu.memory_space<vmem>> -> memref<1x80x144xf32, #tpu.memory_space<vmem>>
        %parallel_loop3A_1533 = tpu.memref_squeeze %parallel_loop3A_1532 : memref<1x80x144xf32, #tpu.memory_space<vmem>> -> memref<80x144xf32, #tpu.memory_space<vmem>>
        %parallel_loop3A_1534 = arith.index_cast %parallel_loop3A_1485 : i32 to index
        %parallel_loop3A_1535 = arith.constant 32 : index
        %parallel_loop3A_1536 = tpu.vector_load %parallel_loop3A_1533[%parallel_loop3A_1534, %parallel_loop3A_1535] {strides = array<i32>} : memref<80x144xf32, #tpu.memory_space<vmem>>, vector<16xf32>,
        tpu.vector_store %parallel_loop3A_1533[%parallel_loop3A_1534, %parallel_loop3A_1535], %parallel_loop3A_1529 {strides = array<i32>} : memref<80x144xf32, #tpu.memory_space<vmem>>, vector<16xf32>,
        %parallel_loop3A_1537 = arith.constant 0 : i32
        %parallel_loop3A_1538 = arith.constant 0 : i32
        %parallel_loop3A_1539 = tpu.memref_slice %arg8[%parallel_loop3A_775, %parallel_loop3A_1537, %parallel_loop3A_1538] : memref<3x80x144xf32, #tpu.memory_space<vmem>> -> memref<1x80x144xf32, #tpu.memory_space<vmem>>
        %parallel_loop3A_1540 = tpu.memref_squeeze %parallel_loop3A_1539 : memref<1x80x144xf32, #tpu.memory_space<vmem>> -> memref<80x144xf32, #tpu.memory_space<vmem>>
        %parallel_loop3A_1541 = arith.index_cast %parallel_loop3A_1485 : i32 to index
        %parallel_loop3A_1542 = arith.constant 48 : index
        %parallel_loop3A_1543 = tpu.vector_load %parallel_loop3A_1540[%parallel_loop3A_1541, %parallel_loop3A_1542] {strides = array<i32>} : memref<80x144xf32, #tpu.memory_space<vmem>>, vector<16xf32>,
        %parallel_loop3A_1544 = arith.mulf %parallel_loop3A_1543, %parallel_loop3A_1491 : vector<16xf32>
        %parallel_loop3A_1545 = arith.constant 0 : i32
        %parallel_loop3A_1546 = arith.constant 0 : i32
        %parallel_loop3A_1547 = tpu.memref_slice %arg8[%parallel_loop3A_775, %parallel_loop3A_1545, %parallel_loop3A_1546] : memref<3x80x144xf32, #tpu.memory_space<vmem>> -> memref<1x80x144xf32, #tpu.memory_space<vmem>>
        %parallel_loop3A_1548 = tpu.memref_squeeze %parallel_loop3A_1547 : memref<1x80x144xf32, #tpu.memory_space<vmem>> -> memref<80x144xf32, #tpu.memory_space<vmem>>
        %parallel_loop3A_1549 = arith.index_cast %parallel_loop3A_1485 : i32 to index
        %parallel_loop3A_1550 = arith.constant 48 : index
        %parallel_loop3A_1551 = tpu.vector_load %parallel_loop3A_1548[%parallel_loop3A_1549, %parallel_loop3A_1550] {strides = array<i32>} : memref<80x144xf32, #tpu.memory_space<vmem>>, vector<16xf32>,
        tpu.vector_store %parallel_loop3A_1548[%parallel_loop3A_1549, %parallel_loop3A_1550], %parallel_loop3A_1544 {strides = array<i32>} : memref<80x144xf32, #tpu.memory_space<vmem>>, vector<16xf32>,
        %parallel_loop3A_1552 = arith.constant 0 : i32
        %parallel_loop3A_1553 = arith.constant 0 : i32
        %parallel_loop3A_1554 = tpu.memref_slice %arg8[%parallel_loop3A_775, %parallel_loop3A_1552, %parallel_loop3A_1553] : memref<3x80x144xf32, #tpu.memory_space<vmem>> -> memref<1x80x144xf32, #tpu.memory_space<vmem>>
        %parallel_loop3A_1555 = tpu.memref_squeeze %parallel_loop3A_1554 : memref<1x80x144xf32, #tpu.memory_space<vmem>> -> memref<80x144xf32, #tpu.memory_space<vmem>>
        %parallel_loop3A_1556 = arith.index_cast %parallel_loop3A_1485 : i32 to index
        %parallel_loop3A_1557 = arith.constant 64 : index
        %parallel_loop3A_1558 = tpu.vector_load %parallel_loop3A_1555[%parallel_loop3A_1556, %parallel_loop3A_1557] {strides = array<i32>} : memref<80x144xf32, #tpu.memory_space<vmem>>, vector<16xf32>,
        %parallel_loop3A_1559 = arith.mulf %parallel_loop3A_1558, %parallel_loop3A_1491 : vector<16xf32>
        %parallel_loop3A_1560 = arith.constant 0 : i32
        %parallel_loop3A_1561 = arith.constant 0 : i32
        %parallel_loop3A_1562 = tpu.memref_slice %arg8[%parallel_loop3A_775, %parallel_loop3A_1560, %parallel_loop3A_1561] : memref<3x80x144xf32, #tpu.memory_space<vmem>> -> memref<1x80x144xf32, #tpu.memory_space<vmem>>
        %parallel_loop3A_1563 = tpu.memref_squeeze %parallel_loop3A_1562 : memref<1x80x144xf32, #tpu.memory_space<vmem>> -> memref<80x144xf32, #tpu.memory_space<vmem>>
        %parallel_loop3A_1564 = arith.index_cast %parallel_loop3A_1485 : i32 to index
        %parallel_loop3A_1565 = arith.constant 64 : index
        %parallel_loop3A_1566 = tpu.vector_load %parallel_loop3A_1563[%parallel_loop3A_1564, %parallel_loop3A_1565] {strides = array<i32>} : memref<80x144xf32, #tpu.memory_space<vmem>>, vector<16xf32>,
        tpu.vector_store %parallel_loop3A_1563[%parallel_loop3A_1564, %parallel_loop3A_1565], %parallel_loop3A_1559 {strides = array<i32>} : memref<80x144xf32, #tpu.memory_space<vmem>>, vector<16xf32>,
        %parallel_loop3A_1567 = arith.constant 0 : i32
        %parallel_loop3A_1568 = arith.constant 0 : i32
        %parallel_loop3A_1569 = tpu.memref_slice %arg8[%parallel_loop3A_775, %parallel_loop3A_1567, %parallel_loop3A_1568] : memref<3x80x144xf32, #tpu.memory_space<vmem>> -> memref<1x80x144xf32, #tpu.memory_space<vmem>>
        %parallel_loop3A_1570 = tpu.memref_squeeze %parallel_loop3A_1569 : memref<1x80x144xf32, #tpu.memory_space<vmem>> -> memref<80x144xf32, #tpu.memory_space<vmem>>
        %parallel_loop3A_1571 = arith.index_cast %parallel_loop3A_1485 : i32 to index
        %parallel_loop3A_1572 = arith.constant 80 : index
        %parallel_loop3A_1573 = tpu.vector_load %parallel_loop3A_1570[%parallel_loop3A_1571, %parallel_loop3A_1572] {strides = array<i32>} : memref<80x144xf32, #tpu.memory_space<vmem>>, vector<16xf32>,
        %parallel_loop3A_1574 = arith.mulf %parallel_loop3A_1573, %parallel_loop3A_1491 : vector<16xf32>
        %parallel_loop3A_1575 = arith.constant 0 : i32
        %parallel_loop3A_1576 = arith.constant 0 : i32
        %parallel_loop3A_1577 = tpu.memref_slice %arg8[%parallel_loop3A_775, %parallel_loop3A_1575, %parallel_loop3A_1576] : memref<3x80x144xf32, #tpu.memory_space<vmem>> -> memref<1x80x144xf32, #tpu.memory_space<vmem>>
        %parallel_loop3A_1578 = tpu.memref_squeeze %parallel_loop3A_1577 : memref<1x80x144xf32, #tpu.memory_space<vmem>> -> memref<80x144xf32, #tpu.memory_space<vmem>>
        %parallel_loop3A_1579 = arith.index_cast %parallel_loop3A_1485 : i32 to index
        %parallel_loop3A_1580 = arith.constant 80 : index
        %parallel_loop3A_1581 = tpu.vector_load %parallel_loop3A_1578[%parallel_loop3A_1579, %parallel_loop3A_1580] {strides = array<i32>} : memref<80x144xf32, #tpu.memory_space<vmem>>, vector<16xf32>,
        tpu.vector_store %parallel_loop3A_1578[%parallel_loop3A_1579, %parallel_loop3A_1580], %parallel_loop3A_1574 {strides = array<i32>} : memref<80x144xf32, #tpu.memory_space<vmem>>, vector<16xf32>,
        %parallel_loop3A_1582 = arith.constant 0 : i32
        %parallel_loop3A_1583 = arith.constant 0 : i32
        %parallel_loop3A_1584 = tpu.memref_slice %arg8[%parallel_loop3A_775, %parallel_loop3A_1582, %parallel_loop3A_1583] : memref<3x80x144xf32, #tpu.memory_space<vmem>> -> memref<1x80x144xf32, #tpu.memory_space<vmem>>
        %parallel_loop3A_1585 = tpu.memref_squeeze %parallel_loop3A_1584 : memref<1x80x144xf32, #tpu.memory_space<vmem>> -> memref<80x144xf32, #tpu.memory_space<vmem>>
        %parallel_loop3A_1586 = arith.index_cast %parallel_loop3A_1485 : i32 to index
        %parallel_loop3A_1587 = arith.constant 96 : index
        %parallel_loop3A_1588 = tpu.vector_load %parallel_loop3A_1585[%parallel_loop3A_1586, %parallel_loop3A_1587] {strides = array<i32>} : memref<80x144xf32, #tpu.memory_space<vmem>>, vector<16xf32>,
        %parallel_loop3A_1589 = arith.mulf %parallel_loop3A_1588, %parallel_loop3A_1491 : vector<16xf32>
        %parallel_loop3A_1590 = arith.constant 0 : i32
        %parallel_loop3A_1591 = arith.constant 0 : i32
        %parallel_loop3A_1592 = tpu.memref_slice %arg8[%parallel_loop3A_775, %parallel_loop3A_1590, %parallel_loop3A_1591] : memref<3x80x144xf32, #tpu.memory_space<vmem>> -> memref<1x80x144xf32, #tpu.memory_space<vmem>>
        %parallel_loop3A_1593 = tpu.memref_squeeze %parallel_loop3A_1592 : memref<1x80x144xf32, #tpu.memory_space<vmem>> -> memref<80x144xf32, #tpu.memory_space<vmem>>
        %parallel_loop3A_1594 = arith.index_cast %parallel_loop3A_1485 : i32 to index
        %parallel_loop3A_1595 = arith.constant 96 : index
        %parallel_loop3A_1596 = tpu.vector_load %parallel_loop3A_1593[%parallel_loop3A_1594, %parallel_loop3A_1595] {strides = array<i32>} : memref<80x144xf32, #tpu.memory_space<vmem>>, vector<16xf32>,
        tpu.vector_store %parallel_loop3A_1593[%parallel_loop3A_1594, %parallel_loop3A_1595], %parallel_loop3A_1589 {strides = array<i32>} : memref<80x144xf32, #tpu.memory_space<vmem>>, vector<16xf32>,
        %parallel_loop3A_1597 = arith.constant 0 : i32
        %parallel_loop3A_1598 = arith.constant 0 : i32
        %parallel_loop3A_1599 = tpu.memref_slice %arg8[%parallel_loop3A_775, %parallel_loop3A_1597, %parallel_loop3A_1598] : memref<3x80x144xf32, #tpu.memory_space<vmem>> -> memref<1x80x144xf32, #tpu.memory_space<vmem>>
        %parallel_loop3A_1600 = tpu.memref_squeeze %parallel_loop3A_1599 : memref<1x80x144xf32, #tpu.memory_space<vmem>> -> memref<80x144xf32, #tpu.memory_space<vmem>>
        %parallel_loop3A_1601 = arith.index_cast %parallel_loop3A_1485 : i32 to index
        %parallel_loop3A_1602 = arith.constant 112 : index
        %parallel_loop3A_1603 = tpu.vector_load %parallel_loop3A_1600[%parallel_loop3A_1601, %parallel_loop3A_1602] {strides = array<i32>} : memref<80x144xf32, #tpu.memory_space<vmem>>, vector<16xf32>,
        %parallel_loop3A_1604 = arith.mulf %parallel_loop3A_1603, %parallel_loop3A_1491 : vector<16xf32>
        %parallel_loop3A_1605 = arith.constant 0 : i32
        %parallel_loop3A_1606 = arith.constant 0 : i32
        %parallel_loop3A_1607 = tpu.memref_slice %arg8[%parallel_loop3A_775, %parallel_loop3A_1605, %parallel_loop3A_1606] : memref<3x80x144xf32, #tpu.memory_space<vmem>> -> memref<1x80x144xf32, #tpu.memory_space<vmem>>
        %parallel_loop3A_1608 = tpu.memref_squeeze %parallel_loop3A_1607 : memref<1x80x144xf32, #tpu.memory_space<vmem>> -> memref<80x144xf32, #tpu.memory_space<vmem>>
        %parallel_loop3A_1609 = arith.index_cast %parallel_loop3A_1485 : i32 to index
        %parallel_loop3A_1610 = arith.constant 112 : index
        %parallel_loop3A_1611 = tpu.vector_load %parallel_loop3A_1608[%parallel_loop3A_1609, %parallel_loop3A_1610] {strides = array<i32>} : memref<80x144xf32, #tpu.memory_space<vmem>>, vector<16xf32>,
        tpu.vector_store %parallel_loop3A_1608[%parallel_loop3A_1609, %parallel_loop3A_1610], %parallel_loop3A_1604 {strides = array<i32>} : memref<80x144xf32, #tpu.memory_space<vmem>>, vector<16xf32>,
      } {sc.loop_unroll_factor = 2 : i64, sc.parallel_access}
      %dma_start3A_776 = arith.constant 2 : i32
      %dma_start3A_777 = arith.constant 2 : i32
      %dma_start3A_778 = arith.constant 0 : i32
      %dma_start3A_779 = arith.constant 0 : i32
      %dma_start3A_780 = arith.constant 0 : i32
      %dma_start3A_781 = tpu.memref_slice %arg8[%dma_start3A_776, %dma_start3A_779, %dma_start3A_780] : memref<3x80x144xf32, #tpu.memory_space<vmem>> -> memref<1x80x144xf32, #tpu.memory_space<vmem>>
      %dma_start3A_782 = tpu.memref_squeeze %dma_start3A_781 : memref<1x80x144xf32, #tpu.memory_space<vmem>> -> memref<80x144xf32, #tpu.memory_space<vmem>>
      %dma_start3A_783 = arith.constant 0 : i32
      %dma_start3A_784 = tpu.memref_slice %arg7[%dma_start3A_777, %dma_start3A_778, %dma_start3A_783] : memref<6x2x80xi32, #tpu.memory_space<vmem>> -> memref<1x1x80xi32, #tpu.memory_space<vmem>>
      %dma_start3A_785 = tpu.memref_squeeze %dma_start3A_784 : memref<1x1x80xi32, #tpu.memory_space<vmem>> -> memref<80xi32, #tpu.memory_space<vmem>>
      %dma_start3A_786 = arith.constant 0 : i32
      %dma_start3A_787 = arith.constant 0 : i32
      %dma_start3A_788 = tpu.memref_slice %arg10[%dma_start3A_786, %dma_start3A_787] : memref<10240x144xf32, #tpu.memory_space<vmem_shared>> -> memref<10240x144xf32, #tpu.memory_space<vmem_shared>>
      tpu.enqueue_indirect_dma source(%dma_start3A_782 : memref<80x144xf32, #tpu.memory_space<vmem>>) target(%dma_start3A_788 : memref<10240x144xf32, #tpu.memory_space<vmem_shared>>) offsets(%dma_start3A_785 : memref<80xi32, #tpu.memory_space<vmem>>) semaphore(%arg18 : memref<!tpu.dma_semaphore, #tpu.memory_space<semaphore_mem>>) {add = true}
      %add3A_789 = arith.constant 3 : i32
      %add3A_790 = arith.addi %mul3A_102, %add3A_789 : i32
      %gt3A_791 = arith.constant 1 : i32
      %gt3A_792 = arith.cmpi sgt, %add3A_790, %gt3A_791 : i32
      %convert_element_type3A_793 = arith.extui %gt3A_792 : i1 to i32
      %cond3A_794 = arith.constant 0 : i32
      %cond3A_795 = arith.cmpi ne, %convert_element_type3A_793, %cond3A_794 : i32
      scf.if %cond3A_795 {
        %dma_wait3A_1485 = arith.constant 1 : i32
        %dma_wait3A_1486 = arith.constant 1 : i32
        %dma_wait3A_1487 = arith.constant 0 : i32
        %dma_wait3A_1488 = arith.constant 0 : i32
        %dma_wait3A_1489 = arith.constant 0 : i32
        %dma_wait3A_1490 = tpu.memref_slice %arg8[%dma_wait3A_1485, %dma_wait3A_1488, %dma_wait3A_1489] : memref<3x80x144xf32, #tpu.memory_space<vmem>> -> memref<1x80x144xf32, #tpu.memory_space<vmem>>
        %dma_wait3A_1491 = tpu.memref_squeeze %dma_wait3A_1490 : memref<1x80x144xf32, #tpu.memory_space<vmem>> -> memref<80x144xf32, #tpu.memory_space<vmem>>
        %dma_wait3A_1492 = arith.constant 0 : i32
        %dma_wait3A_1493 = tpu.memref_slice %arg7[%dma_wait3A_1486, %dma_wait3A_1487, %dma_wait3A_1492] : memref<6x2x80xi32, #tpu.memory_space<vmem>> -> memref<1x1x80xi32, #tpu.memory_space<vmem>>
        %dma_wait3A_1494 = tpu.memref_squeeze %dma_wait3A_1493 : memref<1x1x80xi32, #tpu.memory_space<vmem>> -> memref<80xi32, #tpu.memory_space<vmem>>
        %dma_wait3A_1495 = arith.constant 0 : i32
        %dma_wait3A_1496 = arith.constant 0 : i32
        %dma_wait3A_1497 = tpu.memref_slice %arg10[%dma_wait3A_1495, %dma_wait3A_1496] : memref<10240x144xf32, #tpu.memory_space<vmem_shared>> -> memref<10240x144xf32, #tpu.memory_space<vmem_shared>>
        tpu.wait_indirect_dma semaphore(%arg17 : memref<!tpu.dma_semaphore, #tpu.memory_space<semaphore_mem>>) src(%dma_wait3A_1491 : memref<80x144xf32, #tpu.memory_space<vmem>>) dst(%dma_wait3A_1497 : memref<10240x144xf32, #tpu.memory_space<vmem_shared>>)
      } else {
      }
      %add3A_796 = arith.constant 2 : i32
      %add3A_797 = arith.addi %add3A_790, %add3A_796 : i32
      %lt3A_798 = arith.constant 252 : i32
      %lt3A_799 = arith.cmpi slt, %add3A_797, %lt3A_798 : i32
      %convert_element_type3A_800 = arith.extui %lt3A_799 : i1 to i32
      %cond3A_801 = arith.constant 0 : i32
      %cond3A_802 = arith.cmpi ne, %convert_element_type3A_800, %cond3A_801 : i32
      scf.if %cond3A_802 {
        %add3A_1485 = arith.constant 2 : i32
        %add3A_1486 = arith.addi %add3A_790, %add3A_1485 : i32
        %dma_start3A_1487 = arith.constant 5 : i32
        %dma_start3A_1488 = arith.constant 0 : i32
        %dma_start3A_1489 = arith.constant 0 : i32
        %dma_start3A_1490 = tpu.memref_slice %arg7[%dma_start3A_1487, %dma_start3A_1488, %dma_start3A_1489] : memref<6x2x80xi32, #tpu.memory_space<vmem>> -> memref<1x2x80xi32, #tpu.memory_space<vmem>>
        %dma_start3A_1491 = tpu.memref_squeeze %dma_start3A_1490 : memref<1x2x80xi32, #tpu.memory_space<vmem>> -> memref<2x80xi32, #tpu.memory_space<vmem>>
        %dma_start3A_1492 = arith.constant 0 : i32
        %dma_start3A_1493 = arith.constant 0 : i32
        %dma_start3A_1494 = arith.constant 0 : i32
        %dma_start3A_1495 = tpu.memref_slice %arg4[%arg0, %arg1, %dma_start3A_1492, %dma_start3A_1493, %dma_start3A_1494] : memref<2x16x252x2x80xi32, #tpu.memory_space<hbm>> -> memref<1x1x252x2x80xi32, #tpu.memory_space<hbm>>
        %dma_start3A_1496 = tpu.memref_squeeze %dma_start3A_1495 : memref<1x1x252x2x80xi32, #tpu.memory_space<hbm>> -> memref<252x2x80xi32, #tpu.memory_space<hbm>>
        %dma_start3A_1497 = arith.constant 0 : i32
        %dma_start3A_1498 = arith.constant 0 : i32
        %dma_start3A_1499 = tpu.memref_slice %dma_start3A_1496[%add3A_1486, %dma_start3A_1497, %dma_start3A_1498] : memref<252x2x80xi32, #tpu.memory_space<hbm>> -> memref<1x2x80xi32, #tpu.memory_space<hbm>>
        %dma_start3A_1500 = tpu.memref_squeeze %dma_start3A_1499 : memref<1x2x80xi32, #tpu.memory_space<hbm>> -> memref<2x80xi32, #tpu.memory_space<hbm>>
        %dma_start3A_1501 = arith.constant 0 : i32
        %dma_start3A_1502 = arith.constant 0 : i32
        %dma_start3A_1503 = tpu.memref_slice %arg7[%dma_start3A_1487, %dma_start3A_1501, %dma_start3A_1502] : memref<6x2x80xi32, #tpu.memory_space<vmem>> -> memref<1x2x80xi32, #tpu.memory_space<vmem>>
        %dma_start3A_1504 = tpu.memref_squeeze %dma_start3A_1503 : memref<1x2x80xi32, #tpu.memory_space<vmem>> -> memref<2x80xi32, #tpu.memory_space<vmem>>
        %dma_start3A_1505 = arith.constant 0 : i32
        %dma_start3A_1506 = arith.constant 0 : i32
        %dma_start3A_1507 = arith.constant 0 : i32
        %dma_start3A_1508 = tpu.memref_slice %arg4[%arg0, %arg1, %dma_start3A_1505, %dma_start3A_1506, %dma_start3A_1507] : memref<2x16x252x2x80xi32, #tpu.memory_space<hbm>> -> memref<1x1x252x2x80xi32, #tpu.memory_space<hbm>>
        %dma_start3A_1509 = tpu.memref_squeeze %dma_start3A_1508 : memref<1x1x252x2x80xi32, #tpu.memory_space<hbm>> -> memref<252x2x80xi32, #tpu.memory_space<hbm>>
        %dma_start3A_1510 = arith.constant 0 : i32
        %dma_start3A_1511 = arith.constant 0 : i32
        %dma_start3A_1512 = tpu.memref_slice %dma_start3A_1509[%add3A_1486, %dma_start3A_1510, %dma_start3A_1511] : memref<252x2x80xi32, #tpu.memory_space<hbm>> -> memref<1x2x80xi32, #tpu.memory_space<hbm>>
        %dma_start3A_1513 = tpu.memref_squeeze %dma_start3A_1512 : memref<1x2x80xi32, #tpu.memory_space<hbm>> -> memref<2x80xi32, #tpu.memory_space<hbm>>
        tpu.enqueue_dma source(%dma_start3A_1513 : memref<2x80xi32, #tpu.memory_space<hbm>>) target(%dma_start3A_1504 : memref<2x80xi32, #tpu.memory_space<vmem>>) target_semaphore(%arg15 : memref<!tpu.dma_semaphore, #tpu.memory_space<semaphore_mem>>)
      } else {
      }
      %add3A_803 = arith.constant 1 : i32
      %add3A_804 = arith.addi %add3A_790, %add3A_803 : i32
      %lt3A_805 = arith.constant 252 : i32
      %lt3A_806 = arith.cmpi slt, %add3A_804, %lt3A_805 : i32
      %convert_element_type3A_807 = arith.extui %lt3A_806 : i1 to i32
      %cond3A_808 = arith.constant 0 : i32
      %cond3A_809 = arith.cmpi ne, %convert_element_type3A_807, %cond3A_808 : i32
      scf.if %cond3A_809 {
        %add3A_1485 = arith.constant 1 : i32
        %add3A_1486 = arith.addi %add3A_790, %add3A_1485 : i32
        %dma_wait3A_1487 = arith.constant 4 : i32
        %dma_wait3A_1488 = arith.constant 0 : i32
        %dma_wait3A_1489 = arith.constant 0 : i32
        %dma_wait3A_1490 = tpu.memref_slice %arg7[%dma_wait3A_1487, %dma_wait3A_1488, %dma_wait3A_1489] : memref<6x2x80xi32, #tpu.memory_space<vmem>> -> memref<1x2x80xi32, #tpu.memory_space<vmem>>
        %dma_wait3A_1491 = tpu.memref_squeeze %dma_wait3A_1490 : memref<1x2x80xi32, #tpu.memory_space<vmem>> -> memref<2x80xi32, #tpu.memory_space<vmem>>
        %dma_wait3A_1492 = arith.constant 0 : i32
        %dma_wait3A_1493 = arith.constant 0 : i32
        %dma_wait3A_1494 = arith.constant 0 : i32
        %dma_wait3A_1495 = tpu.memref_slice %arg4[%arg0, %arg1, %dma_wait3A_1492, %dma_wait3A_1493, %dma_wait3A_1494] : memref<2x16x252x2x80xi32, #tpu.memory_space<hbm>> -> memref<1x1x252x2x80xi32, #tpu.memory_space<hbm>>
        %dma_wait3A_1496 = tpu.memref_squeeze %dma_wait3A_1495 : memref<1x1x252x2x80xi32, #tpu.memory_space<hbm>> -> memref<252x2x80xi32, #tpu.memory_space<hbm>>
        %dma_wait3A_1497 = arith.constant 0 : i32
        %dma_wait3A_1498 = arith.constant 0 : i32
        %dma_wait3A_1499 = tpu.memref_slice %dma_wait3A_1496[%add3A_1486, %dma_wait3A_1497, %dma_wait3A_1498] : memref<252x2x80xi32, #tpu.memory_space<hbm>> -> memref<1x2x80xi32, #tpu.memory_space<hbm>>
        %dma_wait3A_1500 = tpu.memref_squeeze %dma_wait3A_1499 : memref<1x2x80xi32, #tpu.memory_space<hbm>> -> memref<2x80xi32, #tpu.memory_space<hbm>>
        %dma_wait3A_1501 = arith.constant 0 : i32
        %dma_wait3A_1502 = arith.constant 0 : i32
        %dma_wait3A_1503 = tpu.memref_slice %arg7[%dma_wait3A_1487, %dma_wait3A_1501, %dma_wait3A_1502] : memref<6x2x80xi32, #tpu.memory_space<vmem>> -> memref<1x2x80xi32, #tpu.memory_space<vmem>>
        %dma_wait3A_1504 = tpu.memref_squeeze %dma_wait3A_1503 : memref<1x2x80xi32, #tpu.memory_space<vmem>> -> memref<2x80xi32, #tpu.memory_space<vmem>>
        %dma_wait3A_1505 = arith.constant 0 : i32
        %dma_wait3A_1506 = arith.constant 0 : i32
        %dma_wait3A_1507 = arith.constant 0 : i32
        %dma_wait3A_1508 = tpu.memref_slice %arg4[%arg0, %arg1, %dma_wait3A_1505, %dma_wait3A_1506, %dma_wait3A_1507] : memref<2x16x252x2x80xi32, #tpu.memory_space<hbm>> -> memref<1x1x252x2x80xi32, #tpu.memory_space<hbm>>
        %dma_wait3A_1509 = tpu.memref_squeeze %dma_wait3A_1508 : memref<1x1x252x2x80xi32, #tpu.memory_space<hbm>> -> memref<252x2x80xi32, #tpu.memory_space<hbm>>
        %dma_wait3A_1510 = arith.constant 0 : i32
        %dma_wait3A_1511 = arith.constant 0 : i32
        %dma_wait3A_1512 = tpu.memref_slice %dma_wait3A_1509[%add3A_1486, %dma_wait3A_1510, %dma_wait3A_1511] : memref<252x2x80xi32, #tpu.memory_space<hbm>> -> memref<1x2x80xi32, #tpu.memory_space<hbm>>
        %dma_wait3A_1513 = tpu.memref_squeeze %dma_wait3A_1512 : memref<1x2x80xi32, #tpu.memory_space<hbm>> -> memref<2x80xi32, #tpu.memory_space<hbm>>
        tpu.wait_dma2 semaphore(%arg14 : memref<!tpu.dma_semaphore, #tpu.memory_space<semaphore_mem>>) src(%dma_wait3A_1513 : memref<2x80xi32, #tpu.memory_space<hbm>>) dst(%dma_wait3A_1504 : memref<2x80xi32, #tpu.memory_space<vmem>>)
        %dma_start3A_1514 = arith.constant 4 : i32
        %dma_start3A_1515 = arith.constant 1 : i32
        %dma_start3A_1516 = arith.constant 1 : i32
        %dma_start3A_1517 = arith.constant 0 : i32
        %dma_start3A_1518 = arith.constant 0 : i32
        %dma_start3A_1519 = tpu.memref_slice %arg8[%dma_start3A_1516, %dma_start3A_1517, %dma_start3A_1518] : memref<3x80x144xf32, #tpu.memory_space<vmem>> -> memref<1x80x144xf32, #tpu.memory_space<vmem>>
        %dma_start3A_1520 = tpu.memref_squeeze %dma_start3A_1519 : memref<1x80x144xf32, #tpu.memory_space<vmem>> -> memref<80x144xf32, #tpu.memory_space<vmem>>
        %dma_start3A_1521 = arith.constant 0 : i32
        %dma_start3A_1522 = tpu.memref_slice %arg7[%dma_start3A_1514, %dma_start3A_1515, %dma_start3A_1521] : memref<6x2x80xi32, #tpu.memory_space<vmem>> -> memref<1x1x80xi32, #tpu.memory_space<vmem>>
        %dma_start3A_1523 = tpu.memref_squeeze %dma_start3A_1522 : memref<1x1x80xi32, #tpu.memory_space<vmem>> -> memref<80xi32, #tpu.memory_space<vmem>>
        %dma_start3A_1524 = arith.constant 0 : i32
        %dma_start3A_1525 = arith.constant 0 : i32
        %dma_start3A_1526 = tpu.memref_slice %arg2[%arg0, %dma_start3A_1524, %dma_start3A_1525] : memref<2x10240x144xf32, #tpu.memory_space<hbm>> -> memref<1x10240x144xf32, #tpu.memory_space<hbm>>
        %dma_start3A_1527 = tpu.memref_squeeze %dma_start3A_1526 : memref<1x10240x144xf32, #tpu.memory_space<hbm>> -> memref<10240x144xf32, #tpu.memory_space<hbm>>
        %dma_start3A_1528 = arith.constant 0 : i32
        %dma_start3A_1529 = arith.constant 0 : i32
        %dma_start3A_1530 = tpu.memref_slice %dma_start3A_1527[%dma_start3A_1528, %dma_start3A_1529] : memref<10240x144xf32, #tpu.memory_space<hbm>> -> memref<10240x144xf32, #tpu.memory_space<hbm>>
        tpu.enqueue_indirect_dma source(%dma_start3A_1530 : memref<10240x144xf32, #tpu.memory_space<hbm>>) target(%dma_start3A_1520 : memref<80x144xf32, #tpu.memory_space<vmem>>) offsets(%dma_start3A_1523 : memref<80xi32, #tpu.memory_space<vmem>>) semaphore(%arg12 : memref<!tpu.dma_semaphore, #tpu.memory_space<semaphore_mem>>)
        %dma_start3A_1531 = arith.constant 4 : i32
        %dma_start3A_1532 = arith.constant 0 : i32
        %dma_start3A_1533 = arith.constant 0 : i32
        %dma_start3A_1534 = arith.constant 0 : i32
        %dma_start3A_1535 = arith.constant 0 : i32
        %dma_start3A_1536 = tpu.memref_slice %arg9[%dma_start3A_1533, %dma_start3A_1534, %dma_start3A_1535] : memref<2x80x16xf32, #tpu.memory_space<vmem>> -> memref<1x80x16xf32, #tpu.memory_space<vmem>>
        %dma_start3A_1537 = tpu.memref_squeeze %dma_start3A_1536 : memref<1x80x16xf32, #tpu.memory_space<vmem>> -> memref<80x16xf32, #tpu.memory_space<vmem>>
        %dma_start3A_1538 = arith.constant 0 : i32
        %dma_start3A_1539 = tpu.memref_slice %arg7[%dma_start3A_1531, %dma_start3A_1532, %dma_start3A_1538] : memref<6x2x80xi32, #tpu.memory_space<vmem>> -> memref<1x1x80xi32, #tpu.memory_space<vmem>>
        %dma_start3A_1540 = tpu.memref_squeeze %dma_start3A_1539 : memref<1x1x80xi32, #tpu.memory_space<vmem>> -> memref<80xi32, #tpu.memory_space<vmem>>
        %dma_start3A_1541 = arith.constant 0 : i32
        %dma_start3A_1542 = arith.constant 0 : i32
        %dma_start3A_1543 = tpu.memref_slice %arg3[%arg0, %dma_start3A_1541, %dma_start3A_1542] : memref<2x10240x16xf32, #tpu.memory_space<hbm>> -> memref<1x10240x16xf32, #tpu.memory_space<hbm>>
        %dma_start3A_1544 = tpu.memref_squeeze %dma_start3A_1543 : memref<1x10240x16xf32, #tpu.memory_space<hbm>> -> memref<10240x16xf32, #tpu.memory_space<hbm>>
        %dma_start3A_1545 = arith.constant 0 : i32
        %dma_start3A_1546 = arith.constant 0 : i32
        %dma_start3A_1547 = tpu.memref_slice %dma_start3A_1544[%dma_start3A_1545, %dma_start3A_1546] : memref<10240x16xf32, #tpu.memory_space<hbm>> -> memref<10240x16xf32, #tpu.memory_space<hbm>>
        tpu.enqueue_indirect_dma source(%dma_start3A_1547 : memref<10240x16xf32, #tpu.memory_space<hbm>>) target(%dma_start3A_1537 : memref<80x16xf32, #tpu.memory_space<vmem>>) offsets(%dma_start3A_1540 : memref<80xi32, #tpu.memory_space<vmem>>) semaphore(%arg12 : memref<!tpu.dma_semaphore, #tpu.memory_space<semaphore_mem>>)
      } else {
      }
      %dma_wait3A_810 = arith.constant 3 : i32
      %dma_wait3A_811 = arith.constant 1 : i32
      %dma_wait3A_812 = arith.constant 0 : i32
      %dma_wait3A_813 = arith.constant 0 : i32
      %dma_wait3A_814 = arith.constant 0 : i32
      %dma_wait3A_815 = tpu.memref_slice %arg8[%dma_wait3A_812, %dma_wait3A_813, %dma_wait3A_814] : memref<3x80x144xf32, #tpu.memory_space<vmem>> -> memref<1x80x144xf32, #tpu.memory_space<vmem>>
      %dma_wait3A_816 = tpu.memref_squeeze %dma_wait3A_815 : memref<1x80x144xf32, #tpu.memory_space<vmem>> -> memref<80x144xf32, #tpu.memory_space<vmem>>
      %dma_wait3A_817 = arith.constant 0 : i32
      %dma_wait3A_818 = tpu.memref_slice %arg7[%dma_wait3A_810, %dma_wait3A_811, %dma_wait3A_817] : memref<6x2x80xi32, #tpu.memory_space<vmem>> -> memref<1x1x80xi32, #tpu.memory_space<vmem>>
      %dma_wait3A_819 = tpu.memref_squeeze %dma_wait3A_818 : memref<1x1x80xi32, #tpu.memory_space<vmem>> -> memref<80xi32, #tpu.memory_space<vmem>>
      %dma_wait3A_820 = arith.constant 0 : i32
      %dma_wait3A_821 = arith.constant 0 : i32
      %dma_wait3A_822 = tpu.memref_slice %arg2[%arg0, %dma_wait3A_820, %dma_wait3A_821] : memref<2x10240x144xf32, #tpu.memory_space<hbm>> -> memref<1x10240x144xf32, #tpu.memory_space<hbm>>
      %dma_wait3A_823 = tpu.memref_squeeze %dma_wait3A_822 : memref<1x10240x144xf32, #tpu.memory_space<hbm>> -> memref<10240x144xf32, #tpu.memory_space<hbm>>
      %dma_wait3A_824 = arith.constant 0 : i32
      %dma_wait3A_825 = arith.constant 0 : i32
      %dma_wait3A_826 = tpu.memref_slice %dma_wait3A_823[%dma_wait3A_824, %dma_wait3A_825] : memref<10240x144xf32, #tpu.memory_space<hbm>> -> memref<10240x144xf32, #tpu.memory_space<hbm>>
      tpu.wait_indirect_dma semaphore(%arg11 : memref<!tpu.dma_semaphore, #tpu.memory_space<semaphore_mem>>) src(%dma_wait3A_826 : memref<10240x144xf32, #tpu.memory_space<hbm>>) dst(%dma_wait3A_816 : memref<80x144xf32, #tpu.memory_space<vmem>>)
      %dma_wait3A_827 = arith.constant 3 : i32
      %dma_wait3A_828 = arith.constant 0 : i32
      %dma_wait3A_829 = arith.constant 1 : i32
      %dma_wait3A_830 = arith.constant 0 : i32
      %dma_wait3A_831 = arith.constant 0 : i32
      %dma_wait3A_832 = tpu.memref_slice %arg9[%dma_wait3A_829, %dma_wait3A_830, %dma_wait3A_831] : memref<2x80x16xf32, #tpu.memory_space<vmem>> -> memref<1x80x16xf32, #tpu.memory_space<vmem>>
      %dma_wait3A_833 = tpu.memref_squeeze %dma_wait3A_832 : memref<1x80x16xf32, #tpu.memory_space<vmem>> -> memref<80x16xf32, #tpu.memory_space<vmem>>
      %dma_wait3A_834 = arith.constant 0 : i32
      %dma_wait3A_835 = tpu.memref_slice %arg7[%dma_wait3A_827, %dma_wait3A_828, %dma_wait3A_834] : memref<6x2x80xi32, #tpu.memory_space<vmem>> -> memref<1x1x80xi32, #tpu.memory_space<vmem>>
      %dma_wait3A_836 = tpu.memref_squeeze %dma_wait3A_835 : memref<1x1x80xi32, #tpu.memory_space<vmem>> -> memref<80xi32, #tpu.memory_space<vmem>>
      %dma_wait3A_837 = arith.constant 0 : i32
      %dma_wait3A_838 = arith.constant 0 : i32
      %dma_wait3A_839 = tpu.memref_slice %arg3[%arg0, %dma_wait3A_837, %dma_wait3A_838] : memref<2x10240x16xf32, #tpu.memory_space<hbm>> -> memref<1x10240x16xf32, #tpu.memory_space<hbm>>
      %dma_wait3A_840 = tpu.memref_squeeze %dma_wait3A_839 : memref<1x10240x16xf32, #tpu.memory_space<hbm>> -> memref<10240x16xf32, #tpu.memory_space<hbm>>
      %dma_wait3A_841 = arith.constant 0 : i32
      %dma_wait3A_842 = arith.constant 0 : i32
      %dma_wait3A_843 = tpu.memref_slice %dma_wait3A_840[%dma_wait3A_841, %dma_wait3A_842] : memref<10240x16xf32, #tpu.memory_space<hbm>> -> memref<10240x16xf32, #tpu.memory_space<hbm>>
      tpu.wait_indirect_dma semaphore(%arg11 : memref<!tpu.dma_semaphore, #tpu.memory_space<semaphore_mem>>) src(%dma_wait3A_843 : memref<10240x16xf32, #tpu.memory_space<hbm>>) dst(%dma_wait3A_833 : memref<80x16xf32, #tpu.memory_space<vmem>>)
      %add3A_844 = arith.constant 0 : i32
      %add3A_845 = vector.broadcast %add3A_844 : i32 to vector<16xi32>
      %add3A_846 = arith.addi %iota3A, %add3A_845 : vector<16xi32>
      %gather3A_847 = arith.constant 1 : i32
      %gather3A_848 = arith.constant 0 : i32
      %gather3A_849 = arith.constant 0 : i32
      %gather3A_850 = tpu.memref_slice %arg9[%gather3A_847, %gather3A_848, %gather3A_849] : memref<2x80x16xf32, #tpu.memory_space<vmem>> -> memref<1x80x16xf32, #tpu.memory_space<vmem>>
      %gather3A_851 = tpu.memref_squeeze %gather3A_850 : memref<1x80x16xf32, #tpu.memory_space<vmem>> -> memref<80x16xf32, #tpu.memory_space<vmem>>
      %gather3A_852 = tpu.vector_load_idx %gather3A_851[%add3A_846, %mul3A_3] : memref<80x16xf32, #tpu.memory_space<vmem>>[vector<16xi32>, vector<16xi32>], vector<16xf32>,
      %gather3A_853 = arith.constant 0 : i32
      %gather3A_854 = arith.constant 0 : i32
      %gather3A_855 = arith.constant 0 : i32
      %gather3A_856 = tpu.memref_slice %arg8[%gather3A_853, %gather3A_854, %gather3A_855] : memref<3x80x144xf32, #tpu.memory_space<vmem>> -> memref<1x80x144xf32, #tpu.memory_space<vmem>>
      %gather3A_857 = tpu.memref_squeeze %gather3A_856 : memref<1x80x144xf32, #tpu.memory_space<vmem>> -> memref<80x144xf32, #tpu.memory_space<vmem>>
      %gather3A_858 = tpu.vector_load_idx %gather3A_857[%add3A_846, %broadcast_in_dim3A_4] : memref<80x144xf32, #tpu.memory_space<vmem>>[vector<16xi32>, vector<16xi32>], vector<16xf32>,
      %add3A_859 = arith.addf %gather3A_852, %gather3A_858 : vector<16xf32>
      %gt3A_860 = arith.constant 0.000000e+00 : f32
      %gt3A_861 = vector.broadcast %gt3A_860 : f32 to vector<16xf32>
      %gt3A_862 = arith.cmpf ogt, %add3A_859, %gt3A_861 : vector<16xf32>
      %mul3A_863 = arith.constant 2.000000e-01 : f32
      %mul3A_864 = vector.broadcast %mul3A_863 : f32 to vector<16xf32>
      %mul3A_865 = arith.mulf %mul3A_864, %add3A_859 : vector<16xf32>
      %select_n3A_866 = arith.select %gt3A_862, %add3A_859, %mul3A_865 : vector<16xi1>, vector<16xf32>
      %neg3A_867 = arith.constant 0.000000e+00 : f32
      %neg3A_868 = vector.broadcast %neg3A_867 : f32 to vector<16xf32>
      %neg3A_869 = arith.subf %neg3A_868, %select_n3A_866 : vector<16xf32>
      %exp3A_870 = math.exp %neg3A_869 : vector<16xf32>
      %scatter3A_871 = arith.constant 0 : i32
      %scatter3A_872 = arith.constant 0 : i32
      %scatter3A_873 = arith.constant 0 : i32
      %scatter3A_874 = tpu.memref_slice %arg8[%scatter3A_871, %scatter3A_872, %scatter3A_873] : memref<3x80x144xf32, #tpu.memory_space<vmem>> -> memref<1x80x144xf32, #tpu.memory_space<vmem>>
      %scatter3A_875 = tpu.memref_squeeze %scatter3A_874 : memref<1x80x144xf32, #tpu.memory_space<vmem>> -> memref<80x144xf32, #tpu.memory_space<vmem>>
      tpu.vector_store_idx %scatter3A_875[%add3A_846, %broadcast_in_dim3A_4], %exp3A_870 : memref<80x144xf32, #tpu.memory_space<vmem>>[vector<16xi32>, vector<16xi32>], vector<16xf32>,
      %add3A_876 = arith.constant 16 : i32
      %add3A_877 = vector.broadcast %add3A_876 : i32 to vector<16xi32>
      %add3A_878 = arith.addi %iota3A, %add3A_877 : vector<16xi32>
      %gather3A_879 = arith.constant 1 : i32
      %gather3A_880 = arith.constant 0 : i32
      %gather3A_881 = arith.constant 0 : i32
      %gather3A_882 = tpu.memref_slice %arg9[%gather3A_879, %gather3A_880, %gather3A_881] : memref<2x80x16xf32, #tpu.memory_space<vmem>> -> memref<1x80x16xf32, #tpu.memory_space<vmem>>
      %gather3A_883 = tpu.memref_squeeze %gather3A_882 : memref<1x80x16xf32, #tpu.memory_space<vmem>> -> memref<80x16xf32, #tpu.memory_space<vmem>>
      %gather3A_884 = tpu.vector_load_idx %gather3A_883[%add3A_878, %mul3A_3] : memref<80x16xf32, #tpu.memory_space<vmem>>[vector<16xi32>, vector<16xi32>], vector<16xf32>,
      %gather3A_885 = arith.constant 0 : i32
      %gather3A_886 = arith.constant 0 : i32
      %gather3A_887 = arith.constant 0 : i32
      %gather3A_888 = tpu.memref_slice %arg8[%gather3A_885, %gather3A_886, %gather3A_887] : memref<3x80x144xf32, #tpu.memory_space<vmem>> -> memref<1x80x144xf32, #tpu.memory_space<vmem>>
      %gather3A_889 = tpu.memref_squeeze %gather3A_888 : memref<1x80x144xf32, #tpu.memory_space<vmem>> -> memref<80x144xf32, #tpu.memory_space<vmem>>
      %gather3A_890 = tpu.vector_load_idx %gather3A_889[%add3A_878, %broadcast_in_dim3A_4] : memref<80x144xf32, #tpu.memory_space<vmem>>[vector<16xi32>, vector<16xi32>], vector<16xf32>,
      %add3A_891 = arith.addf %gather3A_884, %gather3A_890 : vector<16xf32>
      %gt3A_892 = arith.constant 0.000000e+00 : f32
      %gt3A_893 = vector.broadcast %gt3A_892 : f32 to vector<16xf32>
      %gt3A_894 = arith.cmpf ogt, %add3A_891, %gt3A_893 : vector<16xf32>
      %mul3A_895 = arith.constant 2.000000e-01 : f32
      %mul3A_896 = vector.broadcast %mul3A_895 : f32 to vector<16xf32>
      %mul3A_897 = arith.mulf %mul3A_896, %add3A_891 : vector<16xf32>
      %select_n3A_898 = arith.select %gt3A_894, %add3A_891, %mul3A_897 : vector<16xi1>, vector<16xf32>
      %neg3A_899 = arith.constant 0.000000e+00 : f32
      %neg3A_900 = vector.broadcast %neg3A_899 : f32 to vector<16xf32>
      %neg3A_901 = arith.subf %neg3A_900, %select_n3A_898 : vector<16xf32>
      %exp3A_902 = math.exp %neg3A_901 : vector<16xf32>
      %scatter3A_903 = arith.constant 0 : i32
      %scatter3A_904 = arith.constant 0 : i32
      %scatter3A_905 = arith.constant 0 : i32
      %scatter3A_906 = tpu.memref_slice %arg8[%scatter3A_903, %scatter3A_904, %scatter3A_905] : memref<3x80x144xf32, #tpu.memory_space<vmem>> -> memref<1x80x144xf32, #tpu.memory_space<vmem>>
      %scatter3A_907 = tpu.memref_squeeze %scatter3A_906 : memref<1x80x144xf32, #tpu.memory_space<vmem>> -> memref<80x144xf32, #tpu.memory_space<vmem>>
      tpu.vector_store_idx %scatter3A_907[%add3A_878, %broadcast_in_dim3A_4], %exp3A_902 : memref<80x144xf32, #tpu.memory_space<vmem>>[vector<16xi32>, vector<16xi32>], vector<16xf32>,
      %add3A_908 = arith.constant 32 : i32
      %add3A_909 = vector.broadcast %add3A_908 : i32 to vector<16xi32>
      %add3A_910 = arith.addi %iota3A, %add3A_909 : vector<16xi32>
      %gather3A_911 = arith.constant 1 : i32
      %gather3A_912 = arith.constant 0 : i32
      %gather3A_913 = arith.constant 0 : i32
      %gather3A_914 = tpu.memref_slice %arg9[%gather3A_911, %gather3A_912, %gather3A_913] : memref<2x80x16xf32, #tpu.memory_space<vmem>> -> memref<1x80x16xf32, #tpu.memory_space<vmem>>
      %gather3A_915 = tpu.memref_squeeze %gather3A_914 : memref<1x80x16xf32, #tpu.memory_space<vmem>> -> memref<80x16xf32, #tpu.memory_space<vmem>>
      %gather3A_916 = tpu.vector_load_idx %gather3A_915[%add3A_910, %mul3A_3] : memref<80x16xf32, #tpu.memory_space<vmem>>[vector<16xi32>, vector<16xi32>], vector<16xf32>,
      %gather3A_917 = arith.constant 0 : i32
      %gather3A_918 = arith.constant 0 : i32
      %gather3A_919 = arith.constant 0 : i32
      %gather3A_920 = tpu.memref_slice %arg8[%gather3A_917, %gather3A_918, %gather3A_919] : memref<3x80x144xf32, #tpu.memory_space<vmem>> -> memref<1x80x144xf32, #tpu.memory_space<vmem>>
      %gather3A_921 = tpu.memref_squeeze %gather3A_920 : memref<1x80x144xf32, #tpu.memory_space<vmem>> -> memref<80x144xf32, #tpu.memory_space<vmem>>
      %gather3A_922 = tpu.vector_load_idx %gather3A_921[%add3A_910, %broadcast_in_dim3A_4] : memref<80x144xf32, #tpu.memory_space<vmem>>[vector<16xi32>, vector<16xi32>], vector<16xf32>,
      %add3A_923 = arith.addf %gather3A_916, %gather3A_922 : vector<16xf32>
      %gt3A_924 = arith.constant 0.000000e+00 : f32
      %gt3A_925 = vector.broadcast %gt3A_924 : f32 to vector<16xf32>
      %gt3A_926 = arith.cmpf ogt, %add3A_923, %gt3A_925 : vector<16xf32>
      %mul3A_927 = arith.constant 2.000000e-01 : f32
      %mul3A_928 = vector.broadcast %mul3A_927 : f32 to vector<16xf32>
      %mul3A_929 = arith.mulf %mul3A_928, %add3A_923 : vector<16xf32>
      %select_n3A_930 = arith.select %gt3A_926, %add3A_923, %mul3A_929 : vector<16xi1>, vector<16xf32>
      %neg3A_931 = arith.constant 0.000000e+00 : f32
      %neg3A_932 = vector.broadcast %neg3A_931 : f32 to vector<16xf32>
      %neg3A_933 = arith.subf %neg3A_932, %select_n3A_930 : vector<16xf32>
      %exp3A_934 = math.exp %neg3A_933 : vector<16xf32>
      %scatter3A_935 = arith.constant 0 : i32
      %scatter3A_936 = arith.constant 0 : i32
      %scatter3A_937 = arith.constant 0 : i32
      %scatter3A_938 = tpu.memref_slice %arg8[%scatter3A_935, %scatter3A_936, %scatter3A_937] : memref<3x80x144xf32, #tpu.memory_space<vmem>> -> memref<1x80x144xf32, #tpu.memory_space<vmem>>
      %scatter3A_939 = tpu.memref_squeeze %scatter3A_938 : memref<1x80x144xf32, #tpu.memory_space<vmem>> -> memref<80x144xf32, #tpu.memory_space<vmem>>
      tpu.vector_store_idx %scatter3A_939[%add3A_910, %broadcast_in_dim3A_4], %exp3A_934 : memref<80x144xf32, #tpu.memory_space<vmem>>[vector<16xi32>, vector<16xi32>], vector<16xf32>,
      %add3A_940 = arith.constant 48 : i32
      %add3A_941 = vector.broadcast %add3A_940 : i32 to vector<16xi32>
      %add3A_942 = arith.addi %iota3A, %add3A_941 : vector<16xi32>
      %gather3A_943 = arith.constant 1 : i32
      %gather3A_944 = arith.constant 0 : i32
      %gather3A_945 = arith.constant 0 : i32
      %gather3A_946 = tpu.memref_slice %arg9[%gather3A_943, %gather3A_944, %gather3A_945] : memref<2x80x16xf32, #tpu.memory_space<vmem>> -> memref<1x80x16xf32, #tpu.memory_space<vmem>>
      %gather3A_947 = tpu.memref_squeeze %gather3A_946 : memref<1x80x16xf32, #tpu.memory_space<vmem>> -> memref<80x16xf32, #tpu.memory_space<vmem>>
      %gather3A_948 = tpu.vector_load_idx %gather3A_947[%add3A_942, %mul3A_3] : memref<80x16xf32, #tpu.memory_space<vmem>>[vector<16xi32>, vector<16xi32>], vector<16xf32>,
      %gather3A_949 = arith.constant 0 : i32
      %gather3A_950 = arith.constant 0 : i32
      %gather3A_951 = arith.constant 0 : i32
      %gather3A_952 = tpu.memref_slice %arg8[%gather3A_949, %gather3A_950, %gather3A_951] : memref<3x80x144xf32, #tpu.memory_space<vmem>> -> memref<1x80x144xf32, #tpu.memory_space<vmem>>
      %gather3A_953 = tpu.memref_squeeze %gather3A_952 : memref<1x80x144xf32, #tpu.memory_space<vmem>> -> memref<80x144xf32, #tpu.memory_space<vmem>>
      %gather3A_954 = tpu.vector_load_idx %gather3A_953[%add3A_942, %broadcast_in_dim3A_4] : memref<80x144xf32, #tpu.memory_space<vmem>>[vector<16xi32>, vector<16xi32>], vector<16xf32>,
      %add3A_955 = arith.addf %gather3A_948, %gather3A_954 : vector<16xf32>
      %gt3A_956 = arith.constant 0.000000e+00 : f32
      %gt3A_957 = vector.broadcast %gt3A_956 : f32 to vector<16xf32>
      %gt3A_958 = arith.cmpf ogt, %add3A_955, %gt3A_957 : vector<16xf32>
      %mul3A_959 = arith.constant 2.000000e-01 : f32
      %mul3A_960 = vector.broadcast %mul3A_959 : f32 to vector<16xf32>
      %mul3A_961 = arith.mulf %mul3A_960, %add3A_955 : vector<16xf32>
      %select_n3A_962 = arith.select %gt3A_958, %add3A_955, %mul3A_961 : vector<16xi1>, vector<16xf32>
      %neg3A_963 = arith.constant 0.000000e+00 : f32
      %neg3A_964 = vector.broadcast %neg3A_963 : f32 to vector<16xf32>
      %neg3A_965 = arith.subf %neg3A_964, %select_n3A_962 : vector<16xf32>
      %exp3A_966 = math.exp %neg3A_965 : vector<16xf32>
      %scatter3A_967 = arith.constant 0 : i32
      %scatter3A_968 = arith.constant 0 : i32
      %scatter3A_969 = arith.constant 0 : i32
      %scatter3A_970 = tpu.memref_slice %arg8[%scatter3A_967, %scatter3A_968, %scatter3A_969] : memref<3x80x144xf32, #tpu.memory_space<vmem>> -> memref<1x80x144xf32, #tpu.memory_space<vmem>>
      %scatter3A_971 = tpu.memref_squeeze %scatter3A_970 : memref<1x80x144xf32, #tpu.memory_space<vmem>> -> memref<80x144xf32, #tpu.memory_space<vmem>>
      tpu.vector_store_idx %scatter3A_971[%add3A_942, %broadcast_in_dim3A_4], %exp3A_966 : memref<80x144xf32, #tpu.memory_space<vmem>>[vector<16xi32>, vector<16xi32>], vector<16xf32>,
      %add3A_972 = arith.constant 64 : i32
      %add3A_973 = vector.broadcast %add3A_972 : i32 to vector<16xi32>
      %add3A_974 = arith.addi %iota3A, %add3A_973 : vector<16xi32>
      %gather3A_975 = arith.constant 1 : i32
      %gather3A_976 = arith.constant 0 : i32
      %gather3A_977 = arith.constant 0 : i32
      %gather3A_978 = tpu.memref_slice %arg9[%gather3A_975, %gather3A_976, %gather3A_977] : memref<2x80x16xf32, #tpu.memory_space<vmem>> -> memref<1x80x16xf32, #tpu.memory_space<vmem>>
      %gather3A_979 = tpu.memref_squeeze %gather3A_978 : memref<1x80x16xf32, #tpu.memory_space<vmem>> -> memref<80x16xf32, #tpu.memory_space<vmem>>
      %gather3A_980 = tpu.vector_load_idx %gather3A_979[%add3A_974, %mul3A_3] : memref<80x16xf32, #tpu.memory_space<vmem>>[vector<16xi32>, vector<16xi32>], vector<16xf32>,
      %gather3A_981 = arith.constant 0 : i32
      %gather3A_982 = arith.constant 0 : i32
      %gather3A_983 = arith.constant 0 : i32
      %gather3A_984 = tpu.memref_slice %arg8[%gather3A_981, %gather3A_982, %gather3A_983] : memref<3x80x144xf32, #tpu.memory_space<vmem>> -> memref<1x80x144xf32, #tpu.memory_space<vmem>>
      %gather3A_985 = tpu.memref_squeeze %gather3A_984 : memref<1x80x144xf32, #tpu.memory_space<vmem>> -> memref<80x144xf32, #tpu.memory_space<vmem>>
      %gather3A_986 = tpu.vector_load_idx %gather3A_985[%add3A_974, %broadcast_in_dim3A_4] : memref<80x144xf32, #tpu.memory_space<vmem>>[vector<16xi32>, vector<16xi32>], vector<16xf32>,
      %add3A_987 = arith.addf %gather3A_980, %gather3A_986 : vector<16xf32>
      %gt3A_988 = arith.constant 0.000000e+00 : f32
      %gt3A_989 = vector.broadcast %gt3A_988 : f32 to vector<16xf32>
      %gt3A_990 = arith.cmpf ogt, %add3A_987, %gt3A_989 : vector<16xf32>
      %mul3A_991 = arith.constant 2.000000e-01 : f32
      %mul3A_992 = vector.broadcast %mul3A_991 : f32 to vector<16xf32>
      %mul3A_993 = arith.mulf %mul3A_992, %add3A_987 : vector<16xf32>
      %select_n3A_994 = arith.select %gt3A_990, %add3A_987, %mul3A_993 : vector<16xi1>, vector<16xf32>
      %neg3A_995 = arith.constant 0.000000e+00 : f32
      %neg3A_996 = vector.broadcast %neg3A_995 : f32 to vector<16xf32>
      %neg3A_997 = arith.subf %neg3A_996, %select_n3A_994 : vector<16xf32>
      %exp3A_998 = math.exp %neg3A_997 : vector<16xf32>
      %scatter3A_999 = arith.constant 0 : i32
      %scatter3A_1000 = arith.constant 0 : i32
      %scatter3A_1001 = arith.constant 0 : i32
      %scatter3A_1002 = tpu.memref_slice %arg8[%scatter3A_999, %scatter3A_1000, %scatter3A_1001] : memref<3x80x144xf32, #tpu.memory_space<vmem>> -> memref<1x80x144xf32, #tpu.memory_space<vmem>>
      %scatter3A_1003 = tpu.memref_squeeze %scatter3A_1002 : memref<1x80x144xf32, #tpu.memory_space<vmem>> -> memref<80x144xf32, #tpu.memory_space<vmem>>
      tpu.vector_store_idx %scatter3A_1003[%add3A_974, %broadcast_in_dim3A_4], %exp3A_998 : memref<80x144xf32, #tpu.memory_space<vmem>>[vector<16xi32>, vector<16xi32>], vector<16xf32>,
      %parallel_loop3A_1004 = arith.constant 0 : i32
      %parallel_loop3A_1005 = arith.constant 80 : i32
      %parallel_loop3A_1006 = arith.constant 1 : i32
      %parallel_loop3A_1007 = arith.constant 0 : i32
      scf.for %parallel_loop3A_1485 = %parallel_loop3A_1004 to %parallel_loop3A_1005 step %parallel_loop3A_1006  : i32 {
        %parallel_loop3A_1486 = vector.broadcast %parallel_loop3A_1485 : i32 to vector<16xi32>
        %parallel_loop3A_1487 = arith.constant 0 : i32
        %parallel_loop3A_1488 = arith.constant 0 : i32
        %parallel_loop3A_1489 = tpu.memref_slice %arg8[%parallel_loop3A_1007, %parallel_loop3A_1487, %parallel_loop3A_1488] : memref<3x80x144xf32, #tpu.memory_space<vmem>> -> memref<1x80x144xf32, #tpu.memory_space<vmem>>
        %parallel_loop3A_1490 = tpu.memref_squeeze %parallel_loop3A_1489 : memref<1x80x144xf32, #tpu.memory_space<vmem>> -> memref<80x144xf32, #tpu.memory_space<vmem>>
        %parallel_loop3A_1491 = tpu.vector_load_idx %parallel_loop3A_1490[%parallel_loop3A_1486, %broadcast_in_dim3A_4] : memref<80x144xf32, #tpu.memory_space<vmem>>[vector<16xi32>, vector<16xi32>], vector<16xf32>,
        %parallel_loop3A_1492 = arith.constant 0 : i32
        %parallel_loop3A_1493 = arith.constant 0 : i32
        %parallel_loop3A_1494 = tpu.memref_slice %arg8[%parallel_loop3A_1007, %parallel_loop3A_1492, %parallel_loop3A_1493] : memref<3x80x144xf32, #tpu.memory_space<vmem>> -> memref<1x80x144xf32, #tpu.memory_space<vmem>>
        %parallel_loop3A_1495 = tpu.memref_squeeze %parallel_loop3A_1494 : memref<1x80x144xf32, #tpu.memory_space<vmem>> -> memref<80x144xf32, #tpu.memory_space<vmem>>
        %parallel_loop3A_1496 = arith.index_cast %parallel_loop3A_1485 : i32 to index
        %parallel_loop3A_1497 = arith.constant 0 : index
        %parallel_loop3A_1498 = tpu.vector_load %parallel_loop3A_1495[%parallel_loop3A_1496, %parallel_loop3A_1497] {strides = array<i32>} : memref<80x144xf32, #tpu.memory_space<vmem>>, vector<16xf32>,
        %parallel_loop3A_1499 = arith.mulf %parallel_loop3A_1498, %parallel_loop3A_1491 : vector<16xf32>
        %parallel_loop3A_1500 = arith.constant 0 : i32
        %parallel_loop3A_1501 = arith.constant 0 : i32
        %parallel_loop3A_1502 = tpu.memref_slice %arg8[%parallel_loop3A_1007, %parallel_loop3A_1500, %parallel_loop3A_1501] : memref<3x80x144xf32, #tpu.memory_space<vmem>> -> memref<1x80x144xf32, #tpu.memory_space<vmem>>
        %parallel_loop3A_1503 = tpu.memref_squeeze %parallel_loop3A_1502 : memref<1x80x144xf32, #tpu.memory_space<vmem>> -> memref<80x144xf32, #tpu.memory_space<vmem>>
        %parallel_loop3A_1504 = arith.index_cast %parallel_loop3A_1485 : i32 to index
        %parallel_loop3A_1505 = arith.constant 0 : index
        %parallel_loop3A_1506 = tpu.vector_load %parallel_loop3A_1503[%parallel_loop3A_1504, %parallel_loop3A_1505] {strides = array<i32>} : memref<80x144xf32, #tpu.memory_space<vmem>>, vector<16xf32>,
        tpu.vector_store %parallel_loop3A_1503[%parallel_loop3A_1504, %parallel_loop3A_1505], %parallel_loop3A_1499 {strides = array<i32>} : memref<80x144xf32, #tpu.memory_space<vmem>>, vector<16xf32>,
        %parallel_loop3A_1507 = arith.constant 0 : i32
        %parallel_loop3A_1508 = arith.constant 0 : i32
        %parallel_loop3A_1509 = tpu.memref_slice %arg8[%parallel_loop3A_1007, %parallel_loop3A_1507, %parallel_loop3A_1508] : memref<3x80x144xf32, #tpu.memory_space<vmem>> -> memref<1x80x144xf32, #tpu.memory_space<vmem>>
        %parallel_loop3A_1510 = tpu.memref_squeeze %parallel_loop3A_1509 : memref<1x80x144xf32, #tpu.memory_space<vmem>> -> memref<80x144xf32, #tpu.memory_space<vmem>>
        %parallel_loop3A_1511 = arith.index_cast %parallel_loop3A_1485 : i32 to index
        %parallel_loop3A_1512 = arith.constant 16 : index
        %parallel_loop3A_1513 = tpu.vector_load %parallel_loop3A_1510[%parallel_loop3A_1511, %parallel_loop3A_1512] {strides = array<i32>} : memref<80x144xf32, #tpu.memory_space<vmem>>, vector<16xf32>,
        %parallel_loop3A_1514 = arith.mulf %parallel_loop3A_1513, %parallel_loop3A_1491 : vector<16xf32>
        %parallel_loop3A_1515 = arith.constant 0 : i32
        %parallel_loop3A_1516 = arith.constant 0 : i32
        %parallel_loop3A_1517 = tpu.memref_slice %arg8[%parallel_loop3A_1007, %parallel_loop3A_1515, %parallel_loop3A_1516] : memref<3x80x144xf32, #tpu.memory_space<vmem>> -> memref<1x80x144xf32, #tpu.memory_space<vmem>>
        %parallel_loop3A_1518 = tpu.memref_squeeze %parallel_loop3A_1517 : memref<1x80x144xf32, #tpu.memory_space<vmem>> -> memref<80x144xf32, #tpu.memory_space<vmem>>
        %parallel_loop3A_1519 = arith.index_cast %parallel_loop3A_1485 : i32 to index
        %parallel_loop3A_1520 = arith.constant 16 : index
        %parallel_loop3A_1521 = tpu.vector_load %parallel_loop3A_1518[%parallel_loop3A_1519, %parallel_loop3A_1520] {strides = array<i32>} : memref<80x144xf32, #tpu.memory_space<vmem>>, vector<16xf32>,
        tpu.vector_store %parallel_loop3A_1518[%parallel_loop3A_1519, %parallel_loop3A_1520], %parallel_loop3A_1514 {strides = array<i32>} : memref<80x144xf32, #tpu.memory_space<vmem>>, vector<16xf32>,
        %parallel_loop3A_1522 = arith.constant 0 : i32
        %parallel_loop3A_1523 = arith.constant 0 : i32
        %parallel_loop3A_1524 = tpu.memref_slice %arg8[%parallel_loop3A_1007, %parallel_loop3A_1522, %parallel_loop3A_1523] : memref<3x80x144xf32, #tpu.memory_space<vmem>> -> memref<1x80x144xf32, #tpu.memory_space<vmem>>
        %parallel_loop3A_1525 = tpu.memref_squeeze %parallel_loop3A_1524 : memref<1x80x144xf32, #tpu.memory_space<vmem>> -> memref<80x144xf32, #tpu.memory_space<vmem>>
        %parallel_loop3A_1526 = arith.index_cast %parallel_loop3A_1485 : i32 to index
        %parallel_loop3A_1527 = arith.constant 32 : index
        %parallel_loop3A_1528 = tpu.vector_load %parallel_loop3A_1525[%parallel_loop3A_1526, %parallel_loop3A_1527] {strides = array<i32>} : memref<80x144xf32, #tpu.memory_space<vmem>>, vector<16xf32>,
        %parallel_loop3A_1529 = arith.mulf %parallel_loop3A_1528, %parallel_loop3A_1491 : vector<16xf32>
        %parallel_loop3A_1530 = arith.constant 0 : i32
        %parallel_loop3A_1531 = arith.constant 0 : i32
        %parallel_loop3A_1532 = tpu.memref_slice %arg8[%parallel_loop3A_1007, %parallel_loop3A_1530, %parallel_loop3A_1531] : memref<3x80x144xf32, #tpu.memory_space<vmem>> -> memref<1x80x144xf32, #tpu.memory_space<vmem>>
        %parallel_loop3A_1533 = tpu.memref_squeeze %parallel_loop3A_1532 : memref<1x80x144xf32, #tpu.memory_space<vmem>> -> memref<80x144xf32, #tpu.memory_space<vmem>>
        %parallel_loop3A_1534 = arith.index_cast %parallel_loop3A_1485 : i32 to index
        %parallel_loop3A_1535 = arith.constant 32 : index
        %parallel_loop3A_1536 = tpu.vector_load %parallel_loop3A_1533[%parallel_loop3A_1534, %parallel_loop3A_1535] {strides = array<i32>} : memref<80x144xf32, #tpu.memory_space<vmem>>, vector<16xf32>,
        tpu.vector_store %parallel_loop3A_1533[%parallel_loop3A_1534, %parallel_loop3A_1535], %parallel_loop3A_1529 {strides = array<i32>} : memref<80x144xf32, #tpu.memory_space<vmem>>, vector<16xf32>,
        %parallel_loop3A_1537 = arith.constant 0 : i32
        %parallel_loop3A_1538 = arith.constant 0 : i32
        %parallel_loop3A_1539 = tpu.memref_slice %arg8[%parallel_loop3A_1007, %parallel_loop3A_1537, %parallel_loop3A_1538] : memref<3x80x144xf32, #tpu.memory_space<vmem>> -> memref<1x80x144xf32, #tpu.memory_space<vmem>>
        %parallel_loop3A_1540 = tpu.memref_squeeze %parallel_loop3A_1539 : memref<1x80x144xf32, #tpu.memory_space<vmem>> -> memref<80x144xf32, #tpu.memory_space<vmem>>
        %parallel_loop3A_1541 = arith.index_cast %parallel_loop3A_1485 : i32 to index
        %parallel_loop3A_1542 = arith.constant 48 : index
        %parallel_loop3A_1543 = tpu.vector_load %parallel_loop3A_1540[%parallel_loop3A_1541, %parallel_loop3A_1542] {strides = array<i32>} : memref<80x144xf32, #tpu.memory_space<vmem>>, vector<16xf32>,
        %parallel_loop3A_1544 = arith.mulf %parallel_loop3A_1543, %parallel_loop3A_1491 : vector<16xf32>
        %parallel_loop3A_1545 = arith.constant 0 : i32
        %parallel_loop3A_1546 = arith.constant 0 : i32
        %parallel_loop3A_1547 = tpu.memref_slice %arg8[%parallel_loop3A_1007, %parallel_loop3A_1545, %parallel_loop3A_1546] : memref<3x80x144xf32, #tpu.memory_space<vmem>> -> memref<1x80x144xf32, #tpu.memory_space<vmem>>
        %parallel_loop3A_1548 = tpu.memref_squeeze %parallel_loop3A_1547 : memref<1x80x144xf32, #tpu.memory_space<vmem>> -> memref<80x144xf32, #tpu.memory_space<vmem>>
        %parallel_loop3A_1549 = arith.index_cast %parallel_loop3A_1485 : i32 to index
        %parallel_loop3A_1550 = arith.constant 48 : index
        %parallel_loop3A_1551 = tpu.vector_load %parallel_loop3A_1548[%parallel_loop3A_1549, %parallel_loop3A_1550] {strides = array<i32>} : memref<80x144xf32, #tpu.memory_space<vmem>>, vector<16xf32>,
        tpu.vector_store %parallel_loop3A_1548[%parallel_loop3A_1549, %parallel_loop3A_1550], %parallel_loop3A_1544 {strides = array<i32>} : memref<80x144xf32, #tpu.memory_space<vmem>>, vector<16xf32>,
        %parallel_loop3A_1552 = arith.constant 0 : i32
        %parallel_loop3A_1553 = arith.constant 0 : i32
        %parallel_loop3A_1554 = tpu.memref_slice %arg8[%parallel_loop3A_1007, %parallel_loop3A_1552, %parallel_loop3A_1553] : memref<3x80x144xf32, #tpu.memory_space<vmem>> -> memref<1x80x144xf32, #tpu.memory_space<vmem>>
        %parallel_loop3A_1555 = tpu.memref_squeeze %parallel_loop3A_1554 : memref<1x80x144xf32, #tpu.memory_space<vmem>> -> memref<80x144xf32, #tpu.memory_space<vmem>>
        %parallel_loop3A_1556 = arith.index_cast %parallel_loop3A_1485 : i32 to index
        %parallel_loop3A_1557 = arith.constant 64 : index
        %parallel_loop3A_1558 = tpu.vector_load %parallel_loop3A_1555[%parallel_loop3A_1556, %parallel_loop3A_1557] {strides = array<i32>} : memref<80x144xf32, #tpu.memory_space<vmem>>, vector<16xf32>,
        %parallel_loop3A_1559 = arith.mulf %parallel_loop3A_1558, %parallel_loop3A_1491 : vector<16xf32>
        %parallel_loop3A_1560 = arith.constant 0 : i32
        %parallel_loop3A_1561 = arith.constant 0 : i32
        %parallel_loop3A_1562 = tpu.memref_slice %arg8[%parallel_loop3A_1007, %parallel_loop3A_1560, %parallel_loop3A_1561] : memref<3x80x144xf32, #tpu.memory_space<vmem>> -> memref<1x80x144xf32, #tpu.memory_space<vmem>>
        %parallel_loop3A_1563 = tpu.memref_squeeze %parallel_loop3A_1562 : memref<1x80x144xf32, #tpu.memory_space<vmem>> -> memref<80x144xf32, #tpu.memory_space<vmem>>
        %parallel_loop3A_1564 = arith.index_cast %parallel_loop3A_1485 : i32 to index
        %parallel_loop3A_1565 = arith.constant 64 : index
        %parallel_loop3A_1566 = tpu.vector_load %parallel_loop3A_1563[%parallel_loop3A_1564, %parallel_loop3A_1565] {strides = array<i32>} : memref<80x144xf32, #tpu.memory_space<vmem>>, vector<16xf32>,
        tpu.vector_store %parallel_loop3A_1563[%parallel_loop3A_1564, %parallel_loop3A_1565], %parallel_loop3A_1559 {strides = array<i32>} : memref<80x144xf32, #tpu.memory_space<vmem>>, vector<16xf32>,
        %parallel_loop3A_1567 = arith.constant 0 : i32
        %parallel_loop3A_1568 = arith.constant 0 : i32
        %parallel_loop3A_1569 = tpu.memref_slice %arg8[%parallel_loop3A_1007, %parallel_loop3A_1567, %parallel_loop3A_1568] : memref<3x80x144xf32, #tpu.memory_space<vmem>> -> memref<1x80x144xf32, #tpu.memory_space<vmem>>
        %parallel_loop3A_1570 = tpu.memref_squeeze %parallel_loop3A_1569 : memref<1x80x144xf32, #tpu.memory_space<vmem>> -> memref<80x144xf32, #tpu.memory_space<vmem>>
        %parallel_loop3A_1571 = arith.index_cast %parallel_loop3A_1485 : i32 to index
        %parallel_loop3A_1572 = arith.constant 80 : index
        %parallel_loop3A_1573 = tpu.vector_load %parallel_loop3A_1570[%parallel_loop3A_1571, %parallel_loop3A_1572] {strides = array<i32>} : memref<80x144xf32, #tpu.memory_space<vmem>>, vector<16xf32>,
        %parallel_loop3A_1574 = arith.mulf %parallel_loop3A_1573, %parallel_loop3A_1491 : vector<16xf32>
        %parallel_loop3A_1575 = arith.constant 0 : i32
        %parallel_loop3A_1576 = arith.constant 0 : i32
        %parallel_loop3A_1577 = tpu.memref_slice %arg8[%parallel_loop3A_1007, %parallel_loop3A_1575, %parallel_loop3A_1576] : memref<3x80x144xf32, #tpu.memory_space<vmem>> -> memref<1x80x144xf32, #tpu.memory_space<vmem>>
        %parallel_loop3A_1578 = tpu.memref_squeeze %parallel_loop3A_1577 : memref<1x80x144xf32, #tpu.memory_space<vmem>> -> memref<80x144xf32, #tpu.memory_space<vmem>>
        %parallel_loop3A_1579 = arith.index_cast %parallel_loop3A_1485 : i32 to index
        %parallel_loop3A_1580 = arith.constant 80 : index
        %parallel_loop3A_1581 = tpu.vector_load %parallel_loop3A_1578[%parallel_loop3A_1579, %parallel_loop3A_1580] {strides = array<i32>} : memref<80x144xf32, #tpu.memory_space<vmem>>, vector<16xf32>,
        tpu.vector_store %parallel_loop3A_1578[%parallel_loop3A_1579, %parallel_loop3A_1580], %parallel_loop3A_1574 {strides = array<i32>} : memref<80x144xf32, #tpu.memory_space<vmem>>, vector<16xf32>,
        %parallel_loop3A_1582 = arith.constant 0 : i32
        %parallel_loop3A_1583 = arith.constant 0 : i32
        %parallel_loop3A_1584 = tpu.memref_slice %arg8[%parallel_loop3A_1007, %parallel_loop3A_1582, %parallel_loop3A_1583] : memref<3x80x144xf32, #tpu.memory_space<vmem>> -> memref<1x80x144xf32, #tpu.memory_space<vmem>>
        %parallel_loop3A_1585 = tpu.memref_squeeze %parallel_loop3A_1584 : memref<1x80x144xf32, #tpu.memory_space<vmem>> -> memref<80x144xf32, #tpu.memory_space<vmem>>
        %parallel_loop3A_1586 = arith.index_cast %parallel_loop3A_1485 : i32 to index
        %parallel_loop3A_1587 = arith.constant 96 : index
        %parallel_loop3A_1588 = tpu.vector_load %parallel_loop3A_1585[%parallel_loop3A_1586, %parallel_loop3A_1587] {strides = array<i32>} : memref<80x144xf32, #tpu.memory_space<vmem>>, vector<16xf32>,
        %parallel_loop3A_1589 = arith.mulf %parallel_loop3A_1588, %parallel_loop3A_1491 : vector<16xf32>
        %parallel_loop3A_1590 = arith.constant 0 : i32
        %parallel_loop3A_1591 = arith.constant 0 : i32
        %parallel_loop3A_1592 = tpu.memref_slice %arg8[%parallel_loop3A_1007, %parallel_loop3A_1590, %parallel_loop3A_1591] : memref<3x80x144xf32, #tpu.memory_space<vmem>> -> memref<1x80x144xf32, #tpu.memory_space<vmem>>
        %parallel_loop3A_1593 = tpu.memref_squeeze %parallel_loop3A_1592 : memref<1x80x144xf32, #tpu.memory_space<vmem>> -> memref<80x144xf32, #tpu.memory_space<vmem>>
        %parallel_loop3A_1594 = arith.index_cast %parallel_loop3A_1485 : i32 to index
        %parallel_loop3A_1595 = arith.constant 96 : index
        %parallel_loop3A_1596 = tpu.vector_load %parallel_loop3A_1593[%parallel_loop3A_1594, %parallel_loop3A_1595] {strides = array<i32>} : memref<80x144xf32, #tpu.memory_space<vmem>>, vector<16xf32>,
        tpu.vector_store %parallel_loop3A_1593[%parallel_loop3A_1594, %parallel_loop3A_1595], %parallel_loop3A_1589 {strides = array<i32>} : memref<80x144xf32, #tpu.memory_space<vmem>>, vector<16xf32>,
        %parallel_loop3A_1597 = arith.constant 0 : i32
        %parallel_loop3A_1598 = arith.constant 0 : i32
        %parallel_loop3A_1599 = tpu.memref_slice %arg8[%parallel_loop3A_1007, %parallel_loop3A_1597, %parallel_loop3A_1598] : memref<3x80x144xf32, #tpu.memory_space<vmem>> -> memref<1x80x144xf32, #tpu.memory_space<vmem>>
        %parallel_loop3A_1600 = tpu.memref_squeeze %parallel_loop3A_1599 : memref<1x80x144xf32, #tpu.memory_space<vmem>> -> memref<80x144xf32, #tpu.memory_space<vmem>>
        %parallel_loop3A_1601 = arith.index_cast %parallel_loop3A_1485 : i32 to index
        %parallel_loop3A_1602 = arith.constant 112 : index
        %parallel_loop3A_1603 = tpu.vector_load %parallel_loop3A_1600[%parallel_loop3A_1601, %parallel_loop3A_1602] {strides = array<i32>} : memref<80x144xf32, #tpu.memory_space<vmem>>, vector<16xf32>,
        %parallel_loop3A_1604 = arith.mulf %parallel_loop3A_1603, %parallel_loop3A_1491 : vector<16xf32>
        %parallel_loop3A_1605 = arith.constant 0 : i32
        %parallel_loop3A_1606 = arith.constant 0 : i32
        %parallel_loop3A_1607 = tpu.memref_slice %arg8[%parallel_loop3A_1007, %parallel_loop3A_1605, %parallel_loop3A_1606] : memref<3x80x144xf32, #tpu.memory_space<vmem>> -> memref<1x80x144xf32, #tpu.memory_space<vmem>>
        %parallel_loop3A_1608 = tpu.memref_squeeze %parallel_loop3A_1607 : memref<1x80x144xf32, #tpu.memory_space<vmem>> -> memref<80x144xf32, #tpu.memory_space<vmem>>
        %parallel_loop3A_1609 = arith.index_cast %parallel_loop3A_1485 : i32 to index
        %parallel_loop3A_1610 = arith.constant 112 : index
        %parallel_loop3A_1611 = tpu.vector_load %parallel_loop3A_1608[%parallel_loop3A_1609, %parallel_loop3A_1610] {strides = array<i32>} : memref<80x144xf32, #tpu.memory_space<vmem>>, vector<16xf32>,
        tpu.vector_store %parallel_loop3A_1608[%parallel_loop3A_1609, %parallel_loop3A_1610], %parallel_loop3A_1604 {strides = array<i32>} : memref<80x144xf32, #tpu.memory_space<vmem>>, vector<16xf32>,
      } {sc.loop_unroll_factor = 2 : i64, sc.parallel_access}
      %dma_start3A_1008 = arith.constant 0 : i32
      %dma_start3A_1009 = arith.constant 3 : i32
      %dma_start3A_1010 = arith.constant 0 : i32
      %dma_start3A_1011 = arith.constant 0 : i32
      %dma_start3A_1012 = arith.constant 0 : i32
      %dma_start3A_1013 = tpu.memref_slice %arg8[%dma_start3A_1008, %dma_start3A_1011, %dma_start3A_1012] : memref<3x80x144xf32, #tpu.memory_space<vmem>> -> memref<1x80x144xf32, #tpu.memory_space<vmem>>
      %dma_start3A_1014 = tpu.memref_squeeze %dma_start3A_1013 : memref<1x80x144xf32, #tpu.memory_space<vmem>> -> memref<80x144xf32, #tpu.memory_space<vmem>>
      %dma_start3A_1015 = arith.constant 0 : i32
      %dma_start3A_1016 = tpu.memref_slice %arg7[%dma_start3A_1009, %dma_start3A_1010, %dma_start3A_1015] : memref<6x2x80xi32, #tpu.memory_space<vmem>> -> memref<1x1x80xi32, #tpu.memory_space<vmem>>
      %dma_start3A_1017 = tpu.memref_squeeze %dma_start3A_1016 : memref<1x1x80xi32, #tpu.memory_space<vmem>> -> memref<80xi32, #tpu.memory_space<vmem>>
      %dma_start3A_1018 = arith.constant 0 : i32
      %dma_start3A_1019 = arith.constant 0 : i32
      %dma_start3A_1020 = tpu.memref_slice %arg10[%dma_start3A_1018, %dma_start3A_1019] : memref<10240x144xf32, #tpu.memory_space<vmem_shared>> -> memref<10240x144xf32, #tpu.memory_space<vmem_shared>>
      tpu.enqueue_indirect_dma source(%dma_start3A_1014 : memref<80x144xf32, #tpu.memory_space<vmem>>) target(%dma_start3A_1020 : memref<10240x144xf32, #tpu.memory_space<vmem_shared>>) offsets(%dma_start3A_1017 : memref<80xi32, #tpu.memory_space<vmem>>) semaphore(%arg16 : memref<!tpu.dma_semaphore, #tpu.memory_space<semaphore_mem>>) {add = true}
      %add3A_1021 = arith.constant 4 : i32
      %add3A_1022 = arith.addi %mul3A_102, %add3A_1021 : i32
      %gt3A_1023 = arith.constant 1 : i32
      %gt3A_1024 = arith.cmpi sgt, %add3A_1022, %gt3A_1023 : i32
      %convert_element_type3A_1025 = arith.extui %gt3A_1024 : i1 to i32
      %cond3A_1026 = arith.constant 0 : i32
      %cond3A_1027 = arith.cmpi ne, %convert_element_type3A_1025, %cond3A_1026 : i32
      scf.if %cond3A_1027 {
        %dma_wait3A_1485 = arith.constant 2 : i32
        %dma_wait3A_1486 = arith.constant 2 : i32
        %dma_wait3A_1487 = arith.constant 0 : i32
        %dma_wait3A_1488 = arith.constant 0 : i32
        %dma_wait3A_1489 = arith.constant 0 : i32
        %dma_wait3A_1490 = tpu.memref_slice %arg8[%dma_wait3A_1485, %dma_wait3A_1488, %dma_wait3A_1489] : memref<3x80x144xf32, #tpu.memory_space<vmem>> -> memref<1x80x144xf32, #tpu.memory_space<vmem>>
        %dma_wait3A_1491 = tpu.memref_squeeze %dma_wait3A_1490 : memref<1x80x144xf32, #tpu.memory_space<vmem>> -> memref<80x144xf32, #tpu.memory_space<vmem>>
        %dma_wait3A_1492 = arith.constant 0 : i32
        %dma_wait3A_1493 = tpu.memref_slice %arg7[%dma_wait3A_1486, %dma_wait3A_1487, %dma_wait3A_1492] : memref<6x2x80xi32, #tpu.memory_space<vmem>> -> memref<1x1x80xi32, #tpu.memory_space<vmem>>
        %dma_wait3A_1494 = tpu.memref_squeeze %dma_wait3A_1493 : memref<1x1x80xi32, #tpu.memory_space<vmem>> -> memref<80xi32, #tpu.memory_space<vmem>>
        %dma_wait3A_1495 = arith.constant 0 : i32
        %dma_wait3A_1496 = arith.constant 0 : i32
        %dma_wait3A_1497 = tpu.memref_slice %arg10[%dma_wait3A_1495, %dma_wait3A_1496] : memref<10240x144xf32, #tpu.memory_space<vmem_shared>> -> memref<10240x144xf32, #tpu.memory_space<vmem_shared>>
        tpu.wait_indirect_dma semaphore(%arg18 : memref<!tpu.dma_semaphore, #tpu.memory_space<semaphore_mem>>) src(%dma_wait3A_1491 : memref<80x144xf32, #tpu.memory_space<vmem>>) dst(%dma_wait3A_1497 : memref<10240x144xf32, #tpu.memory_space<vmem_shared>>)
      } else {
      }
      %add3A_1028 = arith.constant 2 : i32
      %add3A_1029 = arith.addi %add3A_1022, %add3A_1028 : i32
      %lt3A_1030 = arith.constant 252 : i32
      %lt3A_1031 = arith.cmpi slt, %add3A_1029, %lt3A_1030 : i32
      %convert_element_type3A_1032 = arith.extui %lt3A_1031 : i1 to i32
      %cond3A_1033 = arith.constant 0 : i32
      %cond3A_1034 = arith.cmpi ne, %convert_element_type3A_1032, %cond3A_1033 : i32
      scf.if %cond3A_1034 {
        %add3A_1485 = arith.constant 2 : i32
        %add3A_1486 = arith.addi %add3A_1022, %add3A_1485 : i32
        %dma_start3A_1487 = arith.constant 0 : i32
        %dma_start3A_1488 = arith.constant 0 : i32
        %dma_start3A_1489 = arith.constant 0 : i32
        %dma_start3A_1490 = tpu.memref_slice %arg7[%dma_start3A_1487, %dma_start3A_1488, %dma_start3A_1489] : memref<6x2x80xi32, #tpu.memory_space<vmem>> -> memref<1x2x80xi32, #tpu.memory_space<vmem>>
        %dma_start3A_1491 = tpu.memref_squeeze %dma_start3A_1490 : memref<1x2x80xi32, #tpu.memory_space<vmem>> -> memref<2x80xi32, #tpu.memory_space<vmem>>
        %dma_start3A_1492 = arith.constant 0 : i32
        %dma_start3A_1493 = arith.constant 0 : i32
        %dma_start3A_1494 = arith.constant 0 : i32
        %dma_start3A_1495 = tpu.memref_slice %arg4[%arg0, %arg1, %dma_start3A_1492, %dma_start3A_1493, %dma_start3A_1494] : memref<2x16x252x2x80xi32, #tpu.memory_space<hbm>> -> memref<1x1x252x2x80xi32, #tpu.memory_space<hbm>>
        %dma_start3A_1496 = tpu.memref_squeeze %dma_start3A_1495 : memref<1x1x252x2x80xi32, #tpu.memory_space<hbm>> -> memref<252x2x80xi32, #tpu.memory_space<hbm>>
        %dma_start3A_1497 = arith.constant 0 : i32
        %dma_start3A_1498 = arith.constant 0 : i32
        %dma_start3A_1499 = tpu.memref_slice %dma_start3A_1496[%add3A_1486, %dma_start3A_1497, %dma_start3A_1498] : memref<252x2x80xi32, #tpu.memory_space<hbm>> -> memref<1x2x80xi32, #tpu.memory_space<hbm>>
        %dma_start3A_1500 = tpu.memref_squeeze %dma_start3A_1499 : memref<1x2x80xi32, #tpu.memory_space<hbm>> -> memref<2x80xi32, #tpu.memory_space<hbm>>
        %dma_start3A_1501 = arith.constant 0 : i32
        %dma_start3A_1502 = arith.constant 0 : i32
        %dma_start3A_1503 = tpu.memref_slice %arg7[%dma_start3A_1487, %dma_start3A_1501, %dma_start3A_1502] : memref<6x2x80xi32, #tpu.memory_space<vmem>> -> memref<1x2x80xi32, #tpu.memory_space<vmem>>
        %dma_start3A_1504 = tpu.memref_squeeze %dma_start3A_1503 : memref<1x2x80xi32, #tpu.memory_space<vmem>> -> memref<2x80xi32, #tpu.memory_space<vmem>>
        %dma_start3A_1505 = arith.constant 0 : i32
        %dma_start3A_1506 = arith.constant 0 : i32
        %dma_start3A_1507 = arith.constant 0 : i32
        %dma_start3A_1508 = tpu.memref_slice %arg4[%arg0, %arg1, %dma_start3A_1505, %dma_start3A_1506, %dma_start3A_1507] : memref<2x16x252x2x80xi32, #tpu.memory_space<hbm>> -> memref<1x1x252x2x80xi32, #tpu.memory_space<hbm>>
        %dma_start3A_1509 = tpu.memref_squeeze %dma_start3A_1508 : memref<1x1x252x2x80xi32, #tpu.memory_space<hbm>> -> memref<252x2x80xi32, #tpu.memory_space<hbm>>
        %dma_start3A_1510 = arith.constant 0 : i32
        %dma_start3A_1511 = arith.constant 0 : i32
        %dma_start3A_1512 = tpu.memref_slice %dma_start3A_1509[%add3A_1486, %dma_start3A_1510, %dma_start3A_1511] : memref<252x2x80xi32, #tpu.memory_space<hbm>> -> memref<1x2x80xi32, #tpu.memory_space<hbm>>
        %dma_start3A_1513 = tpu.memref_squeeze %dma_start3A_1512 : memref<1x2x80xi32, #tpu.memory_space<hbm>> -> memref<2x80xi32, #tpu.memory_space<hbm>>
        tpu.enqueue_dma source(%dma_start3A_1513 : memref<2x80xi32, #tpu.memory_space<hbm>>) target(%dma_start3A_1504 : memref<2x80xi32, #tpu.memory_space<vmem>>) target_semaphore(%arg14 : memref<!tpu.dma_semaphore, #tpu.memory_space<semaphore_mem>>)
      } else {
      }
      %add3A_1035 = arith.constant 1 : i32
      %add3A_1036 = arith.addi %add3A_1022, %add3A_1035 : i32
      %lt3A_1037 = arith.constant 252 : i32
      %lt3A_1038 = arith.cmpi slt, %add3A_1036, %lt3A_1037 : i32
      %convert_element_type3A_1039 = arith.extui %lt3A_1038 : i1 to i32
      %cond3A_1040 = arith.constant 0 : i32
      %cond3A_1041 = arith.cmpi ne, %convert_element_type3A_1039, %cond3A_1040 : i32
      scf.if %cond3A_1041 {
        %add3A_1485 = arith.constant 1 : i32
        %add3A_1486 = arith.addi %add3A_1022, %add3A_1485 : i32
        %dma_wait3A_1487 = arith.constant 5 : i32
        %dma_wait3A_1488 = arith.constant 0 : i32
        %dma_wait3A_1489 = arith.constant 0 : i32
        %dma_wait3A_1490 = tpu.memref_slice %arg7[%dma_wait3A_1487, %dma_wait3A_1488, %dma_wait3A_1489] : memref<6x2x80xi32, #tpu.memory_space<vmem>> -> memref<1x2x80xi32, #tpu.memory_space<vmem>>
        %dma_wait3A_1491 = tpu.memref_squeeze %dma_wait3A_1490 : memref<1x2x80xi32, #tpu.memory_space<vmem>> -> memref<2x80xi32, #tpu.memory_space<vmem>>
        %dma_wait3A_1492 = arith.constant 0 : i32
        %dma_wait3A_1493 = arith.constant 0 : i32
        %dma_wait3A_1494 = arith.constant 0 : i32
        %dma_wait3A_1495 = tpu.memref_slice %arg4[%arg0, %arg1, %dma_wait3A_1492, %dma_wait3A_1493, %dma_wait3A_1494] : memref<2x16x252x2x80xi32, #tpu.memory_space<hbm>> -> memref<1x1x252x2x80xi32, #tpu.memory_space<hbm>>
        %dma_wait3A_1496 = tpu.memref_squeeze %dma_wait3A_1495 : memref<1x1x252x2x80xi32, #tpu.memory_space<hbm>> -> memref<252x2x80xi32, #tpu.memory_space<hbm>>
        %dma_wait3A_1497 = arith.constant 0 : i32
        %dma_wait3A_1498 = arith.constant 0 : i32
        %dma_wait3A_1499 = tpu.memref_slice %dma_wait3A_1496[%add3A_1486, %dma_wait3A_1497, %dma_wait3A_1498] : memref<252x2x80xi32, #tpu.memory_space<hbm>> -> memref<1x2x80xi32, #tpu.memory_space<hbm>>
        %dma_wait3A_1500 = tpu.memref_squeeze %dma_wait3A_1499 : memref<1x2x80xi32, #tpu.memory_space<hbm>> -> memref<2x80xi32, #tpu.memory_space<hbm>>
        %dma_wait3A_1501 = arith.constant 0 : i32
        %dma_wait3A_1502 = arith.constant 0 : i32
        %dma_wait3A_1503 = tpu.memref_slice %arg7[%dma_wait3A_1487, %dma_wait3A_1501, %dma_wait3A_1502] : memref<6x2x80xi32, #tpu.memory_space<vmem>> -> memref<1x2x80xi32, #tpu.memory_space<vmem>>
        %dma_wait3A_1504 = tpu.memref_squeeze %dma_wait3A_1503 : memref<1x2x80xi32, #tpu.memory_space<vmem>> -> memref<2x80xi32, #tpu.memory_space<vmem>>
        %dma_wait3A_1505 = arith.constant 0 : i32
        %dma_wait3A_1506 = arith.constant 0 : i32
        %dma_wait3A_1507 = arith.constant 0 : i32
        %dma_wait3A_1508 = tpu.memref_slice %arg4[%arg0, %arg1, %dma_wait3A_1505, %dma_wait3A_1506, %dma_wait3A_1507] : memref<2x16x252x2x80xi32, #tpu.memory_space<hbm>> -> memref<1x1x252x2x80xi32, #tpu.memory_space<hbm>>
        %dma_wait3A_1509 = tpu.memref_squeeze %dma_wait3A_1508 : memref<1x1x252x2x80xi32, #tpu.memory_space<hbm>> -> memref<252x2x80xi32, #tpu.memory_space<hbm>>
        %dma_wait3A_1510 = arith.constant 0 : i32
        %dma_wait3A_1511 = arith.constant 0 : i32
        %dma_wait3A_1512 = tpu.memref_slice %dma_wait3A_1509[%add3A_1486, %dma_wait3A_1510, %dma_wait3A_1511] : memref<252x2x80xi32, #tpu.memory_space<hbm>> -> memref<1x2x80xi32, #tpu.memory_space<hbm>>
        %dma_wait3A_1513 = tpu.memref_squeeze %dma_wait3A_1512 : memref<1x2x80xi32, #tpu.memory_space<hbm>> -> memref<2x80xi32, #tpu.memory_space<hbm>>
        tpu.wait_dma2 semaphore(%arg15 : memref<!tpu.dma_semaphore, #tpu.memory_space<semaphore_mem>>) src(%dma_wait3A_1513 : memref<2x80xi32, #tpu.memory_space<hbm>>) dst(%dma_wait3A_1504 : memref<2x80xi32, #tpu.memory_space<vmem>>)
        %dma_start3A_1514 = arith.constant 5 : i32
        %dma_start3A_1515 = arith.constant 1 : i32
        %dma_start3A_1516 = arith.constant 2 : i32
        %dma_start3A_1517 = arith.constant 0 : i32
        %dma_start3A_1518 = arith.constant 0 : i32
        %dma_start3A_1519 = tpu.memref_slice %arg8[%dma_start3A_1516, %dma_start3A_1517, %dma_start3A_1518] : memref<3x80x144xf32, #tpu.memory_space<vmem>> -> memref<1x80x144xf32, #tpu.memory_space<vmem>>
        %dma_start3A_1520 = tpu.memref_squeeze %dma_start3A_1519 : memref<1x80x144xf32, #tpu.memory_space<vmem>> -> memref<80x144xf32, #tpu.memory_space<vmem>>
        %dma_start3A_1521 = arith.constant 0 : i32
        %dma_start3A_1522 = tpu.memref_slice %arg7[%dma_start3A_1514, %dma_start3A_1515, %dma_start3A_1521] : memref<6x2x80xi32, #tpu.memory_space<vmem>> -> memref<1x1x80xi32, #tpu.memory_space<vmem>>
        %dma_start3A_1523 = tpu.memref_squeeze %dma_start3A_1522 : memref<1x1x80xi32, #tpu.memory_space<vmem>> -> memref<80xi32, #tpu.memory_space<vmem>>
        %dma_start3A_1524 = arith.constant 0 : i32
        %dma_start3A_1525 = arith.constant 0 : i32
        %dma_start3A_1526 = tpu.memref_slice %arg2[%arg0, %dma_start3A_1524, %dma_start3A_1525] : memref<2x10240x144xf32, #tpu.memory_space<hbm>> -> memref<1x10240x144xf32, #tpu.memory_space<hbm>>
        %dma_start3A_1527 = tpu.memref_squeeze %dma_start3A_1526 : memref<1x10240x144xf32, #tpu.memory_space<hbm>> -> memref<10240x144xf32, #tpu.memory_space<hbm>>
        %dma_start3A_1528 = arith.constant 0 : i32
        %dma_start3A_1529 = arith.constant 0 : i32
        %dma_start3A_1530 = tpu.memref_slice %dma_start3A_1527[%dma_start3A_1528, %dma_start3A_1529] : memref<10240x144xf32, #tpu.memory_space<hbm>> -> memref<10240x144xf32, #tpu.memory_space<hbm>>
        tpu.enqueue_indirect_dma source(%dma_start3A_1530 : memref<10240x144xf32, #tpu.memory_space<hbm>>) target(%dma_start3A_1520 : memref<80x144xf32, #tpu.memory_space<vmem>>) offsets(%dma_start3A_1523 : memref<80xi32, #tpu.memory_space<vmem>>) semaphore(%arg13 : memref<!tpu.dma_semaphore, #tpu.memory_space<semaphore_mem>>)
        %dma_start3A_1531 = arith.constant 5 : i32
        %dma_start3A_1532 = arith.constant 0 : i32
        %dma_start3A_1533 = arith.constant 1 : i32
        %dma_start3A_1534 = arith.constant 0 : i32
        %dma_start3A_1535 = arith.constant 0 : i32
        %dma_start3A_1536 = tpu.memref_slice %arg9[%dma_start3A_1533, %dma_start3A_1534, %dma_start3A_1535] : memref<2x80x16xf32, #tpu.memory_space<vmem>> -> memref<1x80x16xf32, #tpu.memory_space<vmem>>
        %dma_start3A_1537 = tpu.memref_squeeze %dma_start3A_1536 : memref<1x80x16xf32, #tpu.memory_space<vmem>> -> memref<80x16xf32, #tpu.memory_space<vmem>>
        %dma_start3A_1538 = arith.constant 0 : i32
        %dma_start3A_1539 = tpu.memref_slice %arg7[%dma_start3A_1531, %dma_start3A_1532, %dma_start3A_1538] : memref<6x2x80xi32, #tpu.memory_space<vmem>> -> memref<1x1x80xi32, #tpu.memory_space<vmem>>
        %dma_start3A_1540 = tpu.memref_squeeze %dma_start3A_1539 : memref<1x1x80xi32, #tpu.memory_space<vmem>> -> memref<80xi32, #tpu.memory_space<vmem>>
        %dma_start3A_1541 = arith.constant 0 : i32
        %dma_start3A_1542 = arith.constant 0 : i32
        %dma_start3A_1543 = tpu.memref_slice %arg3[%arg0, %dma_start3A_1541, %dma_start3A_1542] : memref<2x10240x16xf32, #tpu.memory_space<hbm>> -> memref<1x10240x16xf32, #tpu.memory_space<hbm>>
        %dma_start3A_1544 = tpu.memref_squeeze %dma_start3A_1543 : memref<1x10240x16xf32, #tpu.memory_space<hbm>> -> memref<10240x16xf32, #tpu.memory_space<hbm>>
        %dma_start3A_1545 = arith.constant 0 : i32
        %dma_start3A_1546 = arith.constant 0 : i32
        %dma_start3A_1547 = tpu.memref_slice %dma_start3A_1544[%dma_start3A_1545, %dma_start3A_1546] : memref<10240x16xf32, #tpu.memory_space<hbm>> -> memref<10240x16xf32, #tpu.memory_space<hbm>>
        tpu.enqueue_indirect_dma source(%dma_start3A_1547 : memref<10240x16xf32, #tpu.memory_space<hbm>>) target(%dma_start3A_1537 : memref<80x16xf32, #tpu.memory_space<vmem>>) offsets(%dma_start3A_1540 : memref<80xi32, #tpu.memory_space<vmem>>) semaphore(%arg13 : memref<!tpu.dma_semaphore, #tpu.memory_space<semaphore_mem>>)
      } else {
      }
      %dma_wait3A_1042 = arith.constant 4 : i32
      %dma_wait3A_1043 = arith.constant 1 : i32
      %dma_wait3A_1044 = arith.constant 1 : i32
      %dma_wait3A_1045 = arith.constant 0 : i32
      %dma_wait3A_1046 = arith.constant 0 : i32
      %dma_wait3A_1047 = tpu.memref_slice %arg8[%dma_wait3A_1044, %dma_wait3A_1045, %dma_wait3A_1046] : memref<3x80x144xf32, #tpu.memory_space<vmem>> -> memref<1x80x144xf32, #tpu.memory_space<vmem>>
      %dma_wait3A_1048 = tpu.memref_squeeze %dma_wait3A_1047 : memref<1x80x144xf32, #tpu.memory_space<vmem>> -> memref<80x144xf32, #tpu.memory_space<vmem>>
      %dma_wait3A_1049 = arith.constant 0 : i32
      %dma_wait3A_1050 = tpu.memref_slice %arg7[%dma_wait3A_1042, %dma_wait3A_1043, %dma_wait3A_1049] : memref<6x2x80xi32, #tpu.memory_space<vmem>> -> memref<1x1x80xi32, #tpu.memory_space<vmem>>
      %dma_wait3A_1051 = tpu.memref_squeeze %dma_wait3A_1050 : memref<1x1x80xi32, #tpu.memory_space<vmem>> -> memref<80xi32, #tpu.memory_space<vmem>>
      %dma_wait3A_1052 = arith.constant 0 : i32
      %dma_wait3A_1053 = arith.constant 0 : i32
      %dma_wait3A_1054 = tpu.memref_slice %arg2[%arg0, %dma_wait3A_1052, %dma_wait3A_1053] : memref<2x10240x144xf32, #tpu.memory_space<hbm>> -> memref<1x10240x144xf32, #tpu.memory_space<hbm>>
      %dma_wait3A_1055 = tpu.memref_squeeze %dma_wait3A_1054 : memref<1x10240x144xf32, #tpu.memory_space<hbm>> -> memref<10240x144xf32, #tpu.memory_space<hbm>>
      %dma_wait3A_1056 = arith.constant 0 : i32
      %dma_wait3A_1057 = arith.constant 0 : i32
      %dma_wait3A_1058 = tpu.memref_slice %dma_wait3A_1055[%dma_wait3A_1056, %dma_wait3A_1057] : memref<10240x144xf32, #tpu.memory_space<hbm>> -> memref<10240x144xf32, #tpu.memory_space<hbm>>
      tpu.wait_indirect_dma semaphore(%arg12 : memref<!tpu.dma_semaphore, #tpu.memory_space<semaphore_mem>>) src(%dma_wait3A_1058 : memref<10240x144xf32, #tpu.memory_space<hbm>>) dst(%dma_wait3A_1048 : memref<80x144xf32, #tpu.memory_space<vmem>>)
      %dma_wait3A_1059 = arith.constant 4 : i32
      %dma_wait3A_1060 = arith.constant 0 : i32
      %dma_wait3A_1061 = arith.constant 0 : i32
      %dma_wait3A_1062 = arith.constant 0 : i32
      %dma_wait3A_1063 = arith.constant 0 : i32
      %dma_wait3A_1064 = tpu.memref_slice %arg9[%dma_wait3A_1061, %dma_wait3A_1062, %dma_wait3A_1063] : memref<2x80x16xf32, #tpu.memory_space<vmem>> -> memref<1x80x16xf32, #tpu.memory_space<vmem>>
      %dma_wait3A_1065 = tpu.memref_squeeze %dma_wait3A_1064 : memref<1x80x16xf32, #tpu.memory_space<vmem>> -> memref<80x16xf32, #tpu.memory_space<vmem>>
      %dma_wait3A_1066 = arith.constant 0 : i32
      %dma_wait3A_1067 = tpu.memref_slice %arg7[%dma_wait3A_1059, %dma_wait3A_1060, %dma_wait3A_1066] : memref<6x2x80xi32, #tpu.memory_space<vmem>> -> memref<1x1x80xi32, #tpu.memory_space<vmem>>
      %dma_wait3A_1068 = tpu.memref_squeeze %dma_wait3A_1067 : memref<1x1x80xi32, #tpu.memory_space<vmem>> -> memref<80xi32, #tpu.memory_space<vmem>>
      %dma_wait3A_1069 = arith.constant 0 : i32
      %dma_wait3A_1070 = arith.constant 0 : i32
      %dma_wait3A_1071 = tpu.memref_slice %arg3[%arg0, %dma_wait3A_1069, %dma_wait3A_1070] : memref<2x10240x16xf32, #tpu.memory_space<hbm>> -> memref<1x10240x16xf32, #tpu.memory_space<hbm>>
      %dma_wait3A_1072 = tpu.memref_squeeze %dma_wait3A_1071 : memref<1x10240x16xf32, #tpu.memory_space<hbm>> -> memref<10240x16xf32, #tpu.memory_space<hbm>>
      %dma_wait3A_1073 = arith.constant 0 : i32
      %dma_wait3A_1074 = arith.constant 0 : i32
      %dma_wait3A_1075 = tpu.memref_slice %dma_wait3A_1072[%dma_wait3A_1073, %dma_wait3A_1074] : memref<10240x16xf32, #tpu.memory_space<hbm>> -> memref<10240x16xf32, #tpu.memory_space<hbm>>
      tpu.wait_indirect_dma semaphore(%arg12 : memref<!tpu.dma_semaphore, #tpu.memory_space<semaphore_mem>>) src(%dma_wait3A_1075 : memref<10240x16xf32, #tpu.memory_space<hbm>>) dst(%dma_wait3A_1065 : memref<80x16xf32, #tpu.memory_space<vmem>>)
      %add3A_1076 = arith.constant 0 : i32
      %add3A_1077 = vector.broadcast %add3A_1076 : i32 to vector<16xi32>
      %add3A_1078 = arith.addi %iota3A, %add3A_1077 : vector<16xi32>
      %gather3A_1079 = arith.constant 0 : i32
      %gather3A_1080 = arith.constant 0 : i32
      %gather3A_1081 = arith.constant 0 : i32
      %gather3A_1082 = tpu.memref_slice %arg9[%gather3A_1079, %gather3A_1080, %gather3A_1081] : memref<2x80x16xf32, #tpu.memory_space<vmem>> -> memref<1x80x16xf32, #tpu.memory_space<vmem>>
      %gather3A_1083 = tpu.memref_squeeze %gather3A_1082 : memref<1x80x16xf32, #tpu.memory_space<vmem>> -> memref<80x16xf32, #tpu.memory_space<vmem>>
      %gather3A_1084 = tpu.vector_load_idx %gather3A_1083[%add3A_1078, %mul3A_3] : memref<80x16xf32, #tpu.memory_space<vmem>>[vector<16xi32>, vector<16xi32>], vector<16xf32>,
      %gather3A_1085 = arith.constant 1 : i32
      %gather3A_1086 = arith.constant 0 : i32
      %gather3A_1087 = arith.constant 0 : i32
      %gather3A_1088 = tpu.memref_slice %arg8[%gather3A_1085, %gather3A_1086, %gather3A_1087] : memref<3x80x144xf32, #tpu.memory_space<vmem>> -> memref<1x80x144xf32, #tpu.memory_space<vmem>>
      %gather3A_1089 = tpu.memref_squeeze %gather3A_1088 : memref<1x80x144xf32, #tpu.memory_space<vmem>> -> memref<80x144xf32, #tpu.memory_space<vmem>>
      %gather3A_1090 = tpu.vector_load_idx %gather3A_1089[%add3A_1078, %broadcast_in_dim3A_4] : memref<80x144xf32, #tpu.memory_space<vmem>>[vector<16xi32>, vector<16xi32>], vector<16xf32>,
      %add3A_1091 = arith.addf %gather3A_1084, %gather3A_1090 : vector<16xf32>
      %gt3A_1092 = arith.constant 0.000000e+00 : f32
      %gt3A_1093 = vector.broadcast %gt3A_1092 : f32 to vector<16xf32>
      %gt3A_1094 = arith.cmpf ogt, %add3A_1091, %gt3A_1093 : vector<16xf32>
      %mul3A_1095 = arith.constant 2.000000e-01 : f32
      %mul3A_1096 = vector.broadcast %mul3A_1095 : f32 to vector<16xf32>
      %mul3A_1097 = arith.mulf %mul3A_1096, %add3A_1091 : vector<16xf32>
      %select_n3A_1098 = arith.select %gt3A_1094, %add3A_1091, %mul3A_1097 : vector<16xi1>, vector<16xf32>
      %neg3A_1099 = arith.constant 0.000000e+00 : f32
      %neg3A_1100 = vector.broadcast %neg3A_1099 : f32 to vector<16xf32>
      %neg3A_1101 = arith.subf %neg3A_1100, %select_n3A_1098 : vector<16xf32>
      %exp3A_1102 = math.exp %neg3A_1101 : vector<16xf32>
      %scatter3A_1103 = arith.constant 1 : i32
      %scatter3A_1104 = arith.constant 0 : i32
      %scatter3A_1105 = arith.constant 0 : i32
      %scatter3A_1106 = tpu.memref_slice %arg8[%scatter3A_1103, %scatter3A_1104, %scatter3A_1105] : memref<3x80x144xf32, #tpu.memory_space<vmem>> -> memref<1x80x144xf32, #tpu.memory_space<vmem>>
      %scatter3A_1107 = tpu.memref_squeeze %scatter3A_1106 : memref<1x80x144xf32, #tpu.memory_space<vmem>> -> memref<80x144xf32, #tpu.memory_space<vmem>>
      tpu.vector_store_idx %scatter3A_1107[%add3A_1078, %broadcast_in_dim3A_4], %exp3A_1102 : memref<80x144xf32, #tpu.memory_space<vmem>>[vector<16xi32>, vector<16xi32>], vector<16xf32>,
      %add3A_1108 = arith.constant 16 : i32
      %add3A_1109 = vector.broadcast %add3A_1108 : i32 to vector<16xi32>
      %add3A_1110 = arith.addi %iota3A, %add3A_1109 : vector<16xi32>
      %gather3A_1111 = arith.constant 0 : i32
      %gather3A_1112 = arith.constant 0 : i32
      %gather3A_1113 = arith.constant 0 : i32
      %gather3A_1114 = tpu.memref_slice %arg9[%gather3A_1111, %gather3A_1112, %gather3A_1113] : memref<2x80x16xf32, #tpu.memory_space<vmem>> -> memref<1x80x16xf32, #tpu.memory_space<vmem>>
      %gather3A_1115 = tpu.memref_squeeze %gather3A_1114 : memref<1x80x16xf32, #tpu.memory_space<vmem>> -> memref<80x16xf32, #tpu.memory_space<vmem>>
      %gather3A_1116 = tpu.vector_load_idx %gather3A_1115[%add3A_1110, %mul3A_3] : memref<80x16xf32, #tpu.memory_space<vmem>>[vector<16xi32>, vector<16xi32>], vector<16xf32>,
      %gather3A_1117 = arith.constant 1 : i32
      %gather3A_1118 = arith.constant 0 : i32
      %gather3A_1119 = arith.constant 0 : i32
      %gather3A_1120 = tpu.memref_slice %arg8[%gather3A_1117, %gather3A_1118, %gather3A_1119] : memref<3x80x144xf32, #tpu.memory_space<vmem>> -> memref<1x80x144xf32, #tpu.memory_space<vmem>>
      %gather3A_1121 = tpu.memref_squeeze %gather3A_1120 : memref<1x80x144xf32, #tpu.memory_space<vmem>> -> memref<80x144xf32, #tpu.memory_space<vmem>>
      %gather3A_1122 = tpu.vector_load_idx %gather3A_1121[%add3A_1110, %broadcast_in_dim3A_4] : memref<80x144xf32, #tpu.memory_space<vmem>>[vector<16xi32>, vector<16xi32>], vector<16xf32>,
      %add3A_1123 = arith.addf %gather3A_1116, %gather3A_1122 : vector<16xf32>
      %gt3A_1124 = arith.constant 0.000000e+00 : f32
      %gt3A_1125 = vector.broadcast %gt3A_1124 : f32 to vector<16xf32>
      %gt3A_1126 = arith.cmpf ogt, %add3A_1123, %gt3A_1125 : vector<16xf32>
      %mul3A_1127 = arith.constant 2.000000e-01 : f32
      %mul3A_1128 = vector.broadcast %mul3A_1127 : f32 to vector<16xf32>
      %mul3A_1129 = arith.mulf %mul3A_1128, %add3A_1123 : vector<16xf32>
      %select_n3A_1130 = arith.select %gt3A_1126, %add3A_1123, %mul3A_1129 : vector<16xi1>, vector<16xf32>
      %neg3A_1131 = arith.constant 0.000000e+00 : f32
      %neg3A_1132 = vector.broadcast %neg3A_1131 : f32 to vector<16xf32>
      %neg3A_1133 = arith.subf %neg3A_1132, %select_n3A_1130 : vector<16xf32>
      %exp3A_1134 = math.exp %neg3A_1133 : vector<16xf32>
      %scatter3A_1135 = arith.constant 1 : i32
      %scatter3A_1136 = arith.constant 0 : i32
      %scatter3A_1137 = arith.constant 0 : i32
      %scatter3A_1138 = tpu.memref_slice %arg8[%scatter3A_1135, %scatter3A_1136, %scatter3A_1137] : memref<3x80x144xf32, #tpu.memory_space<vmem>> -> memref<1x80x144xf32, #tpu.memory_space<vmem>>
      %scatter3A_1139 = tpu.memref_squeeze %scatter3A_1138 : memref<1x80x144xf32, #tpu.memory_space<vmem>> -> memref<80x144xf32, #tpu.memory_space<vmem>>
      tpu.vector_store_idx %scatter3A_1139[%add3A_1110, %broadcast_in_dim3A_4], %exp3A_1134 : memref<80x144xf32, #tpu.memory_space<vmem>>[vector<16xi32>, vector<16xi32>], vector<16xf32>,
      %add3A_1140 = arith.constant 32 : i32
      %add3A_1141 = vector.broadcast %add3A_1140 : i32 to vector<16xi32>
      %add3A_1142 = arith.addi %iota3A, %add3A_1141 : vector<16xi32>
      %gather3A_1143 = arith.constant 0 : i32
      %gather3A_1144 = arith.constant 0 : i32
      %gather3A_1145 = arith.constant 0 : i32
      %gather3A_1146 = tpu.memref_slice %arg9[%gather3A_1143, %gather3A_1144, %gather3A_1145] : memref<2x80x16xf32, #tpu.memory_space<vmem>> -> memref<1x80x16xf32, #tpu.memory_space<vmem>>
      %gather3A_1147 = tpu.memref_squeeze %gather3A_1146 : memref<1x80x16xf32, #tpu.memory_space<vmem>> -> memref<80x16xf32, #tpu.memory_space<vmem>>
      %gather3A_1148 = tpu.vector_load_idx %gather3A_1147[%add3A_1142, %mul3A_3] : memref<80x16xf32, #tpu.memory_space<vmem>>[vector<16xi32>, vector<16xi32>], vector<16xf32>,
      %gather3A_1149 = arith.constant 1 : i32
      %gather3A_1150 = arith.constant 0 : i32
      %gather3A_1151 = arith.constant 0 : i32
      %gather3A_1152 = tpu.memref_slice %arg8[%gather3A_1149, %gather3A_1150, %gather3A_1151] : memref<3x80x144xf32, #tpu.memory_space<vmem>> -> memref<1x80x144xf32, #tpu.memory_space<vmem>>
      %gather3A_1153 = tpu.memref_squeeze %gather3A_1152 : memref<1x80x144xf32, #tpu.memory_space<vmem>> -> memref<80x144xf32, #tpu.memory_space<vmem>>
      %gather3A_1154 = tpu.vector_load_idx %gather3A_1153[%add3A_1142, %broadcast_in_dim3A_4] : memref<80x144xf32, #tpu.memory_space<vmem>>[vector<16xi32>, vector<16xi32>], vector<16xf32>,
      %add3A_1155 = arith.addf %gather3A_1148, %gather3A_1154 : vector<16xf32>
      %gt3A_1156 = arith.constant 0.000000e+00 : f32
      %gt3A_1157 = vector.broadcast %gt3A_1156 : f32 to vector<16xf32>
      %gt3A_1158 = arith.cmpf ogt, %add3A_1155, %gt3A_1157 : vector<16xf32>
      %mul3A_1159 = arith.constant 2.000000e-01 : f32
      %mul3A_1160 = vector.broadcast %mul3A_1159 : f32 to vector<16xf32>
      %mul3A_1161 = arith.mulf %mul3A_1160, %add3A_1155 : vector<16xf32>
      %select_n3A_1162 = arith.select %gt3A_1158, %add3A_1155, %mul3A_1161 : vector<16xi1>, vector<16xf32>
      %neg3A_1163 = arith.constant 0.000000e+00 : f32
      %neg3A_1164 = vector.broadcast %neg3A_1163 : f32 to vector<16xf32>
      %neg3A_1165 = arith.subf %neg3A_1164, %select_n3A_1162 : vector<16xf32>
      %exp3A_1166 = math.exp %neg3A_1165 : vector<16xf32>
      %scatter3A_1167 = arith.constant 1 : i32
      %scatter3A_1168 = arith.constant 0 : i32
      %scatter3A_1169 = arith.constant 0 : i32
      %scatter3A_1170 = tpu.memref_slice %arg8[%scatter3A_1167, %scatter3A_1168, %scatter3A_1169] : memref<3x80x144xf32, #tpu.memory_space<vmem>> -> memref<1x80x144xf32, #tpu.memory_space<vmem>>
      %scatter3A_1171 = tpu.memref_squeeze %scatter3A_1170 : memref<1x80x144xf32, #tpu.memory_space<vmem>> -> memref<80x144xf32, #tpu.memory_space<vmem>>
      tpu.vector_store_idx %scatter3A_1171[%add3A_1142, %broadcast_in_dim3A_4], %exp3A_1166 : memref<80x144xf32, #tpu.memory_space<vmem>>[vector<16xi32>, vector<16xi32>], vector<16xf32>,
      %add3A_1172 = arith.constant 48 : i32
      %add3A_1173 = vector.broadcast %add3A_1172 : i32 to vector<16xi32>
      %add3A_1174 = arith.addi %iota3A, %add3A_1173 : vector<16xi32>
      %gather3A_1175 = arith.constant 0 : i32
      %gather3A_1176 = arith.constant 0 : i32
      %gather3A_1177 = arith.constant 0 : i32
      %gather3A_1178 = tpu.memref_slice %arg9[%gather3A_1175, %gather3A_1176, %gather3A_1177] : memref<2x80x16xf32, #tpu.memory_space<vmem>> -> memref<1x80x16xf32, #tpu.memory_space<vmem>>
      %gather3A_1179 = tpu.memref_squeeze %gather3A_1178 : memref<1x80x16xf32, #tpu.memory_space<vmem>> -> memref<80x16xf32, #tpu.memory_space<vmem>>
      %gather3A_1180 = tpu.vector_load_idx %gather3A_1179[%add3A_1174, %mul3A_3] : memref<80x16xf32, #tpu.memory_space<vmem>>[vector<16xi32>, vector<16xi32>], vector<16xf32>,
      %gather3A_1181 = arith.constant 1 : i32
      %gather3A_1182 = arith.constant 0 : i32
      %gather3A_1183 = arith.constant 0 : i32
      %gather3A_1184 = tpu.memref_slice %arg8[%gather3A_1181, %gather3A_1182, %gather3A_1183] : memref<3x80x144xf32, #tpu.memory_space<vmem>> -> memref<1x80x144xf32, #tpu.memory_space<vmem>>
      %gather3A_1185 = tpu.memref_squeeze %gather3A_1184 : memref<1x80x144xf32, #tpu.memory_space<vmem>> -> memref<80x144xf32, #tpu.memory_space<vmem>>
      %gather3A_1186 = tpu.vector_load_idx %gather3A_1185[%add3A_1174, %broadcast_in_dim3A_4] : memref<80x144xf32, #tpu.memory_space<vmem>>[vector<16xi32>, vector<16xi32>], vector<16xf32>,
      %add3A_1187 = arith.addf %gather3A_1180, %gather3A_1186 : vector<16xf32>
      %gt3A_1188 = arith.constant 0.000000e+00 : f32
      %gt3A_1189 = vector.broadcast %gt3A_1188 : f32 to vector<16xf32>
      %gt3A_1190 = arith.cmpf ogt, %add3A_1187, %gt3A_1189 : vector<16xf32>
      %mul3A_1191 = arith.constant 2.000000e-01 : f32
      %mul3A_1192 = vector.broadcast %mul3A_1191 : f32 to vector<16xf32>
      %mul3A_1193 = arith.mulf %mul3A_1192, %add3A_1187 : vector<16xf32>
      %select_n3A_1194 = arith.select %gt3A_1190, %add3A_1187, %mul3A_1193 : vector<16xi1>, vector<16xf32>
      %neg3A_1195 = arith.constant 0.000000e+00 : f32
      %neg3A_1196 = vector.broadcast %neg3A_1195 : f32 to vector<16xf32>
      %neg3A_1197 = arith.subf %neg3A_1196, %select_n3A_1194 : vector<16xf32>
      %exp3A_1198 = math.exp %neg3A_1197 : vector<16xf32>
      %scatter3A_1199 = arith.constant 1 : i32
      %scatter3A_1200 = arith.constant 0 : i32
      %scatter3A_1201 = arith.constant 0 : i32
      %scatter3A_1202 = tpu.memref_slice %arg8[%scatter3A_1199, %scatter3A_1200, %scatter3A_1201] : memref<3x80x144xf32, #tpu.memory_space<vmem>> -> memref<1x80x144xf32, #tpu.memory_space<vmem>>
      %scatter3A_1203 = tpu.memref_squeeze %scatter3A_1202 : memref<1x80x144xf32, #tpu.memory_space<vmem>> -> memref<80x144xf32, #tpu.memory_space<vmem>>
      tpu.vector_store_idx %scatter3A_1203[%add3A_1174, %broadcast_in_dim3A_4], %exp3A_1198 : memref<80x144xf32, #tpu.memory_space<vmem>>[vector<16xi32>, vector<16xi32>], vector<16xf32>,
      %add3A_1204 = arith.constant 64 : i32
      %add3A_1205 = vector.broadcast %add3A_1204 : i32 to vector<16xi32>
      %add3A_1206 = arith.addi %iota3A, %add3A_1205 : vector<16xi32>
      %gather3A_1207 = arith.constant 0 : i32
      %gather3A_1208 = arith.constant 0 : i32
      %gather3A_1209 = arith.constant 0 : i32
      %gather3A_1210 = tpu.memref_slice %arg9[%gather3A_1207, %gather3A_1208, %gather3A_1209] : memref<2x80x16xf32, #tpu.memory_space<vmem>> -> memref<1x80x16xf32, #tpu.memory_space<vmem>>
      %gather3A_1211 = tpu.memref_squeeze %gather3A_1210 : memref<1x80x16xf32, #tpu.memory_space<vmem>> -> memref<80x16xf32, #tpu.memory_space<vmem>>
      %gather3A_1212 = tpu.vector_load_idx %gather3A_1211[%add3A_1206, %mul3A_3] : memref<80x16xf32, #tpu.memory_space<vmem>>[vector<16xi32>, vector<16xi32>], vector<16xf32>,
      %gather3A_1213 = arith.constant 1 : i32
      %gather3A_1214 = arith.constant 0 : i32
      %gather3A_1215 = arith.constant 0 : i32
      %gather3A_1216 = tpu.memref_slice %arg8[%gather3A_1213, %gather3A_1214, %gather3A_1215] : memref<3x80x144xf32, #tpu.memory_space<vmem>> -> memref<1x80x144xf32, #tpu.memory_space<vmem>>
      %gather3A_1217 = tpu.memref_squeeze %gather3A_1216 : memref<1x80x144xf32, #tpu.memory_space<vmem>> -> memref<80x144xf32, #tpu.memory_space<vmem>>
      %gather3A_1218 = tpu.vector_load_idx %gather3A_1217[%add3A_1206, %broadcast_in_dim3A_4] : memref<80x144xf32, #tpu.memory_space<vmem>>[vector<16xi32>, vector<16xi32>], vector<16xf32>,
      %add3A_1219 = arith.addf %gather3A_1212, %gather3A_1218 : vector<16xf32>
      %gt3A_1220 = arith.constant 0.000000e+00 : f32
      %gt3A_1221 = vector.broadcast %gt3A_1220 : f32 to vector<16xf32>
      %gt3A_1222 = arith.cmpf ogt, %add3A_1219, %gt3A_1221 : vector<16xf32>
      %mul3A_1223 = arith.constant 2.000000e-01 : f32
      %mul3A_1224 = vector.broadcast %mul3A_1223 : f32 to vector<16xf32>
      %mul3A_1225 = arith.mulf %mul3A_1224, %add3A_1219 : vector<16xf32>
      %select_n3A_1226 = arith.select %gt3A_1222, %add3A_1219, %mul3A_1225 : vector<16xi1>, vector<16xf32>
      %neg3A_1227 = arith.constant 0.000000e+00 : f32
      %neg3A_1228 = vector.broadcast %neg3A_1227 : f32 to vector<16xf32>
      %neg3A_1229 = arith.subf %neg3A_1228, %select_n3A_1226 : vector<16xf32>
      %exp3A_1230 = math.exp %neg3A_1229 : vector<16xf32>
      %scatter3A_1231 = arith.constant 1 : i32
      %scatter3A_1232 = arith.constant 0 : i32
      %scatter3A_1233 = arith.constant 0 : i32
      %scatter3A_1234 = tpu.memref_slice %arg8[%scatter3A_1231, %scatter3A_1232, %scatter3A_1233] : memref<3x80x144xf32, #tpu.memory_space<vmem>> -> memref<1x80x144xf32, #tpu.memory_space<vmem>>
      %scatter3A_1235 = tpu.memref_squeeze %scatter3A_1234 : memref<1x80x144xf32, #tpu.memory_space<vmem>> -> memref<80x144xf32, #tpu.memory_space<vmem>>
      tpu.vector_store_idx %scatter3A_1235[%add3A_1206, %broadcast_in_dim3A_4], %exp3A_1230 : memref<80x144xf32, #tpu.memory_space<vmem>>[vector<16xi32>, vector<16xi32>], vector<16xf32>,
      %parallel_loop3A_1236 = arith.constant 0 : i32
      %parallel_loop3A_1237 = arith.constant 80 : i32
      %parallel_loop3A_1238 = arith.constant 1 : i32
      %parallel_loop3A_1239 = arith.constant 1 : i32
      scf.for %parallel_loop3A_1485 = %parallel_loop3A_1236 to %parallel_loop3A_1237 step %parallel_loop3A_1238  : i32 {
        %parallel_loop3A_1486 = vector.broadcast %parallel_loop3A_1485 : i32 to vector<16xi32>
        %parallel_loop3A_1487 = arith.constant 0 : i32
        %parallel_loop3A_1488 = arith.constant 0 : i32
        %parallel_loop3A_1489 = tpu.memref_slice %arg8[%parallel_loop3A_1239, %parallel_loop3A_1487, %parallel_loop3A_1488] : memref<3x80x144xf32, #tpu.memory_space<vmem>> -> memref<1x80x144xf32, #tpu.memory_space<vmem>>
        %parallel_loop3A_1490 = tpu.memref_squeeze %parallel_loop3A_1489 : memref<1x80x144xf32, #tpu.memory_space<vmem>> -> memref<80x144xf32, #tpu.memory_space<vmem>>
        %parallel_loop3A_1491 = tpu.vector_load_idx %parallel_loop3A_1490[%parallel_loop3A_1486, %broadcast_in_dim3A_4] : memref<80x144xf32, #tpu.memory_space<vmem>>[vector<16xi32>, vector<16xi32>], vector<16xf32>,
        %parallel_loop3A_1492 = arith.constant 0 : i32
        %parallel_loop3A_1493 = arith.constant 0 : i32
        %parallel_loop3A_1494 = tpu.memref_slice %arg8[%parallel_loop3A_1239, %parallel_loop3A_1492, %parallel_loop3A_1493] : memref<3x80x144xf32, #tpu.memory_space<vmem>> -> memref<1x80x144xf32, #tpu.memory_space<vmem>>
        %parallel_loop3A_1495 = tpu.memref_squeeze %parallel_loop3A_1494 : memref<1x80x144xf32, #tpu.memory_space<vmem>> -> memref<80x144xf32, #tpu.memory_space<vmem>>
        %parallel_loop3A_1496 = arith.index_cast %parallel_loop3A_1485 : i32 to index
        %parallel_loop3A_1497 = arith.constant 0 : index
        %parallel_loop3A_1498 = tpu.vector_load %parallel_loop3A_1495[%parallel_loop3A_1496, %parallel_loop3A_1497] {strides = array<i32>} : memref<80x144xf32, #tpu.memory_space<vmem>>, vector<16xf32>,
        %parallel_loop3A_1499 = arith.mulf %parallel_loop3A_1498, %parallel_loop3A_1491 : vector<16xf32>
        %parallel_loop3A_1500 = arith.constant 0 : i32
        %parallel_loop3A_1501 = arith.constant 0 : i32
        %parallel_loop3A_1502 = tpu.memref_slice %arg8[%parallel_loop3A_1239, %parallel_loop3A_1500, %parallel_loop3A_1501] : memref<3x80x144xf32, #tpu.memory_space<vmem>> -> memref<1x80x144xf32, #tpu.memory_space<vmem>>
        %parallel_loop3A_1503 = tpu.memref_squeeze %parallel_loop3A_1502 : memref<1x80x144xf32, #tpu.memory_space<vmem>> -> memref<80x144xf32, #tpu.memory_space<vmem>>
        %parallel_loop3A_1504 = arith.index_cast %parallel_loop3A_1485 : i32 to index
        %parallel_loop3A_1505 = arith.constant 0 : index
        %parallel_loop3A_1506 = tpu.vector_load %parallel_loop3A_1503[%parallel_loop3A_1504, %parallel_loop3A_1505] {strides = array<i32>} : memref<80x144xf32, #tpu.memory_space<vmem>>, vector<16xf32>,
        tpu.vector_store %parallel_loop3A_1503[%parallel_loop3A_1504, %parallel_loop3A_1505], %parallel_loop3A_1499 {strides = array<i32>} : memref<80x144xf32, #tpu.memory_space<vmem>>, vector<16xf32>,
        %parallel_loop3A_1507 = arith.constant 0 : i32
        %parallel_loop3A_1508 = arith.constant 0 : i32
        %parallel_loop3A_1509 = tpu.memref_slice %arg8[%parallel_loop3A_1239, %parallel_loop3A_1507, %parallel_loop3A_1508] : memref<3x80x144xf32, #tpu.memory_space<vmem>> -> memref<1x80x144xf32, #tpu.memory_space<vmem>>
        %parallel_loop3A_1510 = tpu.memref_squeeze %parallel_loop3A_1509 : memref<1x80x144xf32, #tpu.memory_space<vmem>> -> memref<80x144xf32, #tpu.memory_space<vmem>>
        %parallel_loop3A_1511 = arith.index_cast %parallel_loop3A_1485 : i32 to index
        %parallel_loop3A_1512 = arith.constant 16 : index
        %parallel_loop3A_1513 = tpu.vector_load %parallel_loop3A_1510[%parallel_loop3A_1511, %parallel_loop3A_1512] {strides = array<i32>} : memref<80x144xf32, #tpu.memory_space<vmem>>, vector<16xf32>,
        %parallel_loop3A_1514 = arith.mulf %parallel_loop3A_1513, %parallel_loop3A_1491 : vector<16xf32>
        %parallel_loop3A_1515 = arith.constant 0 : i32
        %parallel_loop3A_1516 = arith.constant 0 : i32
        %parallel_loop3A_1517 = tpu.memref_slice %arg8[%parallel_loop3A_1239, %parallel_loop3A_1515, %parallel_loop3A_1516] : memref<3x80x144xf32, #tpu.memory_space<vmem>> -> memref<1x80x144xf32, #tpu.memory_space<vmem>>
        %parallel_loop3A_1518 = tpu.memref_squeeze %parallel_loop3A_1517 : memref<1x80x144xf32, #tpu.memory_space<vmem>> -> memref<80x144xf32, #tpu.memory_space<vmem>>
        %parallel_loop3A_1519 = arith.index_cast %parallel_loop3A_1485 : i32 to index
        %parallel_loop3A_1520 = arith.constant 16 : index
        %parallel_loop3A_1521 = tpu.vector_load %parallel_loop3A_1518[%parallel_loop3A_1519, %parallel_loop3A_1520] {strides = array<i32>} : memref<80x144xf32, #tpu.memory_space<vmem>>, vector<16xf32>,
        tpu.vector_store %parallel_loop3A_1518[%parallel_loop3A_1519, %parallel_loop3A_1520], %parallel_loop3A_1514 {strides = array<i32>} : memref<80x144xf32, #tpu.memory_space<vmem>>, vector<16xf32>,
        %parallel_loop3A_1522 = arith.constant 0 : i32
        %parallel_loop3A_1523 = arith.constant 0 : i32
        %parallel_loop3A_1524 = tpu.memref_slice %arg8[%parallel_loop3A_1239, %parallel_loop3A_1522, %parallel_loop3A_1523] : memref<3x80x144xf32, #tpu.memory_space<vmem>> -> memref<1x80x144xf32, #tpu.memory_space<vmem>>
        %parallel_loop3A_1525 = tpu.memref_squeeze %parallel_loop3A_1524 : memref<1x80x144xf32, #tpu.memory_space<vmem>> -> memref<80x144xf32, #tpu.memory_space<vmem>>
        %parallel_loop3A_1526 = arith.index_cast %parallel_loop3A_1485 : i32 to index
        %parallel_loop3A_1527 = arith.constant 32 : index
        %parallel_loop3A_1528 = tpu.vector_load %parallel_loop3A_1525[%parallel_loop3A_1526, %parallel_loop3A_1527] {strides = array<i32>} : memref<80x144xf32, #tpu.memory_space<vmem>>, vector<16xf32>,
        %parallel_loop3A_1529 = arith.mulf %parallel_loop3A_1528, %parallel_loop3A_1491 : vector<16xf32>
        %parallel_loop3A_1530 = arith.constant 0 : i32
        %parallel_loop3A_1531 = arith.constant 0 : i32
        %parallel_loop3A_1532 = tpu.memref_slice %arg8[%parallel_loop3A_1239, %parallel_loop3A_1530, %parallel_loop3A_1531] : memref<3x80x144xf32, #tpu.memory_space<vmem>> -> memref<1x80x144xf32, #tpu.memory_space<vmem>>
        %parallel_loop3A_1533 = tpu.memref_squeeze %parallel_loop3A_1532 : memref<1x80x144xf32, #tpu.memory_space<vmem>> -> memref<80x144xf32, #tpu.memory_space<vmem>>
        %parallel_loop3A_1534 = arith.index_cast %parallel_loop3A_1485 : i32 to index
        %parallel_loop3A_1535 = arith.constant 32 : index
        %parallel_loop3A_1536 = tpu.vector_load %parallel_loop3A_1533[%parallel_loop3A_1534, %parallel_loop3A_1535] {strides = array<i32>} : memref<80x144xf32, #tpu.memory_space<vmem>>, vector<16xf32>,
        tpu.vector_store %parallel_loop3A_1533[%parallel_loop3A_1534, %parallel_loop3A_1535], %parallel_loop3A_1529 {strides = array<i32>} : memref<80x144xf32, #tpu.memory_space<vmem>>, vector<16xf32>,
        %parallel_loop3A_1537 = arith.constant 0 : i32
        %parallel_loop3A_1538 = arith.constant 0 : i32
        %parallel_loop3A_1539 = tpu.memref_slice %arg8[%parallel_loop3A_1239, %parallel_loop3A_1537, %parallel_loop3A_1538] : memref<3x80x144xf32, #tpu.memory_space<vmem>> -> memref<1x80x144xf32, #tpu.memory_space<vmem>>
        %parallel_loop3A_1540 = tpu.memref_squeeze %parallel_loop3A_1539 : memref<1x80x144xf32, #tpu.memory_space<vmem>> -> memref<80x144xf32, #tpu.memory_space<vmem>>
        %parallel_loop3A_1541 = arith.index_cast %parallel_loop3A_1485 : i32 to index
        %parallel_loop3A_1542 = arith.constant 48 : index
        %parallel_loop3A_1543 = tpu.vector_load %parallel_loop3A_1540[%parallel_loop3A_1541, %parallel_loop3A_1542] {strides = array<i32>} : memref<80x144xf32, #tpu.memory_space<vmem>>, vector<16xf32>,
        %parallel_loop3A_1544 = arith.mulf %parallel_loop3A_1543, %parallel_loop3A_1491 : vector<16xf32>
        %parallel_loop3A_1545 = arith.constant 0 : i32
        %parallel_loop3A_1546 = arith.constant 0 : i32
        %parallel_loop3A_1547 = tpu.memref_slice %arg8[%parallel_loop3A_1239, %parallel_loop3A_1545, %parallel_loop3A_1546] : memref<3x80x144xf32, #tpu.memory_space<vmem>> -> memref<1x80x144xf32, #tpu.memory_space<vmem>>
        %parallel_loop3A_1548 = tpu.memref_squeeze %parallel_loop3A_1547 : memref<1x80x144xf32, #tpu.memory_space<vmem>> -> memref<80x144xf32, #tpu.memory_space<vmem>>
        %parallel_loop3A_1549 = arith.index_cast %parallel_loop3A_1485 : i32 to index
        %parallel_loop3A_1550 = arith.constant 48 : index
        %parallel_loop3A_1551 = tpu.vector_load %parallel_loop3A_1548[%parallel_loop3A_1549, %parallel_loop3A_1550] {strides = array<i32>} : memref<80x144xf32, #tpu.memory_space<vmem>>, vector<16xf32>,
        tpu.vector_store %parallel_loop3A_1548[%parallel_loop3A_1549, %parallel_loop3A_1550], %parallel_loop3A_1544 {strides = array<i32>} : memref<80x144xf32, #tpu.memory_space<vmem>>, vector<16xf32>,
        %parallel_loop3A_1552 = arith.constant 0 : i32
        %parallel_loop3A_1553 = arith.constant 0 : i32
        %parallel_loop3A_1554 = tpu.memref_slice %arg8[%parallel_loop3A_1239, %parallel_loop3A_1552, %parallel_loop3A_1553] : memref<3x80x144xf32, #tpu.memory_space<vmem>> -> memref<1x80x144xf32, #tpu.memory_space<vmem>>
        %parallel_loop3A_1555 = tpu.memref_squeeze %parallel_loop3A_1554 : memref<1x80x144xf32, #tpu.memory_space<vmem>> -> memref<80x144xf32, #tpu.memory_space<vmem>>
        %parallel_loop3A_1556 = arith.index_cast %parallel_loop3A_1485 : i32 to index
        %parallel_loop3A_1557 = arith.constant 64 : index
        %parallel_loop3A_1558 = tpu.vector_load %parallel_loop3A_1555[%parallel_loop3A_1556, %parallel_loop3A_1557] {strides = array<i32>} : memref<80x144xf32, #tpu.memory_space<vmem>>, vector<16xf32>,
        %parallel_loop3A_1559 = arith.mulf %parallel_loop3A_1558, %parallel_loop3A_1491 : vector<16xf32>
        %parallel_loop3A_1560 = arith.constant 0 : i32
        %parallel_loop3A_1561 = arith.constant 0 : i32
        %parallel_loop3A_1562 = tpu.memref_slice %arg8[%parallel_loop3A_1239, %parallel_loop3A_1560, %parallel_loop3A_1561] : memref<3x80x144xf32, #tpu.memory_space<vmem>> -> memref<1x80x144xf32, #tpu.memory_space<vmem>>
        %parallel_loop3A_1563 = tpu.memref_squeeze %parallel_loop3A_1562 : memref<1x80x144xf32, #tpu.memory_space<vmem>> -> memref<80x144xf32, #tpu.memory_space<vmem>>
        %parallel_loop3A_1564 = arith.index_cast %parallel_loop3A_1485 : i32 to index
        %parallel_loop3A_1565 = arith.constant 64 : index
        %parallel_loop3A_1566 = tpu.vector_load %parallel_loop3A_1563[%parallel_loop3A_1564, %parallel_loop3A_1565] {strides = array<i32>} : memref<80x144xf32, #tpu.memory_space<vmem>>, vector<16xf32>,
        tpu.vector_store %parallel_loop3A_1563[%parallel_loop3A_1564, %parallel_loop3A_1565], %parallel_loop3A_1559 {strides = array<i32>} : memref<80x144xf32, #tpu.memory_space<vmem>>, vector<16xf32>,
        %parallel_loop3A_1567 = arith.constant 0 : i32
        %parallel_loop3A_1568 = arith.constant 0 : i32
        %parallel_loop3A_1569 = tpu.memref_slice %arg8[%parallel_loop3A_1239, %parallel_loop3A_1567, %parallel_loop3A_1568] : memref<3x80x144xf32, #tpu.memory_space<vmem>> -> memref<1x80x144xf32, #tpu.memory_space<vmem>>
        %parallel_loop3A_1570 = tpu.memref_squeeze %parallel_loop3A_1569 : memref<1x80x144xf32, #tpu.memory_space<vmem>> -> memref<80x144xf32, #tpu.memory_space<vmem>>
        %parallel_loop3A_1571 = arith.index_cast %parallel_loop3A_1485 : i32 to index
        %parallel_loop3A_1572 = arith.constant 80 : index
        %parallel_loop3A_1573 = tpu.vector_load %parallel_loop3A_1570[%parallel_loop3A_1571, %parallel_loop3A_1572] {strides = array<i32>} : memref<80x144xf32, #tpu.memory_space<vmem>>, vector<16xf32>,
        %parallel_loop3A_1574 = arith.mulf %parallel_loop3A_1573, %parallel_loop3A_1491 : vector<16xf32>
        %parallel_loop3A_1575 = arith.constant 0 : i32
        %parallel_loop3A_1576 = arith.constant 0 : i32
        %parallel_loop3A_1577 = tpu.memref_slice %arg8[%parallel_loop3A_1239, %parallel_loop3A_1575, %parallel_loop3A_1576] : memref<3x80x144xf32, #tpu.memory_space<vmem>> -> memref<1x80x144xf32, #tpu.memory_space<vmem>>
        %parallel_loop3A_1578 = tpu.memref_squeeze %parallel_loop3A_1577 : memref<1x80x144xf32, #tpu.memory_space<vmem>> -> memref<80x144xf32, #tpu.memory_space<vmem>>
        %parallel_loop3A_1579 = arith.index_cast %parallel_loop3A_1485 : i32 to index
        %parallel_loop3A_1580 = arith.constant 80 : index
        %parallel_loop3A_1581 = tpu.vector_load %parallel_loop3A_1578[%parallel_loop3A_1579, %parallel_loop3A_1580] {strides = array<i32>} : memref<80x144xf32, #tpu.memory_space<vmem>>, vector<16xf32>,
        tpu.vector_store %parallel_loop3A_1578[%parallel_loop3A_1579, %parallel_loop3A_1580], %parallel_loop3A_1574 {strides = array<i32>} : memref<80x144xf32, #tpu.memory_space<vmem>>, vector<16xf32>,
        %parallel_loop3A_1582 = arith.constant 0 : i32
        %parallel_loop3A_1583 = arith.constant 0 : i32
        %parallel_loop3A_1584 = tpu.memref_slice %arg8[%parallel_loop3A_1239, %parallel_loop3A_1582, %parallel_loop3A_1583] : memref<3x80x144xf32, #tpu.memory_space<vmem>> -> memref<1x80x144xf32, #tpu.memory_space<vmem>>
        %parallel_loop3A_1585 = tpu.memref_squeeze %parallel_loop3A_1584 : memref<1x80x144xf32, #tpu.memory_space<vmem>> -> memref<80x144xf32, #tpu.memory_space<vmem>>
        %parallel_loop3A_1586 = arith.index_cast %parallel_loop3A_1485 : i32 to index
        %parallel_loop3A_1587 = arith.constant 96 : index
        %parallel_loop3A_1588 = tpu.vector_load %parallel_loop3A_1585[%parallel_loop3A_1586, %parallel_loop3A_1587] {strides = array<i32>} : memref<80x144xf32, #tpu.memory_space<vmem>>, vector<16xf32>,
        %parallel_loop3A_1589 = arith.mulf %parallel_loop3A_1588, %parallel_loop3A_1491 : vector<16xf32>
        %parallel_loop3A_1590 = arith.constant 0 : i32
        %parallel_loop3A_1591 = arith.constant 0 : i32
        %parallel_loop3A_1592 = tpu.memref_slice %arg8[%parallel_loop3A_1239, %parallel_loop3A_1590, %parallel_loop3A_1591] : memref<3x80x144xf32, #tpu.memory_space<vmem>> -> memref<1x80x144xf32, #tpu.memory_space<vmem>>
        %parallel_loop3A_1593 = tpu.memref_squeeze %parallel_loop3A_1592 : memref<1x80x144xf32, #tpu.memory_space<vmem>> -> memref<80x144xf32, #tpu.memory_space<vmem>>
        %parallel_loop3A_1594 = arith.index_cast %parallel_loop3A_1485 : i32 to index
        %parallel_loop3A_1595 = arith.constant 96 : index
        %parallel_loop3A_1596 = tpu.vector_load %parallel_loop3A_1593[%parallel_loop3A_1594, %parallel_loop3A_1595] {strides = array<i32>} : memref<80x144xf32, #tpu.memory_space<vmem>>, vector<16xf32>,
        tpu.vector_store %parallel_loop3A_1593[%parallel_loop3A_1594, %parallel_loop3A_1595], %parallel_loop3A_1589 {strides = array<i32>} : memref<80x144xf32, #tpu.memory_space<vmem>>, vector<16xf32>,
        %parallel_loop3A_1597 = arith.constant 0 : i32
        %parallel_loop3A_1598 = arith.constant 0 : i32
        %parallel_loop3A_1599 = tpu.memref_slice %arg8[%parallel_loop3A_1239, %parallel_loop3A_1597, %parallel_loop3A_1598] : memref<3x80x144xf32, #tpu.memory_space<vmem>> -> memref<1x80x144xf32, #tpu.memory_space<vmem>>
        %parallel_loop3A_1600 = tpu.memref_squeeze %parallel_loop3A_1599 : memref<1x80x144xf32, #tpu.memory_space<vmem>> -> memref<80x144xf32, #tpu.memory_space<vmem>>
        %parallel_loop3A_1601 = arith.index_cast %parallel_loop3A_1485 : i32 to index
        %parallel_loop3A_1602 = arith.constant 112 : index
        %parallel_loop3A_1603 = tpu.vector_load %parallel_loop3A_1600[%parallel_loop3A_1601, %parallel_loop3A_1602] {strides = array<i32>} : memref<80x144xf32, #tpu.memory_space<vmem>>, vector<16xf32>,
        %parallel_loop3A_1604 = arith.mulf %parallel_loop3A_1603, %parallel_loop3A_1491 : vector<16xf32>
        %parallel_loop3A_1605 = arith.constant 0 : i32
        %parallel_loop3A_1606 = arith.constant 0 : i32
        %parallel_loop3A_1607 = tpu.memref_slice %arg8[%parallel_loop3A_1239, %parallel_loop3A_1605, %parallel_loop3A_1606] : memref<3x80x144xf32, #tpu.memory_space<vmem>> -> memref<1x80x144xf32, #tpu.memory_space<vmem>>
        %parallel_loop3A_1608 = tpu.memref_squeeze %parallel_loop3A_1607 : memref<1x80x144xf32, #tpu.memory_space<vmem>> -> memref<80x144xf32, #tpu.memory_space<vmem>>
        %parallel_loop3A_1609 = arith.index_cast %parallel_loop3A_1485 : i32 to index
        %parallel_loop3A_1610 = arith.constant 112 : index
        %parallel_loop3A_1611 = tpu.vector_load %parallel_loop3A_1608[%parallel_loop3A_1609, %parallel_loop3A_1610] {strides = array<i32>} : memref<80x144xf32, #tpu.memory_space<vmem>>, vector<16xf32>,
        tpu.vector_store %parallel_loop3A_1608[%parallel_loop3A_1609, %parallel_loop3A_1610], %parallel_loop3A_1604 {strides = array<i32>} : memref<80x144xf32, #tpu.memory_space<vmem>>, vector<16xf32>,
      } {sc.loop_unroll_factor = 2 : i64, sc.parallel_access}
      %dma_start3A_1240 = arith.constant 1 : i32
      %dma_start3A_1241 = arith.constant 4 : i32
      %dma_start3A_1242 = arith.constant 0 : i32
      %dma_start3A_1243 = arith.constant 0 : i32
      %dma_start3A_1244 = arith.constant 0 : i32
      %dma_start3A_1245 = tpu.memref_slice %arg8[%dma_start3A_1240, %dma_start3A_1243, %dma_start3A_1244] : memref<3x80x144xf32, #tpu.memory_space<vmem>> -> memref<1x80x144xf32, #tpu.memory_space<vmem>>
      %dma_start3A_1246 = tpu.memref_squeeze %dma_start3A_1245 : memref<1x80x144xf32, #tpu.memory_space<vmem>> -> memref<80x144xf32, #tpu.memory_space<vmem>>
      %dma_start3A_1247 = arith.constant 0 : i32
      %dma_start3A_1248 = tpu.memref_slice %arg7[%dma_start3A_1241, %dma_start3A_1242, %dma_start3A_1247] : memref<6x2x80xi32, #tpu.memory_space<vmem>> -> memref<1x1x80xi32, #tpu.memory_space<vmem>>
      %dma_start3A_1249 = tpu.memref_squeeze %dma_start3A_1248 : memref<1x1x80xi32, #tpu.memory_space<vmem>> -> memref<80xi32, #tpu.memory_space<vmem>>
      %dma_start3A_1250 = arith.constant 0 : i32
      %dma_start3A_1251 = arith.constant 0 : i32
      %dma_start3A_1252 = tpu.memref_slice %arg10[%dma_start3A_1250, %dma_start3A_1251] : memref<10240x144xf32, #tpu.memory_space<vmem_shared>> -> memref<10240x144xf32, #tpu.memory_space<vmem_shared>>
      tpu.enqueue_indirect_dma source(%dma_start3A_1246 : memref<80x144xf32, #tpu.memory_space<vmem>>) target(%dma_start3A_1252 : memref<10240x144xf32, #tpu.memory_space<vmem_shared>>) offsets(%dma_start3A_1249 : memref<80xi32, #tpu.memory_space<vmem>>) semaphore(%arg17 : memref<!tpu.dma_semaphore, #tpu.memory_space<semaphore_mem>>) {add = true}
      %add3A_1253 = arith.constant 5 : i32
      %add3A_1254 = arith.addi %mul3A_102, %add3A_1253 : i32
      %gt3A_1255 = arith.constant 1 : i32
      %gt3A_1256 = arith.cmpi sgt, %add3A_1254, %gt3A_1255 : i32
      %convert_element_type3A_1257 = arith.extui %gt3A_1256 : i1 to i32
      %cond3A_1258 = arith.constant 0 : i32
      %cond3A_1259 = arith.cmpi ne, %convert_element_type3A_1257, %cond3A_1258 : i32
      scf.if %cond3A_1259 {
        %dma_wait3A_1485 = arith.constant 0 : i32
        %dma_wait3A_1486 = arith.constant 3 : i32
        %dma_wait3A_1487 = arith.constant 0 : i32
        %dma_wait3A_1488 = arith.constant 0 : i32
        %dma_wait3A_1489 = arith.constant 0 : i32
        %dma_wait3A_1490 = tpu.memref_slice %arg8[%dma_wait3A_1485, %dma_wait3A_1488, %dma_wait3A_1489] : memref<3x80x144xf32, #tpu.memory_space<vmem>> -> memref<1x80x144xf32, #tpu.memory_space<vmem>>
        %dma_wait3A_1491 = tpu.memref_squeeze %dma_wait3A_1490 : memref<1x80x144xf32, #tpu.memory_space<vmem>> -> memref<80x144xf32, #tpu.memory_space<vmem>>
        %dma_wait3A_1492 = arith.constant 0 : i32
        %dma_wait3A_1493 = tpu.memref_slice %arg7[%dma_wait3A_1486, %dma_wait3A_1487, %dma_wait3A_1492] : memref<6x2x80xi32, #tpu.memory_space<vmem>> -> memref<1x1x80xi32, #tpu.memory_space<vmem>>
        %dma_wait3A_1494 = tpu.memref_squeeze %dma_wait3A_1493 : memref<1x1x80xi32, #tpu.memory_space<vmem>> -> memref<80xi32, #tpu.memory_space<vmem>>
        %dma_wait3A_1495 = arith.constant 0 : i32
        %dma_wait3A_1496 = arith.constant 0 : i32
        %dma_wait3A_1497 = tpu.memref_slice %arg10[%dma_wait3A_1495, %dma_wait3A_1496] : memref<10240x144xf32, #tpu.memory_space<vmem_shared>> -> memref<10240x144xf32, #tpu.memory_space<vmem_shared>>
        tpu.wait_indirect_dma semaphore(%arg16 : memref<!tpu.dma_semaphore, #tpu.memory_space<semaphore_mem>>) src(%dma_wait3A_1491 : memref<80x144xf32, #tpu.memory_space<vmem>>) dst(%dma_wait3A_1497 : memref<10240x144xf32, #tpu.memory_space<vmem_shared>>)
      } else {
      }
      %add3A_1260 = arith.constant 2 : i32
      %add3A_1261 = arith.addi %add3A_1254, %add3A_1260 : i32
      %lt3A_1262 = arith.constant 252 : i32
      %lt3A_1263 = arith.cmpi slt, %add3A_1261, %lt3A_1262 : i32
      %convert_element_type3A_1264 = arith.extui %lt3A_1263 : i1 to i32
      %cond3A_1265 = arith.constant 0 : i32
      %cond3A_1266 = arith.cmpi ne, %convert_element_type3A_1264, %cond3A_1265 : i32
      scf.if %cond3A_1266 {
        %add3A_1485 = arith.constant 2 : i32
        %add3A_1486 = arith.addi %add3A_1254, %add3A_1485 : i32
        %dma_start3A_1487 = arith.constant 1 : i32
        %dma_start3A_1488 = arith.constant 0 : i32
        %dma_start3A_1489 = arith.constant 0 : i32
        %dma_start3A_1490 = tpu.memref_slice %arg7[%dma_start3A_1487, %dma_start3A_1488, %dma_start3A_1489] : memref<6x2x80xi32, #tpu.memory_space<vmem>> -> memref<1x2x80xi32, #tpu.memory_space<vmem>>
        %dma_start3A_1491 = tpu.memref_squeeze %dma_start3A_1490 : memref<1x2x80xi32, #tpu.memory_space<vmem>> -> memref<2x80xi32, #tpu.memory_space<vmem>>
        %dma_start3A_1492 = arith.constant 0 : i32
        %dma_start3A_1493 = arith.constant 0 : i32
        %dma_start3A_1494 = arith.constant 0 : i32
        %dma_start3A_1495 = tpu.memref_slice %arg4[%arg0, %arg1, %dma_start3A_1492, %dma_start3A_1493, %dma_start3A_1494] : memref<2x16x252x2x80xi32, #tpu.memory_space<hbm>> -> memref<1x1x252x2x80xi32, #tpu.memory_space<hbm>>
        %dma_start3A_1496 = tpu.memref_squeeze %dma_start3A_1495 : memref<1x1x252x2x80xi32, #tpu.memory_space<hbm>> -> memref<252x2x80xi32, #tpu.memory_space<hbm>>
        %dma_start3A_1497 = arith.constant 0 : i32
        %dma_start3A_1498 = arith.constant 0 : i32
        %dma_start3A_1499 = tpu.memref_slice %dma_start3A_1496[%add3A_1486, %dma_start3A_1497, %dma_start3A_1498] : memref<252x2x80xi32, #tpu.memory_space<hbm>> -> memref<1x2x80xi32, #tpu.memory_space<hbm>>
        %dma_start3A_1500 = tpu.memref_squeeze %dma_start3A_1499 : memref<1x2x80xi32, #tpu.memory_space<hbm>> -> memref<2x80xi32, #tpu.memory_space<hbm>>
        %dma_start3A_1501 = arith.constant 0 : i32
        %dma_start3A_1502 = arith.constant 0 : i32
        %dma_start3A_1503 = tpu.memref_slice %arg7[%dma_start3A_1487, %dma_start3A_1501, %dma_start3A_1502] : memref<6x2x80xi32, #tpu.memory_space<vmem>> -> memref<1x2x80xi32, #tpu.memory_space<vmem>>
        %dma_start3A_1504 = tpu.memref_squeeze %dma_start3A_1503 : memref<1x2x80xi32, #tpu.memory_space<vmem>> -> memref<2x80xi32, #tpu.memory_space<vmem>>
        %dma_start3A_1505 = arith.constant 0 : i32
        %dma_start3A_1506 = arith.constant 0 : i32
        %dma_start3A_1507 = arith.constant 0 : i32
        %dma_start3A_1508 = tpu.memref_slice %arg4[%arg0, %arg1, %dma_start3A_1505, %dma_start3A_1506, %dma_start3A_1507] : memref<2x16x252x2x80xi32, #tpu.memory_space<hbm>> -> memref<1x1x252x2x80xi32, #tpu.memory_space<hbm>>
        %dma_start3A_1509 = tpu.memref_squeeze %dma_start3A_1508 : memref<1x1x252x2x80xi32, #tpu.memory_space<hbm>> -> memref<252x2x80xi32, #tpu.memory_space<hbm>>
        %dma_start3A_1510 = arith.constant 0 : i32
        %dma_start3A_1511 = arith.constant 0 : i32
        %dma_start3A_1512 = tpu.memref_slice %dma_start3A_1509[%add3A_1486, %dma_start3A_1510, %dma_start3A_1511] : memref<252x2x80xi32, #tpu.memory_space<hbm>> -> memref<1x2x80xi32, #tpu.memory_space<hbm>>
        %dma_start3A_1513 = tpu.memref_squeeze %dma_start3A_1512 : memref<1x2x80xi32, #tpu.memory_space<hbm>> -> memref<2x80xi32, #tpu.memory_space<hbm>>
        tpu.enqueue_dma source(%dma_start3A_1513 : memref<2x80xi32, #tpu.memory_space<hbm>>) target(%dma_start3A_1504 : memref<2x80xi32, #tpu.memory_space<vmem>>) target_semaphore(%arg15 : memref<!tpu.dma_semaphore, #tpu.memory_space<semaphore_mem>>)
      } else {
      }
      %add3A_1267 = arith.constant 1 : i32
      %add3A_1268 = arith.addi %add3A_1254, %add3A_1267 : i32
      %lt3A_1269 = arith.constant 252 : i32
      %lt3A_1270 = arith.cmpi slt, %add3A_1268, %lt3A_1269 : i32
      %convert_element_type3A_1271 = arith.extui %lt3A_1270 : i1 to i32
      %cond3A_1272 = arith.constant 0 : i32
      %cond3A_1273 = arith.cmpi ne, %convert_element_type3A_1271, %cond3A_1272 : i32
      scf.if %cond3A_1273 {
        %add3A_1485 = arith.constant 1 : i32
        %add3A_1486 = arith.addi %add3A_1254, %add3A_1485 : i32
        %dma_wait3A_1487 = arith.constant 0 : i32
        %dma_wait3A_1488 = arith.constant 0 : i32
        %dma_wait3A_1489 = arith.constant 0 : i32
        %dma_wait3A_1490 = tpu.memref_slice %arg7[%dma_wait3A_1487, %dma_wait3A_1488, %dma_wait3A_1489] : memref<6x2x80xi32, #tpu.memory_space<vmem>> -> memref<1x2x80xi32, #tpu.memory_space<vmem>>
        %dma_wait3A_1491 = tpu.memref_squeeze %dma_wait3A_1490 : memref<1x2x80xi32, #tpu.memory_space<vmem>> -> memref<2x80xi32, #tpu.memory_space<vmem>>
        %dma_wait3A_1492 = arith.constant 0 : i32
        %dma_wait3A_1493 = arith.constant 0 : i32
        %dma_wait3A_1494 = arith.constant 0 : i32
        %dma_wait3A_1495 = tpu.memref_slice %arg4[%arg0, %arg1, %dma_wait3A_1492, %dma_wait3A_1493, %dma_wait3A_1494] : memref<2x16x252x2x80xi32, #tpu.memory_space<hbm>> -> memref<1x1x252x2x80xi32, #tpu.memory_space<hbm>>
        %dma_wait3A_1496 = tpu.memref_squeeze %dma_wait3A_1495 : memref<1x1x252x2x80xi32, #tpu.memory_space<hbm>> -> memref<252x2x80xi32, #tpu.memory_space<hbm>>
        %dma_wait3A_1497 = arith.constant 0 : i32
        %dma_wait3A_1498 = arith.constant 0 : i32
        %dma_wait3A_1499 = tpu.memref_slice %dma_wait3A_1496[%add3A_1486, %dma_wait3A_1497, %dma_wait3A_1498] : memref<252x2x80xi32, #tpu.memory_space<hbm>> -> memref<1x2x80xi32, #tpu.memory_space<hbm>>
        %dma_wait3A_1500 = tpu.memref_squeeze %dma_wait3A_1499 : memref<1x2x80xi32, #tpu.memory_space<hbm>> -> memref<2x80xi32, #tpu.memory_space<hbm>>
        %dma_wait3A_1501 = arith.constant 0 : i32
        %dma_wait3A_1502 = arith.constant 0 : i32
        %dma_wait3A_1503 = tpu.memref_slice %arg7[%dma_wait3A_1487, %dma_wait3A_1501, %dma_wait3A_1502] : memref<6x2x80xi32, #tpu.memory_space<vmem>> -> memref<1x2x80xi32, #tpu.memory_space<vmem>>
        %dma_wait3A_1504 = tpu.memref_squeeze %dma_wait3A_1503 : memref<1x2x80xi32, #tpu.memory_space<vmem>> -> memref<2x80xi32, #tpu.memory_space<vmem>>
        %dma_wait3A_1505 = arith.constant 0 : i32
        %dma_wait3A_1506 = arith.constant 0 : i32
        %dma_wait3A_1507 = arith.constant 0 : i32
        %dma_wait3A_1508 = tpu.memref_slice %arg4[%arg0, %arg1, %dma_wait3A_1505, %dma_wait3A_1506, %dma_wait3A_1507] : memref<2x16x252x2x80xi32, #tpu.memory_space<hbm>> -> memref<1x1x252x2x80xi32, #tpu.memory_space<hbm>>
        %dma_wait3A_1509 = tpu.memref_squeeze %dma_wait3A_1508 : memref<1x1x252x2x80xi32, #tpu.memory_space<hbm>> -> memref<252x2x80xi32, #tpu.memory_space<hbm>>
        %dma_wait3A_1510 = arith.constant 0 : i32
        %dma_wait3A_1511 = arith.constant 0 : i32
        %dma_wait3A_1512 = tpu.memref_slice %dma_wait3A_1509[%add3A_1486, %dma_wait3A_1510, %dma_wait3A_1511] : memref<252x2x80xi32, #tpu.memory_space<hbm>> -> memref<1x2x80xi32, #tpu.memory_space<hbm>>
        %dma_wait3A_1513 = tpu.memref_squeeze %dma_wait3A_1512 : memref<1x2x80xi32, #tpu.memory_space<hbm>> -> memref<2x80xi32, #tpu.memory_space<hbm>>
        tpu.wait_dma2 semaphore(%arg14 : memref<!tpu.dma_semaphore, #tpu.memory_space<semaphore_mem>>) src(%dma_wait3A_1513 : memref<2x80xi32, #tpu.memory_space<hbm>>) dst(%dma_wait3A_1504 : memref<2x80xi32, #tpu.memory_space<vmem>>)
        %dma_start3A_1514 = arith.constant 0 : i32
        %dma_start3A_1515 = arith.constant 1 : i32
        %dma_start3A_1516 = arith.constant 0 : i32
        %dma_start3A_1517 = arith.constant 0 : i32
        %dma_start3A_1518 = arith.constant 0 : i32
        %dma_start3A_1519 = tpu.memref_slice %arg8[%dma_start3A_1516, %dma_start3A_1517, %dma_start3A_1518] : memref<3x80x144xf32, #tpu.memory_space<vmem>> -> memref<1x80x144xf32, #tpu.memory_space<vmem>>
        %dma_start3A_1520 = tpu.memref_squeeze %dma_start3A_1519 : memref<1x80x144xf32, #tpu.memory_space<vmem>> -> memref<80x144xf32, #tpu.memory_space<vmem>>
        %dma_start3A_1521 = arith.constant 0 : i32
        %dma_start3A_1522 = tpu.memref_slice %arg7[%dma_start3A_1514, %dma_start3A_1515, %dma_start3A_1521] : memref<6x2x80xi32, #tpu.memory_space<vmem>> -> memref<1x1x80xi32, #tpu.memory_space<vmem>>
        %dma_start3A_1523 = tpu.memref_squeeze %dma_start3A_1522 : memref<1x1x80xi32, #tpu.memory_space<vmem>> -> memref<80xi32, #tpu.memory_space<vmem>>
        %dma_start3A_1524 = arith.constant 0 : i32
        %dma_start3A_1525 = arith.constant 0 : i32
        %dma_start3A_1526 = tpu.memref_slice %arg2[%arg0, %dma_start3A_1524, %dma_start3A_1525] : memref<2x10240x144xf32, #tpu.memory_space<hbm>> -> memref<1x10240x144xf32, #tpu.memory_space<hbm>>
        %dma_start3A_1527 = tpu.memref_squeeze %dma_start3A_1526 : memref<1x10240x144xf32, #tpu.memory_space<hbm>> -> memref<10240x144xf32, #tpu.memory_space<hbm>>
        %dma_start3A_1528 = arith.constant 0 : i32
        %dma_start3A_1529 = arith.constant 0 : i32
        %dma_start3A_1530 = tpu.memref_slice %dma_start3A_1527[%dma_start3A_1528, %dma_start3A_1529] : memref<10240x144xf32, #tpu.memory_space<hbm>> -> memref<10240x144xf32, #tpu.memory_space<hbm>>
        tpu.enqueue_indirect_dma source(%dma_start3A_1530 : memref<10240x144xf32, #tpu.memory_space<hbm>>) target(%dma_start3A_1520 : memref<80x144xf32, #tpu.memory_space<vmem>>) offsets(%dma_start3A_1523 : memref<80xi32, #tpu.memory_space<vmem>>) semaphore(%arg11 : memref<!tpu.dma_semaphore, #tpu.memory_space<semaphore_mem>>)
        %dma_start3A_1531 = arith.constant 0 : i32
        %dma_start3A_1532 = arith.constant 0 : i32
        %dma_start3A_1533 = arith.constant 0 : i32
        %dma_start3A_1534 = arith.constant 0 : i32
        %dma_start3A_1535 = arith.constant 0 : i32
        %dma_start3A_1536 = tpu.memref_slice %arg9[%dma_start3A_1533, %dma_start3A_1534, %dma_start3A_1535] : memref<2x80x16xf32, #tpu.memory_space<vmem>> -> memref<1x80x16xf32, #tpu.memory_space<vmem>>
        %dma_start3A_1537 = tpu.memref_squeeze %dma_start3A_1536 : memref<1x80x16xf32, #tpu.memory_space<vmem>> -> memref<80x16xf32, #tpu.memory_space<vmem>>
        %dma_start3A_1538 = arith.constant 0 : i32
        %dma_start3A_1539 = tpu.memref_slice %arg7[%dma_start3A_1531, %dma_start3A_1532, %dma_start3A_1538] : memref<6x2x80xi32, #tpu.memory_space<vmem>> -> memref<1x1x80xi32, #tpu.memory_space<vmem>>
        %dma_start3A_1540 = tpu.memref_squeeze %dma_start3A_1539 : memref<1x1x80xi32, #tpu.memory_space<vmem>> -> memref<80xi32, #tpu.memory_space<vmem>>
        %dma_start3A_1541 = arith.constant 0 : i32
        %dma_start3A_1542 = arith.constant 0 : i32
        %dma_start3A_1543 = tpu.memref_slice %arg3[%arg0, %dma_start3A_1541, %dma_start3A_1542] : memref<2x10240x16xf32, #tpu.memory_space<hbm>> -> memref<1x10240x16xf32, #tpu.memory_space<hbm>>
        %dma_start3A_1544 = tpu.memref_squeeze %dma_start3A_1543 : memref<1x10240x16xf32, #tpu.memory_space<hbm>> -> memref<10240x16xf32, #tpu.memory_space<hbm>>
        %dma_start3A_1545 = arith.constant 0 : i32
        %dma_start3A_1546 = arith.constant 0 : i32
        %dma_start3A_1547 = tpu.memref_slice %dma_start3A_1544[%dma_start3A_1545, %dma_start3A_1546] : memref<10240x16xf32, #tpu.memory_space<hbm>> -> memref<10240x16xf32, #tpu.memory_space<hbm>>
        tpu.enqueue_indirect_dma source(%dma_start3A_1547 : memref<10240x16xf32, #tpu.memory_space<hbm>>) target(%dma_start3A_1537 : memref<80x16xf32, #tpu.memory_space<vmem>>) offsets(%dma_start3A_1540 : memref<80xi32, #tpu.memory_space<vmem>>) semaphore(%arg11 : memref<!tpu.dma_semaphore, #tpu.memory_space<semaphore_mem>>)
      } else {
      }
      %dma_wait3A_1274 = arith.constant 5 : i32
      %dma_wait3A_1275 = arith.constant 1 : i32
      %dma_wait3A_1276 = arith.constant 2 : i32
      %dma_wait3A_1277 = arith.constant 0 : i32
      %dma_wait3A_1278 = arith.constant 0 : i32
      %dma_wait3A_1279 = tpu.memref_slice %arg8[%dma_wait3A_1276, %dma_wait3A_1277, %dma_wait3A_1278] : memref<3x80x144xf32, #tpu.memory_space<vmem>> -> memref<1x80x144xf32, #tpu.memory_space<vmem>>
      %dma_wait3A_1280 = tpu.memref_squeeze %dma_wait3A_1279 : memref<1x80x144xf32, #tpu.memory_space<vmem>> -> memref<80x144xf32, #tpu.memory_space<vmem>>
      %dma_wait3A_1281 = arith.constant 0 : i32
      %dma_wait3A_1282 = tpu.memref_slice %arg7[%dma_wait3A_1274, %dma_wait3A_1275, %dma_wait3A_1281] : memref<6x2x80xi32, #tpu.memory_space<vmem>> -> memref<1x1x80xi32, #tpu.memory_space<vmem>>
      %dma_wait3A_1283 = tpu.memref_squeeze %dma_wait3A_1282 : memref<1x1x80xi32, #tpu.memory_space<vmem>> -> memref<80xi32, #tpu.memory_space<vmem>>
      %dma_wait3A_1284 = arith.constant 0 : i32
      %dma_wait3A_1285 = arith.constant 0 : i32
      %dma_wait3A_1286 = tpu.memref_slice %arg2[%arg0, %dma_wait3A_1284, %dma_wait3A_1285] : memref<2x10240x144xf32, #tpu.memory_space<hbm>> -> memref<1x10240x144xf32, #tpu.memory_space<hbm>>
      %dma_wait3A_1287 = tpu.memref_squeeze %dma_wait3A_1286 : memref<1x10240x144xf32, #tpu.memory_space<hbm>> -> memref<10240x144xf32, #tpu.memory_space<hbm>>
      %dma_wait3A_1288 = arith.constant 0 : i32
      %dma_wait3A_1289 = arith.constant 0 : i32
      %dma_wait3A_1290 = tpu.memref_slice %dma_wait3A_1287[%dma_wait3A_1288, %dma_wait3A_1289] : memref<10240x144xf32, #tpu.memory_space<hbm>> -> memref<10240x144xf32, #tpu.memory_space<hbm>>
      tpu.wait_indirect_dma semaphore(%arg13 : memref<!tpu.dma_semaphore, #tpu.memory_space<semaphore_mem>>) src(%dma_wait3A_1290 : memref<10240x144xf32, #tpu.memory_space<hbm>>) dst(%dma_wait3A_1280 : memref<80x144xf32, #tpu.memory_space<vmem>>)
      %dma_wait3A_1291 = arith.constant 5 : i32
      %dma_wait3A_1292 = arith.constant 0 : i32
      %dma_wait3A_1293 = arith.constant 1 : i32
      %dma_wait3A_1294 = arith.constant 0 : i32
      %dma_wait3A_1295 = arith.constant 0 : i32
      %dma_wait3A_1296 = tpu.memref_slice %arg9[%dma_wait3A_1293, %dma_wait3A_1294, %dma_wait3A_1295] : memref<2x80x16xf32, #tpu.memory_space<vmem>> -> memref<1x80x16xf32, #tpu.memory_space<vmem>>
      %dma_wait3A_1297 = tpu.memref_squeeze %dma_wait3A_1296 : memref<1x80x16xf32, #tpu.memory_space<vmem>> -> memref<80x16xf32, #tpu.memory_space<vmem>>
      %dma_wait3A_1298 = arith.constant 0 : i32
      %dma_wait3A_1299 = tpu.memref_slice %arg7[%dma_wait3A_1291, %dma_wait3A_1292, %dma_wait3A_1298] : memref<6x2x80xi32, #tpu.memory_space<vmem>> -> memref<1x1x80xi32, #tpu.memory_space<vmem>>
      %dma_wait3A_1300 = tpu.memref_squeeze %dma_wait3A_1299 : memref<1x1x80xi32, #tpu.memory_space<vmem>> -> memref<80xi32, #tpu.memory_space<vmem>>
      %dma_wait3A_1301 = arith.constant 0 : i32
      %dma_wait3A_1302 = arith.constant 0 : i32
      %dma_wait3A_1303 = tpu.memref_slice %arg3[%arg0, %dma_wait3A_1301, %dma_wait3A_1302] : memref<2x10240x16xf32, #tpu.memory_space<hbm>> -> memref<1x10240x16xf32, #tpu.memory_space<hbm>>
      %dma_wait3A_1304 = tpu.memref_squeeze %dma_wait3A_1303 : memref<1x10240x16xf32, #tpu.memory_space<hbm>> -> memref<10240x16xf32, #tpu.memory_space<hbm>>
      %dma_wait3A_1305 = arith.constant 0 : i32
      %dma_wait3A_1306 = arith.constant 0 : i32
      %dma_wait3A_1307 = tpu.memref_slice %dma_wait3A_1304[%dma_wait3A_1305, %dma_wait3A_1306] : memref<10240x16xf32, #tpu.memory_space<hbm>> -> memref<10240x16xf32, #tpu.memory_space<hbm>>
      tpu.wait_indirect_dma semaphore(%arg13 : memref<!tpu.dma_semaphore, #tpu.memory_space<semaphore_mem>>) src(%dma_wait3A_1307 : memref<10240x16xf32, #tpu.memory_space<hbm>>) dst(%dma_wait3A_1297 : memref<80x16xf32, #tpu.memory_space<vmem>>)
      %add3A_1308 = arith.constant 0 : i32
      %add3A_1309 = vector.broadcast %add3A_1308 : i32 to vector<16xi32>
      %add3A_1310 = arith.addi %iota3A, %add3A_1309 : vector<16xi32>
      %gather3A_1311 = arith.constant 1 : i32
      %gather3A_1312 = arith.constant 0 : i32
      %gather3A_1313 = arith.constant 0 : i32
      %gather3A_1314 = tpu.memref_slice %arg9[%gather3A_1311, %gather3A_1312, %gather3A_1313] : memref<2x80x16xf32, #tpu.memory_space<vmem>> -> memref<1x80x16xf32, #tpu.memory_space<vmem>>
      %gather3A_1315 = tpu.memref_squeeze %gather3A_1314 : memref<1x80x16xf32, #tpu.memory_space<vmem>> -> memref<80x16xf32, #tpu.memory_space<vmem>>
      %gather3A_1316 = tpu.vector_load_idx %gather3A_1315[%add3A_1310, %mul3A_3] : memref<80x16xf32, #tpu.memory_space<vmem>>[vector<16xi32>, vector<16xi32>], vector<16xf32>,
      %gather3A_1317 = arith.constant 2 : i32
      %gather3A_1318 = arith.constant 0 : i32
      %gather3A_1319 = arith.constant 0 : i32
      %gather3A_1320 = tpu.memref_slice %arg8[%gather3A_1317, %gather3A_1318, %gather3A_1319] : memref<3x80x144xf32, #tpu.memory_space<vmem>> -> memref<1x80x144xf32, #tpu.memory_space<vmem>>
      %gather3A_1321 = tpu.memref_squeeze %gather3A_1320 : memref<1x80x144xf32, #tpu.memory_space<vmem>> -> memref<80x144xf32, #tpu.memory_space<vmem>>
      %gather3A_1322 = tpu.vector_load_idx %gather3A_1321[%add3A_1310, %broadcast_in_dim3A_4] : memref<80x144xf32, #tpu.memory_space<vmem>>[vector<16xi32>, vector<16xi32>], vector<16xf32>,
      %add3A_1323 = arith.addf %gather3A_1316, %gather3A_1322 : vector<16xf32>
      %gt3A_1324 = arith.constant 0.000000e+00 : f32
      %gt3A_1325 = vector.broadcast %gt3A_1324 : f32 to vector<16xf32>
      %gt3A_1326 = arith.cmpf ogt, %add3A_1323, %gt3A_1325 : vector<16xf32>
      %mul3A_1327 = arith.constant 2.000000e-01 : f32
      %mul3A_1328 = vector.broadcast %mul3A_1327 : f32 to vector<16xf32>
      %mul3A_1329 = arith.mulf %mul3A_1328, %add3A_1323 : vector<16xf32>
      %select_n3A_1330 = arith.select %gt3A_1326, %add3A_1323, %mul3A_1329 : vector<16xi1>, vector<16xf32>
      %neg3A_1331 = arith.constant 0.000000e+00 : f32
      %neg3A_1332 = vector.broadcast %neg3A_1331 : f32 to vector<16xf32>
      %neg3A_1333 = arith.subf %neg3A_1332, %select_n3A_1330 : vector<16xf32>
      %exp3A_1334 = math.exp %neg3A_1333 : vector<16xf32>
      %scatter3A_1335 = arith.constant 2 : i32
      %scatter3A_1336 = arith.constant 0 : i32
      %scatter3A_1337 = arith.constant 0 : i32
      %scatter3A_1338 = tpu.memref_slice %arg8[%scatter3A_1335, %scatter3A_1336, %scatter3A_1337] : memref<3x80x144xf32, #tpu.memory_space<vmem>> -> memref<1x80x144xf32, #tpu.memory_space<vmem>>
      %scatter3A_1339 = tpu.memref_squeeze %scatter3A_1338 : memref<1x80x144xf32, #tpu.memory_space<vmem>> -> memref<80x144xf32, #tpu.memory_space<vmem>>
      tpu.vector_store_idx %scatter3A_1339[%add3A_1310, %broadcast_in_dim3A_4], %exp3A_1334 : memref<80x144xf32, #tpu.memory_space<vmem>>[vector<16xi32>, vector<16xi32>], vector<16xf32>,
      %add3A_1340 = arith.constant 16 : i32
      %add3A_1341 = vector.broadcast %add3A_1340 : i32 to vector<16xi32>
      %add3A_1342 = arith.addi %iota3A, %add3A_1341 : vector<16xi32>
      %gather3A_1343 = arith.constant 1 : i32
      %gather3A_1344 = arith.constant 0 : i32
      %gather3A_1345 = arith.constant 0 : i32
      %gather3A_1346 = tpu.memref_slice %arg9[%gather3A_1343, %gather3A_1344, %gather3A_1345] : memref<2x80x16xf32, #tpu.memory_space<vmem>> -> memref<1x80x16xf32, #tpu.memory_space<vmem>>
      %gather3A_1347 = tpu.memref_squeeze %gather3A_1346 : memref<1x80x16xf32, #tpu.memory_space<vmem>> -> memref<80x16xf32, #tpu.memory_space<vmem>>
      %gather3A_1348 = tpu.vector_load_idx %gather3A_1347[%add3A_1342, %mul3A_3] : memref<80x16xf32, #tpu.memory_space<vmem>>[vector<16xi32>, vector<16xi32>], vector<16xf32>,
      %gather3A_1349 = arith.constant 2 : i32
      %gather3A_1350 = arith.constant 0 : i32
      %gather3A_1351 = arith.constant 0 : i32
      %gather3A_1352 = tpu.memref_slice %arg8[%gather3A_1349, %gather3A_1350, %gather3A_1351] : memref<3x80x144xf32, #tpu.memory_space<vmem>> -> memref<1x80x144xf32, #tpu.memory_space<vmem>>
      %gather3A_1353 = tpu.memref_squeeze %gather3A_1352 : memref<1x80x144xf32, #tpu.memory_space<vmem>> -> memref<80x144xf32, #tpu.memory_space<vmem>>
      %gather3A_1354 = tpu.vector_load_idx %gather3A_1353[%add3A_1342, %broadcast_in_dim3A_4] : memref<80x144xf32, #tpu.memory_space<vmem>>[vector<16xi32>, vector<16xi32>], vector<16xf32>,
      %add3A_1355 = arith.addf %gather3A_1348, %gather3A_1354 : vector<16xf32>
      %gt3A_1356 = arith.constant 0.000000e+00 : f32
      %gt3A_1357 = vector.broadcast %gt3A_1356 : f32 to vector<16xf32>
      %gt3A_1358 = arith.cmpf ogt, %add3A_1355, %gt3A_1357 : vector<16xf32>
      %mul3A_1359 = arith.constant 2.000000e-01 : f32
      %mul3A_1360 = vector.broadcast %mul3A_1359 : f32 to vector<16xf32>
      %mul3A_1361 = arith.mulf %mul3A_1360, %add3A_1355 : vector<16xf32>
      %select_n3A_1362 = arith.select %gt3A_1358, %add3A_1355, %mul3A_1361 : vector<16xi1>, vector<16xf32>
      %neg3A_1363 = arith.constant 0.000000e+00 : f32
      %neg3A_1364 = vector.broadcast %neg3A_1363 : f32 to vector<16xf32>
      %neg3A_1365 = arith.subf %neg3A_1364, %select_n3A_1362 : vector<16xf32>
      %exp3A_1366 = math.exp %neg3A_1365 : vector<16xf32>
      %scatter3A_1367 = arith.constant 2 : i32
      %scatter3A_1368 = arith.constant 0 : i32
      %scatter3A_1369 = arith.constant 0 : i32
      %scatter3A_1370 = tpu.memref_slice %arg8[%scatter3A_1367, %scatter3A_1368, %scatter3A_1369] : memref<3x80x144xf32, #tpu.memory_space<vmem>> -> memref<1x80x144xf32, #tpu.memory_space<vmem>>
      %scatter3A_1371 = tpu.memref_squeeze %scatter3A_1370 : memref<1x80x144xf32, #tpu.memory_space<vmem>> -> memref<80x144xf32, #tpu.memory_space<vmem>>
      tpu.vector_store_idx %scatter3A_1371[%add3A_1342, %broadcast_in_dim3A_4], %exp3A_1366 : memref<80x144xf32, #tpu.memory_space<vmem>>[vector<16xi32>, vector<16xi32>], vector<16xf32>,
      %add3A_1372 = arith.constant 32 : i32
      %add3A_1373 = vector.broadcast %add3A_1372 : i32 to vector<16xi32>
      %add3A_1374 = arith.addi %iota3A, %add3A_1373 : vector<16xi32>
      %gather3A_1375 = arith.constant 1 : i32
      %gather3A_1376 = arith.constant 0 : i32
      %gather3A_1377 = arith.constant 0 : i32
      %gather3A_1378 = tpu.memref_slice %arg9[%gather3A_1375, %gather3A_1376, %gather3A_1377] : memref<2x80x16xf32, #tpu.memory_space<vmem>> -> memref<1x80x16xf32, #tpu.memory_space<vmem>>
      %gather3A_1379 = tpu.memref_squeeze %gather3A_1378 : memref<1x80x16xf32, #tpu.memory_space<vmem>> -> memref<80x16xf32, #tpu.memory_space<vmem>>
      %gather3A_1380 = tpu.vector_load_idx %gather3A_1379[%add3A_1374, %mul3A_3] : memref<80x16xf32, #tpu.memory_space<vmem>>[vector<16xi32>, vector<16xi32>], vector<16xf32>,
      %gather3A_1381 = arith.constant 2 : i32
      %gather3A_1382 = arith.constant 0 : i32
      %gather3A_1383 = arith.constant 0 : i32
      %gather3A_1384 = tpu.memref_slice %arg8[%gather3A_1381, %gather3A_1382, %gather3A_1383] : memref<3x80x144xf32, #tpu.memory_space<vmem>> -> memref<1x80x144xf32, #tpu.memory_space<vmem>>
      %gather3A_1385 = tpu.memref_squeeze %gather3A_1384 : memref<1x80x144xf32, #tpu.memory_space<vmem>> -> memref<80x144xf32, #tpu.memory_space<vmem>>
      %gather3A_1386 = tpu.vector_load_idx %gather3A_1385[%add3A_1374, %broadcast_in_dim3A_4] : memref<80x144xf32, #tpu.memory_space<vmem>>[vector<16xi32>, vector<16xi32>], vector<16xf32>,
      %add3A_1387 = arith.addf %gather3A_1380, %gather3A_1386 : vector<16xf32>
      %gt3A_1388 = arith.constant 0.000000e+00 : f32
      %gt3A_1389 = vector.broadcast %gt3A_1388 : f32 to vector<16xf32>
      %gt3A_1390 = arith.cmpf ogt, %add3A_1387, %gt3A_1389 : vector<16xf32>
      %mul3A_1391 = arith.constant 2.000000e-01 : f32
      %mul3A_1392 = vector.broadcast %mul3A_1391 : f32 to vector<16xf32>
      %mul3A_1393 = arith.mulf %mul3A_1392, %add3A_1387 : vector<16xf32>
      %select_n3A_1394 = arith.select %gt3A_1390, %add3A_1387, %mul3A_1393 : vector<16xi1>, vector<16xf32>
      %neg3A_1395 = arith.constant 0.000000e+00 : f32
      %neg3A_1396 = vector.broadcast %neg3A_1395 : f32 to vector<16xf32>
      %neg3A_1397 = arith.subf %neg3A_1396, %select_n3A_1394 : vector<16xf32>
      %exp3A_1398 = math.exp %neg3A_1397 : vector<16xf32>
      %scatter3A_1399 = arith.constant 2 : i32
      %scatter3A_1400 = arith.constant 0 : i32
      %scatter3A_1401 = arith.constant 0 : i32
      %scatter3A_1402 = tpu.memref_slice %arg8[%scatter3A_1399, %scatter3A_1400, %scatter3A_1401] : memref<3x80x144xf32, #tpu.memory_space<vmem>> -> memref<1x80x144xf32, #tpu.memory_space<vmem>>
      %scatter3A_1403 = tpu.memref_squeeze %scatter3A_1402 : memref<1x80x144xf32, #tpu.memory_space<vmem>> -> memref<80x144xf32, #tpu.memory_space<vmem>>
      tpu.vector_store_idx %scatter3A_1403[%add3A_1374, %broadcast_in_dim3A_4], %exp3A_1398 : memref<80x144xf32, #tpu.memory_space<vmem>>[vector<16xi32>, vector<16xi32>], vector<16xf32>,
      %add3A_1404 = arith.constant 48 : i32
      %add3A_1405 = vector.broadcast %add3A_1404 : i32 to vector<16xi32>
      %add3A_1406 = arith.addi %iota3A, %add3A_1405 : vector<16xi32>
      %gather3A_1407 = arith.constant 1 : i32
      %gather3A_1408 = arith.constant 0 : i32
      %gather3A_1409 = arith.constant 0 : i32
      %gather3A_1410 = tpu.memref_slice %arg9[%gather3A_1407, %gather3A_1408, %gather3A_1409] : memref<2x80x16xf32, #tpu.memory_space<vmem>> -> memref<1x80x16xf32, #tpu.memory_space<vmem>>
      %gather3A_1411 = tpu.memref_squeeze %gather3A_1410 : memref<1x80x16xf32, #tpu.memory_space<vmem>> -> memref<80x16xf32, #tpu.memory_space<vmem>>
      %gather3A_1412 = tpu.vector_load_idx %gather3A_1411[%add3A_1406, %mul3A_3] : memref<80x16xf32, #tpu.memory_space<vmem>>[vector<16xi32>, vector<16xi32>], vector<16xf32>,
      %gather3A_1413 = arith.constant 2 : i32
      %gather3A_1414 = arith.constant 0 : i32
      %gather3A_1415 = arith.constant 0 : i32
      %gather3A_1416 = tpu.memref_slice %arg8[%gather3A_1413, %gather3A_1414, %gather3A_1415] : memref<3x80x144xf32, #tpu.memory_space<vmem>> -> memref<1x80x144xf32, #tpu.memory_space<vmem>>
      %gather3A_1417 = tpu.memref_squeeze %gather3A_1416 : memref<1x80x144xf32, #tpu.memory_space<vmem>> -> memref<80x144xf32, #tpu.memory_space<vmem>>
      %gather3A_1418 = tpu.vector_load_idx %gather3A_1417[%add3A_1406, %broadcast_in_dim3A_4] : memref<80x144xf32, #tpu.memory_space<vmem>>[vector<16xi32>, vector<16xi32>], vector<16xf32>,
      %add3A_1419 = arith.addf %gather3A_1412, %gather3A_1418 : vector<16xf32>
      %gt3A_1420 = arith.constant 0.000000e+00 : f32
      %gt3A_1421 = vector.broadcast %gt3A_1420 : f32 to vector<16xf32>
      %gt3A_1422 = arith.cmpf ogt, %add3A_1419, %gt3A_1421 : vector<16xf32>
      %mul3A_1423 = arith.constant 2.000000e-01 : f32
      %mul3A_1424 = vector.broadcast %mul3A_1423 : f32 to vector<16xf32>
      %mul3A_1425 = arith.mulf %mul3A_1424, %add3A_1419 : vector<16xf32>
      %select_n3A_1426 = arith.select %gt3A_1422, %add3A_1419, %mul3A_1425 : vector<16xi1>, vector<16xf32>
      %neg3A_1427 = arith.constant 0.000000e+00 : f32
      %neg3A_1428 = vector.broadcast %neg3A_1427 : f32 to vector<16xf32>
      %neg3A_1429 = arith.subf %neg3A_1428, %select_n3A_1426 : vector<16xf32>
      %exp3A_1430 = math.exp %neg3A_1429 : vector<16xf32>
      %scatter3A_1431 = arith.constant 2 : i32
      %scatter3A_1432 = arith.constant 0 : i32
      %scatter3A_1433 = arith.constant 0 : i32
      %scatter3A_1434 = tpu.memref_slice %arg8[%scatter3A_1431, %scatter3A_1432, %scatter3A_1433] : memref<3x80x144xf32, #tpu.memory_space<vmem>> -> memref<1x80x144xf32, #tpu.memory_space<vmem>>
      %scatter3A_1435 = tpu.memref_squeeze %scatter3A_1434 : memref<1x80x144xf32, #tpu.memory_space<vmem>> -> memref<80x144xf32, #tpu.memory_space<vmem>>
      tpu.vector_store_idx %scatter3A_1435[%add3A_1406, %broadcast_in_dim3A_4], %exp3A_1430 : memref<80x144xf32, #tpu.memory_space<vmem>>[vector<16xi32>, vector<16xi32>], vector<16xf32>,
      %add3A_1436 = arith.constant 64 : i32
      %add3A_1437 = vector.broadcast %add3A_1436 : i32 to vector<16xi32>
      %add3A_1438 = arith.addi %iota3A, %add3A_1437 : vector<16xi32>
      %gather3A_1439 = arith.constant 1 : i32
      %gather3A_1440 = arith.constant 0 : i32
      %gather3A_1441 = arith.constant 0 : i32
      %gather3A_1442 = tpu.memref_slice %arg9[%gather3A_1439, %gather3A_1440, %gather3A_1441] : memref<2x80x16xf32, #tpu.memory_space<vmem>> -> memref<1x80x16xf32, #tpu.memory_space<vmem>>
      %gather3A_1443 = tpu.memref_squeeze %gather3A_1442 : memref<1x80x16xf32, #tpu.memory_space<vmem>> -> memref<80x16xf32, #tpu.memory_space<vmem>>
      %gather3A_1444 = tpu.vector_load_idx %gather3A_1443[%add3A_1438, %mul3A_3] : memref<80x16xf32, #tpu.memory_space<vmem>>[vector<16xi32>, vector<16xi32>], vector<16xf32>,
      %gather3A_1445 = arith.constant 2 : i32
      %gather3A_1446 = arith.constant 0 : i32
      %gather3A_1447 = arith.constant 0 : i32
      %gather3A_1448 = tpu.memref_slice %arg8[%gather3A_1445, %gather3A_1446, %gather3A_1447] : memref<3x80x144xf32, #tpu.memory_space<vmem>> -> memref<1x80x144xf32, #tpu.memory_space<vmem>>
      %gather3A_1449 = tpu.memref_squeeze %gather3A_1448 : memref<1x80x144xf32, #tpu.memory_space<vmem>> -> memref<80x144xf32, #tpu.memory_space<vmem>>
      %gather3A_1450 = tpu.vector_load_idx %gather3A_1449[%add3A_1438, %broadcast_in_dim3A_4] : memref<80x144xf32, #tpu.memory_space<vmem>>[vector<16xi32>, vector<16xi32>], vector<16xf32>,
      %add3A_1451 = arith.addf %gather3A_1444, %gather3A_1450 : vector<16xf32>
      %gt3A_1452 = arith.constant 0.000000e+00 : f32
      %gt3A_1453 = vector.broadcast %gt3A_1452 : f32 to vector<16xf32>
      %gt3A_1454 = arith.cmpf ogt, %add3A_1451, %gt3A_1453 : vector<16xf32>
      %mul3A_1455 = arith.constant 2.000000e-01 : f32
      %mul3A_1456 = vector.broadcast %mul3A_1455 : f32 to vector<16xf32>
      %mul3A_1457 = arith.mulf %mul3A_1456, %add3A_1451 : vector<16xf32>
      %select_n3A_1458 = arith.select %gt3A_1454, %add3A_1451, %mul3A_1457 : vector<16xi1>, vector<16xf32>
      %neg3A_1459 = arith.constant 0.000000e+00 : f32
      %neg3A_1460 = vector.broadcast %neg3A_1459 : f32 to vector<16xf32>
      %neg3A_1461 = arith.subf %neg3A_1460, %select_n3A_1458 : vector<16xf32>
      %exp3A_1462 = math.exp %neg3A_1461 : vector<16xf32>
      %scatter3A_1463 = arith.constant 2 : i32
      %scatter3A_1464 = arith.constant 0 : i32
      %scatter3A_1465 = arith.constant 0 : i32
      %scatter3A_1466 = tpu.memref_slice %arg8[%scatter3A_1463, %scatter3A_1464, %scatter3A_1465] : memref<3x80x144xf32, #tpu.memory_space<vmem>> -> memref<1x80x144xf32, #tpu.memory_space<vmem>>
      %scatter3A_1467 = tpu.memref_squeeze %scatter3A_1466 : memref<1x80x144xf32, #tpu.memory_space<vmem>> -> memref<80x144xf32, #tpu.memory_space<vmem>>
      tpu.vector_store_idx %scatter3A_1467[%add3A_1438, %broadcast_in_dim3A_4], %exp3A_1462 : memref<80x144xf32, #tpu.memory_space<vmem>>[vector<16xi32>, vector<16xi32>], vector<16xf32>,
      %parallel_loop3A_1468 = arith.constant 0 : i32
      %parallel_loop3A_1469 = arith.constant 80 : i32
      %parallel_loop3A_1470 = arith.constant 1 : i32
      %parallel_loop3A_1471 = arith.constant 2 : i32
      scf.for %parallel_loop3A_1485 = %parallel_loop3A_1468 to %parallel_loop3A_1469 step %parallel_loop3A_1470  : i32 {
        %parallel_loop3A_1486 = vector.broadcast %parallel_loop3A_1485 : i32 to vector<16xi32>
        %parallel_loop3A_1487 = arith.constant 0 : i32
        %parallel_loop3A_1488 = arith.constant 0 : i32
        %parallel_loop3A_1489 = tpu.memref_slice %arg8[%parallel_loop3A_1471, %parallel_loop3A_1487, %parallel_loop3A_1488] : memref<3x80x144xf32, #tpu.memory_space<vmem>> -> memref<1x80x144xf32, #tpu.memory_space<vmem>>
        %parallel_loop3A_1490 = tpu.memref_squeeze %parallel_loop3A_1489 : memref<1x80x144xf32, #tpu.memory_space<vmem>> -> memref<80x144xf32, #tpu.memory_space<vmem>>
        %parallel_loop3A_1491 = tpu.vector_load_idx %parallel_loop3A_1490[%parallel_loop3A_1486, %broadcast_in_dim3A_4] : memref<80x144xf32, #tpu.memory_space<vmem>>[vector<16xi32>, vector<16xi32>], vector<16xf32>,
        %parallel_loop3A_1492 = arith.constant 0 : i32
        %parallel_loop3A_1493 = arith.constant 0 : i32
        %parallel_loop3A_1494 = tpu.memref_slice %arg8[%parallel_loop3A_1471, %parallel_loop3A_1492, %parallel_loop3A_1493] : memref<3x80x144xf32, #tpu.memory_space<vmem>> -> memref<1x80x144xf32, #tpu.memory_space<vmem>>
        %parallel_loop3A_1495 = tpu.memref_squeeze %parallel_loop3A_1494 : memref<1x80x144xf32, #tpu.memory_space<vmem>> -> memref<80x144xf32, #tpu.memory_space<vmem>>
        %parallel_loop3A_1496 = arith.index_cast %parallel_loop3A_1485 : i32 to index
        %parallel_loop3A_1497 = arith.constant 0 : index
        %parallel_loop3A_1498 = tpu.vector_load %parallel_loop3A_1495[%parallel_loop3A_1496, %parallel_loop3A_1497] {strides = array<i32>} : memref<80x144xf32, #tpu.memory_space<vmem>>, vector<16xf32>,
        %parallel_loop3A_1499 = arith.mulf %parallel_loop3A_1498, %parallel_loop3A_1491 : vector<16xf32>
        %parallel_loop3A_1500 = arith.constant 0 : i32
        %parallel_loop3A_1501 = arith.constant 0 : i32
        %parallel_loop3A_1502 = tpu.memref_slice %arg8[%parallel_loop3A_1471, %parallel_loop3A_1500, %parallel_loop3A_1501] : memref<3x80x144xf32, #tpu.memory_space<vmem>> -> memref<1x80x144xf32, #tpu.memory_space<vmem>>
        %parallel_loop3A_1503 = tpu.memref_squeeze %parallel_loop3A_1502 : memref<1x80x144xf32, #tpu.memory_space<vmem>> -> memref<80x144xf32, #tpu.memory_space<vmem>>
        %parallel_loop3A_1504 = arith.index_cast %parallel_loop3A_1485 : i32 to index
        %parallel_loop3A_1505 = arith.constant 0 : index
        %parallel_loop3A_1506 = tpu.vector_load %parallel_loop3A_1503[%parallel_loop3A_1504, %parallel_loop3A_1505] {strides = array<i32>} : memref<80x144xf32, #tpu.memory_space<vmem>>, vector<16xf32>,
        tpu.vector_store %parallel_loop3A_1503[%parallel_loop3A_1504, %parallel_loop3A_1505], %parallel_loop3A_1499 {strides = array<i32>} : memref<80x144xf32, #tpu.memory_space<vmem>>, vector<16xf32>,
        %parallel_loop3A_1507 = arith.constant 0 : i32
        %parallel_loop3A_1508 = arith.constant 0 : i32
        %parallel_loop3A_1509 = tpu.memref_slice %arg8[%parallel_loop3A_1471, %parallel_loop3A_1507, %parallel_loop3A_1508] : memref<3x80x144xf32, #tpu.memory_space<vmem>> -> memref<1x80x144xf32, #tpu.memory_space<vmem>>
        %parallel_loop3A_1510 = tpu.memref_squeeze %parallel_loop3A_1509 : memref<1x80x144xf32, #tpu.memory_space<vmem>> -> memref<80x144xf32, #tpu.memory_space<vmem>>
        %parallel_loop3A_1511 = arith.index_cast %parallel_loop3A_1485 : i32 to index
        %parallel_loop3A_1512 = arith.constant 16 : index
        %parallel_loop3A_1513 = tpu.vector_load %parallel_loop3A_1510[%parallel_loop3A_1511, %parallel_loop3A_1512] {strides = array<i32>} : memref<80x144xf32, #tpu.memory_space<vmem>>, vector<16xf32>,
        %parallel_loop3A_1514 = arith.mulf %parallel_loop3A_1513, %parallel_loop3A_1491 : vector<16xf32>
        %parallel_loop3A_1515 = arith.constant 0 : i32
        %parallel_loop3A_1516 = arith.constant 0 : i32
        %parallel_loop3A_1517 = tpu.memref_slice %arg8[%parallel_loop3A_1471, %parallel_loop3A_1515, %parallel_loop3A_1516] : memref<3x80x144xf32, #tpu.memory_space<vmem>> -> memref<1x80x144xf32, #tpu.memory_space<vmem>>
        %parallel_loop3A_1518 = tpu.memref_squeeze %parallel_loop3A_1517 : memref<1x80x144xf32, #tpu.memory_space<vmem>> -> memref<80x144xf32, #tpu.memory_space<vmem>>
        %parallel_loop3A_1519 = arith.index_cast %parallel_loop3A_1485 : i32 to index
        %parallel_loop3A_1520 = arith.constant 16 : index
        %parallel_loop3A_1521 = tpu.vector_load %parallel_loop3A_1518[%parallel_loop3A_1519, %parallel_loop3A_1520] {strides = array<i32>} : memref<80x144xf32, #tpu.memory_space<vmem>>, vector<16xf32>,
        tpu.vector_store %parallel_loop3A_1518[%parallel_loop3A_1519, %parallel_loop3A_1520], %parallel_loop3A_1514 {strides = array<i32>} : memref<80x144xf32, #tpu.memory_space<vmem>>, vector<16xf32>,
        %parallel_loop3A_1522 = arith.constant 0 : i32
        %parallel_loop3A_1523 = arith.constant 0 : i32
        %parallel_loop3A_1524 = tpu.memref_slice %arg8[%parallel_loop3A_1471, %parallel_loop3A_1522, %parallel_loop3A_1523] : memref<3x80x144xf32, #tpu.memory_space<vmem>> -> memref<1x80x144xf32, #tpu.memory_space<vmem>>
        %parallel_loop3A_1525 = tpu.memref_squeeze %parallel_loop3A_1524 : memref<1x80x144xf32, #tpu.memory_space<vmem>> -> memref<80x144xf32, #tpu.memory_space<vmem>>
        %parallel_loop3A_1526 = arith.index_cast %parallel_loop3A_1485 : i32 to index
        %parallel_loop3A_1527 = arith.constant 32 : index
        %parallel_loop3A_1528 = tpu.vector_load %parallel_loop3A_1525[%parallel_loop3A_1526, %parallel_loop3A_1527] {strides = array<i32>} : memref<80x144xf32, #tpu.memory_space<vmem>>, vector<16xf32>,
        %parallel_loop3A_1529 = arith.mulf %parallel_loop3A_1528, %parallel_loop3A_1491 : vector<16xf32>
        %parallel_loop3A_1530 = arith.constant 0 : i32
        %parallel_loop3A_1531 = arith.constant 0 : i32
        %parallel_loop3A_1532 = tpu.memref_slice %arg8[%parallel_loop3A_1471, %parallel_loop3A_1530, %parallel_loop3A_1531] : memref<3x80x144xf32, #tpu.memory_space<vmem>> -> memref<1x80x144xf32, #tpu.memory_space<vmem>>
        %parallel_loop3A_1533 = tpu.memref_squeeze %parallel_loop3A_1532 : memref<1x80x144xf32, #tpu.memory_space<vmem>> -> memref<80x144xf32, #tpu.memory_space<vmem>>
        %parallel_loop3A_1534 = arith.index_cast %parallel_loop3A_1485 : i32 to index
        %parallel_loop3A_1535 = arith.constant 32 : index
        %parallel_loop3A_1536 = tpu.vector_load %parallel_loop3A_1533[%parallel_loop3A_1534, %parallel_loop3A_1535] {strides = array<i32>} : memref<80x144xf32, #tpu.memory_space<vmem>>, vector<16xf32>,
        tpu.vector_store %parallel_loop3A_1533[%parallel_loop3A_1534, %parallel_loop3A_1535], %parallel_loop3A_1529 {strides = array<i32>} : memref<80x144xf32, #tpu.memory_space<vmem>>, vector<16xf32>,
        %parallel_loop3A_1537 = arith.constant 0 : i32
        %parallel_loop3A_1538 = arith.constant 0 : i32
        %parallel_loop3A_1539 = tpu.memref_slice %arg8[%parallel_loop3A_1471, %parallel_loop3A_1537, %parallel_loop3A_1538] : memref<3x80x144xf32, #tpu.memory_space<vmem>> -> memref<1x80x144xf32, #tpu.memory_space<vmem>>
        %parallel_loop3A_1540 = tpu.memref_squeeze %parallel_loop3A_1539 : memref<1x80x144xf32, #tpu.memory_space<vmem>> -> memref<80x144xf32, #tpu.memory_space<vmem>>
        %parallel_loop3A_1541 = arith.index_cast %parallel_loop3A_1485 : i32 to index
        %parallel_loop3A_1542 = arith.constant 48 : index
        %parallel_loop3A_1543 = tpu.vector_load %parallel_loop3A_1540[%parallel_loop3A_1541, %parallel_loop3A_1542] {strides = array<i32>} : memref<80x144xf32, #tpu.memory_space<vmem>>, vector<16xf32>,
        %parallel_loop3A_1544 = arith.mulf %parallel_loop3A_1543, %parallel_loop3A_1491 : vector<16xf32>
        %parallel_loop3A_1545 = arith.constant 0 : i32
        %parallel_loop3A_1546 = arith.constant 0 : i32
        %parallel_loop3A_1547 = tpu.memref_slice %arg8[%parallel_loop3A_1471, %parallel_loop3A_1545, %parallel_loop3A_1546] : memref<3x80x144xf32, #tpu.memory_space<vmem>> -> memref<1x80x144xf32, #tpu.memory_space<vmem>>
        %parallel_loop3A_1548 = tpu.memref_squeeze %parallel_loop3A_1547 : memref<1x80x144xf32, #tpu.memory_space<vmem>> -> memref<80x144xf32, #tpu.memory_space<vmem>>
        %parallel_loop3A_1549 = arith.index_cast %parallel_loop3A_1485 : i32 to index
        %parallel_loop3A_1550 = arith.constant 48 : index
        %parallel_loop3A_1551 = tpu.vector_load %parallel_loop3A_1548[%parallel_loop3A_1549, %parallel_loop3A_1550] {strides = array<i32>} : memref<80x144xf32, #tpu.memory_space<vmem>>, vector<16xf32>,
        tpu.vector_store %parallel_loop3A_1548[%parallel_loop3A_1549, %parallel_loop3A_1550], %parallel_loop3A_1544 {strides = array<i32>} : memref<80x144xf32, #tpu.memory_space<vmem>>, vector<16xf32>,
        %parallel_loop3A_1552 = arith.constant 0 : i32
        %parallel_loop3A_1553 = arith.constant 0 : i32
        %parallel_loop3A_1554 = tpu.memref_slice %arg8[%parallel_loop3A_1471, %parallel_loop3A_1552, %parallel_loop3A_1553] : memref<3x80x144xf32, #tpu.memory_space<vmem>> -> memref<1x80x144xf32, #tpu.memory_space<vmem>>
        %parallel_loop3A_1555 = tpu.memref_squeeze %parallel_loop3A_1554 : memref<1x80x144xf32, #tpu.memory_space<vmem>> -> memref<80x144xf32, #tpu.memory_space<vmem>>
        %parallel_loop3A_1556 = arith.index_cast %parallel_loop3A_1485 : i32 to index
        %parallel_loop3A_1557 = arith.constant 64 : index
        %parallel_loop3A_1558 = tpu.vector_load %parallel_loop3A_1555[%parallel_loop3A_1556, %parallel_loop3A_1557] {strides = array<i32>} : memref<80x144xf32, #tpu.memory_space<vmem>>, vector<16xf32>,
        %parallel_loop3A_1559 = arith.mulf %parallel_loop3A_1558, %parallel_loop3A_1491 : vector<16xf32>
        %parallel_loop3A_1560 = arith.constant 0 : i32
        %parallel_loop3A_1561 = arith.constant 0 : i32
        %parallel_loop3A_1562 = tpu.memref_slice %arg8[%parallel_loop3A_1471, %parallel_loop3A_1560, %parallel_loop3A_1561] : memref<3x80x144xf32, #tpu.memory_space<vmem>> -> memref<1x80x144xf32, #tpu.memory_space<vmem>>
        %parallel_loop3A_1563 = tpu.memref_squeeze %parallel_loop3A_1562 : memref<1x80x144xf32, #tpu.memory_space<vmem>> -> memref<80x144xf32, #tpu.memory_space<vmem>>
        %parallel_loop3A_1564 = arith.index_cast %parallel_loop3A_1485 : i32 to index
        %parallel_loop3A_1565 = arith.constant 64 : index
        %parallel_loop3A_1566 = tpu.vector_load %parallel_loop3A_1563[%parallel_loop3A_1564, %parallel_loop3A_1565] {strides = array<i32>} : memref<80x144xf32, #tpu.memory_space<vmem>>, vector<16xf32>,
        tpu.vector_store %parallel_loop3A_1563[%parallel_loop3A_1564, %parallel_loop3A_1565], %parallel_loop3A_1559 {strides = array<i32>} : memref<80x144xf32, #tpu.memory_space<vmem>>, vector<16xf32>,
        %parallel_loop3A_1567 = arith.constant 0 : i32
        %parallel_loop3A_1568 = arith.constant 0 : i32
        %parallel_loop3A_1569 = tpu.memref_slice %arg8[%parallel_loop3A_1471, %parallel_loop3A_1567, %parallel_loop3A_1568] : memref<3x80x144xf32, #tpu.memory_space<vmem>> -> memref<1x80x144xf32, #tpu.memory_space<vmem>>
        %parallel_loop3A_1570 = tpu.memref_squeeze %parallel_loop3A_1569 : memref<1x80x144xf32, #tpu.memory_space<vmem>> -> memref<80x144xf32, #tpu.memory_space<vmem>>
        %parallel_loop3A_1571 = arith.index_cast %parallel_loop3A_1485 : i32 to index
        %parallel_loop3A_1572 = arith.constant 80 : index
        %parallel_loop3A_1573 = tpu.vector_load %parallel_loop3A_1570[%parallel_loop3A_1571, %parallel_loop3A_1572] {strides = array<i32>} : memref<80x144xf32, #tpu.memory_space<vmem>>, vector<16xf32>,
        %parallel_loop3A_1574 = arith.mulf %parallel_loop3A_1573, %parallel_loop3A_1491 : vector<16xf32>
        %parallel_loop3A_1575 = arith.constant 0 : i32
        %parallel_loop3A_1576 = arith.constant 0 : i32
        %parallel_loop3A_1577 = tpu.memref_slice %arg8[%parallel_loop3A_1471, %parallel_loop3A_1575, %parallel_loop3A_1576] : memref<3x80x144xf32, #tpu.memory_space<vmem>> -> memref<1x80x144xf32, #tpu.memory_space<vmem>>
        %parallel_loop3A_1578 = tpu.memref_squeeze %parallel_loop3A_1577 : memref<1x80x144xf32, #tpu.memory_space<vmem>> -> memref<80x144xf32, #tpu.memory_space<vmem>>
        %parallel_loop3A_1579 = arith.index_cast %parallel_loop3A_1485 : i32 to index
        %parallel_loop3A_1580 = arith.constant 80 : index
        %parallel_loop3A_1581 = tpu.vector_load %parallel_loop3A_1578[%parallel_loop3A_1579, %parallel_loop3A_1580] {strides = array<i32>} : memref<80x144xf32, #tpu.memory_space<vmem>>, vector<16xf32>,
        tpu.vector_store %parallel_loop3A_1578[%parallel_loop3A_1579, %parallel_loop3A_1580], %parallel_loop3A_1574 {strides = array<i32>} : memref<80x144xf32, #tpu.memory_space<vmem>>, vector<16xf32>,
        %parallel_loop3A_1582 = arith.constant 0 : i32
        %parallel_loop3A_1583 = arith.constant 0 : i32
        %parallel_loop3A_1584 = tpu.memref_slice %arg8[%parallel_loop3A_1471, %parallel_loop3A_1582, %parallel_loop3A_1583] : memref<3x80x144xf32, #tpu.memory_space<vmem>> -> memref<1x80x144xf32, #tpu.memory_space<vmem>>
        %parallel_loop3A_1585 = tpu.memref_squeeze %parallel_loop3A_1584 : memref<1x80x144xf32, #tpu.memory_space<vmem>> -> memref<80x144xf32, #tpu.memory_space<vmem>>
        %parallel_loop3A_1586 = arith.index_cast %parallel_loop3A_1485 : i32 to index
        %parallel_loop3A_1587 = arith.constant 96 : index
        %parallel_loop3A_1588 = tpu.vector_load %parallel_loop3A_1585[%parallel_loop3A_1586, %parallel_loop3A_1587] {strides = array<i32>} : memref<80x144xf32, #tpu.memory_space<vmem>>, vector<16xf32>,
        %parallel_loop3A_1589 = arith.mulf %parallel_loop3A_1588, %parallel_loop3A_1491 : vector<16xf32>
        %parallel_loop3A_1590 = arith.constant 0 : i32
        %parallel_loop3A_1591 = arith.constant 0 : i32
        %parallel_loop3A_1592 = tpu.memref_slice %arg8[%parallel_loop3A_1471, %parallel_loop3A_1590, %parallel_loop3A_1591] : memref<3x80x144xf32, #tpu.memory_space<vmem>> -> memref<1x80x144xf32, #tpu.memory_space<vmem>>
        %parallel_loop3A_1593 = tpu.memref_squeeze %parallel_loop3A_1592 : memref<1x80x144xf32, #tpu.memory_space<vmem>> -> memref<80x144xf32, #tpu.memory_space<vmem>>
        %parallel_loop3A_1594 = arith.index_cast %parallel_loop3A_1485 : i32 to index
        %parallel_loop3A_1595 = arith.constant 96 : index
        %parallel_loop3A_1596 = tpu.vector_load %parallel_loop3A_1593[%parallel_loop3A_1594, %parallel_loop3A_1595] {strides = array<i32>} : memref<80x144xf32, #tpu.memory_space<vmem>>, vector<16xf32>,
        tpu.vector_store %parallel_loop3A_1593[%parallel_loop3A_1594, %parallel_loop3A_1595], %parallel_loop3A_1589 {strides = array<i32>} : memref<80x144xf32, #tpu.memory_space<vmem>>, vector<16xf32>,
        %parallel_loop3A_1597 = arith.constant 0 : i32
        %parallel_loop3A_1598 = arith.constant 0 : i32
        %parallel_loop3A_1599 = tpu.memref_slice %arg8[%parallel_loop3A_1471, %parallel_loop3A_1597, %parallel_loop3A_1598] : memref<3x80x144xf32, #tpu.memory_space<vmem>> -> memref<1x80x144xf32, #tpu.memory_space<vmem>>
        %parallel_loop3A_1600 = tpu.memref_squeeze %parallel_loop3A_1599 : memref<1x80x144xf32, #tpu.memory_space<vmem>> -> memref<80x144xf32, #tpu.memory_space<vmem>>
        %parallel_loop3A_1601 = arith.index_cast %parallel_loop3A_1485 : i32 to index
        %parallel_loop3A_1602 = arith.constant 112 : index
        %parallel_loop3A_1603 = tpu.vector_load %parallel_loop3A_1600[%parallel_loop3A_1601, %parallel_loop3A_1602] {strides = array<i32>} : memref<80x144xf32, #tpu.memory_space<vmem>>, vector<16xf32>,
        %parallel_loop3A_1604 = arith.mulf %parallel_loop3A_1603, %parallel_loop3A_1491 : vector<16xf32>
        %parallel_loop3A_1605 = arith.constant 0 : i32
        %parallel_loop3A_1606 = arith.constant 0 : i32
        %parallel_loop3A_1607 = tpu.memref_slice %arg8[%parallel_loop3A_1471, %parallel_loop3A_1605, %parallel_loop3A_1606] : memref<3x80x144xf32, #tpu.memory_space<vmem>> -> memref<1x80x144xf32, #tpu.memory_space<vmem>>
        %parallel_loop3A_1608 = tpu.memref_squeeze %parallel_loop3A_1607 : memref<1x80x144xf32, #tpu.memory_space<vmem>> -> memref<80x144xf32, #tpu.memory_space<vmem>>
        %parallel_loop3A_1609 = arith.index_cast %parallel_loop3A_1485 : i32 to index
        %parallel_loop3A_1610 = arith.constant 112 : index
        %parallel_loop3A_1611 = tpu.vector_load %parallel_loop3A_1608[%parallel_loop3A_1609, %parallel_loop3A_1610] {strides = array<i32>} : memref<80x144xf32, #tpu.memory_space<vmem>>, vector<16xf32>,
        tpu.vector_store %parallel_loop3A_1608[%parallel_loop3A_1609, %parallel_loop3A_1610], %parallel_loop3A_1604 {strides = array<i32>} : memref<80x144xf32, #tpu.memory_space<vmem>>, vector<16xf32>,
      } {sc.loop_unroll_factor = 2 : i64, sc.parallel_access}
      %dma_start3A_1472 = arith.constant 2 : i32
      %dma_start3A_1473 = arith.constant 5 : i32
      %dma_start3A_1474 = arith.constant 0 : i32
      %dma_start3A_1475 = arith.constant 0 : i32
      %dma_start3A_1476 = arith.constant 0 : i32
      %dma_start3A_1477 = tpu.memref_slice %arg8[%dma_start3A_1472, %dma_start3A_1475, %dma_start3A_1476] : memref<3x80x144xf32, #tpu.memory_space<vmem>> -> memref<1x80x144xf32, #tpu.memory_space<vmem>>
      %dma_start3A_1478 = tpu.memref_squeeze %dma_start3A_1477 : memref<1x80x144xf32, #tpu.memory_space<vmem>> -> memref<80x144xf32, #tpu.memory_space<vmem>>
      %dma_start3A_1479 = arith.constant 0 : i32
      %dma_start3A_1480 = tpu.memref_slice %arg7[%dma_start3A_1473, %dma_start3A_1474, %dma_start3A_1479] : memref<6x2x80xi32, #tpu.memory_space<vmem>> -> memref<1x1x80xi32, #tpu.memory_space<vmem>>
      %dma_start3A_1481 = tpu.memref_squeeze %dma_start3A_1480 : memref<1x1x80xi32, #tpu.memory_space<vmem>> -> memref<80xi32, #tpu.memory_space<vmem>>
      %dma_start3A_1482 = arith.constant 0 : i32
      %dma_start3A_1483 = arith.constant 0 : i32
      %dma_start3A_1484 = tpu.memref_slice %arg10[%dma_start3A_1482, %dma_start3A_1483] : memref<10240x144xf32, #tpu.memory_space<vmem_shared>> -> memref<10240x144xf32, #tpu.memory_space<vmem_shared>>
      tpu.enqueue_indirect_dma source(%dma_start3A_1478 : memref<80x144xf32, #tpu.memory_space<vmem>>) target(%dma_start3A_1484 : memref<10240x144xf32, #tpu.memory_space<vmem_shared>>) offsets(%dma_start3A_1481 : memref<80xi32, #tpu.memory_space<vmem>>) semaphore(%arg18 : memref<!tpu.dma_semaphore, #tpu.memory_space<semaphore_mem>>) {add = true}
    }
    %scan3A_70 = arith.constant 42 : i32
    %dma_wait3A = arith.constant 1 : i32
    %dma_wait3A_71 = arith.constant 4 : i32
    %dma_wait3A_72 = arith.constant 0 : i32
    %dma_wait3A_73 = arith.constant 0 : i32
    %dma_wait3A_74 = arith.constant 0 : i32
    %dma_wait3A_75 = tpu.memref_slice %arg8[%dma_wait3A, %dma_wait3A_73, %dma_wait3A_74] : memref<3x80x144xf32, #tpu.memory_space<vmem>> -> memref<1x80x144xf32, #tpu.memory_space<vmem>>
    %dma_wait3A_76 = tpu.memref_squeeze %dma_wait3A_75 : memref<1x80x144xf32, #tpu.memory_space<vmem>> -> memref<80x144xf32, #tpu.memory_space<vmem>>
    %dma_wait3A_77 = arith.constant 0 : i32
    %dma_wait3A_78 = tpu.memref_slice %arg7[%dma_wait3A_71, %dma_wait3A_72, %dma_wait3A_77] : memref<6x2x80xi32, #tpu.memory_space<vmem>> -> memref<1x1x80xi32, #tpu.memory_space<vmem>>
    %dma_wait3A_79 = tpu.memref_squeeze %dma_wait3A_78 : memref<1x1x80xi32, #tpu.memory_space<vmem>> -> memref<80xi32, #tpu.memory_space<vmem>>
    %dma_wait3A_80 = arith.constant 0 : i32
    %dma_wait3A_81 = arith.constant 0 : i32
    %dma_wait3A_82 = tpu.memref_slice %arg10[%dma_wait3A_80, %dma_wait3A_81] : memref<10240x144xf32, #tpu.memory_space<vmem_shared>> -> memref<10240x144xf32, #tpu.memory_space<vmem_shared>>
    tpu.wait_indirect_dma semaphore(%arg17 : memref<!tpu.dma_semaphore, #tpu.memory_space<semaphore_mem>>) src(%dma_wait3A_76 : memref<80x144xf32, #tpu.memory_space<vmem>>) dst(%dma_wait3A_82 : memref<10240x144xf32, #tpu.memory_space<vmem_shared>>)
    %dma_wait3A_83 = arith.constant 2 : i32
    %dma_wait3A_84 = arith.constant 5 : i32
    %dma_wait3A_85 = arith.constant 0 : i32
    %dma_wait3A_86 = arith.constant 0 : i32
    %dma_wait3A_87 = arith.constant 0 : i32
    %dma_wait3A_88 = tpu.memref_slice %arg8[%dma_wait3A_83, %dma_wait3A_86, %dma_wait3A_87] : memref<3x80x144xf32, #tpu.memory_space<vmem>> -> memref<1x80x144xf32, #tpu.memory_space<vmem>>
    %dma_wait3A_89 = tpu.memref_squeeze %dma_wait3A_88 : memref<1x80x144xf32, #tpu.memory_space<vmem>> -> memref<80x144xf32, #tpu.memory_space<vmem>>
    %dma_wait3A_90 = arith.constant 0 : i32
    %dma_wait3A_91 = tpu.memref_slice %arg7[%dma_wait3A_84, %dma_wait3A_85, %dma_wait3A_90] : memref<6x2x80xi32, #tpu.memory_space<vmem>> -> memref<1x1x80xi32, #tpu.memory_space<vmem>>
    %dma_wait3A_92 = tpu.memref_squeeze %dma_wait3A_91 : memref<1x1x80xi32, #tpu.memory_space<vmem>> -> memref<80xi32, #tpu.memory_space<vmem>>
    %dma_wait3A_93 = arith.constant 0 : i32
    %dma_wait3A_94 = arith.constant 0 : i32
    %dma_wait3A_95 = tpu.memref_slice %arg10[%dma_wait3A_93, %dma_wait3A_94] : memref<10240x144xf32, #tpu.memory_space<vmem_shared>> -> memref<10240x144xf32, #tpu.memory_space<vmem_shared>>
    tpu.wait_indirect_dma semaphore(%arg18 : memref<!tpu.dma_semaphore, #tpu.memory_space<semaphore_mem>>) src(%dma_wait3A_89 : memref<80x144xf32, #tpu.memory_space<vmem>>) dst(%dma_wait3A_95 : memref<10240x144xf32, #tpu.memory_space<vmem_shared>>)
    %barrier3A_96 = arith.constant 0 : index
    tpu.barrier barrier_id(%barrier3A_96)
    "tpu.region"() ({
      %run_scoped3A_97 = tpu.sem_alloc : memref<!tpu.dma_semaphore, #tpu.memory_space<semaphore_mem>>
      %dma_start3A_98 = arith.constant 0 : i32
      %dma_start3A_99 = arith.constant 0 : i32
      %dma_start3A_100 = tpu.memref_slice %arg6[%arg0, %dma_start3A_98, %dma_start3A_99] : memref<2x10240x144xf32, #tpu.memory_space<hbm>> -> memref<1x10240x144xf32, #tpu.memory_space<hbm>>
      %dma_start3A_101 = tpu.memref_squeeze %dma_start3A_100 : memref<1x10240x144xf32, #tpu.memory_space<hbm>> -> memref<10240x144xf32, #tpu.memory_space<hbm>>
      %dma_start3A_102 = arith.constant 0 : i32
      %dma_start3A_103 = tpu.memref_slice %dma_start3A_101[%mul3A_0, %dma_start3A_102] : memref<10240x144xf32, #tpu.memory_space<hbm>> -> memref<640x144xf32, #tpu.memory_space<hbm>>
      %dma_start3A_104 = arith.constant 0 : i32
      %dma_start3A_105 = tpu.memref_slice %arg10[%mul3A_0, %dma_start3A_104] : memref<10240x144xf32, #tpu.memory_space<vmem_shared>> -> memref<640x144xf32, #tpu.memory_space<vmem_shared>>
      tpu.enqueue_dma source(%dma_start3A_105 : memref<640x144xf32, #tpu.memory_space<vmem_shared>>) target(%dma_start3A_103 : memref<640x144xf32, #tpu.memory_space<hbm>>) target_semaphore(%run_scoped3A_97 : memref<!tpu.dma_semaphore, #tpu.memory_space<semaphore_mem>>)
      %dma_wait3A_106 = arith.constant 0 : i32
      %dma_wait3A_107 = arith.constant 0 : i32
      %dma_wait3A_108 = tpu.memref_slice %arg6[%arg0, %dma_wait3A_106, %dma_wait3A_107] : memref<2x10240x144xf32, #tpu.memory_space<hbm>> -> memref<1x10240x144xf32, #tpu.memory_space<hbm>>
      %dma_wait3A_109 = tpu.memref_squeeze %dma_wait3A_108 : memref<1x10240x144xf32, #tpu.memory_space<hbm>> -> memref<10240x144xf32, #tpu.memory_space<hbm>>
      %dma_wait3A_110 = arith.constant 0 : i32
      %dma_wait3A_111 = tpu.memref_slice %dma_wait3A_109[%mul3A_0, %dma_wait3A_110] : memref<10240x144xf32, #tpu.memory_space<hbm>> -> memref<640x144xf32, #tpu.memory_space<hbm>>
      %dma_wait3A_112 = arith.constant 0 : i32
      %dma_wait3A_113 = tpu.memref_slice %arg10[%mul3A_0, %dma_wait3A_112] : memref<10240x144xf32, #tpu.memory_space<vmem_shared>> -> memref<640x144xf32, #tpu.memory_space<vmem_shared>>
      tpu.wait_dma2 semaphore(%run_scoped3A_97 : memref<!tpu.dma_semaphore, #tpu.memory_space<semaphore_mem>>) src(%dma_wait3A_113 : memref<640x144xf32, #tpu.memory_space<vmem_shared>>) dst(%dma_wait3A_111 : memref<640x144xf32, #tpu.memory_space<hbm>>)
      tpu.yield
    }) : () -> ()
    return
  }
}

module attributes {stable_mosaic.version = 14 : i64} {
  func.func @_stage1_body(%arg0: i32, %arg1: i32, %arg2: memref<1x512x128xf32, #tpu.memory_space<vmem>>, %arg3: memref<128x128xf32, #tpu.memory_space<vmem>>, %arg4: memref<1x256xf32, #tpu.memory_space<vmem>>, %arg5: memref<1x512x144xf32, #tpu.memory_space<vmem>>, %arg6: memref<1x512x16xf32, #tpu.memory_space<vmem>>) attributes {dimension_semantics = [#tpu.dimension_semantics<arbitrary>, #tpu.dimension_semantics<arbitrary>], iteration_bounds = array<i64: 2, 20>, scalar_prefetch = 0 : i64, scratch_operands = 0 : i64, tpu.core_type = #tpu.core_type<tc>, window_params = [{transform_indices = @transform_0, window_bounds = array<i64: 1, 512, 128>}, {pipeline_mode = #tpu.pipeline_mode<synchronous>, transform_indices = @transform_1, window_bounds = array<i64: 128, 128>}, {pipeline_mode = #tpu.pipeline_mode<synchronous>, transform_indices = @transform_2, window_bounds = array<i64: 1, 256>}, {transform_indices = @transform_3, window_bounds = array<i64: 1, 512, 144>}, {transform_indices = @transform_4, window_bounds = array<i64: 1, 512, 16>}]} {
    %get3A = arith.constant 0 : index
    %get3A_0 = arith.constant 0 : index
    %get3A_1 = arith.constant 0 : index
    %get3A_2 = vector.load %arg2[%get3A, %get3A_0, %get3A_1] : memref<1x512x128xf32, #tpu.memory_space<vmem>>, vector<1x512x128xf32>
    %get3A_3 = vector.shape_cast %get3A_2 : vector<1x512x128xf32> to vector<512x128xf32>
    %get3A_4 = arith.constant 0 : index
    %get3A_5 = arith.constant 0 : index
    %get3A_6 = vector.load %arg3[%get3A_4, %get3A_5] : memref<128x128xf32, #tpu.memory_space<vmem>>, vector<128x128xf32>
    %dot_general3A = arith.constant dense<0.000000e+00> : vector<512x128xf32>
    %dot_general3A_7 = tpu.matmul %get3A_3, %get3A_6, %dot_general3A {dimension_numbers = #tpu.dot_dimension_numbers<[1], [0], [0], [1], [0, 0, 1, 1], [], []>, transpose_lhs_hint = false} : vector<512x128xf32>, vector<128x128xf32>, vector<512x128xf32> -> vector<512x128xf32>
    %get3A_8 = arith.constant 0 : index
    %get3A_9 = arith.constant 0 : index
    %get3A_10 = vector.load %arg4[%get3A_8, %get3A_9] : memref<1x256xf32, #tpu.memory_space<vmem>>, vector<1x128xf32>
    %get3A_11 = vector.shape_cast %get3A_10 : vector<1x128xf32> to vector<128xf32>
    %get3A_12 = arith.constant 0 : index
    %get3A_13 = arith.constant 128 : index
    %get3A_14 = vector.load %arg4[%get3A_12, %get3A_13] : memref<1x256xf32, #tpu.memory_space<vmem>>, vector<1x128xf32>
    %get3A_15 = vector.shape_cast %get3A_14 : vector<1x128xf32> to vector<128xf32>
    %broadcast_in_dim3A = vector.shape_cast %get3A_11 : vector<128xf32> to vector<1x128xf32>
    %mul3A = vector.broadcast %broadcast_in_dim3A : vector<1x128xf32> to vector<512x128xf32>
    %mul3A_16 = arith.mulf %dot_general3A_7, %mul3A : vector<512x128xf32>
    %reduce_sum3A = arith.constant dense<0.000000e+00> : vector<512xf32>
    %reduce_sum3A_17 = vector.multi_reduction <add>, %mul3A_16, %reduce_sum3A [1] : vector<512x128xf32> to vector<512xf32>
    %broadcast_in_dim3A_18 = vector.shape_cast %reduce_sum3A_17 : vector<512xf32> to vector<512x1xf32>
    %broadcast_in_dim3A_19 = vector.shape_cast %get3A_15 : vector<128xf32> to vector<1x128xf32>
    %mul3A_20 = vector.broadcast %broadcast_in_dim3A_19 : vector<1x128xf32> to vector<512x128xf32>
    %mul3A_21 = arith.mulf %dot_general3A_7, %mul3A_20 : vector<512x128xf32>
    %reduce_sum3A_22 = arith.constant dense<0.000000e+00> : vector<512xf32>
    %reduce_sum3A_23 = vector.multi_reduction <add>, %mul3A_21, %reduce_sum3A_22 [1] : vector<512x128xf32> to vector<512xf32>
    %broadcast_in_dim3A_24 = vector.shape_cast %reduce_sum3A_23 : vector<512xf32> to vector<512x1xf32>
    %broadcast_in_dim3A_25 = arith.constant 0.000000e+00 : f32
    %broadcast_in_dim3A_26 = vector.broadcast %broadcast_in_dim3A_25 : f32 to vector<512x15xf32>
    %concatenate3A = tpu.concatenate %dot_general3A_7, %broadcast_in_dim3A_24, %broadcast_in_dim3A_26 in 1 : vector<512x128xf32>, vector<512x1xf32>, vector<512x15xf32> -> vector<512x144xf32>
    %swap3A = arith.constant 0 : index
    %swap3A_27 = arith.constant 0 : index
    %swap3A_28 = arith.constant 0 : index
    %swap3A_29 = vector.load %arg5[%swap3A, %swap3A_27, %swap3A_28] : memref<1x512x144xf32, #tpu.memory_space<vmem>>, vector<1x512x144xf32>
    %swap3A_30 = vector.shape_cast %swap3A_29 : vector<1x512x144xf32> to vector<512x144xf32>
    %swap3A_31 = vector.shape_cast %concatenate3A : vector<512x144xf32> to vector<1x512x144xf32>
    tpu.vector_store %arg5[%swap3A, %swap3A_27, %swap3A_28], %swap3A_31 {strides = array<i32>} : memref<1x512x144xf32, #tpu.memory_space<vmem>>, vector<1x512x144xf32>,
    %concatenate3A_32 = tpu.concatenate %broadcast_in_dim3A_18, %broadcast_in_dim3A_26 in 1 : vector<512x1xf32>, vector<512x15xf32> -> vector<512x16xf32>
    %swap3A_33 = arith.constant 0 : index
    %swap3A_34 = arith.constant 0 : index
    %swap3A_35 = arith.constant 0 : index
    %swap3A_36 = vector.load %arg6[%swap3A_33, %swap3A_34, %swap3A_35] : memref<1x512x16xf32, #tpu.memory_space<vmem>>, vector<1x512x16xf32>
    %swap3A_37 = vector.shape_cast %swap3A_36 : vector<1x512x16xf32> to vector<512x16xf32>
    %swap3A_38 = vector.shape_cast %concatenate3A_32 : vector<512x16xf32> to vector<1x512x16xf32>
    tpu.vector_store %arg6[%swap3A_33, %swap3A_34, %swap3A_35], %swap3A_38 {strides = array<i32>} : memref<1x512x16xf32, #tpu.memory_space<vmem>>, vector<1x512x16xf32>,
    return
  }
  func.func @transform_0(%arg0: i32, %arg1: i32) -> (i32, i32, i32) {
    %c0_i32 = arith.constant 0 : i32
    %c0_i32_0 = arith.constant 0 : i32
    return %arg0, %arg1, %c0_i32 : i32, i32, i32
  }
  func.func @transform_1(%arg0: i32, %arg1: i32) -> (i32, i32) {
    %c0_i32 = arith.constant 0 : i32
    %c0_i32_0 = arith.constant 0 : i32
    %c0_i32_1 = arith.constant 0 : i32
    return %c0_i32, %c0_i32_0 : i32, i32
  }
  func.func @transform_2(%arg0: i32, %arg1: i32) -> (i32, i32) {
    %c0_i32 = arith.constant 0 : i32
    %c0_i32_0 = arith.constant 0 : i32
    %c0_i32_1 = arith.constant 0 : i32
    return %c0_i32, %c0_i32_0 : i32, i32
  }
  func.func @transform_3(%arg0: i32, %arg1: i32) -> (i32, i32, i32) {
    %c0_i32 = arith.constant 0 : i32
    %c0_i32_0 = arith.constant 0 : i32
    return %arg0, %arg1, %c0_i32 : i32, i32, i32
  }
  func.func @transform_4(%arg0: i32, %arg1: i32) -> (i32, i32, i32) {
    %c0_i32 = arith.constant 0 : i32
    %c0_i32_0 = arith.constant 0 : i32
    return %arg0, %arg1, %c0_i32 : i32, i32, i32
  }
}

module attributes {stable_mosaic.version = 14 : i64} {
  func.func @_stage3_body(%arg0: i32, %arg1: i32, %arg2: memref<1x512x144xf32, #tpu.memory_space<vmem>>, %arg3: memref<1x512x128xf32, #tpu.memory_space<vmem>>) attributes {dimension_semantics = [#tpu.dimension_semantics<arbitrary>, #tpu.dimension_semantics<arbitrary>], iteration_bounds = array<i64: 2, 20>, scalar_prefetch = 0 : i64, scratch_operands = 0 : i64, tpu.core_type = #tpu.core_type<tc>, window_params = [{transform_indices = @transform_0, window_bounds = array<i64: 1, 512, 144>}, {transform_indices = @transform_1, window_bounds = array<i64: 1, 512, 128>}]} {
    %get3A = arith.constant 0 : index
    %get3A_0 = arith.constant 0 : index
    %get3A_1 = arith.constant 0 : index
    %get3A_2 = vector.load %arg2[%get3A, %get3A_0, %get3A_1] : memref<1x512x144xf32, #tpu.memory_space<vmem>>, vector<1x512x144xf32>
    %get3A_3 = vector.shape_cast %get3A_2 : vector<1x512x144xf32> to vector<512x144xf32>
    %slice3A = vector.extract_strided_slice %get3A_3 {offsets = [0, 0], sizes = [512, 128], strides = [1, 1]} : vector<512x144xf32> to vector<512x128xf32>
    %slice3A_4 = vector.extract_strided_slice %get3A_3 {offsets = [0, 128], sizes = [512, 1], strides = [1, 1]} : vector<512x144xf32> to vector<512x1xf32>
    %add3A = arith.constant 1.000000e-03 : f32
    %add3A_5 = vector.broadcast %add3A : f32 to vector<512x1xf32>
    %add3A_6 = arith.addf %slice3A_4, %add3A_5 : vector<512x1xf32>
    %div3A = vector.broadcast %add3A_6 : vector<512x1xf32> to vector<512x128xf32>
    %div3A_7 = arith.divf %slice3A, %div3A : vector<512x128xf32>
    %gt3A = arith.constant 0.000000e+00 : f32
    %gt3A_8 = vector.broadcast %gt3A : f32 to vector<512x128xf32>
    %gt3A_9 = arith.cmpf ogt, %div3A_7, %gt3A_8 : vector<512x128xf32>
    %min3A = arith.constant 0.000000e+00 : f32
    %min3A_10 = vector.broadcast %min3A : f32 to vector<512x128xf32>
    %min3A_11 = arith.minimumf %div3A_7, %min3A_10 : vector<512x128xf32>
    %exp3A = math.exp %min3A_11 : vector<512x128xf32>
    %sub3A = arith.constant 1.000000e+00 : f32
    %sub3A_12 = vector.broadcast %sub3A : f32 to vector<512x128xf32>
    %sub3A_13 = arith.subf %exp3A, %sub3A_12 : vector<512x128xf32>
    %select_n3A = arith.select %gt3A_9, %div3A_7, %sub3A_13 : vector<512x128xi1>, vector<512x128xf32>
    %swap3A = arith.constant 0 : index
    %swap3A_14 = arith.constant 0 : index
    %swap3A_15 = arith.constant 0 : index
    %swap3A_16 = vector.load %arg3[%swap3A, %swap3A_14, %swap3A_15] : memref<1x512x128xf32, #tpu.memory_space<vmem>>, vector<1x512x128xf32>
    %swap3A_17 = vector.shape_cast %swap3A_16 : vector<1x512x128xf32> to vector<512x128xf32>
    %swap3A_18 = vector.shape_cast %select_n3A : vector<512x128xf32> to vector<1x512x128xf32>
    tpu.vector_store %arg3[%swap3A, %swap3A_14, %swap3A_15], %swap3A_18 {strides = array<i32>} : memref<1x512x128xf32, #tpu.memory_space<vmem>>, vector<1x512x128xf32>,
    return
  }
  func.func @transform_0(%arg0: i32, %arg1: i32) -> (i32, i32, i32) {
    %c0_i32 = arith.constant 0 : i32
    %c0_i32_0 = arith.constant 0 : i32
    return %arg0, %arg1, %c0_i32 : i32, i32, i32
  }
  func.func @transform_1(%arg0: i32, %arg1: i32) -> (i32, i32, i32) {
    %c0_i32 = arith.constant 0 : i32
    %c0_i32_0 = arith.constant 0 : i32
    return %arg0, %arg1, %c0_i32 : i32, i32, i32
  }
}

</mosaic_0001>

<sc_bundles>
// kernel: kernel.5.cloned.1.call-start
scs
__scs_entry_jumppad:
0x0: {  	(pc) =	sbr.rel $0x88, $3  }
0x1: {  	(tag) =	ssettag $0x0;
	lr =	simm.s32 $0x1  }
0x2: {  	[smem:$0x3F9D] =	sst lr;
	_ =	strace $0xD0000000  }
0x3: {  	_ = 	snop  }
0x4: {  	_ = 	snop  }
0x5: {  	_ = 	snop  }
0x6: {  	_ = 	snop  }
0x7: {  	_ = 	snop  }
__scs_overlays_trampoline_lowered:
0x8: {  	[smem:$0x3FAC] =	sst s0  }
0x9: {  	[smem:$0x3FAD] =	sst s1  }
0xa: {  	[smem:$0x3FAE] =	sst s2  }
0xb: {  	[smem:$0x3FAF] =	sst s3  }
0xc: {  	[smem:$0x3FB0] =	sst s4  }
0xd: {  	[smem:$0x3FB1] =	sst s5  }
0xe: {  	[smem:$0x3FB2] =	sst s6  }
0xf: {  	[smem:$0x3FB3] =	sst s7  }
0x10: {  	[smem:$0x3FB4] =	sst s8  }
0x11: {  	[smem:$0x3FB5] =	sst s9;
	s0 =	simm.s32 @!p0 $0x0  }
0x12: {  	s1 =	sld [smem:$0x3F9B];
	s0 =	simm.s32 @p0 $0x1  }
0x13: {  	[smem:$0x3FB6] =	sst s0;
	s0 =	simm.s32 @!p1 $0x0  }
0x14: {  	s2 =	sld [smem:$0x3F9A];
	s0 =	simm.s32 @p1 $0x1  }
0x15: {  	[smem:$0x3FB7] =	sst s0;
	s0 =	simm.s32 @!p2 $0x0  }
0x16: {  	s3 =	sld [smem:$0x3FDB];
	s0 =	simm.s32 @p2 $0x1  }
0x17: {  	s4 =	simm.s32 $0x1BF5;
	[smem:$0x3FB9] =	sst s0  }
0x18: {  	s0 =	sld [smem:$0x3F9C];
	_ =	swait.ge [sflag:s4], $0x0  }
0x19: {  	s7 =	sld [smem:$0x3F9D]  }
0x1a: {  	s8 =	sadd.s32 $0xFFFFE003, lr  }
0x1b: {  	s9 =	sadd.s32 $0xFFFFFEF7, lr;
	s5 =	simm.s32 $0xFFFFFFFF;
	p2 =	slt.u32 s8, $0xFFFFF086  }
0x1c: {  	p1 =	slt.u32 s9, $0xF7A;
	s5 =	simm.s32 @!p2 $0x0  }
0x1d: {  	s5 =	simm.s32 @p1 $0x1;
	p0 =	seq.s32 s7, s2  }
0x1e: {  	s7 =	smul.u32 @!p0 $0xF7A, s2;
	p2 =	seq.s32 @!p0 s5, $0x0  }
0x1f: {  	s9 =	smul.u32 $0xF7A, s1;
	s8 =	simm.s32 @!p0 $0x1BF5;
	p2 =	por !p2, p0  }
0x20: {  	[sflag:s8] =	ssyncset.s32 @!p0 $0xFFFFF086;
	s6 =	sadd.s32 @!p0 s3, s7;
	s7 =	simm.s32 @!p0 $0x108  }
0x21: {  	s3 =	sadd.s32 s3, s9;
	s6 =	sadd.s32 @!p0 $0x88, s6;
	s7 =	simm.s32 @p2 $0x1082  }
0x22: {  	[simem:s7], [sflag:s8] =	dma.local @!p0 [hbm:s6], $0xF7A  }
0x23: {  	s9 =	sor.u32 $0xD0000000, s2;
	s6 =	simm.s32 $0x108;
	_ =	swait.ge @!p0 [sflag:s8], $0x0  }
0x24: {  	s3 =	sadd.s32 $0x88, s3;
	s6 =	simm.s32 @!p1 $0x1082;
	[sflag:s4] =	ssyncset.s32 $0xFFFFF086  }
0x25: {  	[simem:s6], [sflag:s4] =	dma.local [hbm:s3], $0xF7A  }
0x26: {  	[smem:$0x3F9D] =	sst s1;
	(tag) =	ssettag s2;
	_ =	strace s9  }
0x27: {  	s1 =	sld [smem:$0x3FAD]  }
0x28: {  	s2 =	sld [smem:$0x3FAE]  }
0x29: {  	s4 =	sld [smem:$0x3FB0]  }
0x2a: {  	p0 =	seq.s32 s5, $0x0;
	s5 =	sld [smem:$0x3FB1]  }
0x2b: {  	s6 =	sld [smem:$0x3FB2]  }
0x2c: {  	s7 =	sld [smem:$0x3FB3]  }
0x2d: {  	s3 =	simm.s32 $0x108;
	s8 =	sld [smem:$0x3FB4]  }
0x2e: {  	s3 =	simm.s32 @!p0 $0x1082;
	s9 =	sld [smem:$0x3FB5]  }
0x2f: {  	lr =	sadd.s32 s0, s3;
	s0 =	sld [smem:$0x3FAC]  }
0x30: {  	s3 =	sld [smem:$0x3FAF]  }
0x31: {  	[smem:$0x3FB8] =	sst s10  }
0x32: {  	s10 =	sld [smem:$0x3FB6];
	_ =	sdelay $0x3  }
0x33: {  	p0 =	seq.s32 s10, $0x1;
	s10 =	sld [smem:$0x3FB8];
	_ =	sdelay $0x3  }
0x34: {  	[smem:$0x3FB8] =	sst s10  }
0x35: {  	s10 =	sld [smem:$0x3FB7];
	_ =	sdelay $0x3  }
0x36: {  	p1 =	seq.s32 s10, $0x1;
	s10 =	sld [smem:$0x3FB8];
	_ =	sdelay $0x3  }
0x37: {  	[smem:$0x3FB8] =	sst s10  }
0x38: {  	s10 =	sld [smem:$0x3FB9]  }
0x39: {  	_ = 	snop;
	(pc) =	sbr.ind lr, $3  }
0x3a: {  	_ = 	snop  }
0x3b: {  	_ = 	snop  }
0x3c: {  	p2 =	seq.s32 s10, $0x1;
	s10 =	sld [smem:$0x3FB8]  }
0x3d: {  	_ =	shalt  }
0x3e: {  	_ =	shalt  }
0x3f: {  	_ =	shalt  }
0x40: {  	_ =	shalt  }
0x41: {  	_ =	shalt  }
0x42: {  	_ =	shalt  }
0x43: {  	_ =	shalt  }
0x44: {  	_ =	shalt  }
0x45: {  	_ =	shalt  }
0x46: {  	_ =	shalt  }
0x47: {  	_ =	shalt  }
0x48: {  	_ =	shalt  }
0x49: {  	_ =	shalt  }
0x4a: {  	_ =	shalt  }
0x4b: {  	_ =	shalt  }
0x4c: {  	_ =	shalt  }
0x4d: {  	_ =	shalt  }
0x4e: {  	_ =	shalt  }
0x4f: {  	_ =	shalt  }
0x50: {  	_ =	shalt  }
0x51: {  	_ =	shalt  }
0x52: {  	_ =	shalt  }
0x53: {  	_ =	shalt  }
0x54: {  	_ =	shalt  }
0x55: {  	_ =	shalt  }
0x56: {  	_ =	shalt  }
0x57: {  	_ =	shalt  }
0x58: {  	_ =	shalt  }
0x59: {  	_ =	shalt  }
0x5a: {  	_ =	shalt  }
0x5b: {  	_ =	shalt  }
0x5c: {  	_ =	shalt  }
0x5d: {  	_ =	shalt  }
0x5e: {  	_ =	shalt  }
0x5f: {  	_ =	shalt  }
0x60: {  	_ =	shalt  }
0x61: {  	_ =	shalt  }
0x62: {  	_ =	shalt  }
0x63: {  	_ =	shalt  }
0x64: {  	_ =	shalt  }
0x65: {  	_ =	shalt  }
0x66: {  	_ =	shalt  }
0x67: {  	_ =	shalt  }
0x68: {  	_ =	shalt  }
0x69: {  	_ =	shalt  }
0x6a: {  	_ =	shalt  }
0x6b: {  	_ =	shalt  }
0x6c: {  	_ =	shalt  }
0x6d: {  	_ =	shalt  }
0x6e: {  	_ =	shalt  }
0x6f: {  	_ =	shalt  }
0x70: {  	_ =	shalt  }
0x71: {  	_ =	shalt  }
0x72: {  	_ =	shalt  }
0x73: {  	_ =	shalt  }
0x74: {  	_ =	shalt  }
0x75: {  	_ =	shalt  }
0x76: {  	_ =	shalt  }
0x77: {  	_ =	shalt  }
0x78: {  	_ =	shalt  }
0x79: {  	_ =	shalt  }
0x7a: {  	_ =	shalt  }
0x7b: {  	_ =	shalt  }
0x7c: {  	_ =	shalt  }
0x7d: {  	_ =	shalt  }
0x7e: {  	_ =	shalt  }
0x7f: {  	_ =	shalt  }
0x80: {  	_ =	shalt  }
0x81: {  	_ =	shalt  }
0x82: {  	_ =	shalt  }
0x83: {  	_ =	shalt  }
0x84: {  	_ =	shalt  }
0x85: {  	_ =	shalt  }
0x86: {  	_ =	shalt  }
0x87: {  	_ =	shalt  }
.Lfunc_end0:
.L_simem_size_0:
called_computation_lowered:
.L_overlay_start_0:
0x88: {  	s2 =	sld [smem:$0x3FD9]  }
0x89: {  	s3 =	sld [smem:$0x3FFE];
	_ =	sdelay $0x1  }
0x8a: {  	s1 =	srdreg.scid  }
0x8b: {  	s0 =	sand.u32 $0x1, s1  }
0x8c: {  	s17 =	sshll.u32 s0, $0xA;
	s2 =	sadd.s32 s3, s2  }
0x8d: {  	s2 =	sadd.s32 s2, s17  }
0x8e: {  	[smem:$0x3FC4] =	sst s2  }
0x8f: {  	_ = 	snop  }
0x90: {  	s2 =	sld [smem:$0x3FD0];
	(tm) =	ssettm $0x1  }
0x91: {  	s18 =	sld [smem:$0x3FFB];
	_ =	sdelay $0x3  }
0x92: {  	_ =	strace s18  }
0x93: {  	s3 =	sld [smem:$0x3FFC];
	_ =	sdelay $0x3  }
0x94: {  	_ =	strace s3  }
0x95: {  	s3 =	sld [smem:$0x3FFD];
	_ =	sdelay $0x3  }
0x96: {  	_ =	strace s3  }
0x97: {  	_ =	strace $0x8FFFFFFF  }
0x98: {  	s19 =	sld [smem:$0x3FDB];
	_ =	sdelay $0x1  }
0x99: {  	s4 =	simm.s32 $_scs_section_size  }
0x9a: {  	s5 =	simm.s32 $_size__tile_overlayer_lowered;
	s6 =	simm.s32 $_tile_overlayer_lowered  }
0x9b: {  	s22 =	simm.s32 $0x1BFF;
	s21 =	sshll.u32 s6, $0x1;
	s3 =	sadd.s32 s4, s19  }
0x9c: {  	s7 =	simm.s32 $0x0;
	s20 =	sshll.u32 s5, $0x1;
	s5 =	sadd.s32 s21, s3  }
0x9d: {  	[timem:s7], [sflag:s22] =	dma.local [hbm:s5], s20  }
0x9e: {  	_ =	swait.ge [sflag:s22], s20  }
0x9f: {  	s4 =	ssub.s32 $0x0, s20;
	[sflag:s22] =	ssyncset.done $0x0  }
0xa0: {  	[sflag:s22] =	ssyncadd.s32 s4;
	_ =	sdelay $0x1  }
0xa1: {  	s23 =	simm.s32 $0x1B8B  }
0xa2: {  	_ =	swait.ge [sflag:s23], $0x1  }
0xa3: {  	[sflag:s23] =	ssyncset.done $0x0  }
0xa4: {  	s25 =	simm.s32 $0x1B8E;
	s24 =	sld [smem:$0x3FFE];
	[sflag:s23] =	ssyncadd.s32 $0xFFFFFFFF  }
0xa5: {  	s26 =	simm.s32 $execute0_lowered;
	[smem:$0x3FD2] =	sst s25  }
0xa6: {  	s5 =	sshll.u32 s26, $0x1;
	_ =	strace $0x80000046;
	[dreg:$0x1] =	wrdreg $0xFFFFFFFF  }
0xa7: {  	s28 =	simm.s32 $_size_execute0_lowered;
	s3 =	sadd.s32 s3, s5;
	[dreg:$0x0] =	wrdreg $0x0  }
0xa8: {  	s5 =	sshll.u32 s28, $0x1;
	[dreg:$0x2] =	wrdreg s3  }
0xa9: {  	[dreg:$0x3] =	wrdreg s5  }
0xaa: {  	[dreg:$0x4] =	wrdreg $0xC0  }
0xab: {  	_ =	task [dreg:s7], $0x5FFFF  }
0xac: {  	[dreg:$0x1] =	wrdreg $0xFFFFFFFF  }
0xad: {  	[dreg:$0x0] =	wrdreg $0x60  }
0xae: {  	[dreg:$0x2] =	wrdreg s24  }
0xaf: {  	[dreg:$0x3] =	wrdreg s2  }
0xb0: {  	[dreg:$0x4] =	wrdreg $0x94C00  }
0xb1: {  	[dreg:$0x5] =	wrdreg $0x9  }
0xb2: {  	_ =	task.clear_ibuf [dreg:s7], $0x6FFFF;
	_ =	strace $0x90000046  }
0xb3: {  	s29 =	simm.s32 $0x9;
	_ =	strace $0x80000048  }
0xb4: {  	_ =	swait.ge [sflag:s29], $0x1  }
0xb5: {  	[sflag:s29] =	ssyncadd.s32 $0xFFFFFFFF  }
0xb6: {  	_ =	strace $0x90000048  }
0xb7: {  	_ =	sfence  }
0xb8: {  	s30 =	sld [smem:$0x0];
	_ =	sdelay $0x2  }
0xb9: {  	s31 =	sshll.u32 s1, $0xD;
	s1 =	sshrl.u32 s1, $0x2  }
0xba: {  	s3 =	sand.u32 $0x4000, s31;
	s1 =	sadd.s32 s1, s30  }
0xbb: {  	s0 =	sor.u32 s3, s0;
	s1 =	sshll.u32 s1, $0x11  }
0xbc: {  	s0 =	sor.u32 s1, s0  }
0xbd: {  	s0 =	sadd.s32 $0x8F2B, s0  }
0xbe: {  	[sflag:s0] =	ssyncadd.remote.s32 $0x1  }
0xbf: {  	_ =	sfence.sel $0xFFFF  }
0xc0: {  	[dreg:$0x0] =	wrdreg $0xFFFFFFFF;
	(pc) =	sbr.abs _section_cstart, $3  }
0xc1: {  	[dreg:$0x1] =	wrdreg $0xFFFFFFFF  }
0xc2: {  	_ =	task.clear_ibuf [dreg:s7], $0x2FFFF;
	_ =	strace $0x9FFFFFFF  }
0xc3: {  	(tm) =	ssettm $0x7FFFFFFF  }
tec
execute0_lowered:
.L_overlay_start_1:
0x0: {  	(tag) =	ssettag $0x1  }
0x1: {  	s0 =	rddreg [dreg:$0x0]  }
0x2: {  	s2 =	rddreg [dreg:$0x1]  }
0x3: {  	s3 =	srdreg.scid;
	s1 =	rddreg [dreg:$0x2]  }
0x4: {  	s6 =	simm.s32 $0x0;
	s11 =	stileid.u32;
	s18 =	simm.s32 $0x9  }
0x5: {  	s13 =	simm.s32 $0xA0;
	s14 =	simm.s32 $0x50;
	s15 =	simm.s32 $0x3C0  }
0x6: {  	s16 =	simm.s32 $0x8AC0;
	s20 =	simm.s32 $0x140;
	s28 =	simm.s32 $0x1E0  }
0x7: {  	s29 =	simm.s32 $0x4;
	s31 =	simm.s32 $0x5DC0;
	s21 =	smul.u32 $0x9D80, s11  }
0x8: {  	s12 =	simm.s32 $0x3;
	s3 =	sand.u32 $0x1, s3;
	s8 =	smul.u32 $0x16800, s11  }
0x9: {  	[smem:$0x7FF] =	sst s6;
	s23 =	sshll.u32 s11, $0x6;
	s4 =	smul.u32 $0x5000, s3  }
0xa: {  	s11 =	simm.s32 $0x8;
	s5 =	smul.u32 $0x9D800, s3;
	_ =	strace $0x80000047  }
0xb: {  	s22 =	smul.u32 $0x2D000, s3;
	s3 =	ssub.s32 $0x2, s3;
	s17 =	sor.u32 $0x1C09, s23  }
0xc: {  	s23 =	simm.s32 $0x30C0;
	s7 =	sshrl.u32 s3, $0x1;
	s9 =	sadd.s32 s8, s1  }
0xd: {  	s10 =	sshrl.u32 s8, $0x3;
	[dreg:$0x5] =	wrdreg s17;
	s4 =	sadd.s32 s4, s0  }
0xe: {  	s5 =	sadd.s32 s21, s5;
	s3 =	ssub.s32 s3, s7;
	s2 =	sadd.s32 s2, s10  }
0xf: {  	s9 =	sshrl.u32 s9, $0x3;
	s21 =	simm.s32 $0x5;
	s5 =	sshrl.u32 s5, $0x3  }
0x10: {  	[dreg:$0x4] =	wrdreg s2;
	s8 =	sadd.s32 $0x1400, s4;
	s24 =	smax.u32 s3, $0x1  }
0x11: {  	s2 =	simm.s32 $0x6;
	s4 =	simm.s32 $0x280;
	s5 =	sadd.s32 s5, s0  }
0x12: {  	[dreg:$0x7] =	wrdreg s9;
	s0 =	sadd.s32 s22, s0;
	s6 =	sadd.s32 $0xB400, s5  }
0x13: {  	v1 =	vlaneseq.u32;
	[dreg:$0x6] =	wrdreg s24;
	s24 =	simm.s32 $0x7;
	s25 =	sadd.s32 $0x14, s6  }
0x14: {  	v0 =	vmul.u32 $0x10, v1;
	v9 =	vmul.u32 $0x90, v1;
	s7 =	sadd.s32 $0xA1400, s0;
	s26 =	sadd.s32 $0x3C, s6;
	[dreg:$0x8] =	wrdreg s25  }
0x15: {  	s0 =	sadd.s32 $0x32A00, s0;
	s30 =	sadd.s32 $0x50, s6;
	[dreg:$0x9] =	wrdreg s26  }
0x16: {  	v1 =	vadd.s32 $0x80, v9;
	v2 =	vor.u32 $0x100, v0;
	v3 =	vadd.s32 $0x980, v9;
	s5 =	simm.s32 $0x320;
	s0 =	sadd.s32 s10, s0;
	[dreg:$0xa] =	wrdreg s30  }
0x17: {  	v4 =	vor.u32 $0x200, v0;
	v5 =	vadd.s32 $0x1280, v9;
	v6 =	vor.u32 $0x300, v0;
	s19 =	sadd.s32 $0x64, s6;
	s10 =	simm.s32 $0x0;
	[dreg:$0xb] =	wrdreg s0  }
0x18: {  	v7 =	vadd.s32 $0x1B80, v9;
	v8 =	vor.u32 $0x400, v0;
	v9 =	vadd.s32 $0x2480, v9;
	s25 =	simm.s32 $0x8FC0;
	s26 =	simm.s32 $0x1;
	s0 =	simm.s32 $0x2  }
.LBB2_1:
0x19: {  	[dreg:$0xc] =	wrdreg s10  }
0x1a: {  	s3 =	rddreg [dreg:$0x4]  }
0x1b: {  	[spmem:s9], [sflag:s17] =	dma.local [hbm:s3], $0x2D00  }
0x1c: {  	_ =	swait.ge [sflag:s18], $0x2D00  }
0x1d: {  	[sflag:s18] =	ssyncset.done $0x0  }
0x1e: {  	[sflag:s18] =	ssyncadd.s32 $0xFFFFD300  }
0x1f: {  	s17 =	simm.s32 $0x0;
	[bflag:$0x0] =	sbarrier.arrive $0xFFFF  }
0x20: {  	[tilespmem:s17], [sflag:$0x9] =	stream.linear.gather [hbm4b:s6+s17], $0xA0, $0x38;
	[tilespmem:$0x1FCC0] =	vst v63  }
0x21: {  	_ =	swait.ge [sflag:s18], $0xA0  }
0x22: {  	[sflag:s18] =	ssyncset.done $0x0  }
0x23: {  	s22 =	rddreg [dreg:$0x8];
	[sflag:s18] =	ssyncadd.s32 $0xFFFFFF60  }
0x24: {  	[tilespmem:s13], [sflag:$0x5] =	stream.linear.gather [hbm4b:s22+s17], $0xA0, $0x38;
	[tilespmem:$0x1FCC0] =	vst v63  }
0x25: {  	_ = 	snop  }
0x26: {  	[tilespmem:s15], [sflag:$0x1] =	stream.indirect.gather [hbm4b:s7+s14], $0x90, s14, s14, $0xb8;
	[tilespmem:$0x1FCC0] =	vst v63  }
0x27: {  	s30 =	simm.s32 $0x0  }
0x28: {  	[tilespmem:s16], [sflag:$0x1] =	stream.indirect.gather [hbm4b:s8+s14], $0x10, s17, s14, $0xb8;
	[tilespmem:$0x1FCC0] =	vst v63  }
.LBB2_2:
0x29: {  	p0 =	seq.s32 s30, $0x0;
	s9 =	smul.u32 $0x3C0, s30  }
0x2a: {  	s3 =	simm.s32 @!p0 $0x7  }
0x2b: {  	_ =	swait.ge @!p0 [sflag:s3], $0x2D00;
	s10 =	sshrl.u32 s9, $0x3  }
0x2c: {  	[sflag:s3] =	ssyncset.done @!p0 $0x0;
	s10 =	sadd.s32 s6, s10  }
0x2d: {  	s18 =	simm.s32 $0x0;
	[sflag:s3] =	ssyncadd.s32 @!p0 $0xFFFFD300;
	s10 =	sadd.s32 $0x28, s10  }
0x2e: {  	[tilespmem:s20], [sflag:$0x4] =	stream.linear.gather [hbm4b:s10+s18], $0xA0, $0x38;
	[tilespmem:$0x1FCC0] =	vst v63  }
0x2f: {  	_ =	swait.ge [sflag:s21], $0xA0  }
0x30: {  	[sflag:s21] =	ssyncset.done $0x0  }
0x31: {  	s22 =	simm.s32 $0xF0;
	[sflag:s21] =	ssyncadd.s32 $0xFFFFFF60  }
0x32: {  	[tilespmem:s23], [sflag:$0x2] =	stream.indirect.gather [hbm4b:s7+s14], $0x90, s22, s14, $0xb8;
	[tilespmem:$0x1FCC0] =	vst v63  }
0x33: {  	_ = 	snop  }
0x34: {  	[tilespmem:s25], [sflag:$0x2] =	stream.indirect.gather [hbm4b:s8+s14], $0x10, s13, s14, $0xb8;
	[tilespmem:$0x1FCC0] =	vst v63  }
0x35: {  	_ =	swait.ge [sflag:s26], $0x2D00  }
0x36: {  	[sflag:s26] =	ssyncset.done $0x0  }
0x37: {  	[sflag:s26] =	ssyncadd.s32 $0xFFFFD300  }
0x38: {  	_ =	swait.ge [sflag:s26], $0x500  }
0x39: {  	[sflag:s26] =	ssyncset.done $0x0  }
0x3a: {  	[sflag:s26] =	ssyncadd.s32 $0xFFFFFB00  }
0x3b: {  	v10 =	vld.idx.msk [tilespmem:v0+s16+$0x0], $0xffff  }
0x3c: {  	v11 =	vld.idx.msk [tilespmem:v1+s15+$0x0], $0xffff;
	_ =	sdelay $0x4  }
0x3d: {  	v10 =	vadd.f32 v11, v10;
	_ =	sdelay $0x1  }
0x3e: {  	v11 =	vmul.f32 $2.000000030e-01, v10  }
0x3f: {  	vm0 =	vgt.f32 v10, $0.0e+00  }
0x40: {  	v10 =	vsel vm0, v10, v11  }
0x41: {  	v10 =	vsub.f32 $0.0e+00, v10;
	_ =	sdelay $0x1  }
0x42: {  	v10 =	vmul.f32 $1.442695020e+00, v10;
	_ =	sdelay $0x1  }
0x43: {  	(erf) = vpow2.f32 v10;
	_ =	sdelay $0x8  }
0x44: {  	v10 =	vpop (erf)  }
0x45: {  	[tilespmem:v1+s15+$0x0] =	vst.idx.msk $0xffff, v10  }
0x46: {  	v10 =	vld.idx.msk [tilespmem:v2+s16+$0x0], $0xffff  }
0x47: {  	v11 =	vld.idx.msk [tilespmem:v3+s15+$0x0], $0xffff;
	_ =	sdelay $0x4  }
0x48: {  	v10 =	vadd.f32 v11, v10;
	_ =	sdelay $0x1  }
0x49: {  	v11 =	vmul.f32 $2.000000030e-01, v10  }
0x4a: {  	vm12 =	vgt.f32 v10, $0.0e+00  }
0x4b: {  	v10 =	vsel vm12, v10, v11  }
0x4c: {  	v10 =	vsub.f32 $0.0e+00, v10;
	_ =	sdelay $0x1  }
0x4d: {  	v10 =	vmul.f32 $1.442695020e+00, v10;
	_ =	sdelay $0x1  }
0x4e: {  	(erf) = vpow2.f32 v10;
	_ =	sdelay $0x8  }
0x4f: {  	v10 =	vpop (erf)  }
0x50: {  	[tilespmem:v3+s15+$0x0] =	vst.idx.msk $0xffff, v10  }
0x51: {  	v10 =	vld.idx.msk [tilespmem:v4+s16+$0x0], $0xffff  }
0x52: {  	v11 =	vld.idx.msk [tilespmem:v5+s15+$0x0], $0xffff;
	_ =	sdelay $0x4  }
0x53: {  	v10 =	vadd.f32 v11, v10;
	_ =	sdelay $0x1  }
0x54: {  	v11 =	vmul.f32 $2.000000030e-01, v10  }
0x55: {  	vm13 =	vgt.f32 v10, $0.0e+00  }
0x56: {  	v10 =	vsel vm13, v10, v11  }
0x57: {  	v10 =	vsub.f32 $0.0e+00, v10;
	_ =	sdelay $0x1  }
0x58: {  	v10 =	vmul.f32 $1.442695020e+00, v10;
	_ =	sdelay $0x1  }
0x59: {  	(erf) = vpow2.f32 v10;
	_ =	sdelay $0x8  }
0x5a: {  	v10 =	vpop (erf)  }
0x5b: {  	[tilespmem:v5+s15+$0x0] =	vst.idx.msk $0xffff, v10  }
0x5c: {  	v10 =	vld.idx.msk [tilespmem:v6+s16+$0x0], $0xffff  }
0x5d: {  	v11 =	vld.idx.msk [tilespmem:v7+s15+$0x0], $0xffff;
	_ =	sdelay $0x4  }
0x5e: {  	v10 =	vadd.f32 v11, v10;
	_ =	sdelay $0x1  }
0x5f: {  	v11 =	vmul.f32 $2.000000030e-01, v10  }
0x60: {  	vm14 =	vgt.f32 v10, $0.0e+00  }
0x61: {  	v10 =	vsel vm14, v10, v11  }
0x62: {  	v10 =	vsub.f32 $0.0e+00, v10;
	_ =	sdelay $0x1  }
0x63: {  	v10 =	vmul.f32 $1.442695020e+00, v10;
	_ =	sdelay $0x1  }
0x64: {  	(erf) = vpow2.f32 v10;
	_ =	sdelay $0x8  }
0x65: {  	v10 =	vpop (erf)  }
0x66: {  	[tilespmem:v7+s15+$0x0] =	vst.idx.msk $0xffff, v10  }
0x67: {  	v10 =	vld.idx.msk [tilespmem:v8+s16+$0x0], $0xffff  }
0x68: {  	v11 =	vld.idx.msk [tilespmem:v9+s15+$0x0], $0xffff;
	_ =	sdelay $0x4  }
0x69: {  	v10 =	vadd.f32 v11, v10;
	_ =	sdelay $0x1  }
0x6a: {  	v11 =	vmul.f32 $2.000000030e-01, v10  }
0x6b: {  	vm15 =	vgt.f32 v10, $0.0e+00  }
0x6c: {  	v10 =	vsel vm15, v10, v11  }
0x6d: {  	v10 =	vsub.f32 $0.0e+00, v10;
	_ =	sdelay $0x1  }
0x6e: {  	v10 =	vmul.f32 $1.442695020e+00, v10;
	_ =	sdelay $0x1  }
0x6f: {  	(erf) = vpow2.f32 v10  }
0x70: {  	s17 =	simm.s32 $0x1;
	v10 =	vmov s18  }
0x71: {  	v11 =	vmov s17;
	v10 =	vmul.u32 $0x90, v10  }
0x72: {  	v11 =	vmul.u32 $0x90, v11  }
0x73: {  	v10 =	vadd.s32 $0x80, v10  }
0x74: {  	v11 =	vadd.s32 $0x80, v11;
	v10 =	vbroadcast v10, $0x0  }
0x75: {  	v12 =	vbroadcast v11, $0x0;
	_ =	sdelay $0x2  }
0x76: {  	v11 =	vpop (erf)  }
0x77: {  	[tilespmem:v9+s15+$0x0] =	vst.idx.msk $0xffff, v11  }
0x78: {  	v11 =	vld.idx.msk [tilespmem:v10+s15+$0x0], $0xffff  }
0x79: {  	s22 =	simm.s32 $0x450;
	v10 =	vld.idx.msk [tilespmem:v12+s15+$0x0], $0xffff  }
0x7a: {  	v14 =	vld [tilespmem:s22+$0x70]  }
0x7b: {  	v18 =	vld [tilespmem:s22+$0xFFFFFF70]  }
0x7c: {  	v16 =	vld [tilespmem:s22+$0xFFFFFF80]  }
0x7d: {  	v15 =	vld [tilespmem:s22+$0xFFFFFF90]  }
0x7e: {  	v13 =	vld [tilespmem:s22+$0xFFFFFFA0]  }
0x7f: {  	s18 =	simm.s32 $0x2;
	v12 =	vld [tilespmem:s22+$0xFFFFFFB0];
	v17 =	vmul.f32 v14, v10  }
0x80: {  	s3 =	simm.s32 $0x4;
	s10 =	simm.s32 $0x450;
	s17 =	simm.s32 $0x3;
	v19 =	vmov s18;
	v18 =	vmul.f32 v18, v11;
	v14 =	vld [tilespmem:s22+$0xFFFFFFC0]  }
.LBB2_3:
0x81: {  	p1 =	slt.u32 s3, $0x4E;
	v19 =	vmul.u32 $0x90, v19;
	v20 =	vmov s17;
	v16 =	vmul.f32 v16, v11;
	v21 =	vld [tilespmem:s22+$0xFFFFFFD0];
	[tilespmem:s22+$0x70] =	vst v17  }
0x82: {  	v17 =	vmul.u32 $0x90, v20;
	[tilespmem:s22+$0xFFFFFF70] =	vst v18;
	v15 =	vmul.f32 v15, v11;
	v18 =	vld [tilespmem:s22+$0xFFFFFFE0]  }
0x83: {  	v19 =	vadd.s32 $0x80, v19;
	[tilespmem:s22+$0xFFFFFF80] =	vst v16;
	v13 =	vmul.f32 v13, v11;
	v16 =	vld [tilespmem:s22+$0x0]  }
0x84: {  	v19 =	vbroadcast v19, $0x0;
	v17 =	vadd.s32 $0x80, v17;
	[tilespmem:s22+$0xFFFFFF90] =	vst v15;
	v12 =	vmul.f32 v12, v11;
	v15 =	vld [tilespmem:s22+$0x10]  }
0x85: {  	v17 =	vbroadcast v17, $0x0;
	[tilespmem:s22+$0xFFFFFFA0] =	vst v13;
	v13 =	vmul.f32 v14, v11;
	v14 =	vld [tilespmem:s22+$0x20]  }
0x86: {  	[tilespmem:s22+$0xFFFFFFB0] =	vst v12;
	v12 =	vmul.f32 v21, v11;
	v20 =	vld [tilespmem:s22+$0x30]  }
0x87: {  	[tilespmem:s22+$0xFFFFFFC0] =	vst v13;
	v11 =	vmul.f32 v18, v11;
	v13 =	vld [tilespmem:s22+$0x40]  }
0x88: {  	[tilespmem:s22+$0xFFFFFFD0] =	vst v12;
	v12 =	vmul.f32 v16, v10;
	v16 =	vld [tilespmem:s22+$0x50]  }
0x89: {  	[tilespmem:s22+$0xFFFFFFE0] =	vst v11;
	v15 =	vmul.f32 v15, v10;
	v18 =	vld [tilespmem:s22+$0x60]  }
0x8a: {  	v11 =	vld.idx.msk [tilespmem:v19+s15+$0x0], $0xffff;
	[tilespmem:s22+$0x0] =	vst v12;
	v12 =	vmul.f32 v14, v10  }
0x8b: {  	s22 =	sadd.s32 $0x120, s22;
	v14 =	vld.idx.msk [tilespmem:v17+s15+$0x0], $0xffff;
	[tilespmem:s10+$0x10] =	vst v15;
	v15 =	vmul.f32 v20, v10  }
0x8c: {  	v17 =	vld [tilespmem:s22+$0x70];
	[tilespmem:s10+$0x20] =	vst v12;
	v12 =	vmul.f32 v13, v10  }
0x8d: {  	v20 =	vld [tilespmem:s22+$0xFFFFFF70];
	[tilespmem:s10+$0x30] =	vst v15;
	v13 =	vmul.f32 v16, v10  }
.Ltmp0:
0x8e: {  	v16 =	vld [tilespmem:s22+$0xFFFFFF80];
	[tilespmem:s10+$0x40] =	vst v12;
	v18 =	vmul.f32 v18, v10;
	(pc) =	sbr.rel @p1 .LBB2_3-.Ltmp0, $4  }
0x8f: {  	v15 =	vld [tilespmem:s22+$0xFFFFFF90];
	[tilespmem:s10+$0x50] =	vst v13  }
0x90: {  	v13 =	vld [tilespmem:s22+$0xFFFFFFA0];
	[tilespmem:s10+$0x60] =	vst v18;
	s10 =	smov.u32 s22  }
0x91: {  	v10 =	vmov v14;
	v12 =	vld [tilespmem:s22+$0xFFFFFFB0];
	v17 =	vmul.f32 v17, v14  }
0x92: {  	s17 =	sadd.s32 $0x1, s3;
	v19 =	vmov s3;
	s3 =	sadd.s32 $0x2, s3;
	v18 =	vmul.f32 v20, v11;
	v14 =	vld [tilespmem:s22+$0xFFFFFFC0]  }
0x93: {  	v20 =	vld [tilespmem:s22+$0xFFFFFFD0];
	v19 =	vmul.u32 $0x90, v19  }
0x94: {  	v21 =	vmov s17;
	[tilespmem:s22+$0x70] =	vst v17;
	v16 =	vmul.f32 v16, v11;
	v63 =	vld [tilespmem:s22+$0x0]  }
0x95: {  	[tilespmem:s22+$0xFFFFFF70] =	vst v18;
	v17 =	vmul.u32 $0x90, v21;
	v18 =	vld [tilespmem:s22+$0xFFFFFFE0];
	v15 =	vmul.f32 v15, v11;
	v19 =	vadd.s32 $0x80, v19  }
0x96: {  	v22 =	vld [tilespmem:s22+$0x10];
	[tilespmem:s22+$0xFFFFFF80] =	vst v16;
	v13 =	vmul.f32 v13, v11;
	v19 =	vbroadcast v19, $0x0  }
0x97: {  	v17 =	vadd.s32 $0x80, v17;
	[tilespmem:s22+$0xFFFFFF90] =	vst v15;
	v12 =	vmul.f32 v12, v11;
	v15 =	vld [tilespmem:s22+$0x30]  }
0x98: {  	v16 =	vbroadcast v17, $0x0;
	v17 =	vld [tilespmem:s22+$0x20];
	[tilespmem:s22+$0xFFFFFFA0] =	vst v13;
	v13 =	vmul.f32 v14, v11  }
0x99: {  	v14 =	vld [tilespmem:s22+$0x40];
	[tilespmem:s22+$0xFFFFFFB0] =	vst v12;
	v12 =	vmul.f32 v20, v11  }
0x9a: {  	v20 =	vld [tilespmem:s22+$0x50];
	[tilespmem:s22+$0xFFFFFFC0] =	vst v13;
	v11 =	vmul.f32 v18, v11  }
0x9b: {  	v13 =	vld [tilespmem:s22+$0x60];
	[tilespmem:s22+$0xFFFFFFD0] =	vst v12;
	v12 =	vmul.f32 v63, v10  }
0x9c: {  	s3 =	sadd.s32 $0x120, s22;
	[tilespmem:s22+$0xFFFFFFE0] =	vst v11;
	v18 =	vld.idx.msk [tilespmem:v19+s15+$0x0], $0xffff  }
0x9d: {  	v11 =	vmul.f32 v22, v10;
	[tilespmem:s22+$0x0] =	vst v12;
	v12 =	vmul.f32 v17, v10;
	v17 =	vld [tilespmem:s3+$0x70]  }
0x9e: {  	v16 =	vld.idx.msk [tilespmem:v16+s15+$0x0], $0xffff  }
0x9f: {  	[tilespmem:s10+$0x10] =	vst v11;
	v11 =	vmul.f32 v15, v10;
	v15 =	vld [tilespmem:s3+$0xFFFFFF70]  }
0xa0: {  	[tilespmem:s10+$0x20] =	vst v12;
	v12 =	vmul.f32 v14, v10;
	v14 =	vld [tilespmem:s3+$0xFFFFFF80]  }
0xa1: {  	v19 =	vld [tilespmem:s3+$0xFFFFFF90];
	[tilespmem:s10+$0x30] =	vst v11;
	v11 =	vmul.f32 v20, v10  }
0xa2: {  	v10 =	vmul.f32 v13, v10;
	[tilespmem:s10+$0x40] =	vst v12;
	v12 =	vld [tilespmem:s3+$0xFFFFFFA0]  }
0xa3: {  	[tilespmem:s10+$0x50] =	vst v11;
	v11 =	vld [tilespmem:s3+$0xFFFFFFB0];
	v13 =	vmul.f32 v17, v16  }
0xa4: {  	[tilespmem:s10+$0x60] =	vst v10;
	v10 =	vmul.f32 v15, v18;
	v15 =	vld [tilespmem:s3+$0xFFFFFFC0]  }
0xa5: {  	v17 =	vld [tilespmem:s3+$0xFFFFFFD0];
	v14 =	vmul.f32 v14, v18;
	[tilespmem:s3+$0x70] =	vst v13  }
0xa6: {  	[tilespmem:s3+$0xFFFFFF70] =	vst v10;
	v10 =	vmul.f32 v19, v18;
	v13 =	vld [tilespmem:s3+$0xFFFFFFE0]  }
0xa7: {  	[tilespmem:s3+$0xFFFFFF80] =	vst v14;
	v12 =	vmul.f32 v12, v18;
	v14 =	vld [tilespmem:s3+$0x0]  }
0xa8: {  	[tilespmem:s3+$0xFFFFFF90] =	vst v10;
	v10 =	vmul.f32 v11, v18;
	v11 =	vld [tilespmem:s3+$0x10]  }
0xa9: {  	[tilespmem:s3+$0xFFFFFFA0] =	vst v12;
	v12 =	vmul.f32 v15, v18;
	v15 =	vld [tilespmem:s3+$0x20]  }
0xaa: {  	[tilespmem:s3+$0xFFFFFFB0] =	vst v10;
	v10 =	vmul.f32 v17, v18;
	v17 =	vld [tilespmem:s3+$0x30]  }
0xab: {  	[tilespmem:s3+$0xFFFFFFC0] =	vst v12;
	v12 =	vmul.f32 v13, v18;
	v13 =	vld [tilespmem:s3+$0x40]  }
0xac: {  	[tilespmem:s3+$0xFFFFFFD0] =	vst v10;
	v10 =	vmul.f32 v14, v16;
	v14 =	vld [tilespmem:s3+$0x50]  }
0xad: {  	[tilespmem:s3+$0xFFFFFFE0] =	vst v12;
	v11 =	vmul.f32 v11, v16;
	v12 =	vld [tilespmem:s3+$0x60]  }
0xae: {  	[tilespmem:s3+$0x0] =	vst v10;
	v10 =	vmul.f32 v15, v16  }
0xaf: {  	[tilespmem:s3+$0x10] =	vst v11;
	v11 =	vmul.f32 v17, v16  }
0xb0: {  	[tilespmem:s3+$0x20] =	vst v10;
	v10 =	vmul.f32 v13, v16  }
0xb1: {  	[tilespmem:s3+$0x30] =	vst v11;
	v11 =	vmul.f32 v14, v16  }
0xb2: {  	[tilespmem:s3+$0x40] =	vst v10;
	v10 =	vmul.f32 v12, v16  }
0xb3: {  	[tilespmem:s3+$0x50] =	vst v11  }
0xb4: {  	s18 =	simm.s32 $0x0;
	[tilespmem:s3+$0x60] =	vst v10;
	s3 =	simm.s32 @!p0 $0x8  }
0xb5: {  	[spmem:s1] =	stream.indirect.scatter.add.f32 [tilespmem:s15], [sflag:$0x6], $0x90, s18, s14, $0xb8;
	[tilespmem:$0x1FCC0] =	vst v63  }
0xb6: {  	s10 =	smul.u32 $0x78, s30;
	_ =	swait.ge @!p0 [sflag:s3], $0x2D00  }
0xb7: {  	[sflag:s3] =	ssyncset.done @!p0 $0x0;
	s22 =	rddreg [dreg:$0x9]  }
0xb8: {  	s18 =	simm.s32 $0x0;
	[sflag:s3] =	ssyncadd.s32 @!p0 $0xFFFFD300;
	s3 =	sadd.s32 s10, s22  }
0xb9: {  	[tilespmem:s28], [sflag:$0x5] =	stream.linear.gather [hbm4b:s3+s18], $0xA0, $0x38;
	[tilespmem:$0x1FCC0] =	vst v63  }
0xba: {  	_ =	swait.ge [sflag:s29], $0xA0  }
0xbb: {  	[sflag:s29] =	ssyncset.done $0x0  }
0xbc: {  	s22 =	simm.s32 $0x190;
	[sflag:s29] =	ssyncadd.s32 $0xFFFFFF60  }
0xbd: {  	[tilespmem:s31], [sflag:$0x3] =	stream.indirect.gather [hbm4b:s7+s14], $0x90, s22, s14, $0xb8;
	[tilespmem:$0x1FCC0] =	vst v63  }
0xbe: {  	_ = 	snop  }
0xbf: {  	[tilespmem:s16], [sflag:$0x3] =	stream.indirect.gather [hbm4b:s8+s14], $0x10, s20, s14, $0xb8;
	[tilespmem:$0x1FCC0] =	vst v63  }
0xc0: {  	_ =	swait.ge [sflag:s0], $0x2D00  }
0xc1: {  	[sflag:s0] =	ssyncset.done $0x0  }
0xc2: {  	[sflag:s0] =	ssyncadd.s32 $0xFFFFD300  }
0xc3: {  	_ =	swait.ge [sflag:s0], $0x500  }
0xc4: {  	[sflag:s0] =	ssyncset.done $0x0  }
0xc5: {  	[sflag:s0] =	ssyncadd.s32 $0xFFFFFB00  }
0xc6: {  	v10 =	vld.idx.msk [tilespmem:v0+s25+$0x0], $0xffff  }
0xc7: {  	v11 =	vld.idx.msk [tilespmem:v1+s23+$0x0], $0xffff;
	_ =	sdelay $0x4  }
0xc8: {  	v10 =	vadd.f32 v11, v10;
	_ =	sdelay $0x1  }
0xc9: {  	v11 =	vmul.f32 $2.000000030e-01, v10  }
0xca: {  	vm0 =	vgt.f32 v10, $0.0e+00  }
0xcb: {  	v10 =	vsel vm0, v10, v11  }
0xcc: {  	v10 =	vsub.f32 $0.0e+00, v10;
	_ =	sdelay $0x1  }
0xcd: {  	v10 =	vmul.f32 $1.442695020e+00, v10;
	_ =	sdelay $0x1  }
0xce: {  	(erf) = vpow2.f32 v10;
	_ =	sdelay $0x8  }
0xcf: {  	v10 =	vpop (erf)  }
0xd0: {  	[tilespmem:v1+s23+$0x0] =	vst.idx.msk $0xffff, v10  }
0xd1: {  	v10 =	vld.idx.msk [tilespmem:v2+s25+$0x0], $0xffff  }
0xd2: {  	v11 =	vld.idx.msk [tilespmem:v3+s23+$0x0], $0xffff;
	_ =	sdelay $0x4  }
0xd3: {  	v10 =	vadd.f32 v11, v10;
	_ =	sdelay $0x1  }
0xd4: {  	v11 =	vmul.f32 $2.000000030e-01, v10  }
0xd5: {  	vm12 =	vgt.f32 v10, $0.0e+00  }
0xd6: {  	v10 =	vsel vm12, v10, v11  }
0xd7: {  	v10 =	vsub.f32 $0.0e+00, v10;
	_ =	sdelay $0x1  }
0xd8: {  	v10 =	vmul.f32 $1.442695020e+00, v10;
	_ =	sdelay $0x1  }
0xd9: {  	(erf) = vpow2.f32 v10;
	_ =	sdelay $0x8  }
0xda: {  	v10 =	vpop (erf)  }
0xdb: {  	[tilespmem:v3+s23+$0x0] =	vst.idx.msk $0xffff, v10  }
0xdc: {  	v10 =	vld.idx.msk [tilespmem:v4+s25+$0x0], $0xffff  }
0xdd: {  	v11 =	vld.idx.msk [tilespmem:v5+s23+$0x0], $0xffff;
	_ =	sdelay $0x4  }
0xde: {  	v10 =	vadd.f32 v11, v10;
	_ =	sdelay $0x1  }
0xdf: {  	v11 =	vmul.f32 $2.000000030e-01, v10  }
0xe0: {  	vm13 =	vgt.f32 v10, $0.0e+00  }
0xe1: {  	v10 =	vsel vm13, v10, v11  }
0xe2: {  	v10 =	vsub.f32 $0.0e+00, v10;
	_ =	sdelay $0x1  }
0xe3: {  	v10 =	vmul.f32 $1.442695020e+00, v10;
	_ =	sdelay $0x1  }
0xe4: {  	(erf) = vpow2.f32 v10;
	_ =	sdelay $0x8  }
0xe5: {  	v10 =	vpop (erf)  }
0xe6: {  	[tilespmem:v5+s23+$0x0] =	vst.idx.msk $0xffff, v10  }
0xe7: {  	v10 =	vld.idx.msk [tilespmem:v6+s25+$0x0], $0xffff  }
0xe8: {  	v11 =	vld.idx.msk [tilespmem:v7+s23+$0x0], $0xffff;
	_ =	sdelay $0x4  }
0xe9: {  	v10 =	vadd.f32 v11, v10;
	_ =	sdelay $0x1  }
0xea: {  	v11 =	vmul.f32 $2.000000030e-01, v10  }
0xeb: {  	vm14 =	vgt.f32 v10, $0.0e+00  }
0xec: {  	v10 =	vsel vm14, v10, v11  }
0xed: {  	v10 =	vsub.f32 $0.0e+00, v10;
	_ =	sdelay $0x1  }
0xee: {  	v10 =	vmul.f32 $1.442695020e+00, v10;
	_ =	sdelay $0x1  }
0xef: {  	(erf) = vpow2.f32 v10;
	_ =	sdelay $0x8  }
0xf0: {  	v10 =	vpop (erf)  }
0xf1: {  	[tilespmem:v7+s23+$0x0] =	vst.idx.msk $0xffff, v10  }
0xf2: {  	v10 =	vld.idx.msk [tilespmem:v8+s25+$0x0], $0xffff  }
0xf3: {  	v11 =	vld.idx.msk [tilespmem:v9+s23+$0x0], $0xffff;
	_ =	sdelay $0x4  }
0xf4: {  	v10 =	vadd.f32 v11, v10;
	_ =	sdelay $0x1  }
0xf5: {  	v11 =	vmul.f32 $2.000000030e-01, v10  }
0xf6: {  	vm15 =	vgt.f32 v10, $0.0e+00  }
0xf7: {  	v10 =	vsel vm15, v10, v11  }
0xf8: {  	v10 =	vsub.f32 $0.0e+00, v10;
	_ =	sdelay $0x1  }
0xf9: {  	v10 =	vmul.f32 $1.442695020e+00, v10;
	_ =	sdelay $0x1  }
0xfa: {  	(erf) = vpow2.f32 v10  }
0xfb: {  	v10 =	vmov s18;
	s18 =	simm.s32 $0x1  }
0xfc: {  	v10 =	vmul.u32 $0x90, v10;
	v11 =	vmov s18  }
0xfd: {  	v11 =	vmul.u32 $0x90, v11  }
0xfe: {  	v10 =	vadd.s32 $0x80, v10  }
0xff: {  	v10 =	vbroadcast v10, $0x0;
	v11 =	vadd.s32 $0x80, v11  }
0x100: {  	v12 =	vbroadcast v11, $0x0;
	_ =	sdelay $0x2  }
0x101: {  	v11 =	vpop (erf)  }
0x102: {  	[tilespmem:v9+s23+$0x0] =	vst.idx.msk $0xffff, v11  }
0x103: {  	v11 =	vld.idx.msk [tilespmem:v10+s23+$0x0], $0xffff  }
0x104: {  	s3 =	simm.s32 $0x31C0;
	v10 =	vld.idx.msk [tilespmem:v12+s23+$0x0], $0xffff  }
0x105: {  	v14 =	vld [tilespmem:s3+$0x0]  }
0x106: {  	v18 =	vld [tilespmem:s3+$0xFFFFFF00]  }
0x107: {  	v16 =	vld [tilespmem:s3+$0xFFFFFF10]  }
0x108: {  	v15 =	vld [tilespmem:s3+$0xFFFFFF20]  }
0x109: {  	v13 =	vld [tilespmem:s3+$0xFFFFFF30]  }
0x10a: {  	s22 =	simm.s32 $0x2;
	v12 =	vld [tilespmem:s3+$0xFFFFFF40];
	v17 =	vmul.f32 v14, v10  }
0x10b: {  	s17 =	simm.s32 $0x4;
	v19 =	vmov s22;
	s22 =	simm.s32 $0x31C0;
	s18 =	simm.s32 $0x3;
	v18 =	vmul.f32 v18, v11;
	v14 =	vld [tilespmem:s3+$0xFFFFFF50]  }
.LBB2_5:
0x10c: {  	p0 =	slt.u32 s17, $0x4E;
	v19 =	vmul.u32 $0x90, v19;
	v20 =	vmov s18;
	v16 =	vmul.f32 v16, v11;
	v21 =	vld [tilespmem:s3+$0xFFFFFF60];
	[tilespmem:s3+$0x0] =	vst v17  }
0x10d: {  	v17 =	vmul.u32 $0x90, v20;
	[tilespmem:s3+$0xFFFFFF00] =	vst v18;
	v15 =	vmul.f32 v15, v11;
	v18 =	vld [tilespmem:s3+$0xFFFFFF70]  }
0x10e: {  	v19 =	vadd.s32 $0x80, v19;
	[tilespmem:s3+$0xFFFFFF10] =	vst v16;
	v13 =	vmul.f32 v13, v11;
	v16 =	vld [tilespmem:s3+$0xFFFFFF90]  }
0x10f: {  	v19 =	vbroadcast v19, $0x0;
	v17 =	vadd.s32 $0x80, v17;
	[tilespmem:s3+$0xFFFFFF20] =	vst v15;
	v12 =	vmul.f32 v12, v11;
	v15 =	vld [tilespmem:s3+$0xFFFFFFA0]  }
0x110: {  	v17 =	vbroadcast v17, $0x0;
	[tilespmem:s3+$0xFFFFFF30] =	vst v13;
	v13 =	vmul.f32 v14, v11;
	v14 =	vld [tilespmem:s3+$0xFFFFFFB0]  }
0x111: {  	[tilespmem:s3+$0xFFFFFF40] =	vst v12;
	v12 =	vmul.f32 v21, v11;
	v20 =	vld [tilespmem:s3+$0xFFFFFFC0]  }
0x112: {  	[tilespmem:s3+$0xFFFFFF50] =	vst v13;
	v11 =	vmul.f32 v18, v11;
	v13 =	vld [tilespmem:s3+$0xFFFFFFD0]  }
0x113: {  	[tilespmem:s3+$0xFFFFFF60] =	vst v12;
	v12 =	vmul.f32 v16, v10;
	v16 =	vld [tilespmem:s3+$0xFFFFFFE0]  }
0x114: {  	[tilespmem:s3+$0xFFFFFF70] =	vst v11;
	v15 =	vmul.f32 v15, v10;
	v18 =	vld [tilespmem:s3+$0xFFFFFFF0]  }
0x115: {  	v11 =	vld.idx.msk [tilespmem:v19+s23+$0x0], $0xffff;
	[tilespmem:s3+$0xFFFFFF90] =	vst v12;
	v12 =	vmul.f32 v14, v10  }
0x116: {  	s3 =	sadd.s32 $0x120, s3;
	v14 =	vld.idx.msk [tilespmem:v17+s23+$0x0], $0xffff;
	[tilespmem:s22+$0xFFFFFFA0] =	vst v15;
	v15 =	vmul.f32 v20, v10  }
0x117: {  	v17 =	vld [tilespmem:s3+$0x0];
	[tilespmem:s22+$0xFFFFFFB0] =	vst v12;
	v12 =	vmul.f32 v13, v10  }
0x118: {  	v20 =	vld [tilespmem:s3+$0xFFFFFF00];
	[tilespmem:s22+$0xFFFFFFC0] =	vst v15;
	v13 =	vmul.f32 v16, v10  }
.Ltmp1:
0x119: {  	v16 =	vld [tilespmem:s3+$0xFFFFFF10];
	[tilespmem:s22+$0xFFFFFFD0] =	vst v12;
	v18 =	vmul.f32 v18, v10;
	(pc) =	sbr.rel @p0 .LBB2_5-.Ltmp1, $4  }
0x11a: {  	v15 =	vld [tilespmem:s3+$0xFFFFFF20];
	[tilespmem:s22+$0xFFFFFFE0] =	vst v13  }
0x11b: {  	v13 =	vld [tilespmem:s3+$0xFFFFFF30];
	[tilespmem:s22+$0xFFFFFFF0] =	vst v18;
	s22 =	smov.u32 s3  }
0x11c: {  	v10 =	vmov v14;
	v12 =	vld [tilespmem:s3+$0xFFFFFF40];
	v17 =	vmul.f32 v17, v14  }
0x11d: {  	s18 =	sadd.s32 $0x1, s17;
	v19 =	vmov s17;
	s17 =	sadd.s32 $0x2, s17;
	v18 =	vmul.f32 v20, v11;
	v14 =	vld [tilespmem:s3+$0xFFFFFF50]  }
0x11e: {  	v20 =	vld [tilespmem:s3+$0xFFFFFF60];
	v19 =	vmul.u32 $0x90, v19  }
0x11f: {  	v21 =	vmov s18;
	[tilespmem:s3+$0x0] =	vst v17;
	v16 =	vmul.f32 v16, v11;
	v63 =	vld [tilespmem:s3+$0xFFFFFF90]  }
0x120: {  	[tilespmem:s3+$0xFFFFFF00] =	vst v18;
	v17 =	vmul.u32 $0x90, v21;
	v18 =	vld [tilespmem:s3+$0xFFFFFF70];
	v15 =	vmul.f32 v15, v11;
	v19 =	vadd.s32 $0x80, v19  }
0x121: {  	v22 =	vld [tilespmem:s3+$0xFFFFFFA0];
	[tilespmem:s3+$0xFFFFFF10] =	vst v16;
	v13 =	vmul.f32 v13, v11;
	v19 =	vbroadcast v19, $0x0  }
0x122: {  	v17 =	vadd.s32 $0x80, v17;
	[tilespmem:s3+$0xFFFFFF20] =	vst v15;
	v12 =	vmul.f32 v12, v11;
	v15 =	vld [tilespmem:s3+$0xFFFFFFC0]  }
0x123: {  	v16 =	vbroadcast v17, $0x0;
	v17 =	vld [tilespmem:s3+$0xFFFFFFB0];
	[tilespmem:s3+$0xFFFFFF30] =	vst v13;
	v13 =	vmul.f32 v14, v11  }
0x124: {  	v14 =	vld [tilespmem:s3+$0xFFFFFFD0];
	[tilespmem:s3+$0xFFFFFF40] =	vst v12;
	v12 =	vmul.f32 v20, v11  }
0x125: {  	v20 =	vld [tilespmem:s3+$0xFFFFFFE0];
	[tilespmem:s3+$0xFFFFFF50] =	vst v13;
	v11 =	vmul.f32 v18, v11  }
0x126: {  	v13 =	vld [tilespmem:s3+$0xFFFFFFF0];
	[tilespmem:s3+$0xFFFFFF60] =	vst v12;
	v12 =	vmul.f32 v63, v10  }
0x127: {  	s17 =	sadd.s32 $0x120, s3;
	[tilespmem:s3+$0xFFFFFF70] =	vst v11;
	v18 =	vld.idx.msk [tilespmem:v19+s23+$0x0], $0xffff  }
0x128: {  	v11 =	vmul.f32 v22, v10;
	[tilespmem:s3+$0xFFFFFF90] =	vst v12;
	v12 =	vmul.f32 v17, v10;
	v17 =	vld [tilespmem:s17+$0x0]  }
0x129: {  	v16 =	vld.idx.msk [tilespmem:v16+s23+$0x0], $0xffff  }
0x12a: {  	[tilespmem:s22+$0xFFFFFFA0] =	vst v11;
	v11 =	vmul.f32 v15, v10;
	v15 =	vld [tilespmem:s17+$0xFFFFFF00]  }
0x12b: {  	[tilespmem:s22+$0xFFFFFFB0] =	vst v12;
	v12 =	vmul.f32 v14, v10;
	v14 =	vld [tilespmem:s17+$0xFFFFFF10]  }
0x12c: {  	v19 =	vld [tilespmem:s17+$0xFFFFFF20];
	[tilespmem:s22+$0xFFFFFFC0] =	vst v11;
	v11 =	vmul.f32 v20, v10  }
0x12d: {  	v10 =	vmul.f32 v13, v10;
	[tilespmem:s22+$0xFFFFFFD0] =	vst v12;
	v12 =	vld [tilespmem:s17+$0xFFFFFF30]  }
0x12e: {  	[tilespmem:s22+$0xFFFFFFE0] =	vst v11;
	v11 =	vld [tilespmem:s17+$0xFFFFFF40];
	v13 =	vmul.f32 v17, v16  }
0x12f: {  	[tilespmem:s22+$0xFFFFFFF0] =	vst v10;
	v10 =	vmul.f32 v15, v18;
	v15 =	vld [tilespmem:s17+$0xFFFFFF50]  }
0x130: {  	v17 =	vld [tilespmem:s17+$0xFFFFFF60];
	v14 =	vmul.f32 v14, v18;
	[tilespmem:s17+$0x0] =	vst v13  }
0x131: {  	[tilespmem:s17+$0xFFFFFF00] =	vst v10;
	v10 =	vmul.f32 v19, v18;
	v13 =	vld [tilespmem:s17+$0xFFFFFF70]  }
0x132: {  	[tilespmem:s17+$0xFFFFFF10] =	vst v14;
	v12 =	vmul.f32 v12, v18;
	v14 =	vld [tilespmem:s17+$0xFFFFFF90]  }
0x133: {  	[tilespmem:s17+$0xFFFFFF20] =	vst v10;
	v10 =	vmul.f32 v11, v18;
	v11 =	vld [tilespmem:s17+$0xFFFFFFA0]  }
0x134: {  	[tilespmem:s17+$0xFFFFFF30] =	vst v12;
	v12 =	vmul.f32 v15, v18;
	v15 =	vld [tilespmem:s17+$0xFFFFFFB0]  }
0x135: {  	[tilespmem:s17+$0xFFFFFF40] =	vst v10;
	v10 =	vmul.f32 v17, v18;
	v17 =	vld [tilespmem:s17+$0xFFFFFFC0]  }
0x136: {  	[tilespmem:s17+$0xFFFFFF50] =	vst v12;
	v12 =	vmul.f32 v13, v18;
	v13 =	vld [tilespmem:s17+$0xFFFFFFD0]  }
0x137: {  	[tilespmem:s17+$0xFFFFFF60] =	vst v10;
	v10 =	vmul.f32 v14, v16;
	v14 =	vld [tilespmem:s17+$0xFFFFFFE0]  }
0x138: {  	[tilespmem:s17+$0xFFFFFF70] =	vst v12;
	v11 =	vmul.f32 v11, v16;
	v12 =	vld [tilespmem:s17+$0xFFFFFFF0]  }
0x139: {  	[tilespmem:s17+$0xFFFFFF90] =	vst v10;
	v10 =	vmul.f32 v15, v16  }
0x13a: {  	[tilespmem:s17+$0xFFFFFFA0] =	vst v11;
	v11 =	vmul.f32 v17, v16  }
0x13b: {  	[tilespmem:s17+$0xFFFFFFB0] =	vst v10;
	v10 =	vmul.f32 v13, v16  }
0x13c: {  	[tilespmem:s17+$0xFFFFFFC0] =	vst v11;
	v11 =	vmul.f32 v14, v16  }
0x13d: {  	[tilespmem:s17+$0xFFFFFFD0] =	vst v10;
	v10 =	vmul.f32 v12, v16  }
0x13e: {  	[tilespmem:s17+$0xFFFFFFE0] =	vst v11  }
0x13f: {  	[tilespmem:s17+$0xFFFFFFF0] =	vst v10  }
0x140: {  	[spmem:s1] =	stream.indirect.scatter.add.f32 [tilespmem:s23], [sflag:$0x7], $0x90, s13, s14, $0xb8;
	[tilespmem:$0x1FCC0] =	vst v63  }
0x141: {  	_ =	swait.ge [sflag:s2], $0x2D00  }
0x142: {  	[sflag:s2] =	ssyncset.done $0x0;
	s22 =	rddreg [dreg:$0xa]  }
0x143: {  	s18 =	simm.s32 $0x0;
	[sflag:s2] =	ssyncadd.s32 $0xFFFFD300;
	s3 =	sadd.s32 s10, s22  }
0x144: {  	[tilespmem:s4], [sflag:$0x4] =	stream.linear.gather [hbm4b:s3+s18], $0xA0, $0x38;
	[tilespmem:$0x1FCC0] =	vst v63  }
0x145: {  	_ =	swait.ge [sflag:s21], $0xA0  }
0x146: {  	[sflag:s21] =	ssyncset.done $0x0  }
0x147: {  	s22 =	simm.s32 $0x230;
	[sflag:s21] =	ssyncadd.s32 $0xFFFFFF60  }
0x148: {  	[tilespmem:s15], [sflag:$0x1] =	stream.indirect.gather [hbm4b:s7+s14], $0x90, s22, s14, $0xb8;
	[tilespmem:$0x1FCC0] =	vst v63  }
0x149: {  	_ = 	snop  }
0x14a: {  	[tilespmem:s25], [sflag:$0x1] =	stream.indirect.gather [hbm4b:s8+s14], $0x10, s28, s14, $0xb8;
	[tilespmem:$0x1FCC0] =	vst v63  }
0x14b: {  	_ =	swait.ge [sflag:s12], $0x2D00  }
0x14c: {  	[sflag:s12] =	ssyncset.done $0x0  }
0x14d: {  	[sflag:s12] =	ssyncadd.s32 $0xFFFFD300  }
0x14e: {  	_ =	swait.ge [sflag:s12], $0x500  }
0x14f: {  	[sflag:s12] =	ssyncset.done $0x0  }
0x150: {  	[sflag:s12] =	ssyncadd.s32 $0xFFFFFB00  }
0x151: {  	v10 =	vld.idx.msk [tilespmem:v0+s16+$0x0], $0xffff  }
0x152: {  	v11 =	vld.idx.msk [tilespmem:v1+s31+$0x0], $0xffff;
	_ =	sdelay $0x4  }
0x153: {  	v10 =	vadd.f32 v11, v10;
	_ =	sdelay $0x1  }
0x154: {  	v11 =	vmul.f32 $2.000000030e-01, v10  }
0x155: {  	vm0 =	vgt.f32 v10, $0.0e+00  }
0x156: {  	v10 =	vsel vm0, v10, v11  }
0x157: {  	v10 =	vsub.f32 $0.0e+00, v10;
	_ =	sdelay $0x1  }
0x158: {  	v10 =	vmul.f32 $1.442695020e+00, v10;
	_ =	sdelay $0x1  }
0x159: {  	(erf) = vpow2.f32 v10;
	_ =	sdelay $0x8  }
0x15a: {  	v10 =	vpop (erf)  }
0x15b: {  	[tilespmem:v1+s31+$0x0] =	vst.idx.msk $0xffff, v10  }
0x15c: {  	v10 =	vld.idx.msk [tilespmem:v2+s16+$0x0], $0xffff  }
0x15d: {  	v11 =	vld.idx.msk [tilespmem:v3+s31+$0x0], $0xffff;
	_ =	sdelay $0x4  }
0x15e: {  	v10 =	vadd.f32 v11, v10;
	_ =	sdelay $0x1  }
0x15f: {  	v11 =	vmul.f32 $2.000000030e-01, v10  }
0x160: {  	vm12 =	vgt.f32 v10, $0.0e+00  }
0x161: {  	v10 =	vsel vm12, v10, v11  }
0x162: {  	v10 =	vsub.f32 $0.0e+00, v10;
	_ =	sdelay $0x1  }
0x163: {  	v10 =	vmul.f32 $1.442695020e+00, v10;
	_ =	sdelay $0x1  }
0x164: {  	(erf) = vpow2.f32 v10;
	_ =	sdelay $0x8  }
0x165: {  	v10 =	vpop (erf)  }
0x166: {  	[tilespmem:v3+s31+$0x0] =	vst.idx.msk $0xffff, v10  }
0x167: {  	v10 =	vld.idx.msk [tilespmem:v4+s16+$0x0], $0xffff  }
0x168: {  	v11 =	vld.idx.msk [tilespmem:v5+s31+$0x0], $0xffff;
	_ =	sdelay $0x4  }
0x169: {  	v10 =	vadd.f32 v11, v10;
	_ =	sdelay $0x1  }
0x16a: {  	v11 =	vmul.f32 $2.000000030e-01, v10  }
0x16b: {  	vm13 =	vgt.f32 v10, $0.0e+00  }
0x16c: {  	v10 =	vsel vm13, v10, v11  }
0x16d: {  	v10 =	vsub.f32 $0.0e+00, v10;
	_ =	sdelay $0x1  }
0x16e: {  	v10 =	vmul.f32 $1.442695020e+00, v10;
	_ =	sdelay $0x1  }
0x16f: {  	(erf) = vpow2.f32 v10;
	_ =	sdelay $0x8  }
0x170: {  	v10 =	vpop (erf)  }
0x171: {  	[tilespmem:v5+s31+$0x0] =	vst.idx.msk $0xffff, v10  }
0x172: {  	v10 =	vld.idx.msk [tilespmem:v6+s16+$0x0], $0xffff  }
0x173: {  	v11 =	vld.idx.msk [tilespmem:v7+s31+$0x0], $0xffff;
	_ =	sdelay $0x4  }
0x174: {  	v10 =	vadd.f32 v11, v10;
	_ =	sdelay $0x1  }
0x175: {  	v11 =	vmul.f32 $2.000000030e-01, v10  }
0x176: {  	vm14 =	vgt.f32 v10, $0.0e+00  }
0x177: {  	v10 =	vsel vm14, v10, v11  }
0x178: {  	v10 =	vsub.f32 $0.0e+00, v10;
	_ =	sdelay $0x1  }
0x179: {  	v10 =	vmul.f32 $1.442695020e+00, v10;
	_ =	sdelay $0x1  }
0x17a: {  	(erf) = vpow2.f32 v10;
	_ =	sdelay $0x8  }
0x17b: {  	v10 =	vpop (erf)  }
0x17c: {  	[tilespmem:v7+s31+$0x0] =	vst.idx.msk $0xffff, v10  }
0x17d: {  	v10 =	vld.idx.msk [tilespmem:v8+s16+$0x0], $0xffff  }
0x17e: {  	v11 =	vld.idx.msk [tilespmem:v9+s31+$0x0], $0xffff;
	_ =	sdelay $0x4  }
0x17f: {  	v10 =	vadd.f32 v11, v10;
	_ =	sdelay $0x1  }
0x180: {  	v11 =	vmul.f32 $2.000000030e-01, v10  }
0x181: {  	vm15 =	vgt.f32 v10, $0.0e+00  }
0x182: {  	v10 =	vsel vm15, v10, v11  }
0x183: {  	v10 =	vsub.f32 $0.0e+00, v10;
	_ =	sdelay $0x1  }
0x184: {  	v10 =	vmul.f32 $1.442695020e+00, v10;
	_ =	sdelay $0x1  }
0x185: {  	(erf) = vpow2.f32 v10  }
0x186: {  	v10 =	vmov s18;
	s18 =	simm.s32 $0x1  }
0x187: {  	v10 =	vmul.u32 $0x90, v10;
	v11 =	vmov s18  }
0x188: {  	v11 =	vmul.u32 $0x90, v11  }
0x189: {  	v10 =	vadd.s32 $0x80, v10  }
0x18a: {  	v10 =	vbroadcast v10, $0x0;
	v11 =	vadd.s32 $0x80, v11  }
0x18b: {  	v12 =	vbroadcast v11, $0x0;
	_ =	sdelay $0x2  }
0x18c: {  	v11 =	vpop (erf)  }
0x18d: {  	[tilespmem:v9+s31+$0x0] =	vst.idx.msk $0xffff, v11  }
0x18e: {  	v11 =	vld.idx.msk [tilespmem:v10+s31+$0x0], $0xffff  }
0x18f: {  	s3 =	simm.s32 $0x5EC0;
	v10 =	vld.idx.msk [tilespmem:v12+s31+$0x0], $0xffff  }
0x190: {  	v14 =	vld [tilespmem:s3+$0x0]  }
0x191: {  	v18 =	vld [tilespmem:s3+$0xFFFFFF00]  }
0x192: {  	v16 =	vld [tilespmem:s3+$0xFFFFFF10]  }
0x193: {  	v15 =	vld [tilespmem:s3+$0xFFFFFF20]  }
0x194: {  	v13 =	vld [tilespmem:s3+$0xFFFFFF30]  }
0x195: {  	s22 =	simm.s32 $0x2;
	v12 =	vld [tilespmem:s3+$0xFFFFFF40];
	v17 =	vmul.f32 v14, v10  }
0x196: {  	s17 =	simm.s32 $0x4;
	v19 =	vmov s22;
	s22 =	simm.s32 $0x5EC0;
	s18 =	simm.s32 $0x3;
	v18 =	vmul.f32 v18, v11;
	v14 =	vld [tilespmem:s3+$0xFFFFFF50]  }
.LBB2_7:
0x197: {  	p0 =	slt.u32 s17, $0x4E;
	v19 =	vmul.u32 $0x90, v19;
	v20 =	vmov s18;
	v16 =	vmul.f32 v16, v11;
	v21 =	vld [tilespmem:s3+$0xFFFFFF60];
	[tilespmem:s3+$0x0] =	vst v17  }
0x198: {  	v17 =	vmul.u32 $0x90, v20;
	[tilespmem:s3+$0xFFFFFF00] =	vst v18;
	v15 =	vmul.f32 v15, v11;
	v18 =	vld [tilespmem:s3+$0xFFFFFF70]  }
0x199: {  	v19 =	vadd.s32 $0x80, v19;
	[tilespmem:s3+$0xFFFFFF10] =	vst v16;
	v13 =	vmul.f32 v13, v11;
	v16 =	vld [tilespmem:s3+$0xFFFFFF90]  }
0x19a: {  	v19 =	vbroadcast v19, $0x0;
	v17 =	vadd.s32 $0x80, v17;
	[tilespmem:s3+$0xFFFFFF20] =	vst v15;
	v12 =	vmul.f32 v12, v11;
	v15 =	vld [tilespmem:s3+$0xFFFFFFA0]  }
0x19b: {  	v17 =	vbroadcast v17, $0x0;
	[tilespmem:s3+$0xFFFFFF30] =	vst v13;
	v13 =	vmul.f32 v14, v11;
	v14 =	vld [tilespmem:s3+$0xFFFFFFB0]  }
0x19c: {  	[tilespmem:s3+$0xFFFFFF40] =	vst v12;
	v12 =	vmul.f32 v21, v11;
	v20 =	vld [tilespmem:s3+$0xFFFFFFC0]  }
0x19d: {  	[tilespmem:s3+$0xFFFFFF50] =	vst v13;
	v11 =	vmul.f32 v18, v11;
	v13 =	vld [tilespmem:s3+$0xFFFFFFD0]  }
0x19e: {  	[tilespmem:s3+$0xFFFFFF60] =	vst v12;
	v12 =	vmul.f32 v16, v10;
	v16 =	vld [tilespmem:s3+$0xFFFFFFE0]  }
0x19f: {  	[tilespmem:s3+$0xFFFFFF70] =	vst v11;
	v15 =	vmul.f32 v15, v10;
	v18 =	vld [tilespmem:s3+$0xFFFFFFF0]  }
0x1a0: {  	v11 =	vld.idx.msk [tilespmem:v19+s31+$0x0], $0xffff;
	[tilespmem:s3+$0xFFFFFF90] =	vst v12;
	v12 =	vmul.f32 v14, v10  }
0x1a1: {  	s3 =	sadd.s32 $0x120, s3;
	v14 =	vld.idx.msk [tilespmem:v17+s31+$0x0], $0xffff;
	[tilespmem:s22+$0xFFFFFFA0] =	vst v15;
	v15 =	vmul.f32 v20, v10  }
0x1a2: {  	v17 =	vld [tilespmem:s3+$0x0];
	[tilespmem:s22+$0xFFFFFFB0] =	vst v12;
	v12 =	vmul.f32 v13, v10  }
0x1a3: {  	v20 =	vld [tilespmem:s3+$0xFFFFFF00];
	[tilespmem:s22+$0xFFFFFFC0] =	vst v15;
	v13 =	vmul.f32 v16, v10  }
.Ltmp2:
0x1a4: {  	v16 =	vld [tilespmem:s3+$0xFFFFFF10];
	[tilespmem:s22+$0xFFFFFFD0] =	vst v12;
	v18 =	vmul.f32 v18, v10;
	(pc) =	sbr.rel @p0 .LBB2_7-.Ltmp2, $4  }
0x1a5: {  	v15 =	vld [tilespmem:s3+$0xFFFFFF20];
	[tilespmem:s22+$0xFFFFFFE0] =	vst v13  }
0x1a6: {  	v13 =	vld [tilespmem:s3+$0xFFFFFF30];
	[tilespmem:s22+$0xFFFFFFF0] =	vst v18;
	s22 =	smov.u32 s3  }
0x1a7: {  	v10 =	vmov v14;
	v12 =	vld [tilespmem:s3+$0xFFFFFF40];
	v17 =	vmul.f32 v17, v14  }
0x1a8: {  	s18 =	sadd.s32 $0x1, s17;
	v19 =	vmov s17;
	s17 =	sadd.s32 $0x2, s17;
	v18 =	vmul.f32 v20, v11;
	v14 =	vld [tilespmem:s3+$0xFFFFFF50]  }
0x1a9: {  	v20 =	vld [tilespmem:s3+$0xFFFFFF60];
	v19 =	vmul.u32 $0x90, v19  }
0x1aa: {  	v21 =	vmov s18;
	[tilespmem:s3+$0x0] =	vst v17;
	v16 =	vmul.f32 v16, v11;
	v63 =	vld [tilespmem:s3+$0xFFFFFF90]  }
0x1ab: {  	[tilespmem:s3+$0xFFFFFF00] =	vst v18;
	v17 =	vmul.u32 $0x90, v21;
	v18 =	vld [tilespmem:s3+$0xFFFFFF70];
	v15 =	vmul.f32 v15, v11;
	v19 =	vadd.s32 $0x80, v19  }
0x1ac: {  	v22 =	vld [tilespmem:s3+$0xFFFFFFA0];
	[tilespmem:s3+$0xFFFFFF10] =	vst v16;
	v13 =	vmul.f32 v13, v11;
	v19 =	vbroadcast v19, $0x0  }
0x1ad: {  	v17 =	vadd.s32 $0x80, v17;
	[tilespmem:s3+$0xFFFFFF20] =	vst v15;
	v12 =	vmul.f32 v12, v11;
	v15 =	vld [tilespmem:s3+$0xFFFFFFC0]  }
0x1ae: {  	v16 =	vbroadcast v17, $0x0;
	v17 =	vld [tilespmem:s3+$0xFFFFFFB0];
	[tilespmem:s3+$0xFFFFFF30] =	vst v13;
	v13 =	vmul.f32 v14, v11  }
0x1af: {  	v14 =	vld [tilespmem:s3+$0xFFFFFFD0];
	[tilespmem:s3+$0xFFFFFF40] =	vst v12;
	v12 =	vmul.f32 v20, v11  }
0x1b0: {  	v20 =	vld [tilespmem:s3+$0xFFFFFFE0];
	[tilespmem:s3+$0xFFFFFF50] =	vst v13;
	v11 =	vmul.f32 v18, v11  }
0x1b1: {  	v13 =	vld [tilespmem:s3+$0xFFFFFFF0];
	[tilespmem:s3+$0xFFFFFF60] =	vst v12;
	v12 =	vmul.f32 v63, v10  }
0x1b2: {  	s17 =	sadd.s32 $0x120, s3;
	[tilespmem:s3+$0xFFFFFF70] =	vst v11;
	v18 =	vld.idx.msk [tilespmem:v19+s31+$0x0], $0xffff  }
0x1b3: {  	v11 =	vmul.f32 v22, v10;
	[tilespmem:s3+$0xFFFFFF90] =	vst v12;
	v12 =	vmul.f32 v17, v10;
	v17 =	vld [tilespmem:s17+$0x0]  }
0x1b4: {  	v16 =	vld.idx.msk [tilespmem:v16+s31+$0x0], $0xffff  }
0x1b5: {  	[tilespmem:s22+$0xFFFFFFA0] =	vst v11;
	v11 =	vmul.f32 v15, v10;
	v15 =	vld [tilespmem:s17+$0xFFFFFF00]  }
0x1b6: {  	[tilespmem:s22+$0xFFFFFFB0] =	vst v12;
	v12 =	vmul.f32 v14, v10;
	v14 =	vld [tilespmem:s17+$0xFFFFFF10]  }
0x1b7: {  	v19 =	vld [tilespmem:s17+$0xFFFFFF20];
	[tilespmem:s22+$0xFFFFFFC0] =	vst v11;
	v11 =	vmul.f32 v20, v10  }
0x1b8: {  	v10 =	vmul.f32 v13, v10;
	[tilespmem:s22+$0xFFFFFFD0] =	vst v12;
	v12 =	vld [tilespmem:s17+$0xFFFFFF30]  }
0x1b9: {  	[tilespmem:s22+$0xFFFFFFE0] =	vst v11;
	v11 =	vld [tilespmem:s17+$0xFFFFFF40];
	v13 =	vmul.f32 v17, v16  }
0x1ba: {  	[tilespmem:s22+$0xFFFFFFF0] =	vst v10;
	v10 =	vmul.f32 v15, v18;
	v15 =	vld [tilespmem:s17+$0xFFFFFF50]  }
0x1bb: {  	v17 =	vld [tilespmem:s17+$0xFFFFFF60];
	v14 =	vmul.f32 v14, v18;
	[tilespmem:s17+$0x0] =	vst v13  }
0x1bc: {  	[tilespmem:s17+$0xFFFFFF00] =	vst v10;
	v10 =	vmul.f32 v19, v18;
	v13 =	vld [tilespmem:s17+$0xFFFFFF70]  }
0x1bd: {  	[tilespmem:s17+$0xFFFFFF10] =	vst v14;
	v12 =	vmul.f32 v12, v18;
	v14 =	vld [tilespmem:s17+$0xFFFFFF90]  }
0x1be: {  	[tilespmem:s17+$0xFFFFFF20] =	vst v10;
	v10 =	vmul.f32 v11, v18;
	v11 =	vld [tilespmem:s17+$0xFFFFFFA0]  }
0x1bf: {  	[tilespmem:s17+$0xFFFFFF30] =	vst v12;
	v12 =	vmul.f32 v15, v18;
	v15 =	vld [tilespmem:s17+$0xFFFFFFB0]  }
0x1c0: {  	[tilespmem:s17+$0xFFFFFF40] =	vst v10;
	v10 =	vmul.f32 v17, v18;
	v17 =	vld [tilespmem:s17+$0xFFFFFFC0]  }
0x1c1: {  	[tilespmem:s17+$0xFFFFFF50] =	vst v12;
	v12 =	vmul.f32 v13, v18;
	v13 =	vld [tilespmem:s17+$0xFFFFFFD0]  }
0x1c2: {  	[tilespmem:s17+$0xFFFFFF60] =	vst v10;
	v10 =	vmul.f32 v14, v16;
	v14 =	vld [tilespmem:s17+$0xFFFFFFE0]  }
0x1c3: {  	[tilespmem:s17+$0xFFFFFF70] =	vst v12;
	v11 =	vmul.f32 v11, v16;
	v12 =	vld [tilespmem:s17+$0xFFFFFFF0]  }
0x1c4: {  	[tilespmem:s17+$0xFFFFFF90] =	vst v10;
	v10 =	vmul.f32 v15, v16  }
0x1c5: {  	[tilespmem:s17+$0xFFFFFFA0] =	vst v11;
	v11 =	vmul.f32 v17, v16  }
0x1c6: {  	[tilespmem:s17+$0xFFFFFFB0] =	vst v10;
	v10 =	vmul.f32 v13, v16  }
0x1c7: {  	[tilespmem:s17+$0xFFFFFFC0] =	vst v11;
	v11 =	vmul.f32 v14, v16  }
0x1c8: {  	[tilespmem:s17+$0xFFFFFFD0] =	vst v10;
	v10 =	vmul.f32 v12, v16  }
0x1c9: {  	[tilespmem:s17+$0xFFFFFFE0] =	vst v11  }
0x1ca: {  	[tilespmem:s17+$0xFFFFFFF0] =	vst v10  }
0x1cb: {  	[spmem:s1] =	stream.indirect.scatter.add.f32 [tilespmem:s31], [sflag:$0x8], $0x90, s20, s14, $0xb8;
	[tilespmem:$0x1FCC0] =	vst v63  }
0x1cc: {  	_ =	swait.ge [sflag:s24], $0x2D00  }
0x1cd: {  	[sflag:s24] =	ssyncset.done $0x0  }
0x1ce: {  	s10 =	sadd.s32 s10, s19;
	s22 =	simm.s32 $0x0;
	[sflag:s24] =	ssyncadd.s32 $0xFFFFD300  }
0x1cf: {  	[tilespmem:s5], [sflag:$0x5] =	stream.linear.gather [hbm4b:s10+s22], $0xA0, $0x38;
	[tilespmem:$0x1FCC0] =	vst v63  }
0x1d0: {  	_ =	swait.ge [sflag:s29], $0xA0  }
0x1d1: {  	[sflag:s29] =	ssyncset.done $0x0  }
0x1d2: {  	s17 =	simm.s32 $0x2D0;
	[sflag:s29] =	ssyncadd.s32 $0xFFFFFF60  }
0x1d3: {  	[tilespmem:s23], [sflag:$0x2] =	stream.indirect.gather [hbm4b:s7+s14], $0x90, s17, s14, $0xb8;
	[tilespmem:$0x1FCC0] =	vst v63  }
0x1d4: {  	_ = 	snop  }
0x1d5: {  	[tilespmem:s16], [sflag:$0x2] =	stream.indirect.gather [hbm4b:s8+s14], $0x10, s4, s14, $0xb8;
	[tilespmem:$0x1FCC0] =	vst v63  }
0x1d6: {  	_ =	swait.ge [sflag:s26], $0x2D00  }
0x1d7: {  	[sflag:s26] =	ssyncset.done $0x0  }
0x1d8: {  	[sflag:s26] =	ssyncadd.s32 $0xFFFFD300  }
0x1d9: {  	_ =	swait.ge [sflag:s26], $0x500  }
0x1da: {  	[sflag:s26] =	ssyncset.done $0x0  }
0x1db: {  	[sflag:s26] =	ssyncadd.s32 $0xFFFFFB00  }
0x1dc: {  	v10 =	vld.idx.msk [tilespmem:v0+s25+$0x0], $0xffff  }
0x1dd: {  	v11 =	vld.idx.msk [tilespmem:v1+s15+$0x0], $0xffff;
	_ =	sdelay $0x4  }
0x1de: {  	v10 =	vadd.f32 v11, v10;
	_ =	sdelay $0x1  }
0x1df: {  	v11 =	vmul.f32 $2.000000030e-01, v10  }
0x1e0: {  	vm0 =	vgt.f32 v10, $0.0e+00  }
0x1e1: {  	v10 =	vsel vm0, v10, v11  }
0x1e2: {  	v10 =	vsub.f32 $0.0e+00, v10;
	_ =	sdelay $0x1  }
0x1e3: {  	v10 =	vmul.f32 $1.442695020e+00, v10;
	_ =	sdelay $0x1  }
0x1e4: {  	(erf) = vpow2.f32 v10;
	_ =	sdelay $0x8  }
0x1e5: {  	v10 =	vpop (erf)  }
0x1e6: {  	[tilespmem:v1+s15+$0x0] =	vst.idx.msk $0xffff, v10  }
0x1e7: {  	v10 =	vld.idx.msk [tilespmem:v2+s25+$0x0], $0xffff  }
0x1e8: {  	v11 =	vld.idx.msk [tilespmem:v3+s15+$0x0], $0xffff;
	_ =	sdelay $0x4  }
0x1e9: {  	v10 =	vadd.f32 v11, v10;
	_ =	sdelay $0x1  }
0x1ea: {  	v11 =	vmul.f32 $2.000000030e-01, v10  }
0x1eb: {  	vm12 =	vgt.f32 v10, $0.0e+00  }
0x1ec: {  	v10 =	vsel vm12, v10, v11  }
0x1ed: {  	v10 =	vsub.f32 $0.0e+00, v10;
	_ =	sdelay $0x1  }
0x1ee: {  	v10 =	vmul.f32 $1.442695020e+00, v10;
	_ =	sdelay $0x1  }
0x1ef: {  	(erf) = vpow2.f32 v10;
	_ =	sdelay $0x8  }
0x1f0: {  	v10 =	vpop (erf)  }
0x1f1: {  	[tilespmem:v3+s15+$0x0] =	vst.idx.msk $0xffff, v10  }
0x1f2: {  	v10 =	vld.idx.msk [tilespmem:v4+s25+$0x0], $0xffff  }
0x1f3: {  	v11 =	vld.idx.msk [tilespmem:v5+s15+$0x0], $0xffff;
	_ =	sdelay $0x4  }
0x1f4: {  	v10 =	vadd.f32 v11, v10;
	_ =	sdelay $0x1  }
0x1f5: {  	v11 =	vmul.f32 $2.000000030e-01, v10  }
0x1f6: {  	vm13 =	vgt.f32 v10, $0.0e+00  }
0x1f7: {  	v10 =	vsel vm13, v10, v11  }
0x1f8: {  	v10 =	vsub.f32 $0.0e+00, v10;
	_ =	sdelay $0x1  }
0x1f9: {  	v10 =	vmul.f32 $1.442695020e+00, v10;
	_ =	sdelay $0x1  }
0x1fa: {  	(erf) = vpow2.f32 v10;
	_ =	sdelay $0x8  }
0x1fb: {  	v10 =	vpop (erf)  }
0x1fc: {  	[tilespmem:v5+s15+$0x0] =	vst.idx.msk $0xffff, v10  }
0x1fd: {  	v10 =	vld.idx.msk [tilespmem:v6+s25+$0x0], $0xffff  }
0x1fe: {  	v11 =	vld.idx.msk [tilespmem:v7+s15+$0x0], $0xffff;
	_ =	sdelay $0x4  }
0x1ff: {  	v10 =	vadd.f32 v11, v10;
	_ =	sdelay $0x1  }
0x200: {  	v11 =	vmul.f32 $2.000000030e-01, v10  }
0x201: {  	vm14 =	vgt.f32 v10, $0.0e+00  }
0x202: {  	v10 =	vsel vm14, v10, v11  }
0x203: {  	v10 =	vsub.f32 $0.0e+00, v10;
	_ =	sdelay $0x1  }
0x204: {  	v10 =	vmul.f32 $1.442695020e+00, v10;
	_ =	sdelay $0x1  }
0x205: {  	(erf) = vpow2.f32 v10;
	_ =	sdelay $0x8  }
0x206: {  	v10 =	vpop (erf)  }
0x207: {  	[tilespmem:v7+s15+$0x0] =	vst.idx.msk $0xffff, v10  }
0x208: {  	v10 =	vld.idx.msk [tilespmem:v8+s25+$0x0], $0xffff  }
0x209: {  	v11 =	vld.idx.msk [tilespmem:v9+s15+$0x0], $0xffff;
	_ =	sdelay $0x4  }
0x20a: {  	v10 =	vadd.f32 v11, v10;
	_ =	sdelay $0x1  }
0x20b: {  	v11 =	vmul.f32 $2.000000030e-01, v10  }
0x20c: {  	vm15 =	vgt.f32 v10, $0.0e+00  }
0x20d: {  	v10 =	vsel vm15, v10, v11  }
0x20e: {  	v10 =	vsub.f32 $0.0e+00, v10;
	_ =	sdelay $0x1  }
0x20f: {  	v10 =	vmul.f32 $1.442695020e+00, v10;
	_ =	sdelay $0x1  }
0x210: {  	(erf) = vpow2.f32 v10  }
0x211: {  	s18 =	simm.s32 $0x1;
	v10 =	vmov s22  }
0x212: {  	v11 =	vmov s18;
	v10 =	vmul.u32 $0x90, v10  }
0x213: {  	v11 =	vmul.u32 $0x90, v11  }
0x214: {  	v10 =	vadd.s32 $0x80, v10  }
0x215: {  	v11 =	vadd.s32 $0x80, v11;
	v10 =	vbroadcast v10, $0x0  }
0x216: {  	v12 =	vbroadcast v11, $0x0;
	_ =	sdelay $0x2  }
0x217: {  	v11 =	vpop (erf)  }
0x218: {  	[tilespmem:v9+s15+$0x0] =	vst.idx.msk $0xffff, v11  }
0x219: {  	v11 =	vld.idx.msk [tilespmem:v10+s15+$0x0], $0xffff  }
0x21a: {  	s3 =	simm.s32 $0x450;
	v10 =	vld.idx.msk [tilespmem:v12+s15+$0x0], $0xffff  }
0x21b: {  	v14 =	vld [tilespmem:s3+$0x70]  }
0x21c: {  	v18 =	vld [tilespmem:s3+$0xFFFFFF70]  }
0x21d: {  	v16 =	vld [tilespmem:s3+$0xFFFFFF80]  }
0x21e: {  	v15 =	vld [tilespmem:s3+$0xFFFFFF90]  }
0x21f: {  	v13 =	vld [tilespmem:s3+$0xFFFFFFA0]  }
0x220: {  	s22 =	simm.s32 $0x2;
	v12 =	vld [tilespmem:s3+$0xFFFFFFB0];
	v17 =	vmul.f32 v14, v10  }
0x221: {  	s10 =	simm.s32 $0x450;
	s17 =	simm.s32 $0x4;
	s18 =	simm.s32 $0x3;
	v19 =	vmov s22;
	v18 =	vmul.f32 v18, v11;
	v14 =	vld [tilespmem:s3+$0xFFFFFFC0]  }
.LBB2_9:
0x222: {  	p0 =	slt.u32 s17, $0x4E;
	v19 =	vmul.u32 $0x90, v19;
	v20 =	vmov s18;
	v16 =	vmul.f32 v16, v11;
	v21 =	vld [tilespmem:s3+$0xFFFFFFD0];
	[tilespmem:s3+$0x70] =	vst v17  }
0x223: {  	v17 =	vmul.u32 $0x90, v20;
	[tilespmem:s3+$0xFFFFFF70] =	vst v18;
	v15 =	vmul.f32 v15, v11;
	v18 =	vld [tilespmem:s3+$0xFFFFFFE0]  }
0x224: {  	v19 =	vadd.s32 $0x80, v19;
	[tilespmem:s3+$0xFFFFFF80] =	vst v16;
	v13 =	vmul.f32 v13, v11;
	v16 =	vld [tilespmem:s3+$0x0]  }
0x225: {  	v19 =	vbroadcast v19, $0x0;
	v17 =	vadd.s32 $0x80, v17;
	[tilespmem:s3+$0xFFFFFF90] =	vst v15;
	v12 =	vmul.f32 v12, v11;
	v15 =	vld [tilespmem:s3+$0x10]  }
0x226: {  	v17 =	vbroadcast v17, $0x0;
	[tilespmem:s3+$0xFFFFFFA0] =	vst v13;
	v13 =	vmul.f32 v14, v11;
	v14 =	vld [tilespmem:s3+$0x20]  }
0x227: {  	[tilespmem:s3+$0xFFFFFFB0] =	vst v12;
	v12 =	vmul.f32 v21, v11;
	v20 =	vld [tilespmem:s3+$0x30]  }
0x228: {  	[tilespmem:s3+$0xFFFFFFC0] =	vst v13;
	v11 =	vmul.f32 v18, v11;
	v13 =	vld [tilespmem:s3+$0x40]  }
0x229: {  	[tilespmem:s3+$0xFFFFFFD0] =	vst v12;
	v12 =	vmul.f32 v16, v10;
	v16 =	vld [tilespmem:s3+$0x50]  }
0x22a: {  	[tilespmem:s3+$0xFFFFFFE0] =	vst v11;
	v15 =	vmul.f32 v15, v10;
	v18 =	vld [tilespmem:s3+$0x60]  }
0x22b: {  	v11 =	vld.idx.msk [tilespmem:v19+s15+$0x0], $0xffff;
	[tilespmem:s3+$0x0] =	vst v12;
	v12 =	vmul.f32 v14, v10  }
0x22c: {  	s3 =	sadd.s32 $0x120, s3;
	v14 =	vld.idx.msk [tilespmem:v17+s15+$0x0], $0xffff;
	[tilespmem:s10+$0x10] =	vst v15;
	v15 =	vmul.f32 v20, v10  }
0x22d: {  	v17 =	vld [tilespmem:s3+$0x70];
	[tilespmem:s10+$0x20] =	vst v12;
	v12 =	vmul.f32 v13, v10  }
0x22e: {  	v20 =	vld [tilespmem:s3+$0xFFFFFF70];
	[tilespmem:s10+$0x30] =	vst v15;
	v13 =	vmul.f32 v16, v10  }
.Ltmp3:
0x22f: {  	v16 =	vld [tilespmem:s3+$0xFFFFFF80];
	[tilespmem:s10+$0x40] =	vst v12;
	v18 =	vmul.f32 v18, v10;
	(pc) =	sbr.rel @p0 .LBB2_9-.Ltmp3, $4  }
0x230: {  	v15 =	vld [tilespmem:s3+$0xFFFFFF90];
	[tilespmem:s10+$0x50] =	vst v13  }
0x231: {  	v13 =	vld [tilespmem:s3+$0xFFFFFFA0];
	[tilespmem:s10+$0x60] =	vst v18;
	s10 =	smov.u32 s3  }
0x232: {  	v10 =	vmov v14;
	v12 =	vld [tilespmem:s3+$0xFFFFFFB0];
	v17 =	vmul.f32 v17, v14  }
0x233: {  	s18 =	sadd.s32 $0x1, s17;
	v19 =	vmov s17;
	s17 =	sadd.s32 $0x2, s17;
	v18 =	vmul.f32 v20, v11;
	v14 =	vld [tilespmem:s3+$0xFFFFFFC0]  }
0x234: {  	v20 =	vld [tilespmem:s3+$0xFFFFFFD0];
	v19 =	vmul.u32 $0x90, v19  }
0x235: {  	v21 =	vmov s18;
	[tilespmem:s3+$0x70] =	vst v17;
	v16 =	vmul.f32 v16, v11;
	v63 =	vld [tilespmem:s3+$0x0]  }
0x236: {  	[tilespmem:s3+$0xFFFFFF70] =	vst v18;
	v17 =	vmul.u32 $0x90, v21;
	v18 =	vld [tilespmem:s3+$0xFFFFFFE0];
	v15 =	vmul.f32 v15, v11;
	v19 =	vadd.s32 $0x80, v19  }
0x237: {  	v22 =	vld [tilespmem:s3+$0x10];
	[tilespmem:s3+$0xFFFFFF80] =	vst v16;
	v13 =	vmul.f32 v13, v11;
	v19 =	vbroadcast v19, $0x0  }
0x238: {  	v17 =	vadd.s32 $0x80, v17;
	[tilespmem:s3+$0xFFFFFF90] =	vst v15;
	v12 =	vmul.f32 v12, v11;
	v15 =	vld [tilespmem:s3+$0x30]  }
0x239: {  	v16 =	vbroadcast v17, $0x0;
	v17 =	vld [tilespmem:s3+$0x20];
	[tilespmem:s3+$0xFFFFFFA0] =	vst v13;
	v13 =	vmul.f32 v14, v11  }
0x23a: {  	v14 =	vld [tilespmem:s3+$0x40];
	[tilespmem:s3+$0xFFFFFFB0] =	vst v12;
	v12 =	vmul.f32 v20, v11  }
0x23b: {  	v20 =	vld [tilespmem:s3+$0x50];
	[tilespmem:s3+$0xFFFFFFC0] =	vst v13;
	v11 =	vmul.f32 v18, v11  }
0x23c: {  	v13 =	vld [tilespmem:s3+$0x60];
	[tilespmem:s3+$0xFFFFFFD0] =	vst v12;
	v12 =	vmul.f32 v63, v10  }
0x23d: {  	s17 =	sadd.s32 $0x120, s3;
	[tilespmem:s3+$0xFFFFFFE0] =	vst v11;
	v18 =	vld.idx.msk [tilespmem:v19+s15+$0x0], $0xffff  }
0x23e: {  	v11 =	vmul.f32 v22, v10;
	[tilespmem:s3+$0x0] =	vst v12;
	v12 =	vmul.f32 v17, v10;
	v17 =	vld [tilespmem:s17+$0x70]  }
0x23f: {  	v16 =	vld.idx.msk [tilespmem:v16+s15+$0x0], $0xffff  }
0x240: {  	[tilespmem:s10+$0x10] =	vst v11;
	v11 =	vmul.f32 v15, v10;
	v15 =	vld [tilespmem:s17+$0xFFFFFF70]  }
0x241: {  	[tilespmem:s10+$0x20] =	vst v12;
	v12 =	vmul.f32 v14, v10;
	v14 =	vld [tilespmem:s17+$0xFFFFFF80]  }
0x242: {  	v19 =	vld [tilespmem:s17+$0xFFFFFF90];
	[tilespmem:s10+$0x30] =	vst v11;
	v11 =	vmul.f32 v20, v10  }
0x243: {  	v10 =	vmul.f32 v13, v10;
	[tilespmem:s10+$0x40] =	vst v12;
	v12 =	vld [tilespmem:s17+$0xFFFFFFA0]  }
0x244: {  	[tilespmem:s10+$0x50] =	vst v11;
	v11 =	vld [tilespmem:s17+$0xFFFFFFB0];
	v13 =	vmul.f32 v17, v16  }
0x245: {  	[tilespmem:s10+$0x60] =	vst v10;
	v10 =	vmul.f32 v15, v18;
	v15 =	vld [tilespmem:s17+$0xFFFFFFC0]  }
0x246: {  	v17 =	vld [tilespmem:s17+$0xFFFFFFD0];
	v14 =	vmul.f32 v14, v18;
	[tilespmem:s17+$0x70] =	vst v13  }
0x247: {  	[tilespmem:s17+$0xFFFFFF70] =	vst v10;
	v10 =	vmul.f32 v19, v18;
	v13 =	vld [tilespmem:s17+$0xFFFFFFE0]  }
0x248: {  	[tilespmem:s17+$0xFFFFFF80] =	vst v14;
	v12 =	vmul.f32 v12, v18;
	v14 =	vld [tilespmem:s17+$0x0]  }
0x249: {  	[tilespmem:s17+$0xFFFFFF90] =	vst v10;
	v10 =	vmul.f32 v11, v18;
	v11 =	vld [tilespmem:s17+$0x10]  }
0x24a: {  	[tilespmem:s17+$0xFFFFFFA0] =	vst v12;
	v12 =	vmul.f32 v15, v18;
	v15 =	vld [tilespmem:s17+$0x20]  }
0x24b: {  	[tilespmem:s17+$0xFFFFFFB0] =	vst v10;
	v10 =	vmul.f32 v17, v18;
	v17 =	vld [tilespmem:s17+$0x30]  }
0x24c: {  	[tilespmem:s17+$0xFFFFFFC0] =	vst v12;
	v12 =	vmul.f32 v13, v18;
	v13 =	vld [tilespmem:s17+$0x40]  }
0x24d: {  	[tilespmem:s17+$0xFFFFFFD0] =	vst v10;
	v10 =	vmul.f32 v14, v16;
	v14 =	vld [tilespmem:s17+$0x50]  }
0x24e: {  	[tilespmem:s17+$0xFFFFFFE0] =	vst v12;
	v11 =	vmul.f32 v11, v16;
	v12 =	vld [tilespmem:s17+$0x60]  }
0x24f: {  	[tilespmem:s17+$0x0] =	vst v10;
	v10 =	vmul.f32 v15, v16  }
0x250: {  	[tilespmem:s17+$0x10] =	vst v11;
	v11 =	vmul.f32 v17, v16  }
0x251: {  	[tilespmem:s17+$0x20] =	vst v10;
	v10 =	vmul.f32 v13, v16  }
0x252: {  	[tilespmem:s17+$0x30] =	vst v11;
	v11 =	vmul.f32 v14, v16  }
0x253: {  	[tilespmem:s17+$0x40] =	vst v10;
	v10 =	vmul.f32 v12, v16  }
0x254: {  	[tilespmem:s17+$0x50] =	vst v11  }
0x255: {  	p0 =	seq.s32 s30, $0x29;
	[tilespmem:s17+$0x60] =	vst v10  }
0x256: {  	[spmem:s1] =	stream.indirect.scatter.add.f32 [tilespmem:s15], [sflag:$0x6], $0x90, s28, s14, $0xb8;
	[tilespmem:$0x1FCC0] =	vst v63  }
0x257: {  	s3 =	sshrl.u32 @!p0 s9, $0x3;
	_ =	swait.ge [sflag:s11], $0x2D00  }
0x258: {  	s9 =	sadd.s32 @!p0 s6, s3;
	[sflag:s11] =	ssyncset.done $0x0  }
0x259: {  	s3 =	sadd.s32 @!p0 $0x78, s9;
	s10 =	simm.s32 @!p0 $0x0;
	[sflag:s11] =	ssyncadd.s32 $0xFFFFD300  }
0x25a: {  	[tilespmem:s10], [sflag:$0x4] =	stream.linear.gather @!p0 [hbm4b:s3+s10], $0xA0, $0x38;
	[tilespmem:$0x1FCC0] =	vst v63  }
0x25b: {  	_ =	swait.ge [sflag:s21], $0xA0  }
0x25c: {  	[sflag:s21] =	ssyncset.done $0x0  }
0x25d: {  	s10 =	simm.s32 $0x370;
	[sflag:s21] =	ssyncadd.s32 $0xFFFFFF60  }
0x25e: {  	[tilespmem:s31], [sflag:$0x3] =	stream.indirect.gather [hbm4b:s7+s14], $0x90, s10, s14, $0xb8;
	[tilespmem:$0x1FCC0] =	vst v63  }
0x25f: {  	_ = 	snop  }
0x260: {  	[tilespmem:s25], [sflag:$0x3] =	stream.indirect.gather [hbm4b:s8+s14], $0x10, s5, s14, $0xb8;
	[tilespmem:$0x1FCC0] =	vst v63  }
0x261: {  	_ =	swait.ge [sflag:s0], $0x2D00  }
0x262: {  	[sflag:s0] =	ssyncset.done $0x0  }
0x263: {  	[sflag:s0] =	ssyncadd.s32 $0xFFFFD300  }
0x264: {  	_ =	swait.ge [sflag:s0], $0x500  }
0x265: {  	[sflag:s0] =	ssyncset.done $0x0  }
0x266: {  	[sflag:s0] =	ssyncadd.s32 $0xFFFFFB00  }
0x267: {  	v10 =	vld.idx.msk [tilespmem:v0+s16+$0x0], $0xffff  }
0x268: {  	v11 =	vld.idx.msk [tilespmem:v1+s23+$0x0], $0xffff;
	_ =	sdelay $0x4  }
0x269: {  	v10 =	vadd.f32 v11, v10;
	_ =	sdelay $0x1  }
0x26a: {  	v11 =	vmul.f32 $2.000000030e-01, v10  }
0x26b: {  	vm0 =	vgt.f32 v10, $0.0e+00  }
0x26c: {  	v10 =	vsel vm0, v10, v11  }
0x26d: {  	v10 =	vsub.f32 $0.0e+00, v10;
	_ =	sdelay $0x1  }
0x26e: {  	v10 =	vmul.f32 $1.442695020e+00, v10;
	_ =	sdelay $0x1  }
0x26f: {  	(erf) = vpow2.f32 v10;
	_ =	sdelay $0x8  }
0x270: {  	v10 =	vpop (erf)  }
0x271: {  	[tilespmem:v1+s23+$0x0] =	vst.idx.msk $0xffff, v10  }
0x272: {  	v10 =	vld.idx.msk [tilespmem:v2+s16+$0x0], $0xffff  }
0x273: {  	v11 =	vld.idx.msk [tilespmem:v3+s23+$0x0], $0xffff;
	_ =	sdelay $0x4  }
0x274: {  	v10 =	vadd.f32 v11, v10;
	_ =	sdelay $0x1  }
0x275: {  	v11 =	vmul.f32 $2.000000030e-01, v10  }
0x276: {  	vm12 =	vgt.f32 v10, $0.0e+00  }
0x277: {  	v10 =	vsel vm12, v10, v11  }
0x278: {  	v10 =	vsub.f32 $0.0e+00, v10;
	_ =	sdelay $0x1  }
0x279: {  	v10 =	vmul.f32 $1.442695020e+00, v10;
	_ =	sdelay $0x1  }
0x27a: {  	(erf) = vpow2.f32 v10;
	_ =	sdelay $0x8  }
0x27b: {  	v10 =	vpop (erf)  }
0x27c: {  	[tilespmem:v3+s23+$0x0] =	vst.idx.msk $0xffff, v10  }
0x27d: {  	v10 =	vld.idx.msk [tilespmem:v4+s16+$0x0], $0xffff  }
0x27e: {  	v11 =	vld.idx.msk [tilespmem:v5+s23+$0x0], $0xffff;
	_ =	sdelay $0x4  }
0x27f: {  	v10 =	vadd.f32 v11, v10;
	_ =	sdelay $0x1  }
0x280: {  	v11 =	vmul.f32 $2.000000030e-01, v10  }
0x281: {  	vm13 =	vgt.f32 v10, $0.0e+00  }
0x282: {  	v10 =	vsel vm13, v10, v11  }
0x283: {  	v10 =	vsub.f32 $0.0e+00, v10;
	_ =	sdelay $0x1  }
0x284: {  	v10 =	vmul.f32 $1.442695020e+00, v10;
	_ =	sdelay $0x1  }
0x285: {  	(erf) = vpow2.f32 v10;
	_ =	sdelay $0x8  }
0x286: {  	v10 =	vpop (erf)  }
0x287: {  	[tilespmem:v5+s23+$0x0] =	vst.idx.msk $0xffff, v10  }
0x288: {  	v10 =	vld.idx.msk [tilespmem:v6+s16+$0x0], $0xffff  }
0x289: {  	v11 =	vld.idx.msk [tilespmem:v7+s23+$0x0], $0xffff;
	_ =	sdelay $0x4  }
0x28a: {  	v10 =	vadd.f32 v11, v10;
	_ =	sdelay $0x1  }
0x28b: {  	v11 =	vmul.f32 $2.000000030e-01, v10  }
0x28c: {  	vm14 =	vgt.f32 v10, $0.0e+00  }
0x28d: {  	v10 =	vsel vm14, v10, v11  }
0x28e: {  	v10 =	vsub.f32 $0.0e+00, v10;
	_ =	sdelay $0x1  }
0x28f: {  	v10 =	vmul.f32 $1.442695020e+00, v10;
	_ =	sdelay $0x1  }
0x290: {  	(erf) = vpow2.f32 v10;
	_ =	sdelay $0x8  }
0x291: {  	v10 =	vpop (erf)  }
0x292: {  	[tilespmem:v7+s23+$0x0] =	vst.idx.msk $0xffff, v10  }
0x293: {  	v10 =	vld.idx.msk [tilespmem:v8+s16+$0x0], $0xffff  }
0x294: {  	v11 =	vld.idx.msk [tilespmem:v9+s23+$0x0], $0xffff;
	_ =	sdelay $0x4  }
0x295: {  	v10 =	vadd.f32 v11, v10;
	_ =	sdelay $0x1  }
0x296: {  	v11 =	vmul.f32 $2.000000030e-01, v10  }
0x297: {  	vm15 =	vgt.f32 v10, $0.0e+00  }
0x298: {  	v10 =	vsel vm15, v10, v11  }
0x299: {  	v10 =	vsub.f32 $0.0e+00, v10;
	_ =	sdelay $0x1  }
0x29a: {  	v10 =	vmul.f32 $1.442695020e+00, v10;
	_ =	sdelay $0x1  }
0x29b: {  	s17 =	simm.s32 $0x0;
	(erf) = vpow2.f32 v10  }
0x29c: {  	s18 =	simm.s32 $0x1;
	v10 =	vmov s17  }
0x29d: {  	v11 =	vmov s18;
	v10 =	vmul.u32 $0x90, v10  }
0x29e: {  	v11 =	vmul.u32 $0x90, v11  }
0x29f: {  	v10 =	vadd.s32 $0x80, v10  }
0x2a0: {  	v11 =	vadd.s32 $0x80, v11;
	v10 =	vbroadcast v10, $0x0  }
0x2a1: {  	v12 =	vbroadcast v11, $0x0;
	_ =	sdelay $0x2  }
0x2a2: {  	v11 =	vpop (erf)  }
0x2a3: {  	[tilespmem:v9+s23+$0x0] =	vst.idx.msk $0xffff, v11  }
0x2a4: {  	v11 =	vld.idx.msk [tilespmem:v10+s23+$0x0], $0xffff  }
0x2a5: {  	s3 =	simm.s32 $0x31C0;
	v10 =	vld.idx.msk [tilespmem:v12+s23+$0x0], $0xffff  }
0x2a6: {  	v14 =	vld [tilespmem:s3+$0x0]  }
0x2a7: {  	v18 =	vld [tilespmem:s3+$0xFFFFFF00]  }
0x2a8: {  	v16 =	vld [tilespmem:s3+$0xFFFFFF10]  }
0x2a9: {  	v15 =	vld [tilespmem:s3+$0xFFFFFF20]  }
0x2aa: {  	v13 =	vld [tilespmem:s3+$0xFFFFFF30]  }
0x2ab: {  	s22 =	simm.s32 $0x2;
	v12 =	vld [tilespmem:s3+$0xFFFFFF40];
	v17 =	vmul.f32 v14, v10  }
0x2ac: {  	v19 =	vmov s22;
	s10 =	simm.s32 $0x31C0;
	s18 =	simm.s32 $0x3;
	s17 =	simm.s32 $0x4;
	v18 =	vmul.f32 v18, v11;
	v14 =	vld [tilespmem:s3+$0xFFFFFF50]  }
.LBB2_11:
0x2ad: {  	p1 =	slt.u32 s17, $0x4E;
	v19 =	vmul.u32 $0x90, v19;
	v20 =	vmov s18;
	v16 =	vmul.f32 v16, v11;
	v21 =	vld [tilespmem:s3+$0xFFFFFF60];
	[tilespmem:s3+$0x0] =	vst v17  }
0x2ae: {  	v17 =	vmul.u32 $0x90, v20;
	[tilespmem:s3+$0xFFFFFF00] =	vst v18;
	v15 =	vmul.f32 v15, v11;
	v18 =	vld [tilespmem:s3+$0xFFFFFF70]  }
0x2af: {  	v19 =	vadd.s32 $0x80, v19;
	[tilespmem:s3+$0xFFFFFF10] =	vst v16;
	v13 =	vmul.f32 v13, v11;
	v16 =	vld [tilespmem:s3+$0xFFFFFF90]  }
0x2b0: {  	v19 =	vbroadcast v19, $0x0;
	v17 =	vadd.s32 $0x80, v17;
	[tilespmem:s3+$0xFFFFFF20] =	vst v15;
	v12 =	vmul.f32 v12, v11;
	v15 =	vld [tilespmem:s3+$0xFFFFFFA0]  }
0x2b1: {  	v17 =	vbroadcast v17, $0x0;
	[tilespmem:s3+$0xFFFFFF30] =	vst v13;
	v13 =	vmul.f32 v14, v11;
	v14 =	vld [tilespmem:s3+$0xFFFFFFB0]  }
0x2b2: {  	[tilespmem:s3+$0xFFFFFF40] =	vst v12;
	v12 =	vmul.f32 v21, v11;
	v20 =	vld [tilespmem:s3+$0xFFFFFFC0]  }
0x2b3: {  	[tilespmem:s3+$0xFFFFFF50] =	vst v13;
	v11 =	vmul.f32 v18, v11;
	v13 =	vld [tilespmem:s3+$0xFFFFFFD0]  }
0x2b4: {  	[tilespmem:s3+$0xFFFFFF60] =	vst v12;
	v12 =	vmul.f32 v16, v10;
	v16 =	vld [tilespmem:s3+$0xFFFFFFE0]  }
0x2b5: {  	[tilespmem:s3+$0xFFFFFF70] =	vst v11;
	v15 =	vmul.f32 v15, v10;
	v18 =	vld [tilespmem:s3+$0xFFFFFFF0]  }
0x2b6: {  	v11 =	vld.idx.msk [tilespmem:v19+s23+$0x0], $0xffff;
	[tilespmem:s3+$0xFFFFFF90] =	vst v12;
	v12 =	vmul.f32 v14, v10  }
0x2b7: {  	s3 =	sadd.s32 $0x120, s3;
	v14 =	vld.idx.msk [tilespmem:v17+s23+$0x0], $0xffff;
	[tilespmem:s10+$0xFFFFFFA0] =	vst v15;
	v15 =	vmul.f32 v20, v10  }
0x2b8: {  	v17 =	vld [tilespmem:s3+$0x0];
	[tilespmem:s10+$0xFFFFFFB0] =	vst v12;
	v12 =	vmul.f32 v13, v10  }
0x2b9: {  	v20 =	vld [tilespmem:s3+$0xFFFFFF00];
	[tilespmem:s10+$0xFFFFFFC0] =	vst v15;
	v13 =	vmul.f32 v16, v10  }
.Ltmp4:
0x2ba: {  	v16 =	vld [tilespmem:s3+$0xFFFFFF10];
	[tilespmem:s10+$0xFFFFFFD0] =	vst v12;
	v18 =	vmul.f32 v18, v10;
	(pc) =	sbr.rel @p1 .LBB2_11-.Ltmp4, $4  }
0x2bb: {  	v15 =	vld [tilespmem:s3+$0xFFFFFF20];
	[tilespmem:s10+$0xFFFFFFE0] =	vst v13  }
0x2bc: {  	v13 =	vld [tilespmem:s3+$0xFFFFFF30];
	[tilespmem:s10+$0xFFFFFFF0] =	vst v18;
	s10 =	smov.u32 s3  }
0x2bd: {  	v10 =	vmov v14;
	v12 =	vld [tilespmem:s3+$0xFFFFFF40];
	v17 =	vmul.f32 v17, v14  }
0x2be: {  	s18 =	sadd.s32 $0x1, s17;
	v19 =	vmov s17;
	s17 =	sadd.s32 $0x2, s17;
	v18 =	vmul.f32 v20, v11;
	v14 =	vld [tilespmem:s3+$0xFFFFFF50]  }
0x2bf: {  	v20 =	vld [tilespmem:s3+$0xFFFFFF60];
	v19 =	vmul.u32 $0x90, v19  }
0x2c0: {  	v21 =	vmov s18;
	[tilespmem:s3+$0x0] =	vst v17;
	v16 =	vmul.f32 v16, v11;
	v63 =	vld [tilespmem:s3+$0xFFFFFF90]  }
0x2c1: {  	[tilespmem:s3+$0xFFFFFF00] =	vst v18;
	v17 =	vmul.u32 $0x90, v21;
	v18 =	vld [tilespmem:s3+$0xFFFFFF70];
	v15 =	vmul.f32 v15, v11;
	v19 =	vadd.s32 $0x80, v19  }
0x2c2: {  	v22 =	vld [tilespmem:s3+$0xFFFFFFA0];
	[tilespmem:s3+$0xFFFFFF10] =	vst v16;
	v13 =	vmul.f32 v13, v11;
	v19 =	vbroadcast v19, $0x0  }
0x2c3: {  	v17 =	vadd.s32 $0x80, v17;
	[tilespmem:s3+$0xFFFFFF20] =	vst v15;
	v12 =	vmul.f32 v12, v11;
	v15 =	vld [tilespmem:s3+$0xFFFFFFC0]  }
0x2c4: {  	v16 =	vbroadcast v17, $0x0;
	v17 =	vld [tilespmem:s3+$0xFFFFFFB0];
	[tilespmem:s3+$0xFFFFFF30] =	vst v13;
	v13 =	vmul.f32 v14, v11  }
0x2c5: {  	v14 =	vld [tilespmem:s3+$0xFFFFFFD0];
	[tilespmem:s3+$0xFFFFFF40] =	vst v12;
	v12 =	vmul.f32 v20, v11  }
0x2c6: {  	v20 =	vld [tilespmem:s3+$0xFFFFFFE0];
	[tilespmem:s3+$0xFFFFFF50] =	vst v13;
	v11 =	vmul.f32 v18, v11  }
0x2c7: {  	v13 =	vld [tilespmem:s3+$0xFFFFFFF0];
	[tilespmem:s3+$0xFFFFFF60] =	vst v12;
	v12 =	vmul.f32 v63, v10  }
0x2c8: {  	s17 =	sadd.s32 $0x120, s3;
	[tilespmem:s3+$0xFFFFFF70] =	vst v11;
	v18 =	vld.idx.msk [tilespmem:v19+s23+$0x0], $0xffff  }
0x2c9: {  	v11 =	vmul.f32 v22, v10;
	[tilespmem:s3+$0xFFFFFF90] =	vst v12;
	v12 =	vmul.f32 v17, v10;
	v17 =	vld [tilespmem:s17+$0x0]  }
0x2ca: {  	v16 =	vld.idx.msk [tilespmem:v16+s23+$0x0], $0xffff  }
0x2cb: {  	[tilespmem:s10+$0xFFFFFFA0] =	vst v11;
	v11 =	vmul.f32 v15, v10;
	v15 =	vld [tilespmem:s17+$0xFFFFFF00]  }
0x2cc: {  	[tilespmem:s10+$0xFFFFFFB0] =	vst v12;
	v12 =	vmul.f32 v14, v10;
	v14 =	vld [tilespmem:s17+$0xFFFFFF10]  }
0x2cd: {  	v19 =	vld [tilespmem:s17+$0xFFFFFF20];
	[tilespmem:s10+$0xFFFFFFC0] =	vst v11;
	v11 =	vmul.f32 v20, v10  }
0x2ce: {  	v10 =	vmul.f32 v13, v10;
	[tilespmem:s10+$0xFFFFFFD0] =	vst v12;
	v12 =	vld [tilespmem:s17+$0xFFFFFF30]  }
0x2cf: {  	[tilespmem:s10+$0xFFFFFFE0] =	vst v11;
	v11 =	vld [tilespmem:s17+$0xFFFFFF40];
	v13 =	vmul.f32 v17, v16  }
0x2d0: {  	[tilespmem:s10+$0xFFFFFFF0] =	vst v10;
	v10 =	vmul.f32 v15, v18;
	v15 =	vld [tilespmem:s17+$0xFFFFFF50]  }
0x2d1: {  	v17 =	vld [tilespmem:s17+$0xFFFFFF60];
	v14 =	vmul.f32 v14, v18;
	[tilespmem:s17+$0x0] =	vst v13  }
0x2d2: {  	[tilespmem:s17+$0xFFFFFF00] =	vst v10;
	v10 =	vmul.f32 v19, v18;
	v13 =	vld [tilespmem:s17+$0xFFFFFF70]  }
0x2d3: {  	[tilespmem:s17+$0xFFFFFF10] =	vst v14;
	v12 =	vmul.f32 v12, v18;
	v14 =	vld [tilespmem:s17+$0xFFFFFF90]  }
0x2d4: {  	[tilespmem:s17+$0xFFFFFF20] =	vst v10;
	v10 =	vmul.f32 v11, v18;
	v11 =	vld [tilespmem:s17+$0xFFFFFFA0]  }
0x2d5: {  	[tilespmem:s17+$0xFFFFFF30] =	vst v12;
	v12 =	vmul.f32 v15, v18;
	v15 =	vld [tilespmem:s17+$0xFFFFFFB0]  }
0x2d6: {  	[tilespmem:s17+$0xFFFFFF40] =	vst v10;
	v10 =	vmul.f32 v17, v18;
	v17 =	vld [tilespmem:s17+$0xFFFFFFC0]  }
0x2d7: {  	[tilespmem:s17+$0xFFFFFF50] =	vst v12;
	v12 =	vmul.f32 v13, v18;
	v13 =	vld [tilespmem:s17+$0xFFFFFFD0]  }
0x2d8: {  	[tilespmem:s17+$0xFFFFFF60] =	vst v10;
	v10 =	vmul.f32 v14, v16;
	v14 =	vld [tilespmem:s17+$0xFFFFFFE0]  }
0x2d9: {  	[tilespmem:s17+$0xFFFFFF70] =	vst v12;
	v11 =	vmul.f32 v11, v16;
	v12 =	vld [tilespmem:s17+$0xFFFFFFF0]  }
0x2da: {  	[tilespmem:s17+$0xFFFFFF90] =	vst v10;
	v10 =	vmul.f32 v15, v16  }
0x2db: {  	[tilespmem:s17+$0xFFFFFFA0] =	vst v11;
	v11 =	vmul.f32 v17, v16  }
0x2dc: {  	[tilespmem:s17+$0xFFFFFFB0] =	vst v10;
	v10 =	vmul.f32 v13, v16  }
0x2dd: {  	[tilespmem:s17+$0xFFFFFFC0] =	vst v11;
	v11 =	vmul.f32 v14, v16  }
0x2de: {  	[tilespmem:s17+$0xFFFFFFD0] =	vst v10;
	v10 =	vmul.f32 v12, v16  }
0x2df: {  	[tilespmem:s17+$0xFFFFFFE0] =	vst v11  }
0x2e0: {  	[tilespmem:s17+$0xFFFFFFF0] =	vst v10  }
0x2e1: {  	[spmem:s1] =	stream.indirect.scatter.add.f32 [tilespmem:s23], [sflag:$0x7], $0x90, s4, s14, $0xb8;
	[tilespmem:$0x1FCC0] =	vst v63  }
0x2e2: {  	_ =	swait.ge [sflag:s2], $0x2D00  }
0x2e3: {  	s3 =	sadd.s32 @!p0 $0x8C, s9;
	[sflag:s2] =	ssyncset.done $0x0  }
0x2e4: {  	s9 =	simm.s32 @!p0 $0x0;
	s10 =	simm.s32 @!p0 $0xA0;
	[sflag:s2] =	ssyncadd.s32 $0xFFFFD300  }
0x2e5: {  	[tilespmem:s10], [sflag:$0x5] =	stream.linear.gather @!p0 [hbm4b:s3+s9], $0xA0, $0x38;
	[tilespmem:$0x1FCC0] =	vst v63  }
0x2e6: {  	s3 =	simm.s32 @!p0 $0x4  }
0x2e7: {  	_ =	swait.ge @!p0 [sflag:s3], $0xA0  }
0x2e8: {  	[sflag:s3] =	ssyncset.done @!p0 $0x0  }
0x2e9: {  	s10 =	simm.s32 @!p0 $0x3C0;
	[sflag:s3] =	ssyncadd.s32 @!p0 $0xFFFFFF60;
	s3 =	simm.s32 @!p0 $0x50  }
0x2ea: {  	[tilespmem:s10], [sflag:$0x1] =	stream.indirect.gather @!p0 [hbm4b:s7+s3], $0x90, s3, s3, $0xb8;
	[tilespmem:$0x1FCC0] =	vst v63  }
0x2eb: {  	s10 =	simm.s32 @!p0 $0x8AC0  }
0x2ec: {  	[tilespmem:s10], [sflag:$0x1] =	stream.indirect.gather @!p0 [hbm4b:s8+s3], $0x10, s9, s3, $0xb8;
	[tilespmem:$0x1FCC0] =	vst v63  }
0x2ed: {  	_ =	swait.ge [sflag:s12], $0x2D00  }
0x2ee: {  	[sflag:s12] =	ssyncset.done $0x0  }
0x2ef: {  	[sflag:s12] =	ssyncadd.s32 $0xFFFFD300  }
0x2f0: {  	_ =	swait.ge [sflag:s12], $0x500  }
0x2f1: {  	[sflag:s12] =	ssyncset.done $0x0  }
0x2f2: {  	[sflag:s12] =	ssyncadd.s32 $0xFFFFFB00  }
0x2f3: {  	v10 =	vld.idx.msk [tilespmem:v0+s25+$0x0], $0xffff  }
0x2f4: {  	v11 =	vld.idx.msk [tilespmem:v1+s31+$0x0], $0xffff;
	_ =	sdelay $0x4  }
0x2f5: {  	v10 =	vadd.f32 v11, v10;
	_ =	sdelay $0x1  }
0x2f6: {  	v11 =	vmul.f32 $2.000000030e-01, v10  }
0x2f7: {  	vm0 =	vgt.f32 v10, $0.0e+00  }
0x2f8: {  	v10 =	vsel vm0, v10, v11  }
0x2f9: {  	v10 =	vsub.f32 $0.0e+00, v10;
	_ =	sdelay $0x1  }
0x2fa: {  	v10 =	vmul.f32 $1.442695020e+00, v10;
	_ =	sdelay $0x1  }
0x2fb: {  	(erf) = vpow2.f32 v10;
	_ =	sdelay $0x8  }
0x2fc: {  	v10 =	vpop (erf)  }
0x2fd: {  	[tilespmem:v1+s31+$0x0] =	vst.idx.msk $0xffff, v10  }
0x2fe: {  	v10 =	vld.idx.msk [tilespmem:v2+s25+$0x0], $0xffff  }
0x2ff: {  	v11 =	vld.idx.msk [tilespmem:v3+s31+$0x0], $0xffff;
	_ =	sdelay $0x4  }
0x300: {  	v10 =	vadd.f32 v11, v10;
	_ =	sdelay $0x1  }
0x301: {  	v11 =	vmul.f32 $2.000000030e-01, v10  }
0x302: {  	vm12 =	vgt.f32 v10, $0.0e+00  }
0x303: {  	v10 =	vsel vm12, v10, v11  }
0x304: {  	v10 =	vsub.f32 $0.0e+00, v10;
	_ =	sdelay $0x1  }
0x305: {  	v10 =	vmul.f32 $1.442695020e+00, v10;
	_ =	sdelay $0x1  }
0x306: {  	(erf) = vpow2.f32 v10;
	_ =	sdelay $0x8  }
0x307: {  	v10 =	vpop (erf)  }
0x308: {  	[tilespmem:v3+s31+$0x0] =	vst.idx.msk $0xffff, v10  }
0x309: {  	v10 =	vld.idx.msk [tilespmem:v4+s25+$0x0], $0xffff  }
0x30a: {  	v11 =	vld.idx.msk [tilespmem:v5+s31+$0x0], $0xffff;
	_ =	sdelay $0x4  }
0x30b: {  	v10 =	vadd.f32 v11, v10;
	_ =	sdelay $0x1  }
0x30c: {  	v11 =	vmul.f32 $2.000000030e-01, v10  }
0x30d: {  	vm13 =	vgt.f32 v10, $0.0e+00  }
0x30e: {  	v10 =	vsel vm13, v10, v11  }
0x30f: {  	v10 =	vsub.f32 $0.0e+00, v10;
	_ =	sdelay $0x1  }
0x310: {  	v10 =	vmul.f32 $1.442695020e+00, v10;
	_ =	sdelay $0x1  }
0x311: {  	(erf) = vpow2.f32 v10;
	_ =	sdelay $0x8  }
0x312: {  	v10 =	vpop (erf)  }
0x313: {  	[tilespmem:v5+s31+$0x0] =	vst.idx.msk $0xffff, v10  }
0x314: {  	v10 =	vld.idx.msk [tilespmem:v6+s25+$0x0], $0xffff  }
0x315: {  	v11 =	vld.idx.msk [tilespmem:v7+s31+$0x0], $0xffff;
	_ =	sdelay $0x4  }
0x316: {  	v10 =	vadd.f32 v11, v10;
	_ =	sdelay $0x1  }
0x317: {  	v11 =	vmul.f32 $2.000000030e-01, v10  }
0x318: {  	vm14 =	vgt.f32 v10, $0.0e+00  }
0x319: {  	v10 =	vsel vm14, v10, v11  }
0x31a: {  	v10 =	vsub.f32 $0.0e+00, v10;
	_ =	sdelay $0x1  }
0x31b: {  	v10 =	vmul.f32 $1.442695020e+00, v10;
	_ =	sdelay $0x1  }
0x31c: {  	(erf) = vpow2.f32 v10;
	_ =	sdelay $0x8  }
0x31d: {  	v10 =	vpop (erf)  }
0x31e: {  	[tilespmem:v7+s31+$0x0] =	vst.idx.msk $0xffff, v10  }
0x31f: {  	v10 =	vld.idx.msk [tilespmem:v8+s25+$0x0], $0xffff  }
0x320: {  	v11 =	vld.idx.msk [tilespmem:v9+s31+$0x0], $0xffff;
	_ =	sdelay $0x4  }
0x321: {  	v10 =	vadd.f32 v11, v10;
	_ =	sdelay $0x1  }
0x322: {  	v11 =	vmul.f32 $2.000000030e-01, v10  }
0x323: {  	vm15 =	vgt.f32 v10, $0.0e+00  }
0x324: {  	v10 =	vsel vm15, v10, v11  }
0x325: {  	v10 =	vsub.f32 $0.0e+00, v10;
	_ =	sdelay $0x1  }
0x326: {  	v10 =	vmul.f32 $1.442695020e+00, v10;
	_ =	sdelay $0x1  }
0x327: {  	s17 =	simm.s32 $0x0;
	(erf) = vpow2.f32 v10  }
0x328: {  	s18 =	simm.s32 $0x1;
	v10 =	vmov s17  }
0x329: {  	v11 =	vmov s18;
	v10 =	vmul.u32 $0x90, v10  }
0x32a: {  	v11 =	vmul.u32 $0x90, v11  }
0x32b: {  	v10 =	vadd.s32 $0x80, v10  }
0x32c: {  	v11 =	vadd.s32 $0x80, v11;
	v10 =	vbroadcast v10, $0x0  }
0x32d: {  	v12 =	vbroadcast v11, $0x0;
	_ =	sdelay $0x2  }
0x32e: {  	v11 =	vpop (erf)  }
0x32f: {  	[tilespmem:v9+s31+$0x0] =	vst.idx.msk $0xffff, v11  }
0x330: {  	v11 =	vld.idx.msk [tilespmem:v10+s31+$0x0], $0xffff  }
0x331: {  	s3 =	simm.s32 $0x5EC0;
	v10 =	vld.idx.msk [tilespmem:v12+s31+$0x0], $0xffff  }
0x332: {  	v14 =	vld [tilespmem:s3+$0x0]  }
0x333: {  	v18 =	vld [tilespmem:s3+$0xFFFFFF00]  }
0x334: {  	v16 =	vld [tilespmem:s3+$0xFFFFFF10]  }
0x335: {  	v15 =	vld [tilespmem:s3+$0xFFFFFF20]  }
0x336: {  	v13 =	vld [tilespmem:s3+$0xFFFFFF30]  }
0x337: {  	s22 =	simm.s32 $0x2;
	v12 =	vld [tilespmem:s3+$0xFFFFFF40];
	v17 =	vmul.f32 v14, v10  }
0x338: {  	v19 =	vmov s22;
	s10 =	simm.s32 $0x4;
	s9 =	simm.s32 $0x5EC0;
	s17 =	simm.s32 $0x3;
	v18 =	vmul.f32 v18, v11;
	v14 =	vld [tilespmem:s3+$0xFFFFFF50]  }
.LBB2_13:
0x339: {  	p0 =	slt.u32 s10, $0x4E;
	v19 =	vmul.u32 $0x90, v19;
	v20 =	vmov s17;
	v16 =	vmul.f32 v16, v11;
	v21 =	vld [tilespmem:s3+$0xFFFFFF60];
	[tilespmem:s3+$0x0] =	vst v17  }
0x33a: {  	v17 =	vmul.u32 $0x90, v20;
	[tilespmem:s3+$0xFFFFFF00] =	vst v18;
	v15 =	vmul.f32 v15, v11;
	v18 =	vld [tilespmem:s3+$0xFFFFFF70]  }
0x33b: {  	v19 =	vadd.s32 $0x80, v19;
	[tilespmem:s3+$0xFFFFFF10] =	vst v16;
	v13 =	vmul.f32 v13, v11;
	v16 =	vld [tilespmem:s3+$0xFFFFFF90]  }
0x33c: {  	v19 =	vbroadcast v19, $0x0;
	v17 =	vadd.s32 $0x80, v17;
	[tilespmem:s3+$0xFFFFFF20] =	vst v15;
	v12 =	vmul.f32 v12, v11;
	v15 =	vld [tilespmem:s3+$0xFFFFFFA0]  }
0x33d: {  	v17 =	vbroadcast v17, $0x0;
	[tilespmem:s3+$0xFFFFFF30] =	vst v13;
	v13 =	vmul.f32 v14, v11;
	v14 =	vld [tilespmem:s3+$0xFFFFFFB0]  }
0x33e: {  	[tilespmem:s3+$0xFFFFFF40] =	vst v12;
	v12 =	vmul.f32 v21, v11;
	v20 =	vld [tilespmem:s3+$0xFFFFFFC0]  }
0x33f: {  	[tilespmem:s3+$0xFFFFFF50] =	vst v13;
	v11 =	vmul.f32 v18, v11;
	v13 =	vld [tilespmem:s3+$0xFFFFFFD0]  }
0x340: {  	[tilespmem:s3+$0xFFFFFF60] =	vst v12;
	v12 =	vmul.f32 v16, v10;
	v16 =	vld [tilespmem:s3+$0xFFFFFFE0]  }
0x341: {  	[tilespmem:s3+$0xFFFFFF70] =	vst v11;
	v15 =	vmul.f32 v15, v10;
	v18 =	vld [tilespmem:s3+$0xFFFFFFF0]  }
0x342: {  	v11 =	vld.idx.msk [tilespmem:v19+s31+$0x0], $0xffff;
	[tilespmem:s3+$0xFFFFFF90] =	vst v12;
	v12 =	vmul.f32 v14, v10  }
0x343: {  	s3 =	sadd.s32 $0x120, s3;
	v14 =	vld.idx.msk [tilespmem:v17+s31+$0x0], $0xffff;
	[tilespmem:s9+$0xFFFFFFA0] =	vst v15;
	v15 =	vmul.f32 v20, v10  }
0x344: {  	v17 =	vld [tilespmem:s3+$0x0];
	[tilespmem:s9+$0xFFFFFFB0] =	vst v12;
	v12 =	vmul.f32 v13, v10  }
0x345: {  	v20 =	vld [tilespmem:s3+$0xFFFFFF00];
	[tilespmem:s9+$0xFFFFFFC0] =	vst v15;
	v13 =	vmul.f32 v16, v10  }
.Ltmp5:
0x346: {  	v16 =	vld [tilespmem:s3+$0xFFFFFF10];
	[tilespmem:s9+$0xFFFFFFD0] =	vst v12;
	v18 =	vmul.f32 v18, v10;
	(pc) =	sbr.rel @p0 .LBB2_13-.Ltmp5, $4  }
0x347: {  	v15 =	vld [tilespmem:s3+$0xFFFFFF20];
	[tilespmem:s9+$0xFFFFFFE0] =	vst v13  }
0x348: {  	v13 =	vld [tilespmem:s3+$0xFFFFFF30];
	[tilespmem:s9+$0xFFFFFFF0] =	vst v18;
	s9 =	smov.u32 s3  }
0x349: {  	v10 =	vmov v14;
	v12 =	vld [tilespmem:s3+$0xFFFFFF40];
	v17 =	vmul.f32 v17, v14  }
0x34a: {  	s17 =	sadd.s32 $0x1, s10;
	v19 =	vmov s10;
	s10 =	sadd.s32 $0x2, s10;
	v18 =	vmul.f32 v20, v11;
	v14 =	vld [tilespmem:s3+$0xFFFFFF50]  }
0x34b: {  	v20 =	vld [tilespmem:s3+$0xFFFFFF60]  }
0x34c: {  	v33 =	vld [tilespmem:s3+$0xFFFFFF70]  }
0x34d: {  	v19 =	vmul.u32 $0x90, v19;
	[tilespmem:s3+$0x0] =	vst v17;
	v16 =	vmul.f32 v16, v11;
	v34 =	vld [tilespmem:s3+$0xFFFFFF90]  }
0x34e: {  	v22 =	vld [tilespmem:s3+$0xFFFFFFA0];
	[tilespmem:s3+$0xFFFFFF00] =	vst v18;
	v15 =	vmul.f32 v15, v11  }
0x34f: {  	v36 =	vld [tilespmem:s3+$0xFFFFFFB0];
	v19 =	vadd.s32 $0x80, v19;
	[tilespmem:s3+$0xFFFFFF10] =	vst v16;
	v13 =	vmul.f32 v13, v11  }
0x350: {  	v37 =	vld [tilespmem:s3+$0xFFFFFFC0];
	v19 =	vbroadcast v19, $0x0;
	[tilespmem:s3+$0xFFFFFF20] =	vst v15;
	v12 =	vmul.f32 v12, v11  }
0x351: {  	v39 =	vld [tilespmem:s3+$0xFFFFFFD0];
	[tilespmem:s3+$0xFFFFFF30] =	vst v13;
	v38 =	vmul.f32 v14, v11  }
0x352: {  	v41 =	vld [tilespmem:s3+$0xFFFFFFE0];
	[tilespmem:s3+$0xFFFFFF40] =	vst v12;
	v40 =	vmul.f32 v20, v11;
	v11 =	vmul.f32 v33, v11  }
0x353: {  	v42 =	vld [tilespmem:s3+$0xFFFFFFF0];
	s10 =	sadd.s32 $0x120, s3;
	v43 =	vmul.f32 v34, v10;
	[tilespmem:s3+$0xFFFFFF50] =	vst v38  }
0x354: {  	v21 =	vmov s17;
	v46 =	vld [tilespmem:s10+$0x0];
	[tilespmem:s3+$0xFFFFFF70] =	vst v11;
	v11 =	vmul.f32 v22, v10  }
0x355: {  	v32 =	vmul.u32 $0x90, v21;
	v47 =	vld [tilespmem:s10+$0xFFFFFF00];
	[tilespmem:s3+$0xFFFFFF90] =	vst v43  }
0x356: {  	v44 =	vld.idx.msk [tilespmem:v19+s31+$0x0], $0xffff;
	[tilespmem:s9+$0xFFFFFFA0] =	vst v11;
	v11 =	vmul.f32 v37, v10  }
0x357: {  	v49 =	vld [tilespmem:s10+$0xFFFFFF10];
	v17 =	vadd.s32 $0x80, v32;
	v45 =	vmul.f32 v36, v10;
	[tilespmem:s3+$0xFFFFFF60] =	vst v40  }
0x358: {  	v51 =	vld [tilespmem:s10+$0xFFFFFF30];
	v35 =	vbroadcast v17, $0x0;
	[tilespmem:s9+$0xFFFFFFC0] =	vst v11;
	v11 =	vmul.f32 v41, v10  }
0x359: {  	v50 =	vld [tilespmem:s10+$0xFFFFFF20];
	v48 =	vmul.f32 v39, v10;
	[tilespmem:s9+$0xFFFFFFB0] =	vst v45;
	v10 =	vmul.f32 v42, v10  }
0x35a: {  	v53 =	vld [tilespmem:s10+$0xFFFFFF50];
	[tilespmem:s9+$0xFFFFFFE0] =	vst v11  }
0x35b: {  	v11 =	vld [tilespmem:s10+$0xFFFFFF40];
	[tilespmem:s9+$0xFFFFFFF0] =	vst v10;
	v10 =	vmul.f32 v47, v44  }
0x35c: {  	v55 =	vld [tilespmem:s10+$0xFFFFFF70];
	[tilespmem:s9+$0xFFFFFFD0] =	vst v48;
	v14 =	vmul.f32 v49, v44  }
0x35d: {  	v54 =	vld [tilespmem:s10+$0xFFFFFF60];
	v12 =	vmul.f32 v51, v44;
	[tilespmem:s10+$0xFFFFFF00] =	vst v10  }
0x35e: {  	v16 =	vld.idx.msk [tilespmem:v35+s31+$0x0], $0xffff;
	v10 =	vmul.f32 v50, v44;
	[tilespmem:s10+$0xFFFFFF10] =	vst v14  }
0x35f: {  	v56 =	vld [tilespmem:s10+$0xFFFFFF90];
	v57 =	vmul.f32 v53, v44;
	[tilespmem:s10+$0xFFFFFF30] =	vst v12  }
0x360: {  	[tilespmem:s10+$0xFFFFFF20] =	vst v10;
	v10 =	vmul.f32 v11, v44;
	v11 =	vld [tilespmem:s10+$0xFFFFFFA0]  }
0x361: {  	v58 =	vld [tilespmem:s10+$0xFFFFFFB0];
	v60 =	vmul.f32 v55, v44;
	[tilespmem:s10+$0xFFFFFF50] =	vst v57  }
0x362: {  	v59 =	vld [tilespmem:s10+$0xFFFFFFC0];
	[tilespmem:s10+$0xFFFFFF40] =	vst v10;
	v10 =	vmul.f32 v54, v44  }
0x363: {  	v61 =	vld [tilespmem:s10+$0xFFFFFFD0];
	v52 =	vmul.f32 v46, v16;
	[tilespmem:s10+$0xFFFFFF70] =	vst v60  }
0x364: {  	v62 =	vld [tilespmem:s10+$0xFFFFFFE0];
	[tilespmem:s10+$0xFFFFFF60] =	vst v10;
	v10 =	vmul.f32 v56, v16  }
0x365: {  	v63 =	vld [tilespmem:s10+$0xFFFFFFF0];
	[tilespmem:s10+$0x0] =	vst v52;
	v11 =	vmul.f32 v11, v16  }
0x366: {  	[tilespmem:s10+$0xFFFFFF90] =	vst v10;
	v10 =	vmul.f32 v58, v16  }
0x367: {  	s30 =	sadd.s32 $0x1, s30;
	[tilespmem:s10+$0xFFFFFFA0] =	vst v11;
	v11 =	vmul.f32 v59, v16  }
0x368: {  	p0 =	sne.s32 s30, $0x2A;
	[tilespmem:s10+$0xFFFFFFB0] =	vst v10;
	v10 =	vmul.f32 v61, v16  }
.Ltmp6:
0x369: {  	[tilespmem:s10+$0xFFFFFFC0] =	vst v11;
	v11 =	vmul.f32 v62, v16;
	(pc) =	sbr.rel @p0 .LBB2_2-.Ltmp6, $4  }
0x36a: {  	[tilespmem:s10+$0xFFFFFFD0] =	vst v10;
	v10 =	vmul.f32 v63, v16  }
0x36b: {  	[tilespmem:s10+$0xFFFFFFE0] =	vst v11  }
0x36c: {  	[tilespmem:s10+$0xFFFFFFF0] =	vst v10  }
0x36d: {  	[spmem:s1] =	stream.indirect.scatter.add.f32 [tilespmem:s31], [sflag:$0x8], $0x90, s5, s14, $0xb8;
	[tilespmem:$0x1FCC0] =	vst v63  }
0x36e: {  	_ =	swait.ge [sflag:s24], $0x2D00  }
0x36f: {  	[sflag:s24] =	ssyncset.done $0x0  }
0x370: {  	[sflag:s24] =	ssyncadd.s32 $0xFFFFD300  }
0x371: {  	_ =	swait.ge [sflag:s11], $0x2D00  }
0x372: {  	[sflag:s11] =	ssyncset.done $0x0  }
0x373: {  	[sflag:s11] =	ssyncadd.s32 $0xFFFFD300  }
0x374: {  	[bflag:$0x0] =	sbarrier.arrive $0xFFFF  }
0x375: {  	s17 =	rddreg [dreg:$0x5]  }
0x376: {  	s9 =	rddreg [dreg:$0x7]  }
0x377: {  	s18 =	simm.s32 $0x9;
	s3 =	rddreg [dreg:$0xb]  }
0x378: {  	[hbm:s3], [sflag:s17] =	dma.local [spmem:s9], $0x2D00  }
0x379: {  	_ =	swait.ge [sflag:s18], $0x2D00  }
0x37a: {  	s10 =	rddreg [dreg:$0xc]  }
0x37b: {  	s30 =	rddreg [dreg:$0x6];
	s10 =	sadd.s32 $0x1, s10  }
0x37c: {  	p0 =	sne.s32 s10, s30  }
.Ltmp7:
0x37d: {  	_ = 	snop;
	(pc) =	sbr.rel @p0 .LBB2_1-.Ltmp7, $3  }
0x37e: {  	_ =	sdelay $0x1  }
0x37f: {  	[sflag:s18] =	ssyncset.done $0x0  }
0x380: {  	[sflag:s18] =	ssyncadd.s32 $0xFFFFD300  }
0x381: {  	_ =	sfence.sel $0x180000  }
0x382: {  	[bflag:$0x0] =	sbarrier.arrive $0xFFFF  }
0x383: {  	_ =	strace $0x90000047  }
0x384: {  	s0 =	stileid.u32;
	[bflag:$0x2] =	sbarrier.arrive $0xFFFF  }
0x385: {  	p0 =	sne.s32 s0, $0x0;
	s0 =	rddreg [dreg:$0x3]  }
0x386: {  	s0 =	sadd.s32 @!p0 $0x100000, s0  }
0x387: {  	[sflag:s0] =	ssyncadd.tile.s32 @!p0 $0x1;
	_ =	shalt  }
.Lfunc_end2:
_tile_overlayer_lowered:
.L_overlay_start_2:
0x388: {  	(tag) =	ssettag $0x2  }
0x389: {  	s0 =	rddreg [dreg:$0x0];
	s2 =	stileid.u32  }
0x38a: {  	s1 =	rddreg [dreg:$0x1];
	p0 =	sne.s32 s2, $0x0  }
0x38b: {  	s3 =	rddreg [dreg:$0x2];
	[bflag:$0x3] =	sbarrier.arrive $0xFFFF;
	s2 =	simm.s32 @!p0 $0x1C09  }
0x38c: {  	[timem:s3], [sflag:s2] =	dma.local @!p0 [hbm:s0], s1  }
0x38d: {  	s0 =	simm.s32 @!p0 $0x9  }
0x38e: {  	_ =	swait.ge @!p0 [sflag:s0], s1  }
0x38f: {  	s1 =	ssub.s32 @!p0 $0x0, s1;
	[sflag:s0] =	ssyncset.done @!p0 $0x0  }
0x390: {  	[sflag:s0] =	ssyncadd.s32 @!p0 s1  }
0x391: {  	[bflag:$0x3] =	sbarrier.arrive $0xFFFF  }
0x392: {  	_ =	shalt  }

</sc_bundles>
